<compile_context>
chip_gen: v7x
topology: tpu7x:2x2x1
jax: 0.10.2.dev20260603
libtpu: 0.0.44.dev20260713+nightly
codegen_flags: <defaults>
</compile_context>

<pallas_src>
import functools

import jax
import jax.numpy as jnp
from jax import lax
from jax.experimental import pallas as pl
from jax.experimental.pallas import tpu as pltpu
from jax.experimental.pallas import tpu_sc as plsc

NC, NS, L = 2, 16, 16
NW = NC * NS

N_VERT = 150000
N_FACE = 300000
VOL = 256

CH = 128
V_CHUNKS = -(-N_VERT // (NW * CH))
NVP = NW * CH * V_CHUNKS
VPW = CH * V_CHUNKS
F_CHUNKS = -(-N_FACE // (NW * CH))
NFP = NW * CH * F_CHUNKS
ROWS_PER_TILE = NVP // NS

_mesh = plsc.VectorSubcoreMesh(core_axis_name="c", subcore_axis_name="s")


def _splat_i(v):
    return jnp.full((L,), v, jnp.int32)


def _rsqrt_nr(x):
    i = lax.bitcast_convert_type(x, jnp.int32)
    i = 0x5F3759DF - lax.shift_right_logical(i, 1)
    y = lax.bitcast_convert_type(i, jnp.float32)
    for _ in range(3):
        y = y * (1.5 - 0.5 * x * y * y)
    return y


@functools.partial(
    pl.kernel,
    out_type=(jax.ShapeDtypeStruct((NC, 1, NVP), jnp.float32),
              jax.ShapeDtypeStruct((NC, 1, NVP), jnp.float32),
              jax.ShapeDtypeStruct((NC, 1, NVP), jnp.float32)),
    mesh=_mesh,
    scratch_types=[
        pltpu.VMEM_SHARED((NVP,), jnp.float32),
        pltpu.VMEM_SHARED((NVP,), jnp.float32),
        pltpu.VMEM_SHARED((NVP,), jnp.float32),
        pltpu.VMEM((F_CHUNKS, CH), jnp.int32),
        pltpu.VMEM((F_CHUNKS, CH), jnp.int32),
        pltpu.VMEM((F_CHUNKS, CH), jnp.int32),
        pltpu.VMEM((3, CH), jnp.float32),
        pltpu.VMEM((3, CH), jnp.float32),
        pltpu.VMEM((3, CH), jnp.float32),
        pltpu.VMEM((CH,), jnp.float32),
        pltpu.VMEM((CH,), jnp.float32),
        pltpu.VMEM((CH,), jnp.float32),
        pltpu.SemaphoreType.DMA,
    ],
)
def _normals_kernel(vx_hbm, vy_hbm, vz_hbm, f0_hbm, f1_hbm, f2_hbm,
                    zeros_hbm, ox_hbm, oy_hbm, oz_hbm,
                    accx, accy, accz, f0b, f1b, f2b,
                    c0b, c1b, c2b, fnxb, fnyb, fnzb, sem):
    c = lax.axis_index("c")
    s = lax.axis_index("s")
    wid = s * NC + c

    r0 = s * ROWS_PER_TILE
    sl_out = pl.ds(r0, ROWS_PER_TILE)
    pltpu.sync_copy(zeros_hbm.at[sl_out], accx.at[sl_out])
    pltpu.sync_copy(zeros_hbm.at[sl_out], accy.at[sl_out])
    pltpu.sync_copy(zeros_hbm.at[sl_out], accz.at[sl_out])
    pltpu.sync_copy(f0_hbm.at[wid], f0b)
    pltpu.sync_copy(f1_hbm.at[wid], f1b)
    pltpu.sync_copy(f2_hbm.at[wid], f2b)
    plsc.subcore_barrier()

    def chunk_body(j, carry):
        i0 = f0b.at[j]
        i1 = f1b.at[j]
        i2 = f2b.at[j]
        descs = []
        for cb, idx in ((c0b, i0), (c1b, i1), (c2b, i2)):
            descs.append(pltpu.async_copy(vx_hbm.at[idx], cb.at[0], sem))
            descs.append(pltpu.async_copy(vy_hbm.at[idx], cb.at[1], sem))
            descs.append(pltpu.async_copy(vz_hbm.at[idx], cb.at[2], sem))
        for d in descs:
            d.wait()

        def sub(s8, t):
            sl = pl.ds(s8 * L, L)
            v0x = c0b[0, sl]
            v0y = c0b[1, sl]
            v0z = c0b[2, sl]
            ax = c1b[0, sl] - v0x
            ay = c1b[1, sl] - v0y
            az = c1b[2, sl] - v0z
            bx = c2b[0, sl] - v0x
            by = c2b[1, sl] - v0y
            bz = c2b[2, sl] - v0z
            fnxb[sl] = ay * bz - az * by
            fnyb[sl] = az * bx - ax * bz
            fnzb[sl] = ax * by - ay * bx
            return t

        lax.fori_loop(0, CH // L, sub, 0)
        for idx in (i0, i1, i2):
            pltpu.sync_copy(fnxb, accx.at[idx], add=True)
            pltpu.sync_copy(fnyb, accy.at[idx], add=True)
            pltpu.sync_copy(fnzb, accz.at[idx], add=True)
        return carry

    lax.fori_loop(0, F_CHUNKS, chunk_body, 0)
    plsc.subcore_barrier()
    pltpu.sync_copy(accx.at[sl_out], ox_hbm.at[c, 0, sl_out])
    pltpu.sync_copy(accy.at[sl_out], oy_hbm.at[c, 0, sl_out])
    pltpu.sync_copy(accz.at[sl_out], oz_hbm.at[c, 0, sl_out])


@functools.partial(
    pl.kernel,
    out_type=jax.ShapeDtypeStruct((NW, L), jnp.float32),
    mesh=_mesh,
    scratch_types=[
        pltpu.VMEM((VPW,), jnp.float32),
        pltpu.VMEM((VPW,), jnp.float32),
        pltpu.VMEM((VPW,), jnp.float32),
        pltpu.VMEM((VPW,), jnp.float32),
        pltpu.VMEM((VPW,), jnp.float32),
        pltpu.VMEM((VPW,), jnp.float32),
        pltpu.VMEM((VPW,), jnp.float32),
        pltpu.VMEM((VPW,), jnp.float32),
        pltpu.VMEM((VPW,), jnp.float32),
        pltpu.VMEM((VPW,), jnp.float32),
        pltpu.VMEM((CH,), jnp.float32),
        pltpu.VMEM((16, CH), jnp.int32),
        pltpu.VMEM((8, CH), jnp.float32),
        pltpu.VMEM((16, CH), jnp.float32),
        pltpu.VMEM((L,), jnp.float32),
        pltpu.SemaphoreType.DMA,
    ],
)
def _sample_kernel(vx_hbm, vy_hbm, vz_hbm, th_hbm,
                   nx_hbm, ny_hbm, nz_hbm, vol_hbm, m_hbm, out_hbm,
                   vxb, vyb, vzb, n0xb, n0yb, n0zb, n1xb, n1yb, n1zb,
                   thb, mb, idxb, frb, cvb, accb, sem):
    c = lax.axis_index("c")
    s = lax.axis_index("s")
    wid = s * NC + c
    base = wid * VPW
    sl_in = pl.ds(base, VPW)

    pltpu.sync_copy(vx_hbm.at[sl_in], vxb)
    pltpu.sync_copy(vy_hbm.at[sl_in], vyb)
    pltpu.sync_copy(vz_hbm.at[sl_in], vzb)
    pltpu.sync_copy(th_hbm.at[sl_in], thb)
    pltpu.sync_copy(nx_hbm.at[0, 0, sl_in], n0xb)
    pltpu.sync_copy(ny_hbm.at[0, 0, sl_in], n0yb)
    pltpu.sync_copy(nz_hbm.at[0, 0, sl_in], n0zb)
    pltpu.sync_copy(nx_hbm.at[1, 0, sl_in], n1xb)
    pltpu.sync_copy(ny_hbm.at[1, 0, sl_in], n1yb)
    pltpu.sync_copy(nz_hbm.at[1, 0, sl_in], n1zb)
    pltpu.sync_copy(m_hbm, mb)

    mrow = mb[pl.ds(0, L)]
    m = [mrow[k] for k in range(12)]
    hi = jnp.float32(VOL - 1 - 1e-4)
    iota = lax.iota(jnp.int32, L)

    def chunk(j, acc):
        def p1(s8, t):
            o = j * CH + s8 * L
            sl = pl.ds(o, L)
            col = pl.ds(s8 * L, L)
            vx = vxb[sl]
            vy = vyb[sl]
            vz = vzb[sl]
            nx = n0xb[sl] + n1xb[sl]
            ny = n0yb[sl] + n1yb[sl]
            nz = n0zb[sl] + n1zb[sl]
            th = thb[sl]
            ss = nx * nx + ny * ny + nz * nz
            inv = 1.0 / (ss * _rsqrt_nr(ss) + 1e-8)
            ux = nx * inv
            uy = ny * inv
            uz = nz * inv
            for surf in range(2):
                f = jnp.float32(-2.0) if surf == 0 else 0.5 * th
                px = vx + f * ux
                py = vy + f * uy
                pz = vz + f * uz
                tx = m[0] * px + m[1] * py + m[2] * pz + m[3]
                ty = m[4] * px + m[5] * py + m[6] * pz + m[7]
                tz = m[8] * px + m[9] * py + m[10] * pz + m[11]
                tx = jnp.minimum(jnp.maximum(tx, 0.0), hi)
                ty = jnp.minimum(jnp.maximum(ty, 0.0), hi)
                tz = jnp.minimum(jnp.maximum(tz, 0.0), hi)
                x0 = tx.astype(jnp.int32)
                y0 = ty.astype(jnp.int32)
                z0 = tz.astype(jnp.int32)
                b000 = x0 * (VOL * VOL) + y0 * VOL + z0
                k0 = surf * 8
                idxb[k0 + 0, col] = b000
                idxb[k0 + 1, col] = b000 + 1
                idxb[k0 + 2, col] = b000 + VOL
                idxb[k0 + 3, col] = b000 + VOL + 1
                idxb[k0 + 4, col] = b000 + VOL * VOL
                idxb[k0 + 5, col] = b000 + VOL * VOL + 1
                idxb[k0 + 6, col] = b000 + VOL * VOL + VOL
                idxb[k0 + 7, col] = b000 + VOL * VOL + VOL + 1
                f0 = surf * 3
                frb[f0 + 0, col] = tx - x0.astype(jnp.float32)
                frb[f0 + 1, col] = ty - y0.astype(jnp.float32)
                frb[f0 + 2, col] = tz - z0.astype(jnp.float32)
            return t

        lax.fori_loop(0, CH // L, p1, 0)

        descs = [pltpu.async_copy(vol_hbm.at[idxb.at[k]], cvb.at[k], sem)
                 for k in range(16)]
        for d in descs:
            d.wait()

        def p2(s8, a):
            col = pl.ds(s8 * L, L)
            vals = []
            for surf in range(2):
                k0 = surf * 8
                f0 = surf * 3
                fx = frb[f0 + 0, col]
                fy = frb[f0 + 1, col]
                fz = frb[f0 + 2, col]
                gx = 1.0 - fx
                gy = 1.0 - fy
                gz = 1.0 - fz
                v = (cvb[k0 + 0, col] * gx * gy * gz
                     + cvb[k0 + 1, col] * gx * gy * fz
                     + cvb[k0 + 2, col] * gx * fy * gz
                     + cvb[k0 + 3, col] * gx * fy * fz
                     + cvb[k0 + 4, col] * fx * gy * gz
                     + cvb[k0 + 5, col] * fx * gy * fz
                     + cvb[k0 + 6, col] * fx * fy * gz
                     + cvb[k0 + 7, col] * fx * fy * fz)
                vals.append(v)
            vwm, vgm = vals
            q = 100.0 * (vgm - vwm) / (0.5 * (vgm + vwm) + 1e-6)
            term = 2.0 - 2.0 / (jnp.exp(q) + 1.0)
            g = base + j * CH + s8 * L + iota
            return a + jnp.where(g < N_VERT, term, jnp.float32(0.0))

        return lax.fori_loop(0, CH // L, p2, acc)

    acc = lax.fori_loop(0, V_CHUNKS, chunk, jnp.zeros((L,), jnp.float32))
    accb[...] = acc
    pltpu.sync_copy(accb, out_hbm.at[wid])


def kernel(moving_volume, lh_white_vertices, lh_faces, lh_thickness,
           vox2ras_tkr, transform_params):
    p = transform_params
    cos = jnp.cos(p[3:6])
    sin = jnp.sin(p[3:6])
    one = jnp.ones((), p.dtype)
    zero = jnp.zeros((), p.dtype)
    rx = jnp.stack([one, zero, zero, zero, cos[0], -sin[0], zero, sin[0],
                    cos[0]]).reshape(3, 3)
    ry = jnp.stack([cos[1], zero, sin[1], zero, one, zero, -sin[1], zero,
                    cos[1]]).reshape(3, 3)
    rz = jnp.stack([cos[2], -sin[2], zero, sin[2], cos[2], zero, zero, zero,
                    one]).reshape(3, 3)
    rot = rx @ ry @ rz
    top = jnp.concatenate([rot, p[:3][:, None]], axis=1)
    bottom = jnp.array([[0.0, 0.0, 0.0, 1.0]], dtype=p.dtype)
    t4 = jnp.concatenate([top, bottom], axis=0)
    m4 = jnp.linalg.inv(vox2ras_tkr) @ t4
    mvec = jnp.concatenate([m4[:3, :].reshape(12),
                            jnp.zeros((CH - 12,), jnp.float32)])

    vpad = jnp.full((NVP - N_VERT,), 100.0, jnp.float32)
    vx = jnp.concatenate([lh_white_vertices[:, 0], vpad])
    vy = jnp.concatenate([lh_white_vertices[:, 1], vpad])
    vz = jnp.concatenate([lh_white_vertices[:, 2], vpad])
    th_p = jnp.concatenate(
        [lh_thickness, jnp.ones((NVP - N_VERT,), jnp.float32)])
    fpad = jnp.zeros((NFP - N_FACE,), jnp.int32)
    f0 = jnp.concatenate([lh_faces[:, 0], fpad]).reshape(NW, F_CHUNKS, CH)
    f1 = jnp.concatenate([lh_faces[:, 1], fpad]).reshape(NW, F_CHUNKS, CH)
    f2 = jnp.concatenate([lh_faces[:, 2], fpad]).reshape(NW, F_CHUNKS, CH)
    zeros1 = jnp.zeros((NVP,), jnp.float32)
    vol_flat = moving_volume.reshape(-1)

    nxp, nyp, nzp = _normals_kernel(vx, vy, vz, f0, f1, f2, zeros1)
    partials = _sample_kernel(vx, vy, vz, th_p, nxp, nyp, nzp,
                              vol_flat, mvec)
    return jnp.sum(partials) / jnp.float32(N_VERT)

# --- scband reference (transcript-rebuilt; emitter-appended) ---
"""Pipeline reference for scband-bbrmodel-56916906606738 (READ-ONLY COPY).

The authoritative reference and input builder live on the scoring server;
editing this copy changes nothing except your own understanding.
"""

import jax, jax.numpy as jnp
import numpy as np

N_VERT = 150000
N_FACE = 300000
VOL = 256


def compute_vertex_normals(vertices, faces):
    v0 = vertices[faces[:, 0]]
    v1 = vertices[faces[:, 1]]
    v2 = vertices[faces[:, 2]]
    fn = jnp.cross(v1 - v0, v2 - v0)
    vn = jnp.zeros_like(vertices)
    vn = vn.at[faces[:, 0]].add(fn)
    vn = vn.at[faces[:, 1]].add(fn)
    vn = vn.at[faces[:, 2]].add(fn)
    return vn / (jnp.linalg.norm(vn, axis=1, keepdims=True) + 1e-8)


def params_to_matrix(p):
    cos = jnp.cos(p[3:6])
    sin = jnp.sin(p[3:6])
    one = jnp.ones((), p.dtype)
    zero = jnp.zeros((), p.dtype)
    Rx = jnp.stack([one, zero, zero, zero, cos[0], -sin[0], zero, sin[0], cos[0]]).reshape(3, 3)
    Ry = jnp.stack([cos[1], zero, sin[1], zero, one, zero, -sin[1], zero, cos[1]]).reshape(3, 3)
    Rz = jnp.stack([cos[2], -sin[2], zero, sin[2], cos[2], zero, zero, zero, one]).reshape(3, 3)
    R = Rx @ Ry @ Rz
    top = jnp.concatenate([R, p[:3][:, None]], axis=1)
    bottom = jnp.array([[0.0, 0.0, 0.0, 1.0]], dtype=p.dtype)
    return jnp.concatenate([top, bottom], axis=0)


def trilinear_sample(volume, pts):
    D0, D1, D2 = volume.shape
    x = jnp.clip(pts[:, 0], 0.0, D0 - 1 - 1e-4)
    y = jnp.clip(pts[:, 1], 0.0, D1 - 1 - 1e-4)
    z = jnp.clip(pts[:, 2], 0.0, D2 - 1 - 1e-4)
    x0f = jnp.floor(x); y0f = jnp.floor(y); z0f = jnp.floor(z)
    x0 = x0f.astype(jnp.int32); y0 = y0f.astype(jnp.int32); z0 = z0f.astype(jnp.int32)
    x1 = x0 + 1; y1 = y0 + 1; z1 = z0 + 1
    fx = x - x0f; fy = y - y0f; fz = z - z0f
    c000 = volume[x0, y0, z0]
    c001 = volume[x0, y0, z1]
    c010 = volume[x0, y1, z0]
    c011 = volume[x0, y1, z1]
    c100 = volume[x1, y0, z0]
    c101 = volume[x1, y0, z1]
    c110 = volume[x1, y1, z0]
    c111 = volume[x1, y1, z1]
    out = (c000 * (1 - fx) * (1 - fy) * (1 - fz)
           + c001 * (1 - fx) * (1 - fy) * fz
           + c010 * (1 - fx) * fy * (1 - fz)
           + c011 * (1 - fx) * fy * fz
           + c100 * fx * (1 - fy) * (1 - fz)
           + c101 * fx * (1 - fy) * fz
           + c110 * fx * fy * (1 - fz)
           + c111 * fx * fy * fz)
    return out


def sample_volume_at_vertices(volume, verts, vox2ras_tkr, transform):
    M = jnp.linalg.inv(vox2ras_tkr) @ transform
    h = jnp.concatenate([verts, jnp.ones((verts.shape[0], 1), verts.dtype)], axis=1)
    vox = h @ M.T
    return trilinear_sample(volume, vox[:, :3])


def bbr_contrast_cost(vwm, vgm, slope, contrast_sign):
    Q = 100.0 * (vgm - vwm) / (0.5 * (vgm + vwm) + 1e-6)
    return jnp.mean(1.0 + jnp.tanh(slope * contrast_sign * Q))


def setup_inputs(seed: int = 0):
    key = jax.random.key(seed)
    k1, k2, k3, k4 = jax.random.split(key, 4)
    moving_volume = jax.random.uniform(k1, (VOL, VOL, VOL), dtype=jnp.float32)
    lh_white_vertices = jax.random.uniform(k2, (N_VERT, 3), dtype=jnp.float32) * 180.0 + 38.0
    lh_faces = jax.random.randint(k3, (N_FACE, 3), 0, N_VERT, dtype=jnp.int32)
    lh_thickness = jax.random.uniform(k4, (N_VERT,), dtype=jnp.float32) * 2.0 + 1.0
    vox2ras_tkr = jnp.eye(4, dtype=jnp.float32)
    transform_params = jnp.zeros((6,), dtype=jnp.float32)
    return {"moving_volume": moving_volume, "lh_white_vertices": lh_white_vertices,
            "lh_faces": lh_faces, "lh_thickness": lh_thickness,
            "vox2ras_tkr": vox2ras_tkr, "transform_params": transform_params}


def reference(moving_volume, lh_white_vertices, lh_faces, lh_thickness, vox2ras_tkr, transform_params):
    # __init__ preprocessing: vertex normals + wm/gm surface projection
    normals = compute_vertex_normals(lh_white_vertices, lh_faces)
    wm_vertices = lh_white_vertices - normals * 2.0            # wm_proj_abs = 2.0 (inward)
    gm_vertices = lh_white_vertices + normals * (0.5 * lh_thickness[:, None])  # gm_proj_frac = 0.5
    # forward(): params -> 4x4 rigid transform, sample volume at both surfaces, BBR contrast cost
    T = params_to_matrix(transform_params)
    vwm = sample_volume_at_vertices(moving_volume, wm_vertices, vox2ras_tkr, T)
    vgm = sample_volume_at_vertices(moving_volume, gm_vertices, vox2ras_tkr, T)
    return bbr_contrast_cost(vwm, vgm, 0.5, 1.0)  # slope=0.5, contrast='t2' -> sign=+1

if __name__ == "__main__":
    import jax
    _d = setup_inputs()
    print(jax.jit(kernel)(*tuple(_d.values())))

</pallas_src>

<mosaic_0001>
#map = affine_map<(d0, d1) -> (0)>
#map1 = affine_map<(d0, d1) -> (0, 0, 0)>
module attributes {stable_mosaic.version = 14 : i64} {
  func.func @_normals_kernel(%arg0: i32, %arg1: i32, %arg2: memref<151552xf32, #tpu.memory_space<hbm>>, %arg3: memref<151552xf32, #tpu.memory_space<hbm>>, %arg4: memref<151552xf32, #tpu.memory_space<hbm>>, %arg5: memref<32x74x128xi32, #tpu.memory_space<hbm>>, %arg6: memref<32x74x128xi32, #tpu.memory_space<hbm>>, %arg7: memref<32x74x128xi32, #tpu.memory_space<hbm>>, %arg8: memref<151552xf32, #tpu.memory_space<hbm>>, %arg9: memref<2x1x151552xf32, #tpu.memory_space<hbm>>, %arg10: memref<2x1x151552xf32, #tpu.memory_space<hbm>>, %arg11: memref<2x1x151552xf32, #tpu.memory_space<hbm>>, %arg12: memref<151552xf32, #tpu.memory_space<vmem_shared>>, %arg13: memref<151552xf32, #tpu.memory_space<vmem_shared>>, %arg14: memref<151552xf32, #tpu.memory_space<vmem_shared>>, %arg15: memref<74x128xi32, #tpu.memory_space<vmem>>, %arg16: memref<74x128xi32, #tpu.memory_space<vmem>>, %arg17: memref<74x128xi32, #tpu.memory_space<vmem>>, %arg18: memref<3x128xf32, #tpu.memory_space<vmem>>, %arg19: memref<3x128xf32, #tpu.memory_space<vmem>>, %arg20: memref<3x128xf32, #tpu.memory_space<vmem>>, %arg21: memref<128xf32, #tpu.memory_space<vmem>>, %arg22: memref<128xf32, #tpu.memory_space<vmem>>, %arg23: memref<128xf32, #tpu.memory_space<vmem>>, %arg24: memref<!tpu.dma_semaphore, #tpu.memory_space<semaphore_mem>>) attributes {dimension_semantics = [#tpu.dimension_semantics<core_parallel>, #tpu.dimension_semantics<subcore_parallel>], iteration_bounds = array<i64: 2, 16>, scalar_prefetch = 0 : i64, scratch_operands = 13 : i64, tpu.core_type = #tpu.core_type<sc_vector_subcore>, window_params = [{transform_indices = #map}, {transform_indices = #map}, {transform_indices = #map}, {transform_indices = #map1}, {transform_indices = #map1}, {transform_indices = #map1}, {transform_indices = #map}, {transform_indices = #map1}, {transform_indices = #map1}, {transform_indices = #map1}]} {
    %mul3A = arith.constant 2 : i32
    %mul3A_0 = arith.muli %arg1, %mul3A : i32
    %add3A = arith.addi %mul3A_0, %arg0 : i32
    %mul3A_1 = arith.constant 9472 : i32
    %mul3A_2 = arith.muli %arg1, %mul3A_1 : i32
    "tpu.region"() ({
      %run_scoped3A_11 = tpu.sem_alloc : memref<!tpu.dma_semaphore, #tpu.memory_space<semaphore_mem>>
      %dma_start3A = tpu.memref_slice %arg12[%mul3A_2] : memref<151552xf32, #tpu.memory_space<vmem_shared>> -> memref<9472xf32, #tpu.memory_space<vmem_shared>>
      %dma_start3A_12 = tpu.memref_slice %arg8[%mul3A_2] : memref<151552xf32, #tpu.memory_space<hbm>> -> memref<9472xf32, #tpu.memory_space<hbm>>
      tpu.enqueue_dma source(%dma_start3A_12 : memref<9472xf32, #tpu.memory_space<hbm>>) target(%dma_start3A : memref<9472xf32, #tpu.memory_space<vmem_shared>>) target_semaphore(%run_scoped3A_11 : memref<!tpu.dma_semaphore, #tpu.memory_space<semaphore_mem>>)
      %dma_wait3A = tpu.memref_slice %arg12[%mul3A_2] : memref<151552xf32, #tpu.memory_space<vmem_shared>> -> memref<9472xf32, #tpu.memory_space<vmem_shared>>
      %dma_wait3A_13 = tpu.memref_slice %arg8[%mul3A_2] : memref<151552xf32, #tpu.memory_space<hbm>> -> memref<9472xf32, #tpu.memory_space<hbm>>
      tpu.wait_dma2 semaphore(%run_scoped3A_11 : memref<!tpu.dma_semaphore, #tpu.memory_space<semaphore_mem>>) src(%dma_wait3A_13 : memref<9472xf32, #tpu.memory_space<hbm>>) dst(%dma_wait3A : memref<9472xf32, #tpu.memory_space<vmem_shared>>)
      tpu.yield
    }) : () -> ()
    "tpu.region"() ({
      %run_scoped3A_11 = tpu.sem_alloc : memref<!tpu.dma_semaphore, #tpu.memory_space<semaphore_mem>>
      %dma_start3A = tpu.memref_slice %arg13[%mul3A_2] : memref<151552xf32, #tpu.memory_space<vmem_shared>> -> memref<9472xf32, #tpu.memory_space<vmem_shared>>
      %dma_start3A_12 = tpu.memref_slice %arg8[%mul3A_2] : memref<151552xf32, #tpu.memory_space<hbm>> -> memref<9472xf32, #tpu.memory_space<hbm>>
      tpu.enqueue_dma source(%dma_start3A_12 : memref<9472xf32, #tpu.memory_space<hbm>>) target(%dma_start3A : memref<9472xf32, #tpu.memory_space<vmem_shared>>) target_semaphore(%run_scoped3A_11 : memref<!tpu.dma_semaphore, #tpu.memory_space<semaphore_mem>>)
      %dma_wait3A = tpu.memref_slice %arg13[%mul3A_2] : memref<151552xf32, #tpu.memory_space<vmem_shared>> -> memref<9472xf32, #tpu.memory_space<vmem_shared>>
      %dma_wait3A_13 = tpu.memref_slice %arg8[%mul3A_2] : memref<151552xf32, #tpu.memory_space<hbm>> -> memref<9472xf32, #tpu.memory_space<hbm>>
      tpu.wait_dma2 semaphore(%run_scoped3A_11 : memref<!tpu.dma_semaphore, #tpu.memory_space<semaphore_mem>>) src(%dma_wait3A_13 : memref<9472xf32, #tpu.memory_space<hbm>>) dst(%dma_wait3A : memref<9472xf32, #tpu.memory_space<vmem_shared>>)
      tpu.yield
    }) : () -> ()
    "tpu.region"() ({
      %run_scoped3A_11 = tpu.sem_alloc : memref<!tpu.dma_semaphore, #tpu.memory_space<semaphore_mem>>
      %dma_start3A = tpu.memref_slice %arg14[%mul3A_2] : memref<151552xf32, #tpu.memory_space<vmem_shared>> -> memref<9472xf32, #tpu.memory_space<vmem_shared>>
      %dma_start3A_12 = tpu.memref_slice %arg8[%mul3A_2] : memref<151552xf32, #tpu.memory_space<hbm>> -> memref<9472xf32, #tpu.memory_space<hbm>>
      tpu.enqueue_dma source(%dma_start3A_12 : memref<9472xf32, #tpu.memory_space<hbm>>) target(%dma_start3A : memref<9472xf32, #tpu.memory_space<vmem_shared>>) target_semaphore(%run_scoped3A_11 : memref<!tpu.dma_semaphore, #tpu.memory_space<semaphore_mem>>)
      %dma_wait3A = tpu.memref_slice %arg14[%mul3A_2] : memref<151552xf32, #tpu.memory_space<vmem_shared>> -> memref<9472xf32, #tpu.memory_space<vmem_shared>>
      %dma_wait3A_13 = tpu.memref_slice %arg8[%mul3A_2] : memref<151552xf32, #tpu.memory_space<hbm>> -> memref<9472xf32, #tpu.memory_space<hbm>>
      tpu.wait_dma2 semaphore(%run_scoped3A_11 : memref<!tpu.dma_semaphore, #tpu.memory_space<semaphore_mem>>) src(%dma_wait3A_13 : memref<9472xf32, #tpu.memory_space<hbm>>) dst(%dma_wait3A : memref<9472xf32, #tpu.memory_space<vmem_shared>>)
      tpu.yield
    }) : () -> ()
    "tpu.region"() ({
      %run_scoped3A_11 = tpu.sem_alloc : memref<!tpu.dma_semaphore, #tpu.memory_space<semaphore_mem>>
      %dma_start3A = arith.constant 0 : i32
      %dma_start3A_12 = arith.constant 0 : i32
      %dma_start3A_13 = tpu.memref_slice %arg5[%add3A, %dma_start3A, %dma_start3A_12] : memref<32x74x128xi32, #tpu.memory_space<hbm>> -> memref<1x74x128xi32, #tpu.memory_space<hbm>>
      %dma_start3A_14 = tpu.memref_squeeze %dma_start3A_13 : memref<1x74x128xi32, #tpu.memory_space<hbm>> -> memref<74x128xi32, #tpu.memory_space<hbm>>
      %dma_start3A_15 = arith.constant 0 : i32
      %dma_start3A_16 = arith.constant 0 : i32
      %dma_start3A_17 = tpu.memref_slice %arg5[%add3A, %dma_start3A_15, %dma_start3A_16] : memref<32x74x128xi32, #tpu.memory_space<hbm>> -> memref<1x74x128xi32, #tpu.memory_space<hbm>>
      %dma_start3A_18 = tpu.memref_squeeze %dma_start3A_17 : memref<1x74x128xi32, #tpu.memory_space<hbm>> -> memref<74x128xi32, #tpu.memory_space<hbm>>
      tpu.enqueue_dma source(%dma_start3A_18 : memref<74x128xi32, #tpu.memory_space<hbm>>) target(%arg15 : memref<74x128xi32, #tpu.memory_space<vmem>>) target_semaphore(%run_scoped3A_11 : memref<!tpu.dma_semaphore, #tpu.memory_space<semaphore_mem>>)
      %dma_wait3A = arith.constant 0 : i32
      %dma_wait3A_19 = arith.constant 0 : i32
      %dma_wait3A_20 = tpu.memref_slice %arg5[%add3A, %dma_wait3A, %dma_wait3A_19] : memref<32x74x128xi32, #tpu.memory_space<hbm>> -> memref<1x74x128xi32, #tpu.memory_space<hbm>>
      %dma_wait3A_21 = tpu.memref_squeeze %dma_wait3A_20 : memref<1x74x128xi32, #tpu.memory_space<hbm>> -> memref<74x128xi32, #tpu.memory_space<hbm>>
      %dma_wait3A_22 = arith.constant 0 : i32
      %dma_wait3A_23 = arith.constant 0 : i32
      %dma_wait3A_24 = tpu.memref_slice %arg5[%add3A, %dma_wait3A_22, %dma_wait3A_23] : memref<32x74x128xi32, #tpu.memory_space<hbm>> -> memref<1x74x128xi32, #tpu.memory_space<hbm>>
      %dma_wait3A_25 = tpu.memref_squeeze %dma_wait3A_24 : memref<1x74x128xi32, #tpu.memory_space<hbm>> -> memref<74x128xi32, #tpu.memory_space<hbm>>
      tpu.wait_dma2 semaphore(%run_scoped3A_11 : memref<!tpu.dma_semaphore, #tpu.memory_space<semaphore_mem>>) src(%dma_wait3A_25 : memref<74x128xi32, #tpu.memory_space<hbm>>) dst(%arg15 : memref<74x128xi32, #tpu.memory_space<vmem>>)
      tpu.yield
    }) : () -> ()
    "tpu.region"() ({
      %run_scoped3A_11 = tpu.sem_alloc : memref<!tpu.dma_semaphore, #tpu.memory_space<semaphore_mem>>
      %dma_start3A = arith.constant 0 : i32
      %dma_start3A_12 = arith.constant 0 : i32
      %dma_start3A_13 = tpu.memref_slice %arg6[%add3A, %dma_start3A, %dma_start3A_12] : memref<32x74x128xi32, #tpu.memory_space<hbm>> -> memref<1x74x128xi32, #tpu.memory_space<hbm>>
      %dma_start3A_14 = tpu.memref_squeeze %dma_start3A_13 : memref<1x74x128xi32, #tpu.memory_space<hbm>> -> memref<74x128xi32, #tpu.memory_space<hbm>>
      %dma_start3A_15 = arith.constant 0 : i32
      %dma_start3A_16 = arith.constant 0 : i32
      %dma_start3A_17 = tpu.memref_slice %arg6[%add3A, %dma_start3A_15, %dma_start3A_16] : memref<32x74x128xi32, #tpu.memory_space<hbm>> -> memref<1x74x128xi32, #tpu.memory_space<hbm>>
      %dma_start3A_18 = tpu.memref_squeeze %dma_start3A_17 : memref<1x74x128xi32, #tpu.memory_space<hbm>> -> memref<74x128xi32, #tpu.memory_space<hbm>>
      tpu.enqueue_dma source(%dma_start3A_18 : memref<74x128xi32, #tpu.memory_space<hbm>>) target(%arg16 : memref<74x128xi32, #tpu.memory_space<vmem>>) target_semaphore(%run_scoped3A_11 : memref<!tpu.dma_semaphore, #tpu.memory_space<semaphore_mem>>)
      %dma_wait3A = arith.constant 0 : i32
      %dma_wait3A_19 = arith.constant 0 : i32
      %dma_wait3A_20 = tpu.memref_slice %arg6[%add3A, %dma_wait3A, %dma_wait3A_19] : memref<32x74x128xi32, #tpu.memory_space<hbm>> -> memref<1x74x128xi32, #tpu.memory_space<hbm>>
      %dma_wait3A_21 = tpu.memref_squeeze %dma_wait3A_20 : memref<1x74x128xi32, #tpu.memory_space<hbm>> -> memref<74x128xi32, #tpu.memory_space<hbm>>
      %dma_wait3A_22 = arith.constant 0 : i32
      %dma_wait3A_23 = arith.constant 0 : i32
      %dma_wait3A_24 = tpu.memref_slice %arg6[%add3A, %dma_wait3A_22, %dma_wait3A_23] : memref<32x74x128xi32, #tpu.memory_space<hbm>> -> memref<1x74x128xi32, #tpu.memory_space<hbm>>
      %dma_wait3A_25 = tpu.memref_squeeze %dma_wait3A_24 : memref<1x74x128xi32, #tpu.memory_space<hbm>> -> memref<74x128xi32, #tpu.memory_space<hbm>>
      tpu.wait_dma2 semaphore(%run_scoped3A_11 : memref<!tpu.dma_semaphore, #tpu.memory_space<semaphore_mem>>) src(%dma_wait3A_25 : memref<74x128xi32, #tpu.memory_space<hbm>>) dst(%arg16 : memref<74x128xi32, #tpu.memory_space<vmem>>)
      tpu.yield
    }) : () -> ()
    "tpu.region"() ({
      %run_scoped3A_11 = tpu.sem_alloc : memref<!tpu.dma_semaphore, #tpu.memory_space<semaphore_mem>>
      %dma_start3A = arith.constant 0 : i32
      %dma_start3A_12 = arith.constant 0 : i32
      %dma_start3A_13 = tpu.memref_slice %arg7[%add3A, %dma_start3A, %dma_start3A_12] : memref<32x74x128xi32, #tpu.memory_space<hbm>> -> memref<1x74x128xi32, #tpu.memory_space<hbm>>
      %dma_start3A_14 = tpu.memref_squeeze %dma_start3A_13 : memref<1x74x128xi32, #tpu.memory_space<hbm>> -> memref<74x128xi32, #tpu.memory_space<hbm>>
      %dma_start3A_15 = arith.constant 0 : i32
      %dma_start3A_16 = arith.constant 0 : i32
      %dma_start3A_17 = tpu.memref_slice %arg7[%add3A, %dma_start3A_15, %dma_start3A_16] : memref<32x74x128xi32, #tpu.memory_space<hbm>> -> memref<1x74x128xi32, #tpu.memory_space<hbm>>
      %dma_start3A_18 = tpu.memref_squeeze %dma_start3A_17 : memref<1x74x128xi32, #tpu.memory_space<hbm>> -> memref<74x128xi32, #tpu.memory_space<hbm>>
      tpu.enqueue_dma source(%dma_start3A_18 : memref<74x128xi32, #tpu.memory_space<hbm>>) target(%arg17 : memref<74x128xi32, #tpu.memory_space<vmem>>) target_semaphore(%run_scoped3A_11 : memref<!tpu.dma_semaphore, #tpu.memory_space<semaphore_mem>>)
      %dma_wait3A = arith.constant 0 : i32
      %dma_wait3A_19 = arith.constant 0 : i32
      %dma_wait3A_20 = tpu.memref_slice %arg7[%add3A, %dma_wait3A, %dma_wait3A_19] : memref<32x74x128xi32, #tpu.memory_space<hbm>> -> memref<1x74x128xi32, #tpu.memory_space<hbm>>
      %dma_wait3A_21 = tpu.memref_squeeze %dma_wait3A_20 : memref<1x74x128xi32, #tpu.memory_space<hbm>> -> memref<74x128xi32, #tpu.memory_space<hbm>>
      %dma_wait3A_22 = arith.constant 0 : i32
      %dma_wait3A_23 = arith.constant 0 : i32
      %dma_wait3A_24 = tpu.memref_slice %arg7[%add3A, %dma_wait3A_22, %dma_wait3A_23] : memref<32x74x128xi32, #tpu.memory_space<hbm>> -> memref<1x74x128xi32, #tpu.memory_space<hbm>>
      %dma_wait3A_25 = tpu.memref_squeeze %dma_wait3A_24 : memref<1x74x128xi32, #tpu.memory_space<hbm>> -> memref<74x128xi32, #tpu.memory_space<hbm>>
      tpu.wait_dma2 semaphore(%run_scoped3A_11 : memref<!tpu.dma_semaphore, #tpu.memory_space<semaphore_mem>>) src(%dma_wait3A_25 : memref<74x128xi32, #tpu.memory_space<hbm>>) dst(%arg17 : memref<74x128xi32, #tpu.memory_space<vmem>>)
      tpu.yield
    }) : () -> ()
    %barrier3A = arith.constant 0 : index
    tpu.barrier barrier_id(%barrier3A)
    %scan3A = arith.constant 0 : i32
    %scan3A_3 = arith.constant 0 : i32
    %scan3A_4 = arith.constant 74 : i32
    %scan3A_5 = arith.addi %scan3A_3, %scan3A_4 : i32
    %scan3A_6 = arith.constant 1 : i32
    scf.for %scan3A_11 = %scan3A_3 to %scan3A_5 step %scan3A_6  : i32 {
      %dma_start3A = arith.constant 0 : i32
      %dma_start3A_12 = arith.constant 0 : i32
      %dma_start3A_13 = tpu.memref_slice %arg18[%dma_start3A, %dma_start3A_12] : memref<3x128xf32, #tpu.memory_space<vmem>> -> memref<1x128xf32, #tpu.memory_space<vmem>>
      %dma_start3A_14 = tpu.memref_squeeze %dma_start3A_13 : memref<1x128xf32, #tpu.memory_space<vmem>> -> memref<128xf32, #tpu.memory_space<vmem>>
      %dma_start3A_15 = arith.constant 0 : i32
      %dma_start3A_16 = tpu.memref_slice %arg15[%scan3A_11, %dma_start3A_15] : memref<74x128xi32, #tpu.memory_space<vmem>> -> memref<1x128xi32, #tpu.memory_space<vmem>>
      %dma_start3A_17 = tpu.memref_squeeze %dma_start3A_16 : memref<1x128xi32, #tpu.memory_space<vmem>> -> memref<128xi32, #tpu.memory_space<vmem>>
      %dma_start3A_18 = arith.constant 0 : i32
      %dma_start3A_19 = tpu.memref_slice %arg2[%dma_start3A_18] : memref<151552xf32, #tpu.memory_space<hbm>> -> memref<151552xf32, #tpu.memory_space<hbm>>
      tpu.enqueue_indirect_dma source(%dma_start3A_19 : memref<151552xf32, #tpu.memory_space<hbm>>) target(%dma_start3A_14 : memref<128xf32, #tpu.memory_space<vmem>>) offsets(%dma_start3A_17 : memref<128xi32, #tpu.memory_space<vmem>>) semaphore(%arg24 : memref<!tpu.dma_semaphore, #tpu.memory_space<semaphore_mem>>)
      %dma_start3A_20 = arith.constant 1 : i32
      %dma_start3A_21 = arith.constant 0 : i32
      %dma_start3A_22 = tpu.memref_slice %arg18[%dma_start3A_20, %dma_start3A_21] : memref<3x128xf32, #tpu.memory_space<vmem>> -> memref<1x128xf32, #tpu.memory_space<vmem>>
      %dma_start3A_23 = tpu.memref_squeeze %dma_start3A_22 : memref<1x128xf32, #tpu.memory_space<vmem>> -> memref<128xf32, #tpu.memory_space<vmem>>
      %dma_start3A_24 = arith.constant 0 : i32
      %dma_start3A_25 = tpu.memref_slice %arg15[%scan3A_11, %dma_start3A_24] : memref<74x128xi32, #tpu.memory_space<vmem>> -> memref<1x128xi32, #tpu.memory_space<vmem>>
      %dma_start3A_26 = tpu.memref_squeeze %dma_start3A_25 : memref<1x128xi32, #tpu.memory_space<vmem>> -> memref<128xi32, #tpu.memory_space<vmem>>
      %dma_start3A_27 = arith.constant 0 : i32
      %dma_start3A_28 = tpu.memref_slice %arg3[%dma_start3A_27] : memref<151552xf32, #tpu.memory_space<hbm>> -> memref<151552xf32, #tpu.memory_space<hbm>>
      tpu.enqueue_indirect_dma source(%dma_start3A_28 : memref<151552xf32, #tpu.memory_space<hbm>>) target(%dma_start3A_23 : memref<128xf32, #tpu.memory_space<vmem>>) offsets(%dma_start3A_26 : memref<128xi32, #tpu.memory_space<vmem>>) semaphore(%arg24 : memref<!tpu.dma_semaphore, #tpu.memory_space<semaphore_mem>>)
      %dma_start3A_29 = arith.constant 2 : i32
      %dma_start3A_30 = arith.constant 0 : i32
      %dma_start3A_31 = tpu.memref_slice %arg18[%dma_start3A_29, %dma_start3A_30] : memref<3x128xf32, #tpu.memory_space<vmem>> -> memref<1x128xf32, #tpu.memory_space<vmem>>
      %dma_start3A_32 = tpu.memref_squeeze %dma_start3A_31 : memref<1x128xf32, #tpu.memory_space<vmem>> -> memref<128xf32, #tpu.memory_space<vmem>>
      %dma_start3A_33 = arith.constant 0 : i32
      %dma_start3A_34 = tpu.memref_slice %arg15[%scan3A_11, %dma_start3A_33] : memref<74x128xi32, #tpu.memory_space<vmem>> -> memref<1x128xi32, #tpu.memory_space<vmem>>
      %dma_start3A_35 = tpu.memref_squeeze %dma_start3A_34 : memref<1x128xi32, #tpu.memory_space<vmem>> -> memref<128xi32, #tpu.memory_space<vmem>>
      %dma_start3A_36 = arith.constant 0 : i32
      %dma_start3A_37 = tpu.memref_slice %arg4[%dma_start3A_36] : memref<151552xf32, #tpu.memory_space<hbm>> -> memref<151552xf32, #tpu.memory_space<hbm>>
      tpu.enqueue_indirect_dma source(%dma_start3A_37 : memref<151552xf32, #tpu.memory_space<hbm>>) target(%dma_start3A_32 : memref<128xf32, #tpu.memory_space<vmem>>) offsets(%dma_start3A_35 : memref<128xi32, #tpu.memory_space<vmem>>) semaphore(%arg24 : memref<!tpu.dma_semaphore, #tpu.memory_space<semaphore_mem>>)
      %dma_start3A_38 = arith.constant 0 : i32
      %dma_start3A_39 = arith.constant 0 : i32
      %dma_start3A_40 = tpu.memref_slice %arg19[%dma_start3A_38, %dma_start3A_39] : memref<3x128xf32, #tpu.memory_space<vmem>> -> memref<1x128xf32, #tpu.memory_space<vmem>>
      %dma_start3A_41 = tpu.memref_squeeze %dma_start3A_40 : memref<1x128xf32, #tpu.memory_space<vmem>> -> memref<128xf32, #tpu.memory_space<vmem>>
      %dma_start3A_42 = arith.constant 0 : i32
      %dma_start3A_43 = tpu.memref_slice %arg16[%scan3A_11, %dma_start3A_42] : memref<74x128xi32, #tpu.memory_space<vmem>> -> memref<1x128xi32, #tpu.memory_space<vmem>>
      %dma_start3A_44 = tpu.memref_squeeze %dma_start3A_43 : memref<1x128xi32, #tpu.memory_space<vmem>> -> memref<128xi32, #tpu.memory_space<vmem>>
      %dma_start3A_45 = arith.constant 0 : i32
      %dma_start3A_46 = tpu.memref_slice %arg2[%dma_start3A_45] : memref<151552xf32, #tpu.memory_space<hbm>> -> memref<151552xf32, #tpu.memory_space<hbm>>
      tpu.enqueue_indirect_dma source(%dma_start3A_46 : memref<151552xf32, #tpu.memory_space<hbm>>) target(%dma_start3A_41 : memref<128xf32, #tpu.memory_space<vmem>>) offsets(%dma_start3A_44 : memref<128xi32, #tpu.memory_space<vmem>>) semaphore(%arg24 : memref<!tpu.dma_semaphore, #tpu.memory_space<semaphore_mem>>)
      %dma_start3A_47 = arith.constant 1 : i32
      %dma_start3A_48 = arith.constant 0 : i32
      %dma_start3A_49 = tpu.memref_slice %arg19[%dma_start3A_47, %dma_start3A_48] : memref<3x128xf32, #tpu.memory_space<vmem>> -> memref<1x128xf32, #tpu.memory_space<vmem>>
      %dma_start3A_50 = tpu.memref_squeeze %dma_start3A_49 : memref<1x128xf32, #tpu.memory_space<vmem>> -> memref<128xf32, #tpu.memory_space<vmem>>
      %dma_start3A_51 = arith.constant 0 : i32
      %dma_start3A_52 = tpu.memref_slice %arg16[%scan3A_11, %dma_start3A_51] : memref<74x128xi32, #tpu.memory_space<vmem>> -> memref<1x128xi32, #tpu.memory_space<vmem>>
      %dma_start3A_53 = tpu.memref_squeeze %dma_start3A_52 : memref<1x128xi32, #tpu.memory_space<vmem>> -> memref<128xi32, #tpu.memory_space<vmem>>
      %dma_start3A_54 = arith.constant 0 : i32
      %dma_start3A_55 = tpu.memref_slice %arg3[%dma_start3A_54] : memref<151552xf32, #tpu.memory_space<hbm>> -> memref<151552xf32, #tpu.memory_space<hbm>>
      tpu.enqueue_indirect_dma source(%dma_start3A_55 : memref<151552xf32, #tpu.memory_space<hbm>>) target(%dma_start3A_50 : memref<128xf32, #tpu.memory_space<vmem>>) offsets(%dma_start3A_53 : memref<128xi32, #tpu.memory_space<vmem>>) semaphore(%arg24 : memref<!tpu.dma_semaphore, #tpu.memory_space<semaphore_mem>>)
      %dma_start3A_56 = arith.constant 2 : i32
      %dma_start3A_57 = arith.constant 0 : i32
      %dma_start3A_58 = tpu.memref_slice %arg19[%dma_start3A_56, %dma_start3A_57] : memref<3x128xf32, #tpu.memory_space<vmem>> -> memref<1x128xf32, #tpu.memory_space<vmem>>
      %dma_start3A_59 = tpu.memref_squeeze %dma_start3A_58 : memref<1x128xf32, #tpu.memory_space<vmem>> -> memref<128xf32, #tpu.memory_space<vmem>>
      %dma_start3A_60 = arith.constant 0 : i32
      %dma_start3A_61 = tpu.memref_slice %arg16[%scan3A_11, %dma_start3A_60] : memref<74x128xi32, #tpu.memory_space<vmem>> -> memref<1x128xi32, #tpu.memory_space<vmem>>
      %dma_start3A_62 = tpu.memref_squeeze %dma_start3A_61 : memref<1x128xi32, #tpu.memory_space<vmem>> -> memref<128xi32, #tpu.memory_space<vmem>>
      %dma_start3A_63 = arith.constant 0 : i32
      %dma_start3A_64 = tpu.memref_slice %arg4[%dma_start3A_63] : memref<151552xf32, #tpu.memory_space<hbm>> -> memref<151552xf32, #tpu.memory_space<hbm>>
      tpu.enqueue_indirect_dma source(%dma_start3A_64 : memref<151552xf32, #tpu.memory_space<hbm>>) target(%dma_start3A_59 : memref<128xf32, #tpu.memory_space<vmem>>) offsets(%dma_start3A_62 : memref<128xi32, #tpu.memory_space<vmem>>) semaphore(%arg24 : memref<!tpu.dma_semaphore, #tpu.memory_space<semaphore_mem>>)
      %dma_start3A_65 = arith.constant 0 : i32
      %dma_start3A_66 = arith.constant 0 : i32
      %dma_start3A_67 = tpu.memref_slice %arg20[%dma_start3A_65, %dma_start3A_66] : memref<3x128xf32, #tpu.memory_space<vmem>> -> memref<1x128xf32, #tpu.memory_space<vmem>>
      %dma_start3A_68 = tpu.memref_squeeze %dma_start3A_67 : memref<1x128xf32, #tpu.memory_space<vmem>> -> memref<128xf32, #tpu.memory_space<vmem>>
      %dma_start3A_69 = arith.constant 0 : i32
      %dma_start3A_70 = tpu.memref_slice %arg17[%scan3A_11, %dma_start3A_69] : memref<74x128xi32, #tpu.memory_space<vmem>> -> memref<1x128xi32, #tpu.memory_space<vmem>>
      %dma_start3A_71 = tpu.memref_squeeze %dma_start3A_70 : memref<1x128xi32, #tpu.memory_space<vmem>> -> memref<128xi32, #tpu.memory_space<vmem>>
      %dma_start3A_72 = arith.constant 0 : i32
      %dma_start3A_73 = tpu.memref_slice %arg2[%dma_start3A_72] : memref<151552xf32, #tpu.memory_space<hbm>> -> memref<151552xf32, #tpu.memory_space<hbm>>
      tpu.enqueue_indirect_dma source(%dma_start3A_73 : memref<151552xf32, #tpu.memory_space<hbm>>) target(%dma_start3A_68 : memref<128xf32, #tpu.memory_space<vmem>>) offsets(%dma_start3A_71 : memref<128xi32, #tpu.memory_space<vmem>>) semaphore(%arg24 : memref<!tpu.dma_semaphore, #tpu.memory_space<semaphore_mem>>)
      %dma_start3A_74 = arith.constant 1 : i32
      %dma_start3A_75 = arith.constant 0 : i32
      %dma_start3A_76 = tpu.memref_slice %arg20[%dma_start3A_74, %dma_start3A_75] : memref<3x128xf32, #tpu.memory_space<vmem>> -> memref<1x128xf32, #tpu.memory_space<vmem>>
      %dma_start3A_77 = tpu.memref_squeeze %dma_start3A_76 : memref<1x128xf32, #tpu.memory_space<vmem>> -> memref<128xf32, #tpu.memory_space<vmem>>
      %dma_start3A_78 = arith.constant 0 : i32
      %dma_start3A_79 = tpu.memref_slice %arg17[%scan3A_11, %dma_start3A_78] : memref<74x128xi32, #tpu.memory_space<vmem>> -> memref<1x128xi32, #tpu.memory_space<vmem>>
      %dma_start3A_80 = tpu.memref_squeeze %dma_start3A_79 : memref<1x128xi32, #tpu.memory_space<vmem>> -> memref<128xi32, #tpu.memory_space<vmem>>
      %dma_start3A_81 = arith.constant 0 : i32
      %dma_start3A_82 = tpu.memref_slice %arg3[%dma_start3A_81] : memref<151552xf32, #tpu.memory_space<hbm>> -> memref<151552xf32, #tpu.memory_space<hbm>>
      tpu.enqueue_indirect_dma source(%dma_start3A_82 : memref<151552xf32, #tpu.memory_space<hbm>>) target(%dma_start3A_77 : memref<128xf32, #tpu.memory_space<vmem>>) offsets(%dma_start3A_80 : memref<128xi32, #tpu.memory_space<vmem>>) semaphore(%arg24 : memref<!tpu.dma_semaphore, #tpu.memory_space<semaphore_mem>>)
      %dma_start3A_83 = arith.constant 2 : i32
      %dma_start3A_84 = arith.constant 0 : i32
      %dma_start3A_85 = tpu.memref_slice %arg20[%dma_start3A_83, %dma_start3A_84] : memref<3x128xf32, #tpu.memory_space<vmem>> -> memref<1x128xf32, #tpu.memory_space<vmem>>
      %dma_start3A_86 = tpu.memref_squeeze %dma_start3A_85 : memref<1x128xf32, #tpu.memory_space<vmem>> -> memref<128xf32, #tpu.memory_space<vmem>>
      %dma_start3A_87 = arith.constant 0 : i32
      %dma_start3A_88 = tpu.memref_slice %arg17[%scan3A_11, %dma_start3A_87] : memref<74x128xi32, #tpu.memory_space<vmem>> -> memref<1x128xi32, #tpu.memory_space<vmem>>
      %dma_start3A_89 = tpu.memref_squeeze %dma_start3A_88 : memref<1x128xi32, #tpu.memory_space<vmem>> -> memref<128xi32, #tpu.memory_space<vmem>>
      %dma_start3A_90 = arith.constant 0 : i32
      %dma_start3A_91 = tpu.memref_slice %arg4[%dma_start3A_90] : memref<151552xf32, #tpu.memory_space<hbm>> -> memref<151552xf32, #tpu.memory_space<hbm>>
      tpu.enqueue_indirect_dma source(%dma_start3A_91 : memref<151552xf32, #tpu.memory_space<hbm>>) target(%dma_start3A_86 : memref<128xf32, #tpu.memory_space<vmem>>) offsets(%dma_start3A_89 : memref<128xi32, #tpu.memory_space<vmem>>) semaphore(%arg24 : memref<!tpu.dma_semaphore, #tpu.memory_space<semaphore_mem>>)
      %dma_wait3A = arith.constant 0 : i32
      %dma_wait3A_92 = arith.constant 0 : i32
      %dma_wait3A_93 = tpu.memref_slice %arg18[%dma_wait3A, %dma_wait3A_92] : memref<3x128xf32, #tpu.memory_space<vmem>> -> memref<1x128xf32, #tpu.memory_space<vmem>>
      %dma_wait3A_94 = tpu.memref_squeeze %dma_wait3A_93 : memref<1x128xf32, #tpu.memory_space<vmem>> -> memref<128xf32, #tpu.memory_space<vmem>>
      %dma_wait3A_95 = arith.constant 0 : i32
      %dma_wait3A_96 = tpu.memref_slice %arg15[%scan3A_11, %dma_wait3A_95] : memref<74x128xi32, #tpu.memory_space<vmem>> -> memref<1x128xi32, #tpu.memory_space<vmem>>
      %dma_wait3A_97 = tpu.memref_squeeze %dma_wait3A_96 : memref<1x128xi32, #tpu.memory_space<vmem>> -> memref<128xi32, #tpu.memory_space<vmem>>
      %dma_wait3A_98 = arith.constant 0 : i32
      %dma_wait3A_99 = tpu.memref_slice %arg2[%dma_wait3A_98] : memref<151552xf32, #tpu.memory_space<hbm>> -> memref<151552xf32, #tpu.memory_space<hbm>>
      tpu.wait_indirect_dma semaphore(%arg24 : memref<!tpu.dma_semaphore, #tpu.memory_space<semaphore_mem>>) src(%dma_wait3A_99 : memref<151552xf32, #tpu.memory_space<hbm>>) dst(%dma_wait3A_94 : memref<128xf32, #tpu.memory_space<vmem>>)
      %dma_wait3A_100 = arith.constant 1 : i32
      %dma_wait3A_101 = arith.constant 0 : i32
      %dma_wait3A_102 = tpu.memref_slice %arg18[%dma_wait3A_100, %dma_wait3A_101] : memref<3x128xf32, #tpu.memory_space<vmem>> -> memref<1x128xf32, #tpu.memory_space<vmem>>
      %dma_wait3A_103 = tpu.memref_squeeze %dma_wait3A_102 : memref<1x128xf32, #tpu.memory_space<vmem>> -> memref<128xf32, #tpu.memory_space<vmem>>
      %dma_wait3A_104 = arith.constant 0 : i32
      %dma_wait3A_105 = tpu.memref_slice %arg15[%scan3A_11, %dma_wait3A_104] : memref<74x128xi32, #tpu.memory_space<vmem>> -> memref<1x128xi32, #tpu.memory_space<vmem>>
      %dma_wait3A_106 = tpu.memref_squeeze %dma_wait3A_105 : memref<1x128xi32, #tpu.memory_space<vmem>> -> memref<128xi32, #tpu.memory_space<vmem>>
      %dma_wait3A_107 = arith.constant 0 : i32
      %dma_wait3A_108 = tpu.memref_slice %arg3[%dma_wait3A_107] : memref<151552xf32, #tpu.memory_space<hbm>> -> memref<151552xf32, #tpu.memory_space<hbm>>
      tpu.wait_indirect_dma semaphore(%arg24 : memref<!tpu.dma_semaphore, #tpu.memory_space<semaphore_mem>>) src(%dma_wait3A_108 : memref<151552xf32, #tpu.memory_space<hbm>>) dst(%dma_wait3A_103 : memref<128xf32, #tpu.memory_space<vmem>>)
      %dma_wait3A_109 = arith.constant 2 : i32
      %dma_wait3A_110 = arith.constant 0 : i32
      %dma_wait3A_111 = tpu.memref_slice %arg18[%dma_wait3A_109, %dma_wait3A_110] : memref<3x128xf32, #tpu.memory_space<vmem>> -> memref<1x128xf32, #tpu.memory_space<vmem>>
      %dma_wait3A_112 = tpu.memref_squeeze %dma_wait3A_111 : memref<1x128xf32, #tpu.memory_space<vmem>> -> memref<128xf32, #tpu.memory_space<vmem>>
      %dma_wait3A_113 = arith.constant 0 : i32
      %dma_wait3A_114 = tpu.memref_slice %arg15[%scan3A_11, %dma_wait3A_113] : memref<74x128xi32, #tpu.memory_space<vmem>> -> memref<1x128xi32, #tpu.memory_space<vmem>>
      %dma_wait3A_115 = tpu.memref_squeeze %dma_wait3A_114 : memref<1x128xi32, #tpu.memory_space<vmem>> -> memref<128xi32, #tpu.memory_space<vmem>>
      %dma_wait3A_116 = arith.constant 0 : i32
      %dma_wait3A_117 = tpu.memref_slice %arg4[%dma_wait3A_116] : memref<151552xf32, #tpu.memory_space<hbm>> -> memref<151552xf32, #tpu.memory_space<hbm>>
      tpu.wait_indirect_dma semaphore(%arg24 : memref<!tpu.dma_semaphore, #tpu.memory_space<semaphore_mem>>) src(%dma_wait3A_117 : memref<151552xf32, #tpu.memory_space<hbm>>) dst(%dma_wait3A_112 : memref<128xf32, #tpu.memory_space<vmem>>)
      %dma_wait3A_118 = arith.constant 0 : i32
      %dma_wait3A_119 = arith.constant 0 : i32
      %dma_wait3A_120 = tpu.memref_slice %arg19[%dma_wait3A_118, %dma_wait3A_119] : memref<3x128xf32, #tpu.memory_space<vmem>> -> memref<1x128xf32, #tpu.memory_space<vmem>>
      %dma_wait3A_121 = tpu.memref_squeeze %dma_wait3A_120 : memref<1x128xf32, #tpu.memory_space<vmem>> -> memref<128xf32, #tpu.memory_space<vmem>>
      %dma_wait3A_122 = arith.constant 0 : i32
      %dma_wait3A_123 = tpu.memref_slice %arg16[%scan3A_11, %dma_wait3A_122] : memref<74x128xi32, #tpu.memory_space<vmem>> -> memref<1x128xi32, #tpu.memory_space<vmem>>
      %dma_wait3A_124 = tpu.memref_squeeze %dma_wait3A_123 : memref<1x128xi32, #tpu.memory_space<vmem>> -> memref<128xi32, #tpu.memory_space<vmem>>
      %dma_wait3A_125 = arith.constant 0 : i32
      %dma_wait3A_126 = tpu.memref_slice %arg2[%dma_wait3A_125] : memref<151552xf32, #tpu.memory_space<hbm>> -> memref<151552xf32, #tpu.memory_space<hbm>>
      tpu.wait_indirect_dma semaphore(%arg24 : memref<!tpu.dma_semaphore, #tpu.memory_space<semaphore_mem>>) src(%dma_wait3A_126 : memref<151552xf32, #tpu.memory_space<hbm>>) dst(%dma_wait3A_121 : memref<128xf32, #tpu.memory_space<vmem>>)
      %dma_wait3A_127 = arith.constant 1 : i32
      %dma_wait3A_128 = arith.constant 0 : i32
      %dma_wait3A_129 = tpu.memref_slice %arg19[%dma_wait3A_127, %dma_wait3A_128] : memref<3x128xf32, #tpu.memory_space<vmem>> -> memref<1x128xf32, #tpu.memory_space<vmem>>
      %dma_wait3A_130 = tpu.memref_squeeze %dma_wait3A_129 : memref<1x128xf32, #tpu.memory_space<vmem>> -> memref<128xf32, #tpu.memory_space<vmem>>
      %dma_wait3A_131 = arith.constant 0 : i32
      %dma_wait3A_132 = tpu.memref_slice %arg16[%scan3A_11, %dma_wait3A_131] : memref<74x128xi32, #tpu.memory_space<vmem>> -> memref<1x128xi32, #tpu.memory_space<vmem>>
      %dma_wait3A_133 = tpu.memref_squeeze %dma_wait3A_132 : memref<1x128xi32, #tpu.memory_space<vmem>> -> memref<128xi32, #tpu.memory_space<vmem>>
      %dma_wait3A_134 = arith.constant 0 : i32
      %dma_wait3A_135 = tpu.memref_slice %arg3[%dma_wait3A_134] : memref<151552xf32, #tpu.memory_space<hbm>> -> memref<151552xf32, #tpu.memory_space<hbm>>
      tpu.wait_indirect_dma semaphore(%arg24 : memref<!tpu.dma_semaphore, #tpu.memory_space<semaphore_mem>>) src(%dma_wait3A_135 : memref<151552xf32, #tpu.memory_space<hbm>>) dst(%dma_wait3A_130 : memref<128xf32, #tpu.memory_space<vmem>>)
      %dma_wait3A_136 = arith.constant 2 : i32
      %dma_wait3A_137 = arith.constant 0 : i32
      %dma_wait3A_138 = tpu.memref_slice %arg19[%dma_wait3A_136, %dma_wait3A_137] : memref<3x128xf32, #tpu.memory_space<vmem>> -> memref<1x128xf32, #tpu.memory_space<vmem>>
      %dma_wait3A_139 = tpu.memref_squeeze %dma_wait3A_138 : memref<1x128xf32, #tpu.memory_space<vmem>> -> memref<128xf32, #tpu.memory_space<vmem>>
      %dma_wait3A_140 = arith.constant 0 : i32
      %dma_wait3A_141 = tpu.memref_slice %arg16[%scan3A_11, %dma_wait3A_140] : memref<74x128xi32, #tpu.memory_space<vmem>> -> memref<1x128xi32, #tpu.memory_space<vmem>>
      %dma_wait3A_142 = tpu.memref_squeeze %dma_wait3A_141 : memref<1x128xi32, #tpu.memory_space<vmem>> -> memref<128xi32, #tpu.memory_space<vmem>>
      %dma_wait3A_143 = arith.constant 0 : i32
      %dma_wait3A_144 = tpu.memref_slice %arg4[%dma_wait3A_143] : memref<151552xf32, #tpu.memory_space<hbm>> -> memref<151552xf32, #tpu.memory_space<hbm>>
      tpu.wait_indirect_dma semaphore(%arg24 : memref<!tpu.dma_semaphore, #tpu.memory_space<semaphore_mem>>) src(%dma_wait3A_144 : memref<151552xf32, #tpu.memory_space<hbm>>) dst(%dma_wait3A_139 : memref<128xf32, #tpu.memory_space<vmem>>)
      %dma_wait3A_145 = arith.constant 0 : i32
      %dma_wait3A_146 = arith.constant 0 : i32
      %dma_wait3A_147 = tpu.memref_slice %arg20[%dma_wait3A_145, %dma_wait3A_146] : memref<3x128xf32, #tpu.memory_space<vmem>> -> memref<1x128xf32, #tpu.memory_space<vmem>>
      %dma_wait3A_148 = tpu.memref_squeeze %dma_wait3A_147 : memref<1x128xf32, #tpu.memory_space<vmem>> -> memref<128xf32, #tpu.memory_space<vmem>>
      %dma_wait3A_149 = arith.constant 0 : i32
      %dma_wait3A_150 = tpu.memref_slice %arg17[%scan3A_11, %dma_wait3A_149] : memref<74x128xi32, #tpu.memory_space<vmem>> -> memref<1x128xi32, #tpu.memory_space<vmem>>
      %dma_wait3A_151 = tpu.memref_squeeze %dma_wait3A_150 : memref<1x128xi32, #tpu.memory_space<vmem>> -> memref<128xi32, #tpu.memory_space<vmem>>
      %dma_wait3A_152 = arith.constant 0 : i32
      %dma_wait3A_153 = tpu.memref_slice %arg2[%dma_wait3A_152] : memref<151552xf32, #tpu.memory_space<hbm>> -> memref<151552xf32, #tpu.memory_space<hbm>>
      tpu.wait_indirect_dma semaphore(%arg24 : memref<!tpu.dma_semaphore, #tpu.memory_space<semaphore_mem>>) src(%dma_wait3A_153 : memref<151552xf32, #tpu.memory_space<hbm>>) dst(%dma_wait3A_148 : memref<128xf32, #tpu.memory_space<vmem>>)
      %dma_wait3A_154 = arith.constant 1 : i32
      %dma_wait3A_155 = arith.constant 0 : i32
      %dma_wait3A_156 = tpu.memref_slice %arg20[%dma_wait3A_154, %dma_wait3A_155] : memref<3x128xf32, #tpu.memory_space<vmem>> -> memref<1x128xf32, #tpu.memory_space<vmem>>
      %dma_wait3A_157 = tpu.memref_squeeze %dma_wait3A_156 : memref<1x128xf32, #tpu.memory_space<vmem>> -> memref<128xf32, #tpu.memory_space<vmem>>
      %dma_wait3A_158 = arith.constant 0 : i32
      %dma_wait3A_159 = tpu.memref_slice %arg17[%scan3A_11, %dma_wait3A_158] : memref<74x128xi32, #tpu.memory_space<vmem>> -> memref<1x128xi32, #tpu.memory_space<vmem>>
      %dma_wait3A_160 = tpu.memref_squeeze %dma_wait3A_159 : memref<1x128xi32, #tpu.memory_space<vmem>> -> memref<128xi32, #tpu.memory_space<vmem>>
      %dma_wait3A_161 = arith.constant 0 : i32
      %dma_wait3A_162 = tpu.memref_slice %arg3[%dma_wait3A_161] : memref<151552xf32, #tpu.memory_space<hbm>> -> memref<151552xf32, #tpu.memory_space<hbm>>
      tpu.wait_indirect_dma semaphore(%arg24 : memref<!tpu.dma_semaphore, #tpu.memory_space<semaphore_mem>>) src(%dma_wait3A_162 : memref<151552xf32, #tpu.memory_space<hbm>>) dst(%dma_wait3A_157 : memref<128xf32, #tpu.memory_space<vmem>>)
      %dma_wait3A_163 = arith.constant 2 : i32
      %dma_wait3A_164 = arith.constant 0 : i32
      %dma_wait3A_165 = tpu.memref_slice %arg20[%dma_wait3A_163, %dma_wait3A_164] : memref<3x128xf32, #tpu.memory_space<vmem>> -> memref<1x128xf32, #tpu.memory_space<vmem>>
      %dma_wait3A_166 = tpu.memref_squeeze %dma_wait3A_165 : memref<1x128xf32, #tpu.memory_space<vmem>> -> memref<128xf32, #tpu.memory_space<vmem>>
      %dma_wait3A_167 = arith.constant 0 : i32
      %dma_wait3A_168 = tpu.memref_slice %arg17[%scan3A_11, %dma_wait3A_167] : memref<74x128xi32, #tpu.memory_space<vmem>> -> memref<1x128xi32, #tpu.memory_space<vmem>>
      %dma_wait3A_169 = tpu.memref_squeeze %dma_wait3A_168 : memref<1x128xi32, #tpu.memory_space<vmem>> -> memref<128xi32, #tpu.memory_space<vmem>>
      %dma_wait3A_170 = arith.constant 0 : i32
      %dma_wait3A_171 = tpu.memref_slice %arg4[%dma_wait3A_170] : memref<151552xf32, #tpu.memory_space<hbm>> -> memref<151552xf32, #tpu.memory_space<hbm>>
      tpu.wait_indirect_dma semaphore(%arg24 : memref<!tpu.dma_semaphore, #tpu.memory_space<semaphore_mem>>) src(%dma_wait3A_171 : memref<151552xf32, #tpu.memory_space<hbm>>) dst(%dma_wait3A_166 : memref<128xf32, #tpu.memory_space<vmem>>)
      %scan3A_172 = arith.constant 0 : i32
      %scan3A_173 = arith.constant 0 : i32
      %scan3A_174 = arith.constant 8 : i32
      %scan3A_175 = arith.addi %scan3A_173, %scan3A_174 : i32
      %scan3A_176 = arith.constant 1 : i32
      scf.for %scan3A_178 = %scan3A_173 to %scan3A_175 step %scan3A_176  : i32 {
        %mul3A_179 = arith.constant 16 : i32
        %mul3A_180 = arith.muli %scan3A_178, %mul3A_179 : i32
        %get3A = arith.constant 0 : i32
        %get3A_181 = arith.index_cast %get3A : i32 to index
        %get3A_182 = arith.index_cast %mul3A_180 : i32 to index
        %get3A_183 = tpu.vector_load %arg18[%get3A_181, %get3A_182] {strides = array<i32>} : memref<3x128xf32, #tpu.memory_space<vmem>>, vector<1x16xf32>,
        %get3A_184 = vector.shape_cast %get3A_183 : vector<1x16xf32> to vector<16xf32>
        %get3A_185 = arith.constant 1 : i32
        %get3A_186 = arith.index_cast %get3A_185 : i32 to index
        %get3A_187 = arith.index_cast %mul3A_180 : i32 to index
        %get3A_188 = tpu.vector_load %arg18[%get3A_186, %get3A_187] {strides = array<i32>} : memref<3x128xf32, #tpu.memory_space<vmem>>, vector<1x16xf32>,
        %get3A_189 = vector.shape_cast %get3A_188 : vector<1x16xf32> to vector<16xf32>
        %get3A_190 = arith.constant 2 : i32
        %get3A_191 = arith.index_cast %get3A_190 : i32 to index
        %get3A_192 = arith.index_cast %mul3A_180 : i32 to index
        %get3A_193 = tpu.vector_load %arg18[%get3A_191, %get3A_192] {strides = array<i32>} : memref<3x128xf32, #tpu.memory_space<vmem>>, vector<1x16xf32>,
        %get3A_194 = vector.shape_cast %get3A_193 : vector<1x16xf32> to vector<16xf32>
        %get3A_195 = arith.constant 0 : i32
        %get3A_196 = arith.index_cast %get3A_195 : i32 to index
        %get3A_197 = arith.index_cast %mul3A_180 : i32 to index
        %get3A_198 = tpu.vector_load %arg19[%get3A_196, %get3A_197] {strides = array<i32>} : memref<3x128xf32, #tpu.memory_space<vmem>>, vector<1x16xf32>,
        %get3A_199 = vector.shape_cast %get3A_198 : vector<1x16xf32> to vector<16xf32>
        %sub3A = arith.subf %get3A_199, %get3A_184 : vector<16xf32>
        %get3A_200 = arith.constant 1 : i32
        %get3A_201 = arith.index_cast %get3A_200 : i32 to index
        %get3A_202 = arith.index_cast %mul3A_180 : i32 to index
        %get3A_203 = tpu.vector_load %arg19[%get3A_201, %get3A_202] {strides = array<i32>} : memref<3x128xf32, #tpu.memory_space<vmem>>, vector<1x16xf32>,
        %get3A_204 = vector.shape_cast %get3A_203 : vector<1x16xf32> to vector<16xf32>
        %sub3A_205 = arith.subf %get3A_204, %get3A_189 : vector<16xf32>
        %get3A_206 = arith.constant 2 : i32
        %get3A_207 = arith.index_cast %get3A_206 : i32 to index
        %get3A_208 = arith.index_cast %mul3A_180 : i32 to index
        %get3A_209 = tpu.vector_load %arg19[%get3A_207, %get3A_208] {strides = array<i32>} : memref<3x128xf32, #tpu.memory_space<vmem>>, vector<1x16xf32>,
        %get3A_210 = vector.shape_cast %get3A_209 : vector<1x16xf32> to vector<16xf32>
        %sub3A_211 = arith.subf %get3A_210, %get3A_194 : vector<16xf32>
        %get3A_212 = arith.constant 0 : i32
        %get3A_213 = arith.index_cast %get3A_212 : i32 to index
        %get3A_214 = arith.index_cast %mul3A_180 : i32 to index
        %get3A_215 = tpu.vector_load %arg20[%get3A_213, %get3A_214] {strides = array<i32>} : memref<3x128xf32, #tpu.memory_space<vmem>>, vector<1x16xf32>,
        %get3A_216 = vector.shape_cast %get3A_215 : vector<1x16xf32> to vector<16xf32>
        %sub3A_217 = arith.subf %get3A_216, %get3A_184 : vector<16xf32>
        %get3A_218 = arith.constant 1 : i32
        %get3A_219 = arith.index_cast %get3A_218 : i32 to index
        %get3A_220 = arith.index_cast %mul3A_180 : i32 to index
        %get3A_221 = tpu.vector_load %arg20[%get3A_219, %get3A_220] {strides = array<i32>} : memref<3x128xf32, #tpu.memory_space<vmem>>, vector<1x16xf32>,
        %get3A_222 = vector.shape_cast %get3A_221 : vector<1x16xf32> to vector<16xf32>
        %sub3A_223 = arith.subf %get3A_222, %get3A_189 : vector<16xf32>
        %get3A_224 = arith.constant 2 : i32
        %get3A_225 = arith.index_cast %get3A_224 : i32 to index
        %get3A_226 = arith.index_cast %mul3A_180 : i32 to index
        %get3A_227 = tpu.vector_load %arg20[%get3A_225, %get3A_226] {strides = array<i32>} : memref<3x128xf32, #tpu.memory_space<vmem>>, vector<1x16xf32>,
        %get3A_228 = vector.shape_cast %get3A_227 : vector<1x16xf32> to vector<16xf32>
        %sub3A_229 = arith.subf %get3A_228, %get3A_194 : vector<16xf32>
        %mul3A_230 = arith.mulf %sub3A_205, %sub3A_229 : vector<16xf32>
        %mul3A_231 = arith.mulf %sub3A_211, %sub3A_223 : vector<16xf32>
        %sub3A_232 = arith.subf %mul3A_230, %mul3A_231 : vector<16xf32>
        %swap3A = arith.index_cast %mul3A_180 : i32 to index
        %swap3A_233 = tpu.vector_load %arg21[%swap3A] {strides = array<i32>} : memref<128xf32, #tpu.memory_space<vmem>>, vector<16xf32>,
        %swap3A_234 = vector.shape_cast %swap3A_233 : vector<16xf32> to vector<16xf32>
        %swap3A_235 = vector.shape_cast %sub3A_232 : vector<16xf32> to vector<16xf32>
        tpu.vector_store %arg21[%swap3A], %swap3A_235 {strides = array<i32>} : memref<128xf32, #tpu.memory_space<vmem>>, vector<16xf32>,
        %mul3A_236 = arith.mulf %sub3A_211, %sub3A_217 : vector<16xf32>
        %mul3A_237 = arith.mulf %sub3A, %sub3A_229 : vector<16xf32>
        %sub3A_238 = arith.subf %mul3A_236, %mul3A_237 : vector<16xf32>
        %swap3A_239 = arith.index_cast %mul3A_180 : i32 to index
        %swap3A_240 = tpu.vector_load %arg22[%swap3A_239] {strides = array<i32>} : memref<128xf32, #tpu.memory_space<vmem>>, vector<16xf32>,
        %swap3A_241 = vector.shape_cast %swap3A_240 : vector<16xf32> to vector<16xf32>
        %swap3A_242 = vector.shape_cast %sub3A_238 : vector<16xf32> to vector<16xf32>
        tpu.vector_store %arg22[%swap3A_239], %swap3A_242 {strides = array<i32>} : memref<128xf32, #tpu.memory_space<vmem>>, vector<16xf32>,
        %mul3A_243 = arith.mulf %sub3A, %sub3A_223 : vector<16xf32>
        %mul3A_244 = arith.mulf %sub3A_205, %sub3A_217 : vector<16xf32>
        %sub3A_245 = arith.subf %mul3A_243, %mul3A_244 : vector<16xf32>
        %swap3A_246 = arith.index_cast %mul3A_180 : i32 to index
        %swap3A_247 = tpu.vector_load %arg23[%swap3A_246] {strides = array<i32>} : memref<128xf32, #tpu.memory_space<vmem>>, vector<16xf32>,
        %swap3A_248 = vector.shape_cast %swap3A_247 : vector<16xf32> to vector<16xf32>
        %swap3A_249 = vector.shape_cast %sub3A_245 : vector<16xf32> to vector<16xf32>
        tpu.vector_store %arg23[%swap3A_246], %swap3A_249 {strides = array<i32>} : memref<128xf32, #tpu.memory_space<vmem>>, vector<16xf32>,
      }
      %scan3A_177 = arith.constant 8 : i32
      "tpu.region"() ({
        %run_scoped3A_178 = tpu.sem_alloc : memref<!tpu.dma_semaphore, #tpu.memory_space<semaphore_mem>>
        %dma_start3A_179 = arith.constant 0 : i32
        %dma_start3A_180 = tpu.memref_slice %arg15[%scan3A_11, %dma_start3A_179] : memref<74x128xi32, #tpu.memory_space<vmem>> -> memref<1x128xi32, #tpu.memory_space<vmem>>
        %dma_start3A_181 = tpu.memref_squeeze %dma_start3A_180 : memref<1x128xi32, #tpu.memory_space<vmem>> -> memref<128xi32, #tpu.memory_space<vmem>>
        %dma_start3A_182 = arith.constant 0 : i32
        %dma_start3A_183 = tpu.memref_slice %arg12[%dma_start3A_182] : memref<151552xf32, #tpu.memory_space<vmem_shared>> -> memref<151552xf32, #tpu.memory_space<vmem_shared>>
        tpu.enqueue_indirect_dma source(%arg21 : memref<128xf32, #tpu.memory_space<vmem>>) target(%dma_start3A_183 : memref<151552xf32, #tpu.memory_space<vmem_shared>>) offsets(%dma_start3A_181 : memref<128xi32, #tpu.memory_space<vmem>>) semaphore(%run_scoped3A_178 : memref<!tpu.dma_semaphore, #tpu.memory_space<semaphore_mem>>) {add = true}
        %dma_wait3A_184 = arith.constant 0 : i32
        %dma_wait3A_185 = tpu.memref_slice %arg15[%scan3A_11, %dma_wait3A_184] : memref<74x128xi32, #tpu.memory_space<vmem>> -> memref<1x128xi32, #tpu.memory_space<vmem>>
        %dma_wait3A_186 = tpu.memref_squeeze %dma_wait3A_185 : memref<1x128xi32, #tpu.memory_space<vmem>> -> memref<128xi32, #tpu.memory_space<vmem>>
        %dma_wait3A_187 = arith.constant 0 : i32
        %dma_wait3A_188 = tpu.memref_slice %arg12[%dma_wait3A_187] : memref<151552xf32, #tpu.memory_space<vmem_shared>> -> memref<151552xf32, #tpu.memory_space<vmem_shared>>
        tpu.wait_indirect_dma semaphore(%run_scoped3A_178 : memref<!tpu.dma_semaphore, #tpu.memory_space<semaphore_mem>>) src(%arg21 : memref<128xf32, #tpu.memory_space<vmem>>) dst(%dma_wait3A_188 : memref<151552xf32, #tpu.memory_space<vmem_shared>>)
        tpu.yield
      }) : () -> ()
      "tpu.region"() ({
        %run_scoped3A_178 = tpu.sem_alloc : memref<!tpu.dma_semaphore, #tpu.memory_space<semaphore_mem>>
        %dma_start3A_179 = arith.constant 0 : i32
        %dma_start3A_180 = tpu.memref_slice %arg15[%scan3A_11, %dma_start3A_179] : memref<74x128xi32, #tpu.memory_space<vmem>> -> memref<1x128xi32, #tpu.memory_space<vmem>>
        %dma_start3A_181 = tpu.memref_squeeze %dma_start3A_180 : memref<1x128xi32, #tpu.memory_space<vmem>> -> memref<128xi32, #tpu.memory_space<vmem>>
        %dma_start3A_182 = arith.constant 0 : i32
        %dma_start3A_183 = tpu.memref_slice %arg13[%dma_start3A_182] : memref<151552xf32, #tpu.memory_space<vmem_shared>> -> memref<151552xf32, #tpu.memory_space<vmem_shared>>
        tpu.enqueue_indirect_dma source(%arg22 : memref<128xf32, #tpu.memory_space<vmem>>) target(%dma_start3A_183 : memref<151552xf32, #tpu.memory_space<vmem_shared>>) offsets(%dma_start3A_181 : memref<128xi32, #tpu.memory_space<vmem>>) semaphore(%run_scoped3A_178 : memref<!tpu.dma_semaphore, #tpu.memory_space<semaphore_mem>>) {add = true}
        %dma_wait3A_184 = arith.constant 0 : i32
        %dma_wait3A_185 = tpu.memref_slice %arg15[%scan3A_11, %dma_wait3A_184] : memref<74x128xi32, #tpu.memory_space<vmem>> -> memref<1x128xi32, #tpu.memory_space<vmem>>
        %dma_wait3A_186 = tpu.memref_squeeze %dma_wait3A_185 : memref<1x128xi32, #tpu.memory_space<vmem>> -> memref<128xi32, #tpu.memory_space<vmem>>
        %dma_wait3A_187 = arith.constant 0 : i32
        %dma_wait3A_188 = tpu.memref_slice %arg13[%dma_wait3A_187] : memref<151552xf32, #tpu.memory_space<vmem_shared>> -> memref<151552xf32, #tpu.memory_space<vmem_shared>>
        tpu.wait_indirect_dma semaphore(%run_scoped3A_178 : memref<!tpu.dma_semaphore, #tpu.memory_space<semaphore_mem>>) src(%arg22 : memref<128xf32, #tpu.memory_space<vmem>>) dst(%dma_wait3A_188 : memref<151552xf32, #tpu.memory_space<vmem_shared>>)
        tpu.yield
      }) : () -> ()
      "tpu.region"() ({
        %run_scoped3A_178 = tpu.sem_alloc : memref<!tpu.dma_semaphore, #tpu.memory_space<semaphore_mem>>
        %dma_start3A_179 = arith.constant 0 : i32
        %dma_start3A_180 = tpu.memref_slice %arg15[%scan3A_11, %dma_start3A_179] : memref<74x128xi32, #tpu.memory_space<vmem>> -> memref<1x128xi32, #tpu.memory_space<vmem>>
        %dma_start3A_181 = tpu.memref_squeeze %dma_start3A_180 : memref<1x128xi32, #tpu.memory_space<vmem>> -> memref<128xi32, #tpu.memory_space<vmem>>
        %dma_start3A_182 = arith.constant 0 : i32
        %dma_start3A_183 = tpu.memref_slice %arg14[%dma_start3A_182] : memref<151552xf32, #tpu.memory_space<vmem_shared>> -> memref<151552xf32, #tpu.memory_space<vmem_shared>>
        tpu.enqueue_indirect_dma source(%arg23 : memref<128xf32, #tpu.memory_space<vmem>>) target(%dma_start3A_183 : memref<151552xf32, #tpu.memory_space<vmem_shared>>) offsets(%dma_start3A_181 : memref<128xi32, #tpu.memory_space<vmem>>) semaphore(%run_scoped3A_178 : memref<!tpu.dma_semaphore, #tpu.memory_space<semaphore_mem>>) {add = true}
        %dma_wait3A_184 = arith.constant 0 : i32
        %dma_wait3A_185 = tpu.memref_slice %arg15[%scan3A_11, %dma_wait3A_184] : memref<74x128xi32, #tpu.memory_space<vmem>> -> memref<1x128xi32, #tpu.memory_space<vmem>>
        %dma_wait3A_186 = tpu.memref_squeeze %dma_wait3A_185 : memref<1x128xi32, #tpu.memory_space<vmem>> -> memref<128xi32, #tpu.memory_space<vmem>>
        %dma_wait3A_187 = arith.constant 0 : i32
        %dma_wait3A_188 = tpu.memref_slice %arg14[%dma_wait3A_187] : memref<151552xf32, #tpu.memory_space<vmem_shared>> -> memref<151552xf32, #tpu.memory_space<vmem_shared>>
        tpu.wait_indirect_dma semaphore(%run_scoped3A_178 : memref<!tpu.dma_semaphore, #tpu.memory_space<semaphore_mem>>) src(%arg23 : memref<128xf32, #tpu.memory_space<vmem>>) dst(%dma_wait3A_188 : memref<151552xf32, #tpu.memory_space<vmem_shared>>)
        tpu.yield
      }) : () -> ()
      "tpu.region"() ({
        %run_scoped3A_178 = tpu.sem_alloc : memref<!tpu.dma_semaphore, #tpu.memory_space<semaphore_mem>>
        %dma_start3A_179 = arith.constant 0 : i32
        %dma_start3A_180 = tpu.memref_slice %arg16[%scan3A_11, %dma_start3A_179] : memref<74x128xi32, #tpu.memory_space<vmem>> -> memref<1x128xi32, #tpu.memory_space<vmem>>
        %dma_start3A_181 = tpu.memref_squeeze %dma_start3A_180 : memref<1x128xi32, #tpu.memory_space<vmem>> -> memref<128xi32, #tpu.memory_space<vmem>>
        %dma_start3A_182 = arith.constant 0 : i32
        %dma_start3A_183 = tpu.memref_slice %arg12[%dma_start3A_182] : memref<151552xf32, #tpu.memory_space<vmem_shared>> -> memref<151552xf32, #tpu.memory_space<vmem_shared>>
        tpu.enqueue_indirect_dma source(%arg21 : memref<128xf32, #tpu.memory_space<vmem>>) target(%dma_start3A_183 : memref<151552xf32, #tpu.memory_space<vmem_shared>>) offsets(%dma_start3A_181 : memref<128xi32, #tpu.memory_space<vmem>>) semaphore(%run_scoped3A_178 : memref<!tpu.dma_semaphore, #tpu.memory_space<semaphore_mem>>) {add = true}
        %dma_wait3A_184 = arith.constant 0 : i32
        %dma_wait3A_185 = tpu.memref_slice %arg16[%scan3A_11, %dma_wait3A_184] : memref<74x128xi32, #tpu.memory_space<vmem>> -> memref<1x128xi32, #tpu.memory_space<vmem>>
        %dma_wait3A_186 = tpu.memref_squeeze %dma_wait3A_185 : memref<1x128xi32, #tpu.memory_space<vmem>> -> memref<128xi32, #tpu.memory_space<vmem>>
        %dma_wait3A_187 = arith.constant 0 : i32
        %dma_wait3A_188 = tpu.memref_slice %arg12[%dma_wait3A_187] : memref<151552xf32, #tpu.memory_space<vmem_shared>> -> memref<151552xf32, #tpu.memory_space<vmem_shared>>
        tpu.wait_indirect_dma semaphore(%run_scoped3A_178 : memref<!tpu.dma_semaphore, #tpu.memory_space<semaphore_mem>>) src(%arg21 : memref<128xf32, #tpu.memory_space<vmem>>) dst(%dma_wait3A_188 : memref<151552xf32, #tpu.memory_space<vmem_shared>>)
        tpu.yield
      }) : () -> ()
      "tpu.region"() ({
        %run_scoped3A_178 = tpu.sem_alloc : memref<!tpu.dma_semaphore, #tpu.memory_space<semaphore_mem>>
        %dma_start3A_179 = arith.constant 0 : i32
        %dma_start3A_180 = tpu.memref_slice %arg16[%scan3A_11, %dma_start3A_179] : memref<74x128xi32, #tpu.memory_space<vmem>> -> memref<1x128xi32, #tpu.memory_space<vmem>>
        %dma_start3A_181 = tpu.memref_squeeze %dma_start3A_180 : memref<1x128xi32, #tpu.memory_space<vmem>> -> memref<128xi32, #tpu.memory_space<vmem>>
        %dma_start3A_182 = arith.constant 0 : i32
        %dma_start3A_183 = tpu.memref_slice %arg13[%dma_start3A_182] : memref<151552xf32, #tpu.memory_space<vmem_shared>> -> memref<151552xf32, #tpu.memory_space<vmem_shared>>
        tpu.enqueue_indirect_dma source(%arg22 : memref<128xf32, #tpu.memory_space<vmem>>) target(%dma_start3A_183 : memref<151552xf32, #tpu.memory_space<vmem_shared>>) offsets(%dma_start3A_181 : memref<128xi32, #tpu.memory_space<vmem>>) semaphore(%run_scoped3A_178 : memref<!tpu.dma_semaphore, #tpu.memory_space<semaphore_mem>>) {add = true}
        %dma_wait3A_184 = arith.constant 0 : i32
        %dma_wait3A_185 = tpu.memref_slice %arg16[%scan3A_11, %dma_wait3A_184] : memref<74x128xi32, #tpu.memory_space<vmem>> -> memref<1x128xi32, #tpu.memory_space<vmem>>
        %dma_wait3A_186 = tpu.memref_squeeze %dma_wait3A_185 : memref<1x128xi32, #tpu.memory_space<vmem>> -> memref<128xi32, #tpu.memory_space<vmem>>
        %dma_wait3A_187 = arith.constant 0 : i32
        %dma_wait3A_188 = tpu.memref_slice %arg13[%dma_wait3A_187] : memref<151552xf32, #tpu.memory_space<vmem_shared>> -> memref<151552xf32, #tpu.memory_space<vmem_shared>>
        tpu.wait_indirect_dma semaphore(%run_scoped3A_178 : memref<!tpu.dma_semaphore, #tpu.memory_space<semaphore_mem>>) src(%arg22 : memref<128xf32, #tpu.memory_space<vmem>>) dst(%dma_wait3A_188 : memref<151552xf32, #tpu.memory_space<vmem_shared>>)
        tpu.yield
      }) : () -> ()
      "tpu.region"() ({
        %run_scoped3A_178 = tpu.sem_alloc : memref<!tpu.dma_semaphore, #tpu.memory_space<semaphore_mem>>
        %dma_start3A_179 = arith.constant 0 : i32
        %dma_start3A_180 = tpu.memref_slice %arg16[%scan3A_11, %dma_start3A_179] : memref<74x128xi32, #tpu.memory_space<vmem>> -> memref<1x128xi32, #tpu.memory_space<vmem>>
        %dma_start3A_181 = tpu.memref_squeeze %dma_start3A_180 : memref<1x128xi32, #tpu.memory_space<vmem>> -> memref<128xi32, #tpu.memory_space<vmem>>
        %dma_start3A_182 = arith.constant 0 : i32
        %dma_start3A_183 = tpu.memref_slice %arg14[%dma_start3A_182] : memref<151552xf32, #tpu.memory_space<vmem_shared>> -> memref<151552xf32, #tpu.memory_space<vmem_shared>>
        tpu.enqueue_indirect_dma source(%arg23 : memref<128xf32, #tpu.memory_space<vmem>>) target(%dma_start3A_183 : memref<151552xf32, #tpu.memory_space<vmem_shared>>) offsets(%dma_start3A_181 : memref<128xi32, #tpu.memory_space<vmem>>) semaphore(%run_scoped3A_178 : memref<!tpu.dma_semaphore, #tpu.memory_space<semaphore_mem>>) {add = true}
        %dma_wait3A_184 = arith.constant 0 : i32
        %dma_wait3A_185 = tpu.memref_slice %arg16[%scan3A_11, %dma_wait3A_184] : memref<74x128xi32, #tpu.memory_space<vmem>> -> memref<1x128xi32, #tpu.memory_space<vmem>>
        %dma_wait3A_186 = tpu.memref_squeeze %dma_wait3A_185 : memref<1x128xi32, #tpu.memory_space<vmem>> -> memref<128xi32, #tpu.memory_space<vmem>>
        %dma_wait3A_187 = arith.constant 0 : i32
        %dma_wait3A_188 = tpu.memref_slice %arg14[%dma_wait3A_187] : memref<151552xf32, #tpu.memory_space<vmem_shared>> -> memref<151552xf32, #tpu.memory_space<vmem_shared>>
        tpu.wait_indirect_dma semaphore(%run_scoped3A_178 : memref<!tpu.dma_semaphore, #tpu.memory_space<semaphore_mem>>) src(%arg23 : memref<128xf32, #tpu.memory_space<vmem>>) dst(%dma_wait3A_188 : memref<151552xf32, #tpu.memory_space<vmem_shared>>)
        tpu.yield
      }) : () -> ()
      "tpu.region"() ({
        %run_scoped3A_178 = tpu.sem_alloc : memref<!tpu.dma_semaphore, #tpu.memory_space<semaphore_mem>>
        %dma_start3A_179 = arith.constant 0 : i32
        %dma_start3A_180 = tpu.memref_slice %arg17[%scan3A_11, %dma_start3A_179] : memref<74x128xi32, #tpu.memory_space<vmem>> -> memref<1x128xi32, #tpu.memory_space<vmem>>
        %dma_start3A_181 = tpu.memref_squeeze %dma_start3A_180 : memref<1x128xi32, #tpu.memory_space<vmem>> -> memref<128xi32, #tpu.memory_space<vmem>>
        %dma_start3A_182 = arith.constant 0 : i32
        %dma_start3A_183 = tpu.memref_slice %arg12[%dma_start3A_182] : memref<151552xf32, #tpu.memory_space<vmem_shared>> -> memref<151552xf32, #tpu.memory_space<vmem_shared>>
        tpu.enqueue_indirect_dma source(%arg21 : memref<128xf32, #tpu.memory_space<vmem>>) target(%dma_start3A_183 : memref<151552xf32, #tpu.memory_space<vmem_shared>>) offsets(%dma_start3A_181 : memref<128xi32, #tpu.memory_space<vmem>>) semaphore(%run_scoped3A_178 : memref<!tpu.dma_semaphore, #tpu.memory_space<semaphore_mem>>) {add = true}
        %dma_wait3A_184 = arith.constant 0 : i32
        %dma_wait3A_185 = tpu.memref_slice %arg17[%scan3A_11, %dma_wait3A_184] : memref<74x128xi32, #tpu.memory_space<vmem>> -> memref<1x128xi32, #tpu.memory_space<vmem>>
        %dma_wait3A_186 = tpu.memref_squeeze %dma_wait3A_185 : memref<1x128xi32, #tpu.memory_space<vmem>> -> memref<128xi32, #tpu.memory_space<vmem>>
        %dma_wait3A_187 = arith.constant 0 : i32
        %dma_wait3A_188 = tpu.memref_slice %arg12[%dma_wait3A_187] : memref<151552xf32, #tpu.memory_space<vmem_shared>> -> memref<151552xf32, #tpu.memory_space<vmem_shared>>
        tpu.wait_indirect_dma semaphore(%run_scoped3A_178 : memref<!tpu.dma_semaphore, #tpu.memory_space<semaphore_mem>>) src(%arg21 : memref<128xf32, #tpu.memory_space<vmem>>) dst(%dma_wait3A_188 : memref<151552xf32, #tpu.memory_space<vmem_shared>>)
        tpu.yield
      }) : () -> ()
      "tpu.region"() ({
        %run_scoped3A_178 = tpu.sem_alloc : memref<!tpu.dma_semaphore, #tpu.memory_space<semaphore_mem>>
        %dma_start3A_179 = arith.constant 0 : i32
        %dma_start3A_180 = tpu.memref_slice %arg17[%scan3A_11, %dma_start3A_179] : memref<74x128xi32, #tpu.memory_space<vmem>> -> memref<1x128xi32, #tpu.memory_space<vmem>>
        %dma_start3A_181 = tpu.memref_squeeze %dma_start3A_180 : memref<1x128xi32, #tpu.memory_space<vmem>> -> memref<128xi32, #tpu.memory_space<vmem>>
        %dma_start3A_182 = arith.constant 0 : i32
        %dma_start3A_183 = tpu.memref_slice %arg13[%dma_start3A_182] : memref<151552xf32, #tpu.memory_space<vmem_shared>> -> memref<151552xf32, #tpu.memory_space<vmem_shared>>
        tpu.enqueue_indirect_dma source(%arg22 : memref<128xf32, #tpu.memory_space<vmem>>) target(%dma_start3A_183 : memref<151552xf32, #tpu.memory_space<vmem_shared>>) offsets(%dma_start3A_181 : memref<128xi32, #tpu.memory_space<vmem>>) semaphore(%run_scoped3A_178 : memref<!tpu.dma_semaphore, #tpu.memory_space<semaphore_mem>>) {add = true}
        %dma_wait3A_184 = arith.constant 0 : i32
        %dma_wait3A_185 = tpu.memref_slice %arg17[%scan3A_11, %dma_wait3A_184] : memref<74x128xi32, #tpu.memory_space<vmem>> -> memref<1x128xi32, #tpu.memory_space<vmem>>
        %dma_wait3A_186 = tpu.memref_squeeze %dma_wait3A_185 : memref<1x128xi32, #tpu.memory_space<vmem>> -> memref<128xi32, #tpu.memory_space<vmem>>
        %dma_wait3A_187 = arith.constant 0 : i32
        %dma_wait3A_188 = tpu.memref_slice %arg13[%dma_wait3A_187] : memref<151552xf32, #tpu.memory_space<vmem_shared>> -> memref<151552xf32, #tpu.memory_space<vmem_shared>>
        tpu.wait_indirect_dma semaphore(%run_scoped3A_178 : memref<!tpu.dma_semaphore, #tpu.memory_space<semaphore_mem>>) src(%arg22 : memref<128xf32, #tpu.memory_space<vmem>>) dst(%dma_wait3A_188 : memref<151552xf32, #tpu.memory_space<vmem_shared>>)
        tpu.yield
      }) : () -> ()
      "tpu.region"() ({
        %run_scoped3A_178 = tpu.sem_alloc : memref<!tpu.dma_semaphore, #tpu.memory_space<semaphore_mem>>
        %dma_start3A_179 = arith.constant 0 : i32
        %dma_start3A_180 = tpu.memref_slice %arg17[%scan3A_11, %dma_start3A_179] : memref<74x128xi32, #tpu.memory_space<vmem>> -> memref<1x128xi32, #tpu.memory_space<vmem>>
        %dma_start3A_181 = tpu.memref_squeeze %dma_start3A_180 : memref<1x128xi32, #tpu.memory_space<vmem>> -> memref<128xi32, #tpu.memory_space<vmem>>
        %dma_start3A_182 = arith.constant 0 : i32
        %dma_start3A_183 = tpu.memref_slice %arg14[%dma_start3A_182] : memref<151552xf32, #tpu.memory_space<vmem_shared>> -> memref<151552xf32, #tpu.memory_space<vmem_shared>>
        tpu.enqueue_indirect_dma source(%arg23 : memref<128xf32, #tpu.memory_space<vmem>>) target(%dma_start3A_183 : memref<151552xf32, #tpu.memory_space<vmem_shared>>) offsets(%dma_start3A_181 : memref<128xi32, #tpu.memory_space<vmem>>) semaphore(%run_scoped3A_178 : memref<!tpu.dma_semaphore, #tpu.memory_space<semaphore_mem>>) {add = true}
        %dma_wait3A_184 = arith.constant 0 : i32
        %dma_wait3A_185 = tpu.memref_slice %arg17[%scan3A_11, %dma_wait3A_184] : memref<74x128xi32, #tpu.memory_space<vmem>> -> memref<1x128xi32, #tpu.memory_space<vmem>>
        %dma_wait3A_186 = tpu.memref_squeeze %dma_wait3A_185 : memref<1x128xi32, #tpu.memory_space<vmem>> -> memref<128xi32, #tpu.memory_space<vmem>>
        %dma_wait3A_187 = arith.constant 0 : i32
        %dma_wait3A_188 = tpu.memref_slice %arg14[%dma_wait3A_187] : memref<151552xf32, #tpu.memory_space<vmem_shared>> -> memref<151552xf32, #tpu.memory_space<vmem_shared>>
        tpu.wait_indirect_dma semaphore(%run_scoped3A_178 : memref<!tpu.dma_semaphore, #tpu.memory_space<semaphore_mem>>) src(%arg23 : memref<128xf32, #tpu.memory_space<vmem>>) dst(%dma_wait3A_188 : memref<151552xf32, #tpu.memory_space<vmem_shared>>)
        tpu.yield
      }) : () -> ()
    }
    %scan3A_7 = arith.constant 74 : i32
    %barrier3A_8 = arith.constant 0 : index
    tpu.barrier barrier_id(%barrier3A_8)
    %run_scoped3A = arith.constant 0 : i32
    "tpu.region"() ({
      %run_scoped3A_11 = tpu.sem_alloc : memref<!tpu.dma_semaphore, #tpu.memory_space<semaphore_mem>>
      %dma_start3A = tpu.memref_slice %arg9[%arg0, %run_scoped3A, %mul3A_2] : memref<2x1x151552xf32, #tpu.memory_space<hbm>> -> memref<1x1x9472xf32, #tpu.memory_space<hbm>>
      %dma_start3A_12 = tpu.memref_squeeze %dma_start3A : memref<1x1x9472xf32, #tpu.memory_space<hbm>> -> memref<9472xf32, #tpu.memory_space<hbm>>
      %dma_start3A_13 = tpu.memref_slice %arg12[%mul3A_2] : memref<151552xf32, #tpu.memory_space<vmem_shared>> -> memref<9472xf32, #tpu.memory_space<vmem_shared>>
      tpu.enqueue_dma source(%dma_start3A_13 : memref<9472xf32, #tpu.memory_space<vmem_shared>>) target(%dma_start3A_12 : memref<9472xf32, #tpu.memory_space<hbm>>) target_semaphore(%run_scoped3A_11 : memref<!tpu.dma_semaphore, #tpu.memory_space<semaphore_mem>>)
      %dma_wait3A = tpu.memref_slice %arg9[%arg0, %run_scoped3A, %mul3A_2] : memref<2x1x151552xf32, #tpu.memory_space<hbm>> -> memref<1x1x9472xf32, #tpu.memory_space<hbm>>
      %dma_wait3A_14 = tpu.memref_squeeze %dma_wait3A : memref<1x1x9472xf32, #tpu.memory_space<hbm>> -> memref<9472xf32, #tpu.memory_space<hbm>>
      %dma_wait3A_15 = tpu.memref_slice %arg12[%mul3A_2] : memref<151552xf32, #tpu.memory_space<vmem_shared>> -> memref<9472xf32, #tpu.memory_space<vmem_shared>>
      tpu.wait_dma2 semaphore(%run_scoped3A_11 : memref<!tpu.dma_semaphore, #tpu.memory_space<semaphore_mem>>) src(%dma_wait3A_15 : memref<9472xf32, #tpu.memory_space<vmem_shared>>) dst(%dma_wait3A_14 : memref<9472xf32, #tpu.memory_space<hbm>>)
      tpu.yield
    }) : () -> ()
    %run_scoped3A_9 = arith.constant 0 : i32
    "tpu.region"() ({
      %run_scoped3A_11 = tpu.sem_alloc : memref<!tpu.dma_semaphore, #tpu.memory_space<semaphore_mem>>
      %dma_start3A = tpu.memref_slice %arg10[%arg0, %run_scoped3A_9, %mul3A_2] : memref<2x1x151552xf32, #tpu.memory_space<hbm>> -> memref<1x1x9472xf32, #tpu.memory_space<hbm>>
      %dma_start3A_12 = tpu.memref_squeeze %dma_start3A : memref<1x1x9472xf32, #tpu.memory_space<hbm>> -> memref<9472xf32, #tpu.memory_space<hbm>>
      %dma_start3A_13 = tpu.memref_slice %arg13[%mul3A_2] : memref<151552xf32, #tpu.memory_space<vmem_shared>> -> memref<9472xf32, #tpu.memory_space<vmem_shared>>
      tpu.enqueue_dma source(%dma_start3A_13 : memref<9472xf32, #tpu.memory_space<vmem_shared>>) target(%dma_start3A_12 : memref<9472xf32, #tpu.memory_space<hbm>>) target_semaphore(%run_scoped3A_11 : memref<!tpu.dma_semaphore, #tpu.memory_space<semaphore_mem>>)
      %dma_wait3A = tpu.memref_slice %arg10[%arg0, %run_scoped3A_9, %mul3A_2] : memref<2x1x151552xf32, #tpu.memory_space<hbm>> -> memref<1x1x9472xf32, #tpu.memory_space<hbm>>
      %dma_wait3A_14 = tpu.memref_squeeze %dma_wait3A : memref<1x1x9472xf32, #tpu.memory_space<hbm>> -> memref<9472xf32, #tpu.memory_space<hbm>>
      %dma_wait3A_15 = tpu.memref_slice %arg13[%mul3A_2] : memref<151552xf32, #tpu.memory_space<vmem_shared>> -> memref<9472xf32, #tpu.memory_space<vmem_shared>>
      tpu.wait_dma2 semaphore(%run_scoped3A_11 : memref<!tpu.dma_semaphore, #tpu.memory_space<semaphore_mem>>) src(%dma_wait3A_15 : memref<9472xf32, #tpu.memory_space<vmem_shared>>) dst(%dma_wait3A_14 : memref<9472xf32, #tpu.memory_space<hbm>>)
      tpu.yield
    }) : () -> ()
    %run_scoped3A_10 = arith.constant 0 : i32
    "tpu.region"() ({
      %run_scoped3A_11 = tpu.sem_alloc : memref<!tpu.dma_semaphore, #tpu.memory_space<semaphore_mem>>
      %dma_start3A = tpu.memref_slice %arg11[%arg0, %run_scoped3A_10, %mul3A_2] : memref<2x1x151552xf32, #tpu.memory_space<hbm>> -> memref<1x1x9472xf32, #tpu.memory_space<hbm>>
      %dma_start3A_12 = tpu.memref_squeeze %dma_start3A : memref<1x1x9472xf32, #tpu.memory_space<hbm>> -> memref<9472xf32, #tpu.memory_space<hbm>>
      %dma_start3A_13 = tpu.memref_slice %arg14[%mul3A_2] : memref<151552xf32, #tpu.memory_space<vmem_shared>> -> memref<9472xf32, #tpu.memory_space<vmem_shared>>
      tpu.enqueue_dma source(%dma_start3A_13 : memref<9472xf32, #tpu.memory_space<vmem_shared>>) target(%dma_start3A_12 : memref<9472xf32, #tpu.memory_space<hbm>>) target_semaphore(%run_scoped3A_11 : memref<!tpu.dma_semaphore, #tpu.memory_space<semaphore_mem>>)
      %dma_wait3A = tpu.memref_slice %arg11[%arg0, %run_scoped3A_10, %mul3A_2] : memref<2x1x151552xf32, #tpu.memory_space<hbm>> -> memref<1x1x9472xf32, #tpu.memory_space<hbm>>
      %dma_wait3A_14 = tpu.memref_squeeze %dma_wait3A : memref<1x1x9472xf32, #tpu.memory_space<hbm>> -> memref<9472xf32, #tpu.memory_space<hbm>>
      %dma_wait3A_15 = tpu.memref_slice %arg14[%mul3A_2] : memref<151552xf32, #tpu.memory_space<vmem_shared>> -> memref<9472xf32, #tpu.memory_space<vmem_shared>>
      tpu.wait_dma2 semaphore(%run_scoped3A_11 : memref<!tpu.dma_semaphore, #tpu.memory_space<semaphore_mem>>) src(%dma_wait3A_15 : memref<9472xf32, #tpu.memory_space<vmem_shared>>) dst(%dma_wait3A_14 : memref<9472xf32, #tpu.memory_space<hbm>>)
      tpu.yield
    }) : () -> ()
    return
  }
}

#map = affine_map<(d0, d1) -> (0)>
#map1 = affine_map<(d0, d1) -> (0, 0, 0)>
#map2 = affine_map<(d0, d1) -> (0, 0)>
module attributes {stable_mosaic.version = 14 : i64} {
  func.func @_sample_kernel(%arg0: i32, %arg1: i32, %arg2: memref<151552xf32, #tpu.memory_space<hbm>>, %arg3: memref<151552xf32, #tpu.memory_space<hbm>>, %arg4: memref<151552xf32, #tpu.memory_space<hbm>>, %arg5: memref<151552xf32, #tpu.memory_space<hbm>>, %arg6: memref<2x1x151552xf32, #tpu.memory_space<hbm>>, %arg7: memref<2x1x151552xf32, #tpu.memory_space<hbm>>, %arg8: memref<2x1x151552xf32, #tpu.memory_space<hbm>>, %arg9: memref<16777216xf32, #tpu.memory_space<hbm>>, %arg10: memref<128xf32, #tpu.memory_space<hbm>>, %arg11: memref<32x16xf32, #tpu.memory_space<hbm>>, %arg12: memref<4736xf32, #tpu.memory_space<vmem>>, %arg13: memref<4736xf32, #tpu.memory_space<vmem>>, %arg14: memref<4736xf32, #tpu.memory_space<vmem>>, %arg15: memref<4736xf32, #tpu.memory_space<vmem>>, %arg16: memref<4736xf32, #tpu.memory_space<vmem>>, %arg17: memref<4736xf32, #tpu.memory_space<vmem>>, %arg18: memref<4736xf32, #tpu.memory_space<vmem>>, %arg19: memref<4736xf32, #tpu.memory_space<vmem>>, %arg20: memref<4736xf32, #tpu.memory_space<vmem>>, %arg21: memref<4736xf32, #tpu.memory_space<vmem>>, %arg22: memref<128xf32, #tpu.memory_space<vmem>>, %arg23: memref<16x128xi32, #tpu.memory_space<vmem>>, %arg24: memref<8x128xf32, #tpu.memory_space<vmem>>, %arg25: memref<16x128xf32, #tpu.memory_space<vmem>>, %arg26: memref<16xf32, #tpu.memory_space<vmem>>, %arg27: memref<!tpu.dma_semaphore, #tpu.memory_space<semaphore_mem>>) attributes {dimension_semantics = [#tpu.dimension_semantics<core_parallel>, #tpu.dimension_semantics<subcore_parallel>], iteration_bounds = array<i64: 2, 16>, scalar_prefetch = 0 : i64, scratch_operands = 16 : i64, tpu.core_type = #tpu.core_type<sc_vector_subcore>, window_params = [{transform_indices = #map}, {transform_indices = #map}, {transform_indices = #map}, {transform_indices = #map}, {transform_indices = #map1}, {transform_indices = #map1}, {transform_indices = #map1}, {transform_indices = #map}, {transform_indices = #map}, {transform_indices = #map2}]} {
    %mul3A = arith.constant 2 : i32
    %mul3A_0 = arith.muli %arg1, %mul3A : i32
    %add3A = arith.addi %mul3A_0, %arg0 : i32
    %mul3A_1 = arith.constant 4736 : i32
    %mul3A_2 = arith.muli %add3A, %mul3A_1 : i32
    "tpu.region"() ({
      %run_scoped3A_48 = tpu.sem_alloc : memref<!tpu.dma_semaphore, #tpu.memory_space<semaphore_mem>>
      %dma_start3A = tpu.memref_slice %arg2[%mul3A_2] : memref<151552xf32, #tpu.memory_space<hbm>> -> memref<4736xf32, #tpu.memory_space<hbm>>
      %dma_start3A_49 = tpu.memref_slice %arg2[%mul3A_2] : memref<151552xf32, #tpu.memory_space<hbm>> -> memref<4736xf32, #tpu.memory_space<hbm>>
      tpu.enqueue_dma source(%dma_start3A_49 : memref<4736xf32, #tpu.memory_space<hbm>>) target(%arg12 : memref<4736xf32, #tpu.memory_space<vmem>>) target_semaphore(%run_scoped3A_48 : memref<!tpu.dma_semaphore, #tpu.memory_space<semaphore_mem>>)
      %dma_wait3A = tpu.memref_slice %arg2[%mul3A_2] : memref<151552xf32, #tpu.memory_space<hbm>> -> memref<4736xf32, #tpu.memory_space<hbm>>
      %dma_wait3A_50 = tpu.memref_slice %arg2[%mul3A_2] : memref<151552xf32, #tpu.memory_space<hbm>> -> memref<4736xf32, #tpu.memory_space<hbm>>
      tpu.wait_dma2 semaphore(%run_scoped3A_48 : memref<!tpu.dma_semaphore, #tpu.memory_space<semaphore_mem>>) src(%dma_wait3A_50 : memref<4736xf32, #tpu.memory_space<hbm>>) dst(%arg12 : memref<4736xf32, #tpu.memory_space<vmem>>)
      tpu.yield
    }) : () -> ()
    "tpu.region"() ({
      %run_scoped3A_48 = tpu.sem_alloc : memref<!tpu.dma_semaphore, #tpu.memory_space<semaphore_mem>>
      %dma_start3A = tpu.memref_slice %arg3[%mul3A_2] : memref<151552xf32, #tpu.memory_space<hbm>> -> memref<4736xf32, #tpu.memory_space<hbm>>
      %dma_start3A_49 = tpu.memref_slice %arg3[%mul3A_2] : memref<151552xf32, #tpu.memory_space<hbm>> -> memref<4736xf32, #tpu.memory_space<hbm>>
      tpu.enqueue_dma source(%dma_start3A_49 : memref<4736xf32, #tpu.memory_space<hbm>>) target(%arg13 : memref<4736xf32, #tpu.memory_space<vmem>>) target_semaphore(%run_scoped3A_48 : memref<!tpu.dma_semaphore, #tpu.memory_space<semaphore_mem>>)
      %dma_wait3A = tpu.memref_slice %arg3[%mul3A_2] : memref<151552xf32, #tpu.memory_space<hbm>> -> memref<4736xf32, #tpu.memory_space<hbm>>
      %dma_wait3A_50 = tpu.memref_slice %arg3[%mul3A_2] : memref<151552xf32, #tpu.memory_space<hbm>> -> memref<4736xf32, #tpu.memory_space<hbm>>
      tpu.wait_dma2 semaphore(%run_scoped3A_48 : memref<!tpu.dma_semaphore, #tpu.memory_space<semaphore_mem>>) src(%dma_wait3A_50 : memref<4736xf32, #tpu.memory_space<hbm>>) dst(%arg13 : memref<4736xf32, #tpu.memory_space<vmem>>)
      tpu.yield
    }) : () -> ()
    "tpu.region"() ({
      %run_scoped3A_48 = tpu.sem_alloc : memref<!tpu.dma_semaphore, #tpu.memory_space<semaphore_mem>>
      %dma_start3A = tpu.memref_slice %arg4[%mul3A_2] : memref<151552xf32, #tpu.memory_space<hbm>> -> memref<4736xf32, #tpu.memory_space<hbm>>
      %dma_start3A_49 = tpu.memref_slice %arg4[%mul3A_2] : memref<151552xf32, #tpu.memory_space<hbm>> -> memref<4736xf32, #tpu.memory_space<hbm>>
      tpu.enqueue_dma source(%dma_start3A_49 : memref<4736xf32, #tpu.memory_space<hbm>>) target(%arg14 : memref<4736xf32, #tpu.memory_space<vmem>>) target_semaphore(%run_scoped3A_48 : memref<!tpu.dma_semaphore, #tpu.memory_space<semaphore_mem>>)
      %dma_wait3A = tpu.memref_slice %arg4[%mul3A_2] : memref<151552xf32, #tpu.memory_space<hbm>> -> memref<4736xf32, #tpu.memory_space<hbm>>
      %dma_wait3A_50 = tpu.memref_slice %arg4[%mul3A_2] : memref<151552xf32, #tpu.memory_space<hbm>> -> memref<4736xf32, #tpu.memory_space<hbm>>
      tpu.wait_dma2 semaphore(%run_scoped3A_48 : memref<!tpu.dma_semaphore, #tpu.memory_space<semaphore_mem>>) src(%dma_wait3A_50 : memref<4736xf32, #tpu.memory_space<hbm>>) dst(%arg14 : memref<4736xf32, #tpu.memory_space<vmem>>)
      tpu.yield
    }) : () -> ()
    "tpu.region"() ({
      %run_scoped3A_48 = tpu.sem_alloc : memref<!tpu.dma_semaphore, #tpu.memory_space<semaphore_mem>>
      %dma_start3A = tpu.memref_slice %arg5[%mul3A_2] : memref<151552xf32, #tpu.memory_space<hbm>> -> memref<4736xf32, #tpu.memory_space<hbm>>
      %dma_start3A_49 = tpu.memref_slice %arg5[%mul3A_2] : memref<151552xf32, #tpu.memory_space<hbm>> -> memref<4736xf32, #tpu.memory_space<hbm>>
      tpu.enqueue_dma source(%dma_start3A_49 : memref<4736xf32, #tpu.memory_space<hbm>>) target(%arg21 : memref<4736xf32, #tpu.memory_space<vmem>>) target_semaphore(%run_scoped3A_48 : memref<!tpu.dma_semaphore, #tpu.memory_space<semaphore_mem>>)
      %dma_wait3A = tpu.memref_slice %arg5[%mul3A_2] : memref<151552xf32, #tpu.memory_space<hbm>> -> memref<4736xf32, #tpu.memory_space<hbm>>
      %dma_wait3A_50 = tpu.memref_slice %arg5[%mul3A_2] : memref<151552xf32, #tpu.memory_space<hbm>> -> memref<4736xf32, #tpu.memory_space<hbm>>
      tpu.wait_dma2 semaphore(%run_scoped3A_48 : memref<!tpu.dma_semaphore, #tpu.memory_space<semaphore_mem>>) src(%dma_wait3A_50 : memref<4736xf32, #tpu.memory_space<hbm>>) dst(%arg21 : memref<4736xf32, #tpu.memory_space<vmem>>)
      tpu.yield
    }) : () -> ()
    %run_scoped3A = arith.constant 0 : i32
    %run_scoped3A_3 = arith.constant 0 : i32
    "tpu.region"() ({
      %run_scoped3A_48 = tpu.sem_alloc : memref<!tpu.dma_semaphore, #tpu.memory_space<semaphore_mem>>
      %dma_start3A = tpu.memref_slice %arg6[%run_scoped3A, %run_scoped3A_3, %mul3A_2] : memref<2x1x151552xf32, #tpu.memory_space<hbm>> -> memref<1x1x4736xf32, #tpu.memory_space<hbm>>
      %dma_start3A_49 = tpu.memref_squeeze %dma_start3A : memref<1x1x4736xf32, #tpu.memory_space<hbm>> -> memref<4736xf32, #tpu.memory_space<hbm>>
      %dma_start3A_50 = tpu.memref_slice %arg6[%run_scoped3A, %run_scoped3A_3, %mul3A_2] : memref<2x1x151552xf32, #tpu.memory_space<hbm>> -> memref<1x1x4736xf32, #tpu.memory_space<hbm>>
      %dma_start3A_51 = tpu.memref_squeeze %dma_start3A_50 : memref<1x1x4736xf32, #tpu.memory_space<hbm>> -> memref<4736xf32, #tpu.memory_space<hbm>>
      tpu.enqueue_dma source(%dma_start3A_51 : memref<4736xf32, #tpu.memory_space<hbm>>) target(%arg15 : memref<4736xf32, #tpu.memory_space<vmem>>) target_semaphore(%run_scoped3A_48 : memref<!tpu.dma_semaphore, #tpu.memory_space<semaphore_mem>>)
      %dma_wait3A = tpu.memref_slice %arg6[%run_scoped3A, %run_scoped3A_3, %mul3A_2] : memref<2x1x151552xf32, #tpu.memory_space<hbm>> -> memref<1x1x4736xf32, #tpu.memory_space<hbm>>
      %dma_wait3A_52 = tpu.memref_squeeze %dma_wait3A : memref<1x1x4736xf32, #tpu.memory_space<hbm>> -> memref<4736xf32, #tpu.memory_space<hbm>>
      %dma_wait3A_53 = tpu.memref_slice %arg6[%run_scoped3A, %run_scoped3A_3, %mul3A_2] : memref<2x1x151552xf32, #tpu.memory_space<hbm>> -> memref<1x1x4736xf32, #tpu.memory_space<hbm>>
      %dma_wait3A_54 = tpu.memref_squeeze %dma_wait3A_53 : memref<1x1x4736xf32, #tpu.memory_space<hbm>> -> memref<4736xf32, #tpu.memory_space<hbm>>
      tpu.wait_dma2 semaphore(%run_scoped3A_48 : memref<!tpu.dma_semaphore, #tpu.memory_space<semaphore_mem>>) src(%dma_wait3A_54 : memref<4736xf32, #tpu.memory_space<hbm>>) dst(%arg15 : memref<4736xf32, #tpu.memory_space<vmem>>)
      tpu.yield
    }) : () -> ()
    %run_scoped3A_4 = arith.constant 0 : i32
    %run_scoped3A_5 = arith.constant 0 : i32
    "tpu.region"() ({
      %run_scoped3A_48 = tpu.sem_alloc : memref<!tpu.dma_semaphore, #tpu.memory_space<semaphore_mem>>
      %dma_start3A = tpu.memref_slice %arg7[%run_scoped3A_4, %run_scoped3A_5, %mul3A_2] : memref<2x1x151552xf32, #tpu.memory_space<hbm>> -> memref<1x1x4736xf32, #tpu.memory_space<hbm>>
      %dma_start3A_49 = tpu.memref_squeeze %dma_start3A : memref<1x1x4736xf32, #tpu.memory_space<hbm>> -> memref<4736xf32, #tpu.memory_space<hbm>>
      %dma_start3A_50 = tpu.memref_slice %arg7[%run_scoped3A_4, %run_scoped3A_5, %mul3A_2] : memref<2x1x151552xf32, #tpu.memory_space<hbm>> -> memref<1x1x4736xf32, #tpu.memory_space<hbm>>
      %dma_start3A_51 = tpu.memref_squeeze %dma_start3A_50 : memref<1x1x4736xf32, #tpu.memory_space<hbm>> -> memref<4736xf32, #tpu.memory_space<hbm>>
      tpu.enqueue_dma source(%dma_start3A_51 : memref<4736xf32, #tpu.memory_space<hbm>>) target(%arg16 : memref<4736xf32, #tpu.memory_space<vmem>>) target_semaphore(%run_scoped3A_48 : memref<!tpu.dma_semaphore, #tpu.memory_space<semaphore_mem>>)
      %dma_wait3A = tpu.memref_slice %arg7[%run_scoped3A_4, %run_scoped3A_5, %mul3A_2] : memref<2x1x151552xf32, #tpu.memory_space<hbm>> -> memref<1x1x4736xf32, #tpu.memory_space<hbm>>
      %dma_wait3A_52 = tpu.memref_squeeze %dma_wait3A : memref<1x1x4736xf32, #tpu.memory_space<hbm>> -> memref<4736xf32, #tpu.memory_space<hbm>>
      %dma_wait3A_53 = tpu.memref_slice %arg7[%run_scoped3A_4, %run_scoped3A_5, %mul3A_2] : memref<2x1x151552xf32, #tpu.memory_space<hbm>> -> memref<1x1x4736xf32, #tpu.memory_space<hbm>>
      %dma_wait3A_54 = tpu.memref_squeeze %dma_wait3A_53 : memref<1x1x4736xf32, #tpu.memory_space<hbm>> -> memref<4736xf32, #tpu.memory_space<hbm>>
      tpu.wait_dma2 semaphore(%run_scoped3A_48 : memref<!tpu.dma_semaphore, #tpu.memory_space<semaphore_mem>>) src(%dma_wait3A_54 : memref<4736xf32, #tpu.memory_space<hbm>>) dst(%arg16 : memref<4736xf32, #tpu.memory_space<vmem>>)
      tpu.yield
    }) : () -> ()
    %run_scoped3A_6 = arith.constant 0 : i32
    %run_scoped3A_7 = arith.constant 0 : i32
    "tpu.region"() ({
      %run_scoped3A_48 = tpu.sem_alloc : memref<!tpu.dma_semaphore, #tpu.memory_space<semaphore_mem>>
      %dma_start3A = tpu.memref_slice %arg8[%run_scoped3A_6, %run_scoped3A_7, %mul3A_2] : memref<2x1x151552xf32, #tpu.memory_space<hbm>> -> memref<1x1x4736xf32, #tpu.memory_space<hbm>>
      %dma_start3A_49 = tpu.memref_squeeze %dma_start3A : memref<1x1x4736xf32, #tpu.memory_space<hbm>> -> memref<4736xf32, #tpu.memory_space<hbm>>
      %dma_start3A_50 = tpu.memref_slice %arg8[%run_scoped3A_6, %run_scoped3A_7, %mul3A_2] : memref<2x1x151552xf32, #tpu.memory_space<hbm>> -> memref<1x1x4736xf32, #tpu.memory_space<hbm>>
      %dma_start3A_51 = tpu.memref_squeeze %dma_start3A_50 : memref<1x1x4736xf32, #tpu.memory_space<hbm>> -> memref<4736xf32, #tpu.memory_space<hbm>>
      tpu.enqueue_dma source(%dma_start3A_51 : memref<4736xf32, #tpu.memory_space<hbm>>) target(%arg17 : memref<4736xf32, #tpu.memory_space<vmem>>) target_semaphore(%run_scoped3A_48 : memref<!tpu.dma_semaphore, #tpu.memory_space<semaphore_mem>>)
      %dma_wait3A = tpu.memref_slice %arg8[%run_scoped3A_6, %run_scoped3A_7, %mul3A_2] : memref<2x1x151552xf32, #tpu.memory_space<hbm>> -> memref<1x1x4736xf32, #tpu.memory_space<hbm>>
      %dma_wait3A_52 = tpu.memref_squeeze %dma_wait3A : memref<1x1x4736xf32, #tpu.memory_space<hbm>> -> memref<4736xf32, #tpu.memory_space<hbm>>
      %dma_wait3A_53 = tpu.memref_slice %arg8[%run_scoped3A_6, %run_scoped3A_7, %mul3A_2] : memref<2x1x151552xf32, #tpu.memory_space<hbm>> -> memref<1x1x4736xf32, #tpu.memory_space<hbm>>
      %dma_wait3A_54 = tpu.memref_squeeze %dma_wait3A_53 : memref<1x1x4736xf32, #tpu.memory_space<hbm>> -> memref<4736xf32, #tpu.memory_space<hbm>>
      tpu.wait_dma2 semaphore(%run_scoped3A_48 : memref<!tpu.dma_semaphore, #tpu.memory_space<semaphore_mem>>) src(%dma_wait3A_54 : memref<4736xf32, #tpu.memory_space<hbm>>) dst(%arg17 : memref<4736xf32, #tpu.memory_space<vmem>>)
      tpu.yield
    }) : () -> ()
    %run_scoped3A_8 = arith.constant 1 : i32
    %run_scoped3A_9 = arith.constant 0 : i32
    "tpu.region"() ({
      %run_scoped3A_48 = tpu.sem_alloc : memref<!tpu.dma_semaphore, #tpu.memory_space<semaphore_mem>>
      %dma_start3A = tpu.memref_slice %arg6[%run_scoped3A_8, %run_scoped3A_9, %mul3A_2] : memref<2x1x151552xf32, #tpu.memory_space<hbm>> -> memref<1x1x4736xf32, #tpu.memory_space<hbm>>
      %dma_start3A_49 = tpu.memref_squeeze %dma_start3A : memref<1x1x4736xf32, #tpu.memory_space<hbm>> -> memref<4736xf32, #tpu.memory_space<hbm>>
      %dma_start3A_50 = tpu.memref_slice %arg6[%run_scoped3A_8, %run_scoped3A_9, %mul3A_2] : memref<2x1x151552xf32, #tpu.memory_space<hbm>> -> memref<1x1x4736xf32, #tpu.memory_space<hbm>>
      %dma_start3A_51 = tpu.memref_squeeze %dma_start3A_50 : memref<1x1x4736xf32, #tpu.memory_space<hbm>> -> memref<4736xf32, #tpu.memory_space<hbm>>
      tpu.enqueue_dma source(%dma_start3A_51 : memref<4736xf32, #tpu.memory_space<hbm>>) target(%arg18 : memref<4736xf32, #tpu.memory_space<vmem>>) target_semaphore(%run_scoped3A_48 : memref<!tpu.dma_semaphore, #tpu.memory_space<semaphore_mem>>)
      %dma_wait3A = tpu.memref_slice %arg6[%run_scoped3A_8, %run_scoped3A_9, %mul3A_2] : memref<2x1x151552xf32, #tpu.memory_space<hbm>> -> memref<1x1x4736xf32, #tpu.memory_space<hbm>>
      %dma_wait3A_52 = tpu.memref_squeeze %dma_wait3A : memref<1x1x4736xf32, #tpu.memory_space<hbm>> -> memref<4736xf32, #tpu.memory_space<hbm>>
      %dma_wait3A_53 = tpu.memref_slice %arg6[%run_scoped3A_8, %run_scoped3A_9, %mul3A_2] : memref<2x1x151552xf32, #tpu.memory_space<hbm>> -> memref<1x1x4736xf32, #tpu.memory_space<hbm>>
      %dma_wait3A_54 = tpu.memref_squeeze %dma_wait3A_53 : memref<1x1x4736xf32, #tpu.memory_space<hbm>> -> memref<4736xf32, #tpu.memory_space<hbm>>
      tpu.wait_dma2 semaphore(%run_scoped3A_48 : memref<!tpu.dma_semaphore, #tpu.memory_space<semaphore_mem>>) src(%dma_wait3A_54 : memref<4736xf32, #tpu.memory_space<hbm>>) dst(%arg18 : memref<4736xf32, #tpu.memory_space<vmem>>)
      tpu.yield
    }) : () -> ()
    %run_scoped3A_10 = arith.constant 1 : i32
    %run_scoped3A_11 = arith.constant 0 : i32
    "tpu.region"() ({
      %run_scoped3A_48 = tpu.sem_alloc : memref<!tpu.dma_semaphore, #tpu.memory_space<semaphore_mem>>
      %dma_start3A = tpu.memref_slice %arg7[%run_scoped3A_10, %run_scoped3A_11, %mul3A_2] : memref<2x1x151552xf32, #tpu.memory_space<hbm>> -> memref<1x1x4736xf32, #tpu.memory_space<hbm>>
      %dma_start3A_49 = tpu.memref_squeeze %dma_start3A : memref<1x1x4736xf32, #tpu.memory_space<hbm>> -> memref<4736xf32, #tpu.memory_space<hbm>>
      %dma_start3A_50 = tpu.memref_slice %arg7[%run_scoped3A_10, %run_scoped3A_11, %mul3A_2] : memref<2x1x151552xf32, #tpu.memory_space<hbm>> -> memref<1x1x4736xf32, #tpu.memory_space<hbm>>
      %dma_start3A_51 = tpu.memref_squeeze %dma_start3A_50 : memref<1x1x4736xf32, #tpu.memory_space<hbm>> -> memref<4736xf32, #tpu.memory_space<hbm>>
      tpu.enqueue_dma source(%dma_start3A_51 : memref<4736xf32, #tpu.memory_space<hbm>>) target(%arg19 : memref<4736xf32, #tpu.memory_space<vmem>>) target_semaphore(%run_scoped3A_48 : memref<!tpu.dma_semaphore, #tpu.memory_space<semaphore_mem>>)
      %dma_wait3A = tpu.memref_slice %arg7[%run_scoped3A_10, %run_scoped3A_11, %mul3A_2] : memref<2x1x151552xf32, #tpu.memory_space<hbm>> -> memref<1x1x4736xf32, #tpu.memory_space<hbm>>
      %dma_wait3A_52 = tpu.memref_squeeze %dma_wait3A : memref<1x1x4736xf32, #tpu.memory_space<hbm>> -> memref<4736xf32, #tpu.memory_space<hbm>>
      %dma_wait3A_53 = tpu.memref_slice %arg7[%run_scoped3A_10, %run_scoped3A_11, %mul3A_2] : memref<2x1x151552xf32, #tpu.memory_space<hbm>> -> memref<1x1x4736xf32, #tpu.memory_space<hbm>>
      %dma_wait3A_54 = tpu.memref_squeeze %dma_wait3A_53 : memref<1x1x4736xf32, #tpu.memory_space<hbm>> -> memref<4736xf32, #tpu.memory_space<hbm>>
      tpu.wait_dma2 semaphore(%run_scoped3A_48 : memref<!tpu.dma_semaphore, #tpu.memory_space<semaphore_mem>>) src(%dma_wait3A_54 : memref<4736xf32, #tpu.memory_space<hbm>>) dst(%arg19 : memref<4736xf32, #tpu.memory_space<vmem>>)
      tpu.yield
    }) : () -> ()
    %run_scoped3A_12 = arith.constant 1 : i32
    %run_scoped3A_13 = arith.constant 0 : i32
    "tpu.region"() ({
      %run_scoped3A_48 = tpu.sem_alloc : memref<!tpu.dma_semaphore, #tpu.memory_space<semaphore_mem>>
      %dma_start3A = tpu.memref_slice %arg8[%run_scoped3A_12, %run_scoped3A_13, %mul3A_2] : memref<2x1x151552xf32, #tpu.memory_space<hbm>> -> memref<1x1x4736xf32, #tpu.memory_space<hbm>>
      %dma_start3A_49 = tpu.memref_squeeze %dma_start3A : memref<1x1x4736xf32, #tpu.memory_space<hbm>> -> memref<4736xf32, #tpu.memory_space<hbm>>
      %dma_start3A_50 = tpu.memref_slice %arg8[%run_scoped3A_12, %run_scoped3A_13, %mul3A_2] : memref<2x1x151552xf32, #tpu.memory_space<hbm>> -> memref<1x1x4736xf32, #tpu.memory_space<hbm>>
      %dma_start3A_51 = tpu.memref_squeeze %dma_start3A_50 : memref<1x1x4736xf32, #tpu.memory_space<hbm>> -> memref<4736xf32, #tpu.memory_space<hbm>>
      tpu.enqueue_dma source(%dma_start3A_51 : memref<4736xf32, #tpu.memory_space<hbm>>) target(%arg20 : memref<4736xf32, #tpu.memory_space<vmem>>) target_semaphore(%run_scoped3A_48 : memref<!tpu.dma_semaphore, #tpu.memory_space<semaphore_mem>>)
      %dma_wait3A = tpu.memref_slice %arg8[%run_scoped3A_12, %run_scoped3A_13, %mul3A_2] : memref<2x1x151552xf32, #tpu.memory_space<hbm>> -> memref<1x1x4736xf32, #tpu.memory_space<hbm>>
      %dma_wait3A_52 = tpu.memref_squeeze %dma_wait3A : memref<1x1x4736xf32, #tpu.memory_space<hbm>> -> memref<4736xf32, #tpu.memory_space<hbm>>
      %dma_wait3A_53 = tpu.memref_slice %arg8[%run_scoped3A_12, %run_scoped3A_13, %mul3A_2] : memref<2x1x151552xf32, #tpu.memory_space<hbm>> -> memref<1x1x4736xf32, #tpu.memory_space<hbm>>
      %dma_wait3A_54 = tpu.memref_squeeze %dma_wait3A_53 : memref<1x1x4736xf32, #tpu.memory_space<hbm>> -> memref<4736xf32, #tpu.memory_space<hbm>>
      tpu.wait_dma2 semaphore(%run_scoped3A_48 : memref<!tpu.dma_semaphore, #tpu.memory_space<semaphore_mem>>) src(%dma_wait3A_54 : memref<4736xf32, #tpu.memory_space<hbm>>) dst(%arg20 : memref<4736xf32, #tpu.memory_space<vmem>>)
      tpu.yield
    }) : () -> ()
    "tpu.region"() ({
      %run_scoped3A_48 = tpu.sem_alloc : memref<!tpu.dma_semaphore, #tpu.memory_space<semaphore_mem>>
      tpu.enqueue_dma source(%arg10 : memref<128xf32, #tpu.memory_space<hbm>>) target(%arg22 : memref<128xf32, #tpu.memory_space<vmem>>) target_semaphore(%run_scoped3A_48 : memref<!tpu.dma_semaphore, #tpu.memory_space<semaphore_mem>>)
      tpu.wait_dma2 semaphore(%run_scoped3A_48 : memref<!tpu.dma_semaphore, #tpu.memory_space<semaphore_mem>>) src(%arg10 : memref<128xf32, #tpu.memory_space<hbm>>) dst(%arg22 : memref<128xf32, #tpu.memory_space<vmem>>)
      tpu.yield
    }) : () -> ()
    %get3A = arith.constant 0 : index
    %get3A_14 = tpu.vector_load %arg22[%get3A] {strides = array<i32>} : memref<128xf32, #tpu.memory_space<vmem>>, vector<16xf32>,
    %get3A_15 = vector.shape_cast %get3A_14 : vector<16xf32> to vector<16xf32>
    %slice3A = vector.extract_strided_slice %get3A_15 {offsets = [0], sizes = [1], strides = [1]} : vector<16xf32> to vector<1xf32>
    %squeeze3A = vector.extract %slice3A[0] : f32 from vector<1xf32>
    %slice3A_16 = vector.extract_strided_slice %get3A_15 {offsets = [1], sizes = [1], strides = [1]} : vector<16xf32> to vector<1xf32>
    %squeeze3A_17 = vector.extract %slice3A_16[0] : f32 from vector<1xf32>
    %slice3A_18 = vector.extract_strided_slice %get3A_15 {offsets = [2], sizes = [1], strides = [1]} : vector<16xf32> to vector<1xf32>
    %squeeze3A_19 = vector.extract %slice3A_18[0] : f32 from vector<1xf32>
    %slice3A_20 = vector.extract_strided_slice %get3A_15 {offsets = [3], sizes = [1], strides = [1]} : vector<16xf32> to vector<1xf32>
    %squeeze3A_21 = vector.extract %slice3A_20[0] : f32 from vector<1xf32>
    %slice3A_22 = vector.extract_strided_slice %get3A_15 {offsets = [4], sizes = [1], strides = [1]} : vector<16xf32> to vector<1xf32>
    %squeeze3A_23 = vector.extract %slice3A_22[0] : f32 from vector<1xf32>
    %slice3A_24 = vector.extract_strided_slice %get3A_15 {offsets = [5], sizes = [1], strides = [1]} : vector<16xf32> to vector<1xf32>
    %squeeze3A_25 = vector.extract %slice3A_24[0] : f32 from vector<1xf32>
    %slice3A_26 = vector.extract_strided_slice %get3A_15 {offsets = [6], sizes = [1], strides = [1]} : vector<16xf32> to vector<1xf32>
    %squeeze3A_27 = vector.extract %slice3A_26[0] : f32 from vector<1xf32>
    %slice3A_28 = vector.extract_strided_slice %get3A_15 {offsets = [7], sizes = [1], strides = [1]} : vector<16xf32> to vector<1xf32>
    %squeeze3A_29 = vector.extract %slice3A_28[0] : f32 from vector<1xf32>
    %slice3A_30 = vector.extract_strided_slice %get3A_15 {offsets = [8], sizes = [1], strides = [1]} : vector<16xf32> to vector<1xf32>
    %squeeze3A_31 = vector.extract %slice3A_30[0] : f32 from vector<1xf32>
    %slice3A_32 = vector.extract_strided_slice %get3A_15 {offsets = [9], sizes = [1], strides = [1]} : vector<16xf32> to vector<1xf32>
    %squeeze3A_33 = vector.extract %slice3A_32[0] : f32 from vector<1xf32>
    %slice3A_34 = vector.extract_strided_slice %get3A_15 {offsets = [10], sizes = [1], strides = [1]} : vector<16xf32> to vector<1xf32>
    %squeeze3A_35 = vector.extract %slice3A_34[0] : f32 from vector<1xf32>
    %slice3A_36 = vector.extract_strided_slice %get3A_15 {offsets = [11], sizes = [1], strides = [1]} : vector<16xf32> to vector<1xf32>
    %squeeze3A_37 = vector.extract %slice3A_36[0] : f32 from vector<1xf32>
    %iota3A = tpu.iota {dimensions = array<i32: 0>} : vector<16xi32>
    %broadcast_in_dim3A = arith.constant 0.000000e+00 : f32
    %broadcast_in_dim3A_38 = vector.broadcast %broadcast_in_dim3A : f32 to vector<16xf32>
    %scan3A = arith.constant 254.999893 : f32
    %scan3A_39 = arith.constant 0 : i32
    %scan3A_40 = arith.constant 37 : i32
    %scan3A_41 = arith.addi %scan3A_39, %scan3A_40 : i32
    %scan3A_42 = arith.constant 1 : i32
    %scan3A_43 = scf.for %scan3A_48 = %scan3A_39 to %scan3A_41 step %scan3A_42 iter_args(%scan3A_49 = %broadcast_in_dim3A_38) -> (vector<16xf32>)  : i32 {
      %scan3A_50 = arith.constant 0 : i32
      %scan3A_51 = arith.constant 0 : i32
      %scan3A_52 = arith.constant 8 : i32
      %scan3A_53 = arith.addi %scan3A_51, %scan3A_52 : i32
      %scan3A_54 = arith.constant 1 : i32
      scf.for %scan3A_380 = %scan3A_51 to %scan3A_53 step %scan3A_54  : i32 {
        %mul3A_381 = arith.constant 128 : i32
        %mul3A_382 = arith.muli %scan3A_48, %mul3A_381 : i32
        %mul3A_383 = arith.constant 16 : i32
        %mul3A_384 = arith.muli %scan3A_380, %mul3A_383 : i32
        %add3A_385 = arith.addi %mul3A_382, %mul3A_384 : i32
        %mul3A_386 = arith.constant 16 : i32
        %mul3A_387 = arith.muli %scan3A_380, %mul3A_386 : i32
        %get3A_388 = arith.index_cast %add3A_385 : i32 to index
        %get3A_389 = tpu.vector_load %arg12[%get3A_388] {strides = array<i32>} : memref<4736xf32, #tpu.memory_space<vmem>>, vector<16xf32>,
        %get3A_390 = vector.shape_cast %get3A_389 : vector<16xf32> to vector<16xf32>
        %get3A_391 = arith.index_cast %add3A_385 : i32 to index
        %get3A_392 = tpu.vector_load %arg13[%get3A_391] {strides = array<i32>} : memref<4736xf32, #tpu.memory_space<vmem>>, vector<16xf32>,
        %get3A_393 = vector.shape_cast %get3A_392 : vector<16xf32> to vector<16xf32>
        %get3A_394 = arith.index_cast %add3A_385 : i32 to index
        %get3A_395 = tpu.vector_load %arg14[%get3A_394] {strides = array<i32>} : memref<4736xf32, #tpu.memory_space<vmem>>, vector<16xf32>,
        %get3A_396 = vector.shape_cast %get3A_395 : vector<16xf32> to vector<16xf32>
        %get3A_397 = arith.index_cast %add3A_385 : i32 to index
        %get3A_398 = tpu.vector_load %arg15[%get3A_397] {strides = array<i32>} : memref<4736xf32, #tpu.memory_space<vmem>>, vector<16xf32>,
        %get3A_399 = vector.shape_cast %get3A_398 : vector<16xf32> to vector<16xf32>
        %get3A_400 = arith.index_cast %add3A_385 : i32 to index
        %get3A_401 = tpu.vector_load %arg18[%get3A_400] {strides = array<i32>} : memref<4736xf32, #tpu.memory_space<vmem>>, vector<16xf32>,
        %get3A_402 = vector.shape_cast %get3A_401 : vector<16xf32> to vector<16xf32>
        %add3A_403 = arith.addf %get3A_399, %get3A_402 : vector<16xf32>
        %get3A_404 = arith.index_cast %add3A_385 : i32 to index
        %get3A_405 = tpu.vector_load %arg16[%get3A_404] {strides = array<i32>} : memref<4736xf32, #tpu.memory_space<vmem>>, vector<16xf32>,
        %get3A_406 = vector.shape_cast %get3A_405 : vector<16xf32> to vector<16xf32>
        %get3A_407 = arith.index_cast %add3A_385 : i32 to index
        %get3A_408 = tpu.vector_load %arg19[%get3A_407] {strides = array<i32>} : memref<4736xf32, #tpu.memory_space<vmem>>, vector<16xf32>,
        %get3A_409 = vector.shape_cast %get3A_408 : vector<16xf32> to vector<16xf32>
        %add3A_410 = arith.addf %get3A_406, %get3A_409 : vector<16xf32>
        %get3A_411 = arith.index_cast %add3A_385 : i32 to index
        %get3A_412 = tpu.vector_load %arg17[%get3A_411] {strides = array<i32>} : memref<4736xf32, #tpu.memory_space<vmem>>, vector<16xf32>,
        %get3A_413 = vector.shape_cast %get3A_412 : vector<16xf32> to vector<16xf32>
        %get3A_414 = arith.index_cast %add3A_385 : i32 to index
        %get3A_415 = tpu.vector_load %arg20[%get3A_414] {strides = array<i32>} : memref<4736xf32, #tpu.memory_space<vmem>>, vector<16xf32>,
        %get3A_416 = vector.shape_cast %get3A_415 : vector<16xf32> to vector<16xf32>
        %add3A_417 = arith.addf %get3A_413, %get3A_416 : vector<16xf32>
        %get3A_418 = arith.index_cast %add3A_385 : i32 to index
        %get3A_419 = tpu.vector_load %arg21[%get3A_418] {strides = array<i32>} : memref<4736xf32, #tpu.memory_space<vmem>>, vector<16xf32>,
        %get3A_420 = vector.shape_cast %get3A_419 : vector<16xf32> to vector<16xf32>
        %mul3A_421 = arith.mulf %add3A_403, %add3A_403 : vector<16xf32>
        %mul3A_422 = arith.mulf %add3A_410, %add3A_410 : vector<16xf32>
        %add3A_423 = arith.addf %mul3A_421, %mul3A_422 : vector<16xf32>
        %mul3A_424 = arith.mulf %add3A_417, %add3A_417 : vector<16xf32>
        %add3A_425 = arith.addf %add3A_423, %mul3A_424 : vector<16xf32>
        %bitcast_convert_type3A = tpu.bitcast %add3A_425 : vector<16xf32> -> vector<16xi32>
        %shift_right_logical3A = arith.constant 1 : i32
        %shift_right_logical3A_426 = vector.broadcast %shift_right_logical3A : i32 to vector<16xi32>
        %shift_right_logical3A_427 = arith.shrui %bitcast_convert_type3A, %shift_right_logical3A_426 : vector<16xi32>
        %sub3A = arith.constant 1597463007 : i32
        %sub3A_428 = vector.broadcast %sub3A : i32 to vector<16xi32>
        %sub3A_429 = arith.subi %sub3A_428, %shift_right_logical3A_427 : vector<16xi32>
        %bitcast_convert_type3A_430 = tpu.bitcast %sub3A_429 : vector<16xi32> -> vector<16xf32>
        %mul3A_431 = arith.constant 5.000000e-01 : f32
        %mul3A_432 = vector.broadcast %mul3A_431 : f32 to vector<16xf32>
        %mul3A_433 = arith.mulf %mul3A_432, %add3A_425 : vector<16xf32>
        %mul3A_434 = arith.mulf %mul3A_433, %bitcast_convert_type3A_430 : vector<16xf32>
        %mul3A_435 = arith.mulf %mul3A_434, %bitcast_convert_type3A_430 : vector<16xf32>
        %sub3A_436 = arith.constant 1.500000e+00 : f32
        %sub3A_437 = vector.broadcast %sub3A_436 : f32 to vector<16xf32>
        %sub3A_438 = arith.subf %sub3A_437, %mul3A_435 : vector<16xf32>
        %mul3A_439 = arith.mulf %bitcast_convert_type3A_430, %sub3A_438 : vector<16xf32>
        %mul3A_440 = arith.constant 5.000000e-01 : f32
        %mul3A_441 = vector.broadcast %mul3A_440 : f32 to vector<16xf32>
        %mul3A_442 = arith.mulf %mul3A_441, %add3A_425 : vector<16xf32>
        %mul3A_443 = arith.mulf %mul3A_442, %mul3A_439 : vector<16xf32>
        %mul3A_444 = arith.mulf %mul3A_443, %mul3A_439 : vector<16xf32>
        %sub3A_445 = arith.constant 1.500000e+00 : f32
        %sub3A_446 = vector.broadcast %sub3A_445 : f32 to vector<16xf32>
        %sub3A_447 = arith.subf %sub3A_446, %mul3A_444 : vector<16xf32>
        %mul3A_448 = arith.mulf %mul3A_439, %sub3A_447 : vector<16xf32>
        %mul3A_449 = arith.constant 5.000000e-01 : f32
        %mul3A_450 = vector.broadcast %mul3A_449 : f32 to vector<16xf32>
        %mul3A_451 = arith.mulf %mul3A_450, %add3A_425 : vector<16xf32>
        %mul3A_452 = arith.mulf %mul3A_451, %mul3A_448 : vector<16xf32>
        %mul3A_453 = arith.mulf %mul3A_452, %mul3A_448 : vector<16xf32>
        %sub3A_454 = arith.constant 1.500000e+00 : f32
        %sub3A_455 = vector.broadcast %sub3A_454 : f32 to vector<16xf32>
        %sub3A_456 = arith.subf %sub3A_455, %mul3A_453 : vector<16xf32>
        %mul3A_457 = arith.mulf %mul3A_448, %sub3A_456 : vector<16xf32>
        %mul3A_458 = arith.mulf %add3A_425, %mul3A_457 : vector<16xf32>
        %add3A_459 = arith.constant 9.99999993E-9 : f32
        %add3A_460 = vector.broadcast %add3A_459 : f32 to vector<16xf32>
        %add3A_461 = arith.addf %mul3A_458, %add3A_460 : vector<16xf32>
        %div3A = arith.constant 1.000000e+00 : f32
        %div3A_462 = vector.broadcast %div3A : f32 to vector<16xf32>
        %div3A_463 = arith.divf %div3A_462, %add3A_461 : vector<16xf32>
        %mul3A_464 = arith.mulf %add3A_403, %div3A_463 : vector<16xf32>
        %mul3A_465 = arith.mulf %add3A_410, %div3A_463 : vector<16xf32>
        %mul3A_466 = arith.mulf %add3A_417, %div3A_463 : vector<16xf32>
        %mul3A_467 = arith.constant -2.000000e+00 : f32
        %mul3A_468 = vector.broadcast %mul3A_467 : f32 to vector<16xf32>
        %mul3A_469 = arith.mulf %mul3A_468, %mul3A_464 : vector<16xf32>
        %add3A_470 = arith.addf %get3A_390, %mul3A_469 : vector<16xf32>
        %mul3A_471 = arith.constant -2.000000e+00 : f32
        %mul3A_472 = vector.broadcast %mul3A_471 : f32 to vector<16xf32>
        %mul3A_473 = arith.mulf %mul3A_472, %mul3A_465 : vector<16xf32>
        %add3A_474 = arith.addf %get3A_393, %mul3A_473 : vector<16xf32>
        %mul3A_475 = arith.constant -2.000000e+00 : f32
        %mul3A_476 = vector.broadcast %mul3A_475 : f32 to vector<16xf32>
        %mul3A_477 = arith.mulf %mul3A_476, %mul3A_466 : vector<16xf32>
        %add3A_478 = arith.addf %get3A_396, %mul3A_477 : vector<16xf32>
        %mul3A_479 = vector.broadcast %squeeze3A : f32 to vector<16xf32>
        %mul3A_480 = arith.mulf %mul3A_479, %add3A_470 : vector<16xf32>
        %mul3A_481 = vector.broadcast %squeeze3A_17 : f32 to vector<16xf32>
        %mul3A_482 = arith.mulf %mul3A_481, %add3A_474 : vector<16xf32>
        %add3A_483 = arith.addf %mul3A_480, %mul3A_482 : vector<16xf32>
        %mul3A_484 = vector.broadcast %squeeze3A_19 : f32 to vector<16xf32>
        %mul3A_485 = arith.mulf %mul3A_484, %add3A_478 : vector<16xf32>
        %add3A_486 = arith.addf %add3A_483, %mul3A_485 : vector<16xf32>
        %add3A_487 = vector.broadcast %squeeze3A_21 : f32 to vector<16xf32>
        %add3A_488 = arith.addf %add3A_486, %add3A_487 : vector<16xf32>
        %mul3A_489 = vector.broadcast %squeeze3A_23 : f32 to vector<16xf32>
        %mul3A_490 = arith.mulf %mul3A_489, %add3A_470 : vector<16xf32>
        %mul3A_491 = vector.broadcast %squeeze3A_25 : f32 to vector<16xf32>
        %mul3A_492 = arith.mulf %mul3A_491, %add3A_474 : vector<16xf32>
        %add3A_493 = arith.addf %mul3A_490, %mul3A_492 : vector<16xf32>
        %mul3A_494 = vector.broadcast %squeeze3A_27 : f32 to vector<16xf32>
        %mul3A_495 = arith.mulf %mul3A_494, %add3A_478 : vector<16xf32>
        %add3A_496 = arith.addf %add3A_493, %mul3A_495 : vector<16xf32>
        %add3A_497 = vector.broadcast %squeeze3A_29 : f32 to vector<16xf32>
        %add3A_498 = arith.addf %add3A_496, %add3A_497 : vector<16xf32>
        %mul3A_499 = vector.broadcast %squeeze3A_31 : f32 to vector<16xf32>
        %mul3A_500 = arith.mulf %mul3A_499, %add3A_470 : vector<16xf32>
        %mul3A_501 = vector.broadcast %squeeze3A_33 : f32 to vector<16xf32>
        %mul3A_502 = arith.mulf %mul3A_501, %add3A_474 : vector<16xf32>
        %add3A_503 = arith.addf %mul3A_500, %mul3A_502 : vector<16xf32>
        %mul3A_504 = vector.broadcast %squeeze3A_35 : f32 to vector<16xf32>
        %mul3A_505 = arith.mulf %mul3A_504, %add3A_478 : vector<16xf32>
        %add3A_506 = arith.addf %add3A_503, %mul3A_505 : vector<16xf32>
        %add3A_507 = vector.broadcast %squeeze3A_37 : f32 to vector<16xf32>
        %add3A_508 = arith.addf %add3A_506, %add3A_507 : vector<16xf32>
        %max3A = arith.constant 0.000000e+00 : f32
        %max3A_509 = vector.broadcast %max3A : f32 to vector<16xf32>
        %max3A_510 = arith.maximumf %add3A_488, %max3A_509 : vector<16xf32>
        %min3A = vector.broadcast %scan3A : f32 to vector<16xf32>
        %min3A_511 = arith.minimumf %max3A_510, %min3A : vector<16xf32>
        %max3A_512 = arith.constant 0.000000e+00 : f32
        %max3A_513 = vector.broadcast %max3A_512 : f32 to vector<16xf32>
        %max3A_514 = arith.maximumf %add3A_498, %max3A_513 : vector<16xf32>
        %min3A_515 = vector.broadcast %scan3A : f32 to vector<16xf32>
        %min3A_516 = arith.minimumf %max3A_514, %min3A_515 : vector<16xf32>
        %max3A_517 = arith.constant 0.000000e+00 : f32
        %max3A_518 = vector.broadcast %max3A_517 : f32 to vector<16xf32>
        %max3A_519 = arith.maximumf %add3A_508, %max3A_518 : vector<16xf32>
        %min3A_520 = vector.broadcast %scan3A : f32 to vector<16xf32>
        %min3A_521 = arith.minimumf %max3A_519, %min3A_520 : vector<16xf32>
        %convert_element_type3A = arith.fptosi %min3A_511 : vector<16xf32> to vector<16xi32>
        %convert_element_type3A_522 = arith.fptosi %min3A_516 : vector<16xf32> to vector<16xi32>
        %convert_element_type3A_523 = arith.fptosi %min3A_521 : vector<16xf32> to vector<16xi32>
        %mul3A_524 = arith.constant 65536 : i32
        %mul3A_525 = vector.broadcast %mul3A_524 : i32 to vector<16xi32>
        %mul3A_526 = arith.muli %convert_element_type3A, %mul3A_525 : vector<16xi32>
        %mul3A_527 = arith.constant 256 : i32
        %mul3A_528 = vector.broadcast %mul3A_527 : i32 to vector<16xi32>
        %mul3A_529 = arith.muli %convert_element_type3A_522, %mul3A_528 : vector<16xi32>
        %add3A_530 = arith.addi %mul3A_526, %mul3A_529 : vector<16xi32>
        %add3A_531 = arith.addi %add3A_530, %convert_element_type3A_523 : vector<16xi32>
        %swap3A_532 = arith.constant 0 : i32
        %swap3A_533 = arith.index_cast %swap3A_532 : i32 to index
        %swap3A_534 = arith.index_cast %mul3A_387 : i32 to index
        %swap3A_535 = tpu.vector_load %arg23[%swap3A_533, %swap3A_534] {strides = array<i32>} : memref<16x128xi32, #tpu.memory_space<vmem>>, vector<1x16xi32>,
        %swap3A_536 = vector.shape_cast %swap3A_535 : vector<1x16xi32> to vector<16xi32>
        %swap3A_537 = vector.shape_cast %add3A_531 : vector<16xi32> to vector<1x16xi32>
        tpu.vector_store %arg23[%swap3A_533, %swap3A_534], %swap3A_537 {strides = array<i32>} : memref<16x128xi32, #tpu.memory_space<vmem>>, vector<1x16xi32>,
        %add3A_538 = arith.constant 1 : i32
        %add3A_539 = vector.broadcast %add3A_538 : i32 to vector<16xi32>
        %add3A_540 = arith.addi %add3A_531, %add3A_539 : vector<16xi32>
        %swap3A_541 = arith.constant 1 : i32
        %swap3A_542 = arith.index_cast %swap3A_541 : i32 to index
        %swap3A_543 = arith.index_cast %mul3A_387 : i32 to index
        %swap3A_544 = tpu.vector_load %arg23[%swap3A_542, %swap3A_543] {strides = array<i32>} : memref<16x128xi32, #tpu.memory_space<vmem>>, vector<1x16xi32>,
        %swap3A_545 = vector.shape_cast %swap3A_544 : vector<1x16xi32> to vector<16xi32>
        %swap3A_546 = vector.shape_cast %add3A_540 : vector<16xi32> to vector<1x16xi32>
        tpu.vector_store %arg23[%swap3A_542, %swap3A_543], %swap3A_546 {strides = array<i32>} : memref<16x128xi32, #tpu.memory_space<vmem>>, vector<1x16xi32>,
        %add3A_547 = arith.constant 256 : i32
        %add3A_548 = vector.broadcast %add3A_547 : i32 to vector<16xi32>
        %add3A_549 = arith.addi %add3A_531, %add3A_548 : vector<16xi32>
        %swap3A_550 = arith.constant 2 : i32
        %swap3A_551 = arith.index_cast %swap3A_550 : i32 to index
        %swap3A_552 = arith.index_cast %mul3A_387 : i32 to index
        %swap3A_553 = tpu.vector_load %arg23[%swap3A_551, %swap3A_552] {strides = array<i32>} : memref<16x128xi32, #tpu.memory_space<vmem>>, vector<1x16xi32>,
        %swap3A_554 = vector.shape_cast %swap3A_553 : vector<1x16xi32> to vector<16xi32>
        %swap3A_555 = vector.shape_cast %add3A_549 : vector<16xi32> to vector<1x16xi32>
        tpu.vector_store %arg23[%swap3A_551, %swap3A_552], %swap3A_555 {strides = array<i32>} : memref<16x128xi32, #tpu.memory_space<vmem>>, vector<1x16xi32>,
        %add3A_556 = arith.constant 256 : i32
        %add3A_557 = vector.broadcast %add3A_556 : i32 to vector<16xi32>
        %add3A_558 = arith.addi %add3A_531, %add3A_557 : vector<16xi32>
        %add3A_559 = arith.constant 1 : i32
        %add3A_560 = vector.broadcast %add3A_559 : i32 to vector<16xi32>
        %add3A_561 = arith.addi %add3A_558, %add3A_560 : vector<16xi32>
        %swap3A_562 = arith.constant 3 : i32
        %swap3A_563 = arith.index_cast %swap3A_562 : i32 to index
        %swap3A_564 = arith.index_cast %mul3A_387 : i32 to index
        %swap3A_565 = tpu.vector_load %arg23[%swap3A_563, %swap3A_564] {strides = array<i32>} : memref<16x128xi32, #tpu.memory_space<vmem>>, vector<1x16xi32>,
        %swap3A_566 = vector.shape_cast %swap3A_565 : vector<1x16xi32> to vector<16xi32>
        %swap3A_567 = vector.shape_cast %add3A_561 : vector<16xi32> to vector<1x16xi32>
        tpu.vector_store %arg23[%swap3A_563, %swap3A_564], %swap3A_567 {strides = array<i32>} : memref<16x128xi32, #tpu.memory_space<vmem>>, vector<1x16xi32>,
        %add3A_568 = arith.constant 65536 : i32
        %add3A_569 = vector.broadcast %add3A_568 : i32 to vector<16xi32>
        %add3A_570 = arith.addi %add3A_531, %add3A_569 : vector<16xi32>
        %swap3A_571 = arith.constant 4 : i32
        %swap3A_572 = arith.index_cast %swap3A_571 : i32 to index
        %swap3A_573 = arith.index_cast %mul3A_387 : i32 to index
        %swap3A_574 = tpu.vector_load %arg23[%swap3A_572, %swap3A_573] {strides = array<i32>} : memref<16x128xi32, #tpu.memory_space<vmem>>, vector<1x16xi32>,
        %swap3A_575 = vector.shape_cast %swap3A_574 : vector<1x16xi32> to vector<16xi32>
        %swap3A_576 = vector.shape_cast %add3A_570 : vector<16xi32> to vector<1x16xi32>
        tpu.vector_store %arg23[%swap3A_572, %swap3A_573], %swap3A_576 {strides = array<i32>} : memref<16x128xi32, #tpu.memory_space<vmem>>, vector<1x16xi32>,
        %add3A_577 = arith.constant 65536 : i32
        %add3A_578 = vector.broadcast %add3A_577 : i32 to vector<16xi32>
        %add3A_579 = arith.addi %add3A_531, %add3A_578 : vector<16xi32>
        %add3A_580 = arith.constant 1 : i32
        %add3A_581 = vector.broadcast %add3A_580 : i32 to vector<16xi32>
        %add3A_582 = arith.addi %add3A_579, %add3A_581 : vector<16xi32>
        %swap3A_583 = arith.constant 5 : i32
        %swap3A_584 = arith.index_cast %swap3A_583 : i32 to index
        %swap3A_585 = arith.index_cast %mul3A_387 : i32 to index
        %swap3A_586 = tpu.vector_load %arg23[%swap3A_584, %swap3A_585] {strides = array<i32>} : memref<16x128xi32, #tpu.memory_space<vmem>>, vector<1x16xi32>,
        %swap3A_587 = vector.shape_cast %swap3A_586 : vector<1x16xi32> to vector<16xi32>
        %swap3A_588 = vector.shape_cast %add3A_582 : vector<16xi32> to vector<1x16xi32>
        tpu.vector_store %arg23[%swap3A_584, %swap3A_585], %swap3A_588 {strides = array<i32>} : memref<16x128xi32, #tpu.memory_space<vmem>>, vector<1x16xi32>,
        %add3A_589 = arith.constant 65536 : i32
        %add3A_590 = vector.broadcast %add3A_589 : i32 to vector<16xi32>
        %add3A_591 = arith.addi %add3A_531, %add3A_590 : vector<16xi32>
        %add3A_592 = arith.constant 256 : i32
        %add3A_593 = vector.broadcast %add3A_592 : i32 to vector<16xi32>
        %add3A_594 = arith.addi %add3A_591, %add3A_593 : vector<16xi32>
        %swap3A_595 = arith.constant 6 : i32
        %swap3A_596 = arith.index_cast %swap3A_595 : i32 to index
        %swap3A_597 = arith.index_cast %mul3A_387 : i32 to index
        %swap3A_598 = tpu.vector_load %arg23[%swap3A_596, %swap3A_597] {strides = array<i32>} : memref<16x128xi32, #tpu.memory_space<vmem>>, vector<1x16xi32>,
        %swap3A_599 = vector.shape_cast %swap3A_598 : vector<1x16xi32> to vector<16xi32>
        %swap3A_600 = vector.shape_cast %add3A_594 : vector<16xi32> to vector<1x16xi32>
        tpu.vector_store %arg23[%swap3A_596, %swap3A_597], %swap3A_600 {strides = array<i32>} : memref<16x128xi32, #tpu.memory_space<vmem>>, vector<1x16xi32>,
        %add3A_601 = arith.constant 65536 : i32
        %add3A_602 = vector.broadcast %add3A_601 : i32 to vector<16xi32>
        %add3A_603 = arith.addi %add3A_531, %add3A_602 : vector<16xi32>
        %add3A_604 = arith.constant 256 : i32
        %add3A_605 = vector.broadcast %add3A_604 : i32 to vector<16xi32>
        %add3A_606 = arith.addi %add3A_603, %add3A_605 : vector<16xi32>
        %add3A_607 = arith.constant 1 : i32
        %add3A_608 = vector.broadcast %add3A_607 : i32 to vector<16xi32>
        %add3A_609 = arith.addi %add3A_606, %add3A_608 : vector<16xi32>
        %swap3A_610 = arith.constant 7 : i32
        %swap3A_611 = arith.index_cast %swap3A_610 : i32 to index
        %swap3A_612 = arith.index_cast %mul3A_387 : i32 to index
        %swap3A_613 = tpu.vector_load %arg23[%swap3A_611, %swap3A_612] {strides = array<i32>} : memref<16x128xi32, #tpu.memory_space<vmem>>, vector<1x16xi32>,
        %swap3A_614 = vector.shape_cast %swap3A_613 : vector<1x16xi32> to vector<16xi32>
        %swap3A_615 = vector.shape_cast %add3A_609 : vector<16xi32> to vector<1x16xi32>
        tpu.vector_store %arg23[%swap3A_611, %swap3A_612], %swap3A_615 {strides = array<i32>} : memref<16x128xi32, #tpu.memory_space<vmem>>, vector<1x16xi32>,
        %convert_element_type3A_616 = arith.sitofp %convert_element_type3A : vector<16xi32> to vector<16xf32>
        %sub3A_617 = arith.subf %min3A_511, %convert_element_type3A_616 : vector<16xf32>
        %swap3A_618 = arith.constant 0 : i32
        %swap3A_619 = arith.index_cast %swap3A_618 : i32 to index
        %swap3A_620 = arith.index_cast %mul3A_387 : i32 to index
        %swap3A_621 = tpu.vector_load %arg24[%swap3A_619, %swap3A_620] {strides = array<i32>} : memref<8x128xf32, #tpu.memory_space<vmem>>, vector<1x16xf32>,
        %swap3A_622 = vector.shape_cast %swap3A_621 : vector<1x16xf32> to vector<16xf32>
        %swap3A_623 = vector.shape_cast %sub3A_617 : vector<16xf32> to vector<1x16xf32>
        tpu.vector_store %arg24[%swap3A_619, %swap3A_620], %swap3A_623 {strides = array<i32>} : memref<8x128xf32, #tpu.memory_space<vmem>>, vector<1x16xf32>,
        %convert_element_type3A_624 = arith.sitofp %convert_element_type3A_522 : vector<16xi32> to vector<16xf32>
        %sub3A_625 = arith.subf %min3A_516, %convert_element_type3A_624 : vector<16xf32>
        %swap3A_626 = arith.constant 1 : i32
        %swap3A_627 = arith.index_cast %swap3A_626 : i32 to index
        %swap3A_628 = arith.index_cast %mul3A_387 : i32 to index
        %swap3A_629 = tpu.vector_load %arg24[%swap3A_627, %swap3A_628] {strides = array<i32>} : memref<8x128xf32, #tpu.memory_space<vmem>>, vector<1x16xf32>,
        %swap3A_630 = vector.shape_cast %swap3A_629 : vector<1x16xf32> to vector<16xf32>
        %swap3A_631 = vector.shape_cast %sub3A_625 : vector<16xf32> to vector<1x16xf32>
        tpu.vector_store %arg24[%swap3A_627, %swap3A_628], %swap3A_631 {strides = array<i32>} : memref<8x128xf32, #tpu.memory_space<vmem>>, vector<1x16xf32>,
        %convert_element_type3A_632 = arith.sitofp %convert_element_type3A_523 : vector<16xi32> to vector<16xf32>
        %sub3A_633 = arith.subf %min3A_521, %convert_element_type3A_632 : vector<16xf32>
        %swap3A_634 = arith.constant 2 : i32
        %swap3A_635 = arith.index_cast %swap3A_634 : i32 to index
        %swap3A_636 = arith.index_cast %mul3A_387 : i32 to index
        %swap3A_637 = tpu.vector_load %arg24[%swap3A_635, %swap3A_636] {strides = array<i32>} : memref<8x128xf32, #tpu.memory_space<vmem>>, vector<1x16xf32>,
        %swap3A_638 = vector.shape_cast %swap3A_637 : vector<1x16xf32> to vector<16xf32>
        %swap3A_639 = vector.shape_cast %sub3A_633 : vector<16xf32> to vector<1x16xf32>
        tpu.vector_store %arg24[%swap3A_635, %swap3A_636], %swap3A_639 {strides = array<i32>} : memref<8x128xf32, #tpu.memory_space<vmem>>, vector<1x16xf32>,
        %mul3A_640 = arith.constant 5.000000e-01 : f32
        %mul3A_641 = vector.broadcast %mul3A_640 : f32 to vector<16xf32>
        %mul3A_642 = arith.mulf %mul3A_641, %get3A_420 : vector<16xf32>
        %mul3A_643 = arith.mulf %mul3A_642, %mul3A_464 : vector<16xf32>
        %add3A_644 = arith.addf %get3A_390, %mul3A_643 : vector<16xf32>
        %mul3A_645 = arith.mulf %mul3A_642, %mul3A_465 : vector<16xf32>
        %add3A_646 = arith.addf %get3A_393, %mul3A_645 : vector<16xf32>
        %mul3A_647 = arith.mulf %mul3A_642, %mul3A_466 : vector<16xf32>
        %add3A_648 = arith.addf %get3A_396, %mul3A_647 : vector<16xf32>
        %mul3A_649 = vector.broadcast %squeeze3A : f32 to vector<16xf32>
        %mul3A_650 = arith.mulf %mul3A_649, %add3A_644 : vector<16xf32>
        %mul3A_651 = vector.broadcast %squeeze3A_17 : f32 to vector<16xf32>
        %mul3A_652 = arith.mulf %mul3A_651, %add3A_646 : vector<16xf32>
        %add3A_653 = arith.addf %mul3A_650, %mul3A_652 : vector<16xf32>
        %mul3A_654 = vector.broadcast %squeeze3A_19 : f32 to vector<16xf32>
        %mul3A_655 = arith.mulf %mul3A_654, %add3A_648 : vector<16xf32>
        %add3A_656 = arith.addf %add3A_653, %mul3A_655 : vector<16xf32>
        %add3A_657 = vector.broadcast %squeeze3A_21 : f32 to vector<16xf32>
        %add3A_658 = arith.addf %add3A_656, %add3A_657 : vector<16xf32>
        %mul3A_659 = vector.broadcast %squeeze3A_23 : f32 to vector<16xf32>
        %mul3A_660 = arith.mulf %mul3A_659, %add3A_644 : vector<16xf32>
        %mul3A_661 = vector.broadcast %squeeze3A_25 : f32 to vector<16xf32>
        %mul3A_662 = arith.mulf %mul3A_661, %add3A_646 : vector<16xf32>
        %add3A_663 = arith.addf %mul3A_660, %mul3A_662 : vector<16xf32>
        %mul3A_664 = vector.broadcast %squeeze3A_27 : f32 to vector<16xf32>
        %mul3A_665 = arith.mulf %mul3A_664, %add3A_648 : vector<16xf32>
        %add3A_666 = arith.addf %add3A_663, %mul3A_665 : vector<16xf32>
        %add3A_667 = vector.broadcast %squeeze3A_29 : f32 to vector<16xf32>
        %add3A_668 = arith.addf %add3A_666, %add3A_667 : vector<16xf32>
        %mul3A_669 = vector.broadcast %squeeze3A_31 : f32 to vector<16xf32>
        %mul3A_670 = arith.mulf %mul3A_669, %add3A_644 : vector<16xf32>
        %mul3A_671 = vector.broadcast %squeeze3A_33 : f32 to vector<16xf32>
        %mul3A_672 = arith.mulf %mul3A_671, %add3A_646 : vector<16xf32>
        %add3A_673 = arith.addf %mul3A_670, %mul3A_672 : vector<16xf32>
        %mul3A_674 = vector.broadcast %squeeze3A_35 : f32 to vector<16xf32>
        %mul3A_675 = arith.mulf %mul3A_674, %add3A_648 : vector<16xf32>
        %add3A_676 = arith.addf %add3A_673, %mul3A_675 : vector<16xf32>
        %add3A_677 = vector.broadcast %squeeze3A_37 : f32 to vector<16xf32>
        %add3A_678 = arith.addf %add3A_676, %add3A_677 : vector<16xf32>
        %max3A_679 = arith.constant 0.000000e+00 : f32
        %max3A_680 = vector.broadcast %max3A_679 : f32 to vector<16xf32>
        %max3A_681 = arith.maximumf %add3A_658, %max3A_680 : vector<16xf32>
        %min3A_682 = vector.broadcast %scan3A : f32 to vector<16xf32>
        %min3A_683 = arith.minimumf %max3A_681, %min3A_682 : vector<16xf32>
        %max3A_684 = arith.constant 0.000000e+00 : f32
        %max3A_685 = vector.broadcast %max3A_684 : f32 to vector<16xf32>
        %max3A_686 = arith.maximumf %add3A_668, %max3A_685 : vector<16xf32>
        %min3A_687 = vector.broadcast %scan3A : f32 to vector<16xf32>
        %min3A_688 = arith.minimumf %max3A_686, %min3A_687 : vector<16xf32>
        %max3A_689 = arith.constant 0.000000e+00 : f32
        %max3A_690 = vector.broadcast %max3A_689 : f32 to vector<16xf32>
        %max3A_691 = arith.maximumf %add3A_678, %max3A_690 : vector<16xf32>
        %min3A_692 = vector.broadcast %scan3A : f32 to vector<16xf32>
        %min3A_693 = arith.minimumf %max3A_691, %min3A_692 : vector<16xf32>
        %convert_element_type3A_694 = arith.fptosi %min3A_683 : vector<16xf32> to vector<16xi32>
        %convert_element_type3A_695 = arith.fptosi %min3A_688 : vector<16xf32> to vector<16xi32>
        %convert_element_type3A_696 = arith.fptosi %min3A_693 : vector<16xf32> to vector<16xi32>
        %mul3A_697 = arith.constant 65536 : i32
        %mul3A_698 = vector.broadcast %mul3A_697 : i32 to vector<16xi32>
        %mul3A_699 = arith.muli %convert_element_type3A_694, %mul3A_698 : vector<16xi32>
        %mul3A_700 = arith.constant 256 : i32
        %mul3A_701 = vector.broadcast %mul3A_700 : i32 to vector<16xi32>
        %mul3A_702 = arith.muli %convert_element_type3A_695, %mul3A_701 : vector<16xi32>
        %add3A_703 = arith.addi %mul3A_699, %mul3A_702 : vector<16xi32>
        %add3A_704 = arith.addi %add3A_703, %convert_element_type3A_696 : vector<16xi32>
        %swap3A_705 = arith.constant 8 : i32
        %swap3A_706 = arith.index_cast %swap3A_705 : i32 to index
        %swap3A_707 = arith.index_cast %mul3A_387 : i32 to index
        %swap3A_708 = tpu.vector_load %arg23[%swap3A_706, %swap3A_707] {strides = array<i32>} : memref<16x128xi32, #tpu.memory_space<vmem>>, vector<1x16xi32>,
        %swap3A_709 = vector.shape_cast %swap3A_708 : vector<1x16xi32> to vector<16xi32>
        %swap3A_710 = vector.shape_cast %add3A_704 : vector<16xi32> to vector<1x16xi32>
        tpu.vector_store %arg23[%swap3A_706, %swap3A_707], %swap3A_710 {strides = array<i32>} : memref<16x128xi32, #tpu.memory_space<vmem>>, vector<1x16xi32>,
        %add3A_711 = arith.constant 1 : i32
        %add3A_712 = vector.broadcast %add3A_711 : i32 to vector<16xi32>
        %add3A_713 = arith.addi %add3A_704, %add3A_712 : vector<16xi32>
        %swap3A_714 = arith.constant 9 : i32
        %swap3A_715 = arith.index_cast %swap3A_714 : i32 to index
        %swap3A_716 = arith.index_cast %mul3A_387 : i32 to index
        %swap3A_717 = tpu.vector_load %arg23[%swap3A_715, %swap3A_716] {strides = array<i32>} : memref<16x128xi32, #tpu.memory_space<vmem>>, vector<1x16xi32>,
        %swap3A_718 = vector.shape_cast %swap3A_717 : vector<1x16xi32> to vector<16xi32>
        %swap3A_719 = vector.shape_cast %add3A_713 : vector<16xi32> to vector<1x16xi32>
        tpu.vector_store %arg23[%swap3A_715, %swap3A_716], %swap3A_719 {strides = array<i32>} : memref<16x128xi32, #tpu.memory_space<vmem>>, vector<1x16xi32>,
        %add3A_720 = arith.constant 256 : i32
        %add3A_721 = vector.broadcast %add3A_720 : i32 to vector<16xi32>
        %add3A_722 = arith.addi %add3A_704, %add3A_721 : vector<16xi32>
        %swap3A_723 = arith.constant 10 : i32
        %swap3A_724 = arith.index_cast %swap3A_723 : i32 to index
        %swap3A_725 = arith.index_cast %mul3A_387 : i32 to index
        %swap3A_726 = tpu.vector_load %arg23[%swap3A_724, %swap3A_725] {strides = array<i32>} : memref<16x128xi32, #tpu.memory_space<vmem>>, vector<1x16xi32>,
        %swap3A_727 = vector.shape_cast %swap3A_726 : vector<1x16xi32> to vector<16xi32>
        %swap3A_728 = vector.shape_cast %add3A_722 : vector<16xi32> to vector<1x16xi32>
        tpu.vector_store %arg23[%swap3A_724, %swap3A_725], %swap3A_728 {strides = array<i32>} : memref<16x128xi32, #tpu.memory_space<vmem>>, vector<1x16xi32>,
        %add3A_729 = arith.constant 256 : i32
        %add3A_730 = vector.broadcast %add3A_729 : i32 to vector<16xi32>
        %add3A_731 = arith.addi %add3A_704, %add3A_730 : vector<16xi32>
        %add3A_732 = arith.constant 1 : i32
        %add3A_733 = vector.broadcast %add3A_732 : i32 to vector<16xi32>
        %add3A_734 = arith.addi %add3A_731, %add3A_733 : vector<16xi32>
        %swap3A_735 = arith.constant 11 : i32
        %swap3A_736 = arith.index_cast %swap3A_735 : i32 to index
        %swap3A_737 = arith.index_cast %mul3A_387 : i32 to index
        %swap3A_738 = tpu.vector_load %arg23[%swap3A_736, %swap3A_737] {strides = array<i32>} : memref<16x128xi32, #tpu.memory_space<vmem>>, vector<1x16xi32>,
        %swap3A_739 = vector.shape_cast %swap3A_738 : vector<1x16xi32> to vector<16xi32>
        %swap3A_740 = vector.shape_cast %add3A_734 : vector<16xi32> to vector<1x16xi32>
        tpu.vector_store %arg23[%swap3A_736, %swap3A_737], %swap3A_740 {strides = array<i32>} : memref<16x128xi32, #tpu.memory_space<vmem>>, vector<1x16xi32>,
        %add3A_741 = arith.constant 65536 : i32
        %add3A_742 = vector.broadcast %add3A_741 : i32 to vector<16xi32>
        %add3A_743 = arith.addi %add3A_704, %add3A_742 : vector<16xi32>
        %swap3A_744 = arith.constant 12 : i32
        %swap3A_745 = arith.index_cast %swap3A_744 : i32 to index
        %swap3A_746 = arith.index_cast %mul3A_387 : i32 to index
        %swap3A_747 = tpu.vector_load %arg23[%swap3A_745, %swap3A_746] {strides = array<i32>} : memref<16x128xi32, #tpu.memory_space<vmem>>, vector<1x16xi32>,
        %swap3A_748 = vector.shape_cast %swap3A_747 : vector<1x16xi32> to vector<16xi32>
        %swap3A_749 = vector.shape_cast %add3A_743 : vector<16xi32> to vector<1x16xi32>
        tpu.vector_store %arg23[%swap3A_745, %swap3A_746], %swap3A_749 {strides = array<i32>} : memref<16x128xi32, #tpu.memory_space<vmem>>, vector<1x16xi32>,
        %add3A_750 = arith.constant 65536 : i32
        %add3A_751 = vector.broadcast %add3A_750 : i32 to vector<16xi32>
        %add3A_752 = arith.addi %add3A_704, %add3A_751 : vector<16xi32>
        %add3A_753 = arith.constant 1 : i32
        %add3A_754 = vector.broadcast %add3A_753 : i32 to vector<16xi32>
        %add3A_755 = arith.addi %add3A_752, %add3A_754 : vector<16xi32>
        %swap3A_756 = arith.constant 13 : i32
        %swap3A_757 = arith.index_cast %swap3A_756 : i32 to index
        %swap3A_758 = arith.index_cast %mul3A_387 : i32 to index
        %swap3A_759 = tpu.vector_load %arg23[%swap3A_757, %swap3A_758] {strides = array<i32>} : memref<16x128xi32, #tpu.memory_space<vmem>>, vector<1x16xi32>,
        %swap3A_760 = vector.shape_cast %swap3A_759 : vector<1x16xi32> to vector<16xi32>
        %swap3A_761 = vector.shape_cast %add3A_755 : vector<16xi32> to vector<1x16xi32>
        tpu.vector_store %arg23[%swap3A_757, %swap3A_758], %swap3A_761 {strides = array<i32>} : memref<16x128xi32, #tpu.memory_space<vmem>>, vector<1x16xi32>,
        %add3A_762 = arith.constant 65536 : i32
        %add3A_763 = vector.broadcast %add3A_762 : i32 to vector<16xi32>
        %add3A_764 = arith.addi %add3A_704, %add3A_763 : vector<16xi32>
        %add3A_765 = arith.constant 256 : i32
        %add3A_766 = vector.broadcast %add3A_765 : i32 to vector<16xi32>
        %add3A_767 = arith.addi %add3A_764, %add3A_766 : vector<16xi32>
        %swap3A_768 = arith.constant 14 : i32
        %swap3A_769 = arith.index_cast %swap3A_768 : i32 to index
        %swap3A_770 = arith.index_cast %mul3A_387 : i32 to index
        %swap3A_771 = tpu.vector_load %arg23[%swap3A_769, %swap3A_770] {strides = array<i32>} : memref<16x128xi32, #tpu.memory_space<vmem>>, vector<1x16xi32>,
        %swap3A_772 = vector.shape_cast %swap3A_771 : vector<1x16xi32> to vector<16xi32>
        %swap3A_773 = vector.shape_cast %add3A_767 : vector<16xi32> to vector<1x16xi32>
        tpu.vector_store %arg23[%swap3A_769, %swap3A_770], %swap3A_773 {strides = array<i32>} : memref<16x128xi32, #tpu.memory_space<vmem>>, vector<1x16xi32>,
        %add3A_774 = arith.constant 65536 : i32
        %add3A_775 = vector.broadcast %add3A_774 : i32 to vector<16xi32>
        %add3A_776 = arith.addi %add3A_704, %add3A_775 : vector<16xi32>
        %add3A_777 = arith.constant 256 : i32
        %add3A_778 = vector.broadcast %add3A_777 : i32 to vector<16xi32>
        %add3A_779 = arith.addi %add3A_776, %add3A_778 : vector<16xi32>
        %add3A_780 = arith.constant 1 : i32
        %add3A_781 = vector.broadcast %add3A_780 : i32 to vector<16xi32>
        %add3A_782 = arith.addi %add3A_779, %add3A_781 : vector<16xi32>
        %swap3A_783 = arith.constant 15 : i32
        %swap3A_784 = arith.index_cast %swap3A_783 : i32 to index
        %swap3A_785 = arith.index_cast %mul3A_387 : i32 to index
        %swap3A_786 = tpu.vector_load %arg23[%swap3A_784, %swap3A_785] {strides = array<i32>} : memref<16x128xi32, #tpu.memory_space<vmem>>, vector<1x16xi32>,
        %swap3A_787 = vector.shape_cast %swap3A_786 : vector<1x16xi32> to vector<16xi32>
        %swap3A_788 = vector.shape_cast %add3A_782 : vector<16xi32> to vector<1x16xi32>
        tpu.vector_store %arg23[%swap3A_784, %swap3A_785], %swap3A_788 {strides = array<i32>} : memref<16x128xi32, #tpu.memory_space<vmem>>, vector<1x16xi32>,
        %convert_element_type3A_789 = arith.sitofp %convert_element_type3A_694 : vector<16xi32> to vector<16xf32>
        %sub3A_790 = arith.subf %min3A_683, %convert_element_type3A_789 : vector<16xf32>
        %swap3A_791 = arith.constant 3 : i32
        %swap3A_792 = arith.index_cast %swap3A_791 : i32 to index
        %swap3A_793 = arith.index_cast %mul3A_387 : i32 to index
        %swap3A_794 = tpu.vector_load %arg24[%swap3A_792, %swap3A_793] {strides = array<i32>} : memref<8x128xf32, #tpu.memory_space<vmem>>, vector<1x16xf32>,
        %swap3A_795 = vector.shape_cast %swap3A_794 : vector<1x16xf32> to vector<16xf32>
        %swap3A_796 = vector.shape_cast %sub3A_790 : vector<16xf32> to vector<1x16xf32>
        tpu.vector_store %arg24[%swap3A_792, %swap3A_793], %swap3A_796 {strides = array<i32>} : memref<8x128xf32, #tpu.memory_space<vmem>>, vector<1x16xf32>,
        %convert_element_type3A_797 = arith.sitofp %convert_element_type3A_695 : vector<16xi32> to vector<16xf32>
        %sub3A_798 = arith.subf %min3A_688, %convert_element_type3A_797 : vector<16xf32>
        %swap3A_799 = arith.constant 4 : i32
        %swap3A_800 = arith.index_cast %swap3A_799 : i32 to index
        %swap3A_801 = arith.index_cast %mul3A_387 : i32 to index
        %swap3A_802 = tpu.vector_load %arg24[%swap3A_800, %swap3A_801] {strides = array<i32>} : memref<8x128xf32, #tpu.memory_space<vmem>>, vector<1x16xf32>,
        %swap3A_803 = vector.shape_cast %swap3A_802 : vector<1x16xf32> to vector<16xf32>
        %swap3A_804 = vector.shape_cast %sub3A_798 : vector<16xf32> to vector<1x16xf32>
        tpu.vector_store %arg24[%swap3A_800, %swap3A_801], %swap3A_804 {strides = array<i32>} : memref<8x128xf32, #tpu.memory_space<vmem>>, vector<1x16xf32>,
        %convert_element_type3A_805 = arith.sitofp %convert_element_type3A_696 : vector<16xi32> to vector<16xf32>
        %sub3A_806 = arith.subf %min3A_693, %convert_element_type3A_805 : vector<16xf32>
        %swap3A_807 = arith.constant 5 : i32
        %swap3A_808 = arith.index_cast %swap3A_807 : i32 to index
        %swap3A_809 = arith.index_cast %mul3A_387 : i32 to index
        %swap3A_810 = tpu.vector_load %arg24[%swap3A_808, %swap3A_809] {strides = array<i32>} : memref<8x128xf32, #tpu.memory_space<vmem>>, vector<1x16xf32>,
        %swap3A_811 = vector.shape_cast %swap3A_810 : vector<1x16xf32> to vector<16xf32>
        %swap3A_812 = vector.shape_cast %sub3A_806 : vector<16xf32> to vector<1x16xf32>
        tpu.vector_store %arg24[%swap3A_808, %swap3A_809], %swap3A_812 {strides = array<i32>} : memref<8x128xf32, #tpu.memory_space<vmem>>, vector<1x16xf32>,
      }
      %scan3A_55 = arith.constant 8 : i32
      %dma_start3A = arith.constant 0 : i32
      %dma_start3A_56 = arith.constant 0 : i32
      %dma_start3A_57 = arith.constant 0 : i32
      %dma_start3A_58 = tpu.memref_slice %arg25[%dma_start3A_56, %dma_start3A_57] : memref<16x128xf32, #tpu.memory_space<vmem>> -> memref<1x128xf32, #tpu.memory_space<vmem>>
      %dma_start3A_59 = tpu.memref_squeeze %dma_start3A_58 : memref<1x128xf32, #tpu.memory_space<vmem>> -> memref<128xf32, #tpu.memory_space<vmem>>
      %dma_start3A_60 = arith.constant 0 : i32
      %dma_start3A_61 = tpu.memref_slice %arg23[%dma_start3A, %dma_start3A_60] : memref<16x128xi32, #tpu.memory_space<vmem>> -> memref<1x128xi32, #tpu.memory_space<vmem>>
      %dma_start3A_62 = tpu.memref_squeeze %dma_start3A_61 : memref<1x128xi32, #tpu.memory_space<vmem>> -> memref<128xi32, #tpu.memory_space<vmem>>
      %dma_start3A_63 = arith.constant 0 : i32
      %dma_start3A_64 = tpu.memref_slice %arg9[%dma_start3A_63] : memref<16777216xf32, #tpu.memory_space<hbm>> -> memref<16777216xf32, #tpu.memory_space<hbm>>
      tpu.enqueue_indirect_dma source(%dma_start3A_64 : memref<16777216xf32, #tpu.memory_space<hbm>>) target(%dma_start3A_59 : memref<128xf32, #tpu.memory_space<vmem>>) offsets(%dma_start3A_62 : memref<128xi32, #tpu.memory_space<vmem>>) semaphore(%arg27 : memref<!tpu.dma_semaphore, #tpu.memory_space<semaphore_mem>>)
      %dma_start3A_65 = arith.constant 1 : i32
      %dma_start3A_66 = arith.constant 1 : i32
      %dma_start3A_67 = arith.constant 0 : i32
      %dma_start3A_68 = tpu.memref_slice %arg25[%dma_start3A_66, %dma_start3A_67] : memref<16x128xf32, #tpu.memory_space<vmem>> -> memref<1x128xf32, #tpu.memory_space<vmem>>
      %dma_start3A_69 = tpu.memref_squeeze %dma_start3A_68 : memref<1x128xf32, #tpu.memory_space<vmem>> -> memref<128xf32, #tpu.memory_space<vmem>>
      %dma_start3A_70 = arith.constant 0 : i32
      %dma_start3A_71 = tpu.memref_slice %arg23[%dma_start3A_65, %dma_start3A_70] : memref<16x128xi32, #tpu.memory_space<vmem>> -> memref<1x128xi32, #tpu.memory_space<vmem>>
      %dma_start3A_72 = tpu.memref_squeeze %dma_start3A_71 : memref<1x128xi32, #tpu.memory_space<vmem>> -> memref<128xi32, #tpu.memory_space<vmem>>
      %dma_start3A_73 = arith.constant 0 : i32
      %dma_start3A_74 = tpu.memref_slice %arg9[%dma_start3A_73] : memref<16777216xf32, #tpu.memory_space<hbm>> -> memref<16777216xf32, #tpu.memory_space<hbm>>
      tpu.enqueue_indirect_dma source(%dma_start3A_74 : memref<16777216xf32, #tpu.memory_space<hbm>>) target(%dma_start3A_69 : memref<128xf32, #tpu.memory_space<vmem>>) offsets(%dma_start3A_72 : memref<128xi32, #tpu.memory_space<vmem>>) semaphore(%arg27 : memref<!tpu.dma_semaphore, #tpu.memory_space<semaphore_mem>>)
      %dma_start3A_75 = arith.constant 2 : i32
      %dma_start3A_76 = arith.constant 2 : i32
      %dma_start3A_77 = arith.constant 0 : i32
      %dma_start3A_78 = tpu.memref_slice %arg25[%dma_start3A_76, %dma_start3A_77] : memref<16x128xf32, #tpu.memory_space<vmem>> -> memref<1x128xf32, #tpu.memory_space<vmem>>
      %dma_start3A_79 = tpu.memref_squeeze %dma_start3A_78 : memref<1x128xf32, #tpu.memory_space<vmem>> -> memref<128xf32, #tpu.memory_space<vmem>>
      %dma_start3A_80 = arith.constant 0 : i32
      %dma_start3A_81 = tpu.memref_slice %arg23[%dma_start3A_75, %dma_start3A_80] : memref<16x128xi32, #tpu.memory_space<vmem>> -> memref<1x128xi32, #tpu.memory_space<vmem>>
      %dma_start3A_82 = tpu.memref_squeeze %dma_start3A_81 : memref<1x128xi32, #tpu.memory_space<vmem>> -> memref<128xi32, #tpu.memory_space<vmem>>
      %dma_start3A_83 = arith.constant 0 : i32
      %dma_start3A_84 = tpu.memref_slice %arg9[%dma_start3A_83] : memref<16777216xf32, #tpu.memory_space<hbm>> -> memref<16777216xf32, #tpu.memory_space<hbm>>
      tpu.enqueue_indirect_dma source(%dma_start3A_84 : memref<16777216xf32, #tpu.memory_space<hbm>>) target(%dma_start3A_79 : memref<128xf32, #tpu.memory_space<vmem>>) offsets(%dma_start3A_82 : memref<128xi32, #tpu.memory_space<vmem>>) semaphore(%arg27 : memref<!tpu.dma_semaphore, #tpu.memory_space<semaphore_mem>>)
      %dma_start3A_85 = arith.constant 3 : i32
      %dma_start3A_86 = arith.constant 3 : i32
      %dma_start3A_87 = arith.constant 0 : i32
      %dma_start3A_88 = tpu.memref_slice %arg25[%dma_start3A_86, %dma_start3A_87] : memref<16x128xf32, #tpu.memory_space<vmem>> -> memref<1x128xf32, #tpu.memory_space<vmem>>
      %dma_start3A_89 = tpu.memref_squeeze %dma_start3A_88 : memref<1x128xf32, #tpu.memory_space<vmem>> -> memref<128xf32, #tpu.memory_space<vmem>>
      %dma_start3A_90 = arith.constant 0 : i32
      %dma_start3A_91 = tpu.memref_slice %arg23[%dma_start3A_85, %dma_start3A_90] : memref<16x128xi32, #tpu.memory_space<vmem>> -> memref<1x128xi32, #tpu.memory_space<vmem>>
      %dma_start3A_92 = tpu.memref_squeeze %dma_start3A_91 : memref<1x128xi32, #tpu.memory_space<vmem>> -> memref<128xi32, #tpu.memory_space<vmem>>
      %dma_start3A_93 = arith.constant 0 : i32
      %dma_start3A_94 = tpu.memref_slice %arg9[%dma_start3A_93] : memref<16777216xf32, #tpu.memory_space<hbm>> -> memref<16777216xf32, #tpu.memory_space<hbm>>
      tpu.enqueue_indirect_dma source(%dma_start3A_94 : memref<16777216xf32, #tpu.memory_space<hbm>>) target(%dma_start3A_89 : memref<128xf32, #tpu.memory_space<vmem>>) offsets(%dma_start3A_92 : memref<128xi32, #tpu.memory_space<vmem>>) semaphore(%arg27 : memref<!tpu.dma_semaphore, #tpu.memory_space<semaphore_mem>>)
      %dma_start3A_95 = arith.constant 4 : i32
      %dma_start3A_96 = arith.constant 4 : i32
      %dma_start3A_97 = arith.constant 0 : i32
      %dma_start3A_98 = tpu.memref_slice %arg25[%dma_start3A_96, %dma_start3A_97] : memref<16x128xf32, #tpu.memory_space<vmem>> -> memref<1x128xf32, #tpu.memory_space<vmem>>
      %dma_start3A_99 = tpu.memref_squeeze %dma_start3A_98 : memref<1x128xf32, #tpu.memory_space<vmem>> -> memref<128xf32, #tpu.memory_space<vmem>>
      %dma_start3A_100 = arith.constant 0 : i32
      %dma_start3A_101 = tpu.memref_slice %arg23[%dma_start3A_95, %dma_start3A_100] : memref<16x128xi32, #tpu.memory_space<vmem>> -> memref<1x128xi32, #tpu.memory_space<vmem>>
      %dma_start3A_102 = tpu.memref_squeeze %dma_start3A_101 : memref<1x128xi32, #tpu.memory_space<vmem>> -> memref<128xi32, #tpu.memory_space<vmem>>
      %dma_start3A_103 = arith.constant 0 : i32
      %dma_start3A_104 = tpu.memref_slice %arg9[%dma_start3A_103] : memref<16777216xf32, #tpu.memory_space<hbm>> -> memref<16777216xf32, #tpu.memory_space<hbm>>
      tpu.enqueue_indirect_dma source(%dma_start3A_104 : memref<16777216xf32, #tpu.memory_space<hbm>>) target(%dma_start3A_99 : memref<128xf32, #tpu.memory_space<vmem>>) offsets(%dma_start3A_102 : memref<128xi32, #tpu.memory_space<vmem>>) semaphore(%arg27 : memref<!tpu.dma_semaphore, #tpu.memory_space<semaphore_mem>>)
      %dma_start3A_105 = arith.constant 5 : i32
      %dma_start3A_106 = arith.constant 5 : i32
      %dma_start3A_107 = arith.constant 0 : i32
      %dma_start3A_108 = tpu.memref_slice %arg25[%dma_start3A_106, %dma_start3A_107] : memref<16x128xf32, #tpu.memory_space<vmem>> -> memref<1x128xf32, #tpu.memory_space<vmem>>
      %dma_start3A_109 = tpu.memref_squeeze %dma_start3A_108 : memref<1x128xf32, #tpu.memory_space<vmem>> -> memref<128xf32, #tpu.memory_space<vmem>>
      %dma_start3A_110 = arith.constant 0 : i32
      %dma_start3A_111 = tpu.memref_slice %arg23[%dma_start3A_105, %dma_start3A_110] : memref<16x128xi32, #tpu.memory_space<vmem>> -> memref<1x128xi32, #tpu.memory_space<vmem>>
      %dma_start3A_112 = tpu.memref_squeeze %dma_start3A_111 : memref<1x128xi32, #tpu.memory_space<vmem>> -> memref<128xi32, #tpu.memory_space<vmem>>
      %dma_start3A_113 = arith.constant 0 : i32
      %dma_start3A_114 = tpu.memref_slice %arg9[%dma_start3A_113] : memref<16777216xf32, #tpu.memory_space<hbm>> -> memref<16777216xf32, #tpu.memory_space<hbm>>
      tpu.enqueue_indirect_dma source(%dma_start3A_114 : memref<16777216xf32, #tpu.memory_space<hbm>>) target(%dma_start3A_109 : memref<128xf32, #tpu.memory_space<vmem>>) offsets(%dma_start3A_112 : memref<128xi32, #tpu.memory_space<vmem>>) semaphore(%arg27 : memref<!tpu.dma_semaphore, #tpu.memory_space<semaphore_mem>>)
      %dma_start3A_115 = arith.constant 6 : i32
      %dma_start3A_116 = arith.constant 6 : i32
      %dma_start3A_117 = arith.constant 0 : i32
      %dma_start3A_118 = tpu.memref_slice %arg25[%dma_start3A_116, %dma_start3A_117] : memref<16x128xf32, #tpu.memory_space<vmem>> -> memref<1x128xf32, #tpu.memory_space<vmem>>
      %dma_start3A_119 = tpu.memref_squeeze %dma_start3A_118 : memref<1x128xf32, #tpu.memory_space<vmem>> -> memref<128xf32, #tpu.memory_space<vmem>>
      %dma_start3A_120 = arith.constant 0 : i32
      %dma_start3A_121 = tpu.memref_slice %arg23[%dma_start3A_115, %dma_start3A_120] : memref<16x128xi32, #tpu.memory_space<vmem>> -> memref<1x128xi32, #tpu.memory_space<vmem>>
      %dma_start3A_122 = tpu.memref_squeeze %dma_start3A_121 : memref<1x128xi32, #tpu.memory_space<vmem>> -> memref<128xi32, #tpu.memory_space<vmem>>
      %dma_start3A_123 = arith.constant 0 : i32
      %dma_start3A_124 = tpu.memref_slice %arg9[%dma_start3A_123] : memref<16777216xf32, #tpu.memory_space<hbm>> -> memref<16777216xf32, #tpu.memory_space<hbm>>
      tpu.enqueue_indirect_dma source(%dma_start3A_124 : memref<16777216xf32, #tpu.memory_space<hbm>>) target(%dma_start3A_119 : memref<128xf32, #tpu.memory_space<vmem>>) offsets(%dma_start3A_122 : memref<128xi32, #tpu.memory_space<vmem>>) semaphore(%arg27 : memref<!tpu.dma_semaphore, #tpu.memory_space<semaphore_mem>>)
      %dma_start3A_125 = arith.constant 7 : i32
      %dma_start3A_126 = arith.constant 7 : i32
      %dma_start3A_127 = arith.constant 0 : i32
      %dma_start3A_128 = tpu.memref_slice %arg25[%dma_start3A_126, %dma_start3A_127] : memref<16x128xf32, #tpu.memory_space<vmem>> -> memref<1x128xf32, #tpu.memory_space<vmem>>
      %dma_start3A_129 = tpu.memref_squeeze %dma_start3A_128 : memref<1x128xf32, #tpu.memory_space<vmem>> -> memref<128xf32, #tpu.memory_space<vmem>>
      %dma_start3A_130 = arith.constant 0 : i32
      %dma_start3A_131 = tpu.memref_slice %arg23[%dma_start3A_125, %dma_start3A_130] : memref<16x128xi32, #tpu.memory_space<vmem>> -> memref<1x128xi32, #tpu.memory_space<vmem>>
      %dma_start3A_132 = tpu.memref_squeeze %dma_start3A_131 : memref<1x128xi32, #tpu.memory_space<vmem>> -> memref<128xi32, #tpu.memory_space<vmem>>
      %dma_start3A_133 = arith.constant 0 : i32
      %dma_start3A_134 = tpu.memref_slice %arg9[%dma_start3A_133] : memref<16777216xf32, #tpu.memory_space<hbm>> -> memref<16777216xf32, #tpu.memory_space<hbm>>
      tpu.enqueue_indirect_dma source(%dma_start3A_134 : memref<16777216xf32, #tpu.memory_space<hbm>>) target(%dma_start3A_129 : memref<128xf32, #tpu.memory_space<vmem>>) offsets(%dma_start3A_132 : memref<128xi32, #tpu.memory_space<vmem>>) semaphore(%arg27 : memref<!tpu.dma_semaphore, #tpu.memory_space<semaphore_mem>>)
      %dma_start3A_135 = arith.constant 8 : i32
      %dma_start3A_136 = arith.constant 8 : i32
      %dma_start3A_137 = arith.constant 0 : i32
      %dma_start3A_138 = tpu.memref_slice %arg25[%dma_start3A_136, %dma_start3A_137] : memref<16x128xf32, #tpu.memory_space<vmem>> -> memref<1x128xf32, #tpu.memory_space<vmem>>
      %dma_start3A_139 = tpu.memref_squeeze %dma_start3A_138 : memref<1x128xf32, #tpu.memory_space<vmem>> -> memref<128xf32, #tpu.memory_space<vmem>>
      %dma_start3A_140 = arith.constant 0 : i32
      %dma_start3A_141 = tpu.memref_slice %arg23[%dma_start3A_135, %dma_start3A_140] : memref<16x128xi32, #tpu.memory_space<vmem>> -> memref<1x128xi32, #tpu.memory_space<vmem>>
      %dma_start3A_142 = tpu.memref_squeeze %dma_start3A_141 : memref<1x128xi32, #tpu.memory_space<vmem>> -> memref<128xi32, #tpu.memory_space<vmem>>
      %dma_start3A_143 = arith.constant 0 : i32
      %dma_start3A_144 = tpu.memref_slice %arg9[%dma_start3A_143] : memref<16777216xf32, #tpu.memory_space<hbm>> -> memref<16777216xf32, #tpu.memory_space<hbm>>
      tpu.enqueue_indirect_dma source(%dma_start3A_144 : memref<16777216xf32, #tpu.memory_space<hbm>>) target(%dma_start3A_139 : memref<128xf32, #tpu.memory_space<vmem>>) offsets(%dma_start3A_142 : memref<128xi32, #tpu.memory_space<vmem>>) semaphore(%arg27 : memref<!tpu.dma_semaphore, #tpu.memory_space<semaphore_mem>>)
      %dma_start3A_145 = arith.constant 9 : i32
      %dma_start3A_146 = arith.constant 9 : i32
      %dma_start3A_147 = arith.constant 0 : i32
      %dma_start3A_148 = tpu.memref_slice %arg25[%dma_start3A_146, %dma_start3A_147] : memref<16x128xf32, #tpu.memory_space<vmem>> -> memref<1x128xf32, #tpu.memory_space<vmem>>
      %dma_start3A_149 = tpu.memref_squeeze %dma_start3A_148 : memref<1x128xf32, #tpu.memory_space<vmem>> -> memref<128xf32, #tpu.memory_space<vmem>>
      %dma_start3A_150 = arith.constant 0 : i32
      %dma_start3A_151 = tpu.memref_slice %arg23[%dma_start3A_145, %dma_start3A_150] : memref<16x128xi32, #tpu.memory_space<vmem>> -> memref<1x128xi32, #tpu.memory_space<vmem>>
      %dma_start3A_152 = tpu.memref_squeeze %dma_start3A_151 : memref<1x128xi32, #tpu.memory_space<vmem>> -> memref<128xi32, #tpu.memory_space<vmem>>
      %dma_start3A_153 = arith.constant 0 : i32
      %dma_start3A_154 = tpu.memref_slice %arg9[%dma_start3A_153] : memref<16777216xf32, #tpu.memory_space<hbm>> -> memref<16777216xf32, #tpu.memory_space<hbm>>
      tpu.enqueue_indirect_dma source(%dma_start3A_154 : memref<16777216xf32, #tpu.memory_space<hbm>>) target(%dma_start3A_149 : memref<128xf32, #tpu.memory_space<vmem>>) offsets(%dma_start3A_152 : memref<128xi32, #tpu.memory_space<vmem>>) semaphore(%arg27 : memref<!tpu.dma_semaphore, #tpu.memory_space<semaphore_mem>>)
      %dma_start3A_155 = arith.constant 10 : i32
      %dma_start3A_156 = arith.constant 10 : i32
      %dma_start3A_157 = arith.constant 0 : i32
      %dma_start3A_158 = tpu.memref_slice %arg25[%dma_start3A_156, %dma_start3A_157] : memref<16x128xf32, #tpu.memory_space<vmem>> -> memref<1x128xf32, #tpu.memory_space<vmem>>
      %dma_start3A_159 = tpu.memref_squeeze %dma_start3A_158 : memref<1x128xf32, #tpu.memory_space<vmem>> -> memref<128xf32, #tpu.memory_space<vmem>>
      %dma_start3A_160 = arith.constant 0 : i32
      %dma_start3A_161 = tpu.memref_slice %arg23[%dma_start3A_155, %dma_start3A_160] : memref<16x128xi32, #tpu.memory_space<vmem>> -> memref<1x128xi32, #tpu.memory_space<vmem>>
      %dma_start3A_162 = tpu.memref_squeeze %dma_start3A_161 : memref<1x128xi32, #tpu.memory_space<vmem>> -> memref<128xi32, #tpu.memory_space<vmem>>
      %dma_start3A_163 = arith.constant 0 : i32
      %dma_start3A_164 = tpu.memref_slice %arg9[%dma_start3A_163] : memref<16777216xf32, #tpu.memory_space<hbm>> -> memref<16777216xf32, #tpu.memory_space<hbm>>
      tpu.enqueue_indirect_dma source(%dma_start3A_164 : memref<16777216xf32, #tpu.memory_space<hbm>>) target(%dma_start3A_159 : memref<128xf32, #tpu.memory_space<vmem>>) offsets(%dma_start3A_162 : memref<128xi32, #tpu.memory_space<vmem>>) semaphore(%arg27 : memref<!tpu.dma_semaphore, #tpu.memory_space<semaphore_mem>>)
      %dma_start3A_165 = arith.constant 11 : i32
      %dma_start3A_166 = arith.constant 11 : i32
      %dma_start3A_167 = arith.constant 0 : i32
      %dma_start3A_168 = tpu.memref_slice %arg25[%dma_start3A_166, %dma_start3A_167] : memref<16x128xf32, #tpu.memory_space<vmem>> -> memref<1x128xf32, #tpu.memory_space<vmem>>
      %dma_start3A_169 = tpu.memref_squeeze %dma_start3A_168 : memref<1x128xf32, #tpu.memory_space<vmem>> -> memref<128xf32, #tpu.memory_space<vmem>>
      %dma_start3A_170 = arith.constant 0 : i32
      %dma_start3A_171 = tpu.memref_slice %arg23[%dma_start3A_165, %dma_start3A_170] : memref<16x128xi32, #tpu.memory_space<vmem>> -> memref<1x128xi32, #tpu.memory_space<vmem>>
      %dma_start3A_172 = tpu.memref_squeeze %dma_start3A_171 : memref<1x128xi32, #tpu.memory_space<vmem>> -> memref<128xi32, #tpu.memory_space<vmem>>
      %dma_start3A_173 = arith.constant 0 : i32
      %dma_start3A_174 = tpu.memref_slice %arg9[%dma_start3A_173] : memref<16777216xf32, #tpu.memory_space<hbm>> -> memref<16777216xf32, #tpu.memory_space<hbm>>
      tpu.enqueue_indirect_dma source(%dma_start3A_174 : memref<16777216xf32, #tpu.memory_space<hbm>>) target(%dma_start3A_169 : memref<128xf32, #tpu.memory_space<vmem>>) offsets(%dma_start3A_172 : memref<128xi32, #tpu.memory_space<vmem>>) semaphore(%arg27 : memref<!tpu.dma_semaphore, #tpu.memory_space<semaphore_mem>>)
      %dma_start3A_175 = arith.constant 12 : i32
      %dma_start3A_176 = arith.constant 12 : i32
      %dma_start3A_177 = arith.constant 0 : i32
      %dma_start3A_178 = tpu.memref_slice %arg25[%dma_start3A_176, %dma_start3A_177] : memref<16x128xf32, #tpu.memory_space<vmem>> -> memref<1x128xf32, #tpu.memory_space<vmem>>
      %dma_start3A_179 = tpu.memref_squeeze %dma_start3A_178 : memref<1x128xf32, #tpu.memory_space<vmem>> -> memref<128xf32, #tpu.memory_space<vmem>>
      %dma_start3A_180 = arith.constant 0 : i32
      %dma_start3A_181 = tpu.memref_slice %arg23[%dma_start3A_175, %dma_start3A_180] : memref<16x128xi32, #tpu.memory_space<vmem>> -> memref<1x128xi32, #tpu.memory_space<vmem>>
      %dma_start3A_182 = tpu.memref_squeeze %dma_start3A_181 : memref<1x128xi32, #tpu.memory_space<vmem>> -> memref<128xi32, #tpu.memory_space<vmem>>
      %dma_start3A_183 = arith.constant 0 : i32
      %dma_start3A_184 = tpu.memref_slice %arg9[%dma_start3A_183] : memref<16777216xf32, #tpu.memory_space<hbm>> -> memref<16777216xf32, #tpu.memory_space<hbm>>
      tpu.enqueue_indirect_dma source(%dma_start3A_184 : memref<16777216xf32, #tpu.memory_space<hbm>>) target(%dma_start3A_179 : memref<128xf32, #tpu.memory_space<vmem>>) offsets(%dma_start3A_182 : memref<128xi32, #tpu.memory_space<vmem>>) semaphore(%arg27 : memref<!tpu.dma_semaphore, #tpu.memory_space<semaphore_mem>>)
      %dma_start3A_185 = arith.constant 13 : i32
      %dma_start3A_186 = arith.constant 13 : i32
      %dma_start3A_187 = arith.constant 0 : i32
      %dma_start3A_188 = tpu.memref_slice %arg25[%dma_start3A_186, %dma_start3A_187] : memref<16x128xf32, #tpu.memory_space<vmem>> -> memref<1x128xf32, #tpu.memory_space<vmem>>
      %dma_start3A_189 = tpu.memref_squeeze %dma_start3A_188 : memref<1x128xf32, #tpu.memory_space<vmem>> -> memref<128xf32, #tpu.memory_space<vmem>>
      %dma_start3A_190 = arith.constant 0 : i32
      %dma_start3A_191 = tpu.memref_slice %arg23[%dma_start3A_185, %dma_start3A_190] : memref<16x128xi32, #tpu.memory_space<vmem>> -> memref<1x128xi32, #tpu.memory_space<vmem>>
      %dma_start3A_192 = tpu.memref_squeeze %dma_start3A_191 : memref<1x128xi32, #tpu.memory_space<vmem>> -> memref<128xi32, #tpu.memory_space<vmem>>
      %dma_start3A_193 = arith.constant 0 : i32
      %dma_start3A_194 = tpu.memref_slice %arg9[%dma_start3A_193] : memref<16777216xf32, #tpu.memory_space<hbm>> -> memref<16777216xf32, #tpu.memory_space<hbm>>
      tpu.enqueue_indirect_dma source(%dma_start3A_194 : memref<16777216xf32, #tpu.memory_space<hbm>>) target(%dma_start3A_189 : memref<128xf32, #tpu.memory_space<vmem>>) offsets(%dma_start3A_192 : memref<128xi32, #tpu.memory_space<vmem>>) semaphore(%arg27 : memref<!tpu.dma_semaphore, #tpu.memory_space<semaphore_mem>>)
      %dma_start3A_195 = arith.constant 14 : i32
      %dma_start3A_196 = arith.constant 14 : i32
      %dma_start3A_197 = arith.constant 0 : i32
      %dma_start3A_198 = tpu.memref_slice %arg25[%dma_start3A_196, %dma_start3A_197] : memref<16x128xf32, #tpu.memory_space<vmem>> -> memref<1x128xf32, #tpu.memory_space<vmem>>
      %dma_start3A_199 = tpu.memref_squeeze %dma_start3A_198 : memref<1x128xf32, #tpu.memory_space<vmem>> -> memref<128xf32, #tpu.memory_space<vmem>>
      %dma_start3A_200 = arith.constant 0 : i32
      %dma_start3A_201 = tpu.memref_slice %arg23[%dma_start3A_195, %dma_start3A_200] : memref<16x128xi32, #tpu.memory_space<vmem>> -> memref<1x128xi32, #tpu.memory_space<vmem>>
      %dma_start3A_202 = tpu.memref_squeeze %dma_start3A_201 : memref<1x128xi32, #tpu.memory_space<vmem>> -> memref<128xi32, #tpu.memory_space<vmem>>
      %dma_start3A_203 = arith.constant 0 : i32
      %dma_start3A_204 = tpu.memref_slice %arg9[%dma_start3A_203] : memref<16777216xf32, #tpu.memory_space<hbm>> -> memref<16777216xf32, #tpu.memory_space<hbm>>
      tpu.enqueue_indirect_dma source(%dma_start3A_204 : memref<16777216xf32, #tpu.memory_space<hbm>>) target(%dma_start3A_199 : memref<128xf32, #tpu.memory_space<vmem>>) offsets(%dma_start3A_202 : memref<128xi32, #tpu.memory_space<vmem>>) semaphore(%arg27 : memref<!tpu.dma_semaphore, #tpu.memory_space<semaphore_mem>>)
      %dma_start3A_205 = arith.constant 15 : i32
      %dma_start3A_206 = arith.constant 15 : i32
      %dma_start3A_207 = arith.constant 0 : i32
      %dma_start3A_208 = tpu.memref_slice %arg25[%dma_start3A_206, %dma_start3A_207] : memref<16x128xf32, #tpu.memory_space<vmem>> -> memref<1x128xf32, #tpu.memory_space<vmem>>
      %dma_start3A_209 = tpu.memref_squeeze %dma_start3A_208 : memref<1x128xf32, #tpu.memory_space<vmem>> -> memref<128xf32, #tpu.memory_space<vmem>>
      %dma_start3A_210 = arith.constant 0 : i32
      %dma_start3A_211 = tpu.memref_slice %arg23[%dma_start3A_205, %dma_start3A_210] : memref<16x128xi32, #tpu.memory_space<vmem>> -> memref<1x128xi32, #tpu.memory_space<vmem>>
      %dma_start3A_212 = tpu.memref_squeeze %dma_start3A_211 : memref<1x128xi32, #tpu.memory_space<vmem>> -> memref<128xi32, #tpu.memory_space<vmem>>
      %dma_start3A_213 = arith.constant 0 : i32
      %dma_start3A_214 = tpu.memref_slice %arg9[%dma_start3A_213] : memref<16777216xf32, #tpu.memory_space<hbm>> -> memref<16777216xf32, #tpu.memory_space<hbm>>
      tpu.enqueue_indirect_dma source(%dma_start3A_214 : memref<16777216xf32, #tpu.memory_space<hbm>>) target(%dma_start3A_209 : memref<128xf32, #tpu.memory_space<vmem>>) offsets(%dma_start3A_212 : memref<128xi32, #tpu.memory_space<vmem>>) semaphore(%arg27 : memref<!tpu.dma_semaphore, #tpu.memory_space<semaphore_mem>>)
      %dma_wait3A = arith.constant 0 : i32
      %dma_wait3A_215 = arith.constant 0 : i32
      %dma_wait3A_216 = arith.constant 0 : i32
      %dma_wait3A_217 = tpu.memref_slice %arg25[%dma_wait3A_215, %dma_wait3A_216] : memref<16x128xf32, #tpu.memory_space<vmem>> -> memref<1x128xf32, #tpu.memory_space<vmem>>
      %dma_wait3A_218 = tpu.memref_squeeze %dma_wait3A_217 : memref<1x128xf32, #tpu.memory_space<vmem>> -> memref<128xf32, #tpu.memory_space<vmem>>
      %dma_wait3A_219 = arith.constant 0 : i32
      %dma_wait3A_220 = tpu.memref_slice %arg23[%dma_wait3A, %dma_wait3A_219] : memref<16x128xi32, #tpu.memory_space<vmem>> -> memref<1x128xi32, #tpu.memory_space<vmem>>
      %dma_wait3A_221 = tpu.memref_squeeze %dma_wait3A_220 : memref<1x128xi32, #tpu.memory_space<vmem>> -> memref<128xi32, #tpu.memory_space<vmem>>
      %dma_wait3A_222 = arith.constant 0 : i32
      %dma_wait3A_223 = tpu.memref_slice %arg9[%dma_wait3A_222] : memref<16777216xf32, #tpu.memory_space<hbm>> -> memref<16777216xf32, #tpu.memory_space<hbm>>
      tpu.wait_indirect_dma semaphore(%arg27 : memref<!tpu.dma_semaphore, #tpu.memory_space<semaphore_mem>>) src(%dma_wait3A_223 : memref<16777216xf32, #tpu.memory_space<hbm>>) dst(%dma_wait3A_218 : memref<128xf32, #tpu.memory_space<vmem>>)
      %dma_wait3A_224 = arith.constant 1 : i32
      %dma_wait3A_225 = arith.constant 1 : i32
      %dma_wait3A_226 = arith.constant 0 : i32
      %dma_wait3A_227 = tpu.memref_slice %arg25[%dma_wait3A_225, %dma_wait3A_226] : memref<16x128xf32, #tpu.memory_space<vmem>> -> memref<1x128xf32, #tpu.memory_space<vmem>>
      %dma_wait3A_228 = tpu.memref_squeeze %dma_wait3A_227 : memref<1x128xf32, #tpu.memory_space<vmem>> -> memref<128xf32, #tpu.memory_space<vmem>>
      %dma_wait3A_229 = arith.constant 0 : i32
      %dma_wait3A_230 = tpu.memref_slice %arg23[%dma_wait3A_224, %dma_wait3A_229] : memref<16x128xi32, #tpu.memory_space<vmem>> -> memref<1x128xi32, #tpu.memory_space<vmem>>
      %dma_wait3A_231 = tpu.memref_squeeze %dma_wait3A_230 : memref<1x128xi32, #tpu.memory_space<vmem>> -> memref<128xi32, #tpu.memory_space<vmem>>
      %dma_wait3A_232 = arith.constant 0 : i32
      %dma_wait3A_233 = tpu.memref_slice %arg9[%dma_wait3A_232] : memref<16777216xf32, #tpu.memory_space<hbm>> -> memref<16777216xf32, #tpu.memory_space<hbm>>
      tpu.wait_indirect_dma semaphore(%arg27 : memref<!tpu.dma_semaphore, #tpu.memory_space<semaphore_mem>>) src(%dma_wait3A_233 : memref<16777216xf32, #tpu.memory_space<hbm>>) dst(%dma_wait3A_228 : memref<128xf32, #tpu.memory_space<vmem>>)
      %dma_wait3A_234 = arith.constant 2 : i32
      %dma_wait3A_235 = arith.constant 2 : i32
      %dma_wait3A_236 = arith.constant 0 : i32
      %dma_wait3A_237 = tpu.memref_slice %arg25[%dma_wait3A_235, %dma_wait3A_236] : memref<16x128xf32, #tpu.memory_space<vmem>> -> memref<1x128xf32, #tpu.memory_space<vmem>>
      %dma_wait3A_238 = tpu.memref_squeeze %dma_wait3A_237 : memref<1x128xf32, #tpu.memory_space<vmem>> -> memref<128xf32, #tpu.memory_space<vmem>>
      %dma_wait3A_239 = arith.constant 0 : i32
      %dma_wait3A_240 = tpu.memref_slice %arg23[%dma_wait3A_234, %dma_wait3A_239] : memref<16x128xi32, #tpu.memory_space<vmem>> -> memref<1x128xi32, #tpu.memory_space<vmem>>
      %dma_wait3A_241 = tpu.memref_squeeze %dma_wait3A_240 : memref<1x128xi32, #tpu.memory_space<vmem>> -> memref<128xi32, #tpu.memory_space<vmem>>
      %dma_wait3A_242 = arith.constant 0 : i32
      %dma_wait3A_243 = tpu.memref_slice %arg9[%dma_wait3A_242] : memref<16777216xf32, #tpu.memory_space<hbm>> -> memref<16777216xf32, #tpu.memory_space<hbm>>
      tpu.wait_indirect_dma semaphore(%arg27 : memref<!tpu.dma_semaphore, #tpu.memory_space<semaphore_mem>>) src(%dma_wait3A_243 : memref<16777216xf32, #tpu.memory_space<hbm>>) dst(%dma_wait3A_238 : memref<128xf32, #tpu.memory_space<vmem>>)
      %dma_wait3A_244 = arith.constant 3 : i32
      %dma_wait3A_245 = arith.constant 3 : i32
      %dma_wait3A_246 = arith.constant 0 : i32
      %dma_wait3A_247 = tpu.memref_slice %arg25[%dma_wait3A_245, %dma_wait3A_246] : memref<16x128xf32, #tpu.memory_space<vmem>> -> memref<1x128xf32, #tpu.memory_space<vmem>>
      %dma_wait3A_248 = tpu.memref_squeeze %dma_wait3A_247 : memref<1x128xf32, #tpu.memory_space<vmem>> -> memref<128xf32, #tpu.memory_space<vmem>>
      %dma_wait3A_249 = arith.constant 0 : i32
      %dma_wait3A_250 = tpu.memref_slice %arg23[%dma_wait3A_244, %dma_wait3A_249] : memref<16x128xi32, #tpu.memory_space<vmem>> -> memref<1x128xi32, #tpu.memory_space<vmem>>
      %dma_wait3A_251 = tpu.memref_squeeze %dma_wait3A_250 : memref<1x128xi32, #tpu.memory_space<vmem>> -> memref<128xi32, #tpu.memory_space<vmem>>
      %dma_wait3A_252 = arith.constant 0 : i32
      %dma_wait3A_253 = tpu.memref_slice %arg9[%dma_wait3A_252] : memref<16777216xf32, #tpu.memory_space<hbm>> -> memref<16777216xf32, #tpu.memory_space<hbm>>
      tpu.wait_indirect_dma semaphore(%arg27 : memref<!tpu.dma_semaphore, #tpu.memory_space<semaphore_mem>>) src(%dma_wait3A_253 : memref<16777216xf32, #tpu.memory_space<hbm>>) dst(%dma_wait3A_248 : memref<128xf32, #tpu.memory_space<vmem>>)
      %dma_wait3A_254 = arith.constant 4 : i32
      %dma_wait3A_255 = arith.constant 4 : i32
      %dma_wait3A_256 = arith.constant 0 : i32
      %dma_wait3A_257 = tpu.memref_slice %arg25[%dma_wait3A_255, %dma_wait3A_256] : memref<16x128xf32, #tpu.memory_space<vmem>> -> memref<1x128xf32, #tpu.memory_space<vmem>>
      %dma_wait3A_258 = tpu.memref_squeeze %dma_wait3A_257 : memref<1x128xf32, #tpu.memory_space<vmem>> -> memref<128xf32, #tpu.memory_space<vmem>>
      %dma_wait3A_259 = arith.constant 0 : i32
      %dma_wait3A_260 = tpu.memref_slice %arg23[%dma_wait3A_254, %dma_wait3A_259] : memref<16x128xi32, #tpu.memory_space<vmem>> -> memref<1x128xi32, #tpu.memory_space<vmem>>
      %dma_wait3A_261 = tpu.memref_squeeze %dma_wait3A_260 : memref<1x128xi32, #tpu.memory_space<vmem>> -> memref<128xi32, #tpu.memory_space<vmem>>
      %dma_wait3A_262 = arith.constant 0 : i32
      %dma_wait3A_263 = tpu.memref_slice %arg9[%dma_wait3A_262] : memref<16777216xf32, #tpu.memory_space<hbm>> -> memref<16777216xf32, #tpu.memory_space<hbm>>
      tpu.wait_indirect_dma semaphore(%arg27 : memref<!tpu.dma_semaphore, #tpu.memory_space<semaphore_mem>>) src(%dma_wait3A_263 : memref<16777216xf32, #tpu.memory_space<hbm>>) dst(%dma_wait3A_258 : memref<128xf32, #tpu.memory_space<vmem>>)
      %dma_wait3A_264 = arith.constant 5 : i32
      %dma_wait3A_265 = arith.constant 5 : i32
      %dma_wait3A_266 = arith.constant 0 : i32
      %dma_wait3A_267 = tpu.memref_slice %arg25[%dma_wait3A_265, %dma_wait3A_266] : memref<16x128xf32, #tpu.memory_space<vmem>> -> memref<1x128xf32, #tpu.memory_space<vmem>>
      %dma_wait3A_268 = tpu.memref_squeeze %dma_wait3A_267 : memref<1x128xf32, #tpu.memory_space<vmem>> -> memref<128xf32, #tpu.memory_space<vmem>>
      %dma_wait3A_269 = arith.constant 0 : i32
      %dma_wait3A_270 = tpu.memref_slice %arg23[%dma_wait3A_264, %dma_wait3A_269] : memref<16x128xi32, #tpu.memory_space<vmem>> -> memref<1x128xi32, #tpu.memory_space<vmem>>
      %dma_wait3A_271 = tpu.memref_squeeze %dma_wait3A_270 : memref<1x128xi32, #tpu.memory_space<vmem>> -> memref<128xi32, #tpu.memory_space<vmem>>
      %dma_wait3A_272 = arith.constant 0 : i32
      %dma_wait3A_273 = tpu.memref_slice %arg9[%dma_wait3A_272] : memref<16777216xf32, #tpu.memory_space<hbm>> -> memref<16777216xf32, #tpu.memory_space<hbm>>
      tpu.wait_indirect_dma semaphore(%arg27 : memref<!tpu.dma_semaphore, #tpu.memory_space<semaphore_mem>>) src(%dma_wait3A_273 : memref<16777216xf32, #tpu.memory_space<hbm>>) dst(%dma_wait3A_268 : memref<128xf32, #tpu.memory_space<vmem>>)
      %dma_wait3A_274 = arith.constant 6 : i32
      %dma_wait3A_275 = arith.constant 6 : i32
      %dma_wait3A_276 = arith.constant 0 : i32
      %dma_wait3A_277 = tpu.memref_slice %arg25[%dma_wait3A_275, %dma_wait3A_276] : memref<16x128xf32, #tpu.memory_space<vmem>> -> memref<1x128xf32, #tpu.memory_space<vmem>>
      %dma_wait3A_278 = tpu.memref_squeeze %dma_wait3A_277 : memref<1x128xf32, #tpu.memory_space<vmem>> -> memref<128xf32, #tpu.memory_space<vmem>>
      %dma_wait3A_279 = arith.constant 0 : i32
      %dma_wait3A_280 = tpu.memref_slice %arg23[%dma_wait3A_274, %dma_wait3A_279] : memref<16x128xi32, #tpu.memory_space<vmem>> -> memref<1x128xi32, #tpu.memory_space<vmem>>
      %dma_wait3A_281 = tpu.memref_squeeze %dma_wait3A_280 : memref<1x128xi32, #tpu.memory_space<vmem>> -> memref<128xi32, #tpu.memory_space<vmem>>
      %dma_wait3A_282 = arith.constant 0 : i32
      %dma_wait3A_283 = tpu.memref_slice %arg9[%dma_wait3A_282] : memref<16777216xf32, #tpu.memory_space<hbm>> -> memref<16777216xf32, #tpu.memory_space<hbm>>
      tpu.wait_indirect_dma semaphore(%arg27 : memref<!tpu.dma_semaphore, #tpu.memory_space<semaphore_mem>>) src(%dma_wait3A_283 : memref<16777216xf32, #tpu.memory_space<hbm>>) dst(%dma_wait3A_278 : memref<128xf32, #tpu.memory_space<vmem>>)
      %dma_wait3A_284 = arith.constant 7 : i32
      %dma_wait3A_285 = arith.constant 7 : i32
      %dma_wait3A_286 = arith.constant 0 : i32
      %dma_wait3A_287 = tpu.memref_slice %arg25[%dma_wait3A_285, %dma_wait3A_286] : memref<16x128xf32, #tpu.memory_space<vmem>> -> memref<1x128xf32, #tpu.memory_space<vmem>>
      %dma_wait3A_288 = tpu.memref_squeeze %dma_wait3A_287 : memref<1x128xf32, #tpu.memory_space<vmem>> -> memref<128xf32, #tpu.memory_space<vmem>>
      %dma_wait3A_289 = arith.constant 0 : i32
      %dma_wait3A_290 = tpu.memref_slice %arg23[%dma_wait3A_284, %dma_wait3A_289] : memref<16x128xi32, #tpu.memory_space<vmem>> -> memref<1x128xi32, #tpu.memory_space<vmem>>
      %dma_wait3A_291 = tpu.memref_squeeze %dma_wait3A_290 : memref<1x128xi32, #tpu.memory_space<vmem>> -> memref<128xi32, #tpu.memory_space<vmem>>
      %dma_wait3A_292 = arith.constant 0 : i32
      %dma_wait3A_293 = tpu.memref_slice %arg9[%dma_wait3A_292] : memref<16777216xf32, #tpu.memory_space<hbm>> -> memref<16777216xf32, #tpu.memory_space<hbm>>
      tpu.wait_indirect_dma semaphore(%arg27 : memref<!tpu.dma_semaphore, #tpu.memory_space<semaphore_mem>>) src(%dma_wait3A_293 : memref<16777216xf32, #tpu.memory_space<hbm>>) dst(%dma_wait3A_288 : memref<128xf32, #tpu.memory_space<vmem>>)
      %dma_wait3A_294 = arith.constant 8 : i32
      %dma_wait3A_295 = arith.constant 8 : i32
      %dma_wait3A_296 = arith.constant 0 : i32
      %dma_wait3A_297 = tpu.memref_slice %arg25[%dma_wait3A_295, %dma_wait3A_296] : memref<16x128xf32, #tpu.memory_space<vmem>> -> memref<1x128xf32, #tpu.memory_space<vmem>>
      %dma_wait3A_298 = tpu.memref_squeeze %dma_wait3A_297 : memref<1x128xf32, #tpu.memory_space<vmem>> -> memref<128xf32, #tpu.memory_space<vmem>>
      %dma_wait3A_299 = arith.constant 0 : i32
      %dma_wait3A_300 = tpu.memref_slice %arg23[%dma_wait3A_294, %dma_wait3A_299] : memref<16x128xi32, #tpu.memory_space<vmem>> -> memref<1x128xi32, #tpu.memory_space<vmem>>
      %dma_wait3A_301 = tpu.memref_squeeze %dma_wait3A_300 : memref<1x128xi32, #tpu.memory_space<vmem>> -> memref<128xi32, #tpu.memory_space<vmem>>
      %dma_wait3A_302 = arith.constant 0 : i32
      %dma_wait3A_303 = tpu.memref_slice %arg9[%dma_wait3A_302] : memref<16777216xf32, #tpu.memory_space<hbm>> -> memref<16777216xf32, #tpu.memory_space<hbm>>
      tpu.wait_indirect_dma semaphore(%arg27 : memref<!tpu.dma_semaphore, #tpu.memory_space<semaphore_mem>>) src(%dma_wait3A_303 : memref<16777216xf32, #tpu.memory_space<hbm>>) dst(%dma_wait3A_298 : memref<128xf32, #tpu.memory_space<vmem>>)
      %dma_wait3A_304 = arith.constant 9 : i32
      %dma_wait3A_305 = arith.constant 9 : i32
      %dma_wait3A_306 = arith.constant 0 : i32
      %dma_wait3A_307 = tpu.memref_slice %arg25[%dma_wait3A_305, %dma_wait3A_306] : memref<16x128xf32, #tpu.memory_space<vmem>> -> memref<1x128xf32, #tpu.memory_space<vmem>>
      %dma_wait3A_308 = tpu.memref_squeeze %dma_wait3A_307 : memref<1x128xf32, #tpu.memory_space<vmem>> -> memref<128xf32, #tpu.memory_space<vmem>>
      %dma_wait3A_309 = arith.constant 0 : i32
      %dma_wait3A_310 = tpu.memref_slice %arg23[%dma_wait3A_304, %dma_wait3A_309] : memref<16x128xi32, #tpu.memory_space<vmem>> -> memref<1x128xi32, #tpu.memory_space<vmem>>
      %dma_wait3A_311 = tpu.memref_squeeze %dma_wait3A_310 : memref<1x128xi32, #tpu.memory_space<vmem>> -> memref<128xi32, #tpu.memory_space<vmem>>
      %dma_wait3A_312 = arith.constant 0 : i32
      %dma_wait3A_313 = tpu.memref_slice %arg9[%dma_wait3A_312] : memref<16777216xf32, #tpu.memory_space<hbm>> -> memref<16777216xf32, #tpu.memory_space<hbm>>
      tpu.wait_indirect_dma semaphore(%arg27 : memref<!tpu.dma_semaphore, #tpu.memory_space<semaphore_mem>>) src(%dma_wait3A_313 : memref<16777216xf32, #tpu.memory_space<hbm>>) dst(%dma_wait3A_308 : memref<128xf32, #tpu.memory_space<vmem>>)
      %dma_wait3A_314 = arith.constant 10 : i32
      %dma_wait3A_315 = arith.constant 10 : i32
      %dma_wait3A_316 = arith.constant 0 : i32
      %dma_wait3A_317 = tpu.memref_slice %arg25[%dma_wait3A_315, %dma_wait3A_316] : memref<16x128xf32, #tpu.memory_space<vmem>> -> memref<1x128xf32, #tpu.memory_space<vmem>>
      %dma_wait3A_318 = tpu.memref_squeeze %dma_wait3A_317 : memref<1x128xf32, #tpu.memory_space<vmem>> -> memref<128xf32, #tpu.memory_space<vmem>>
      %dma_wait3A_319 = arith.constant 0 : i32
      %dma_wait3A_320 = tpu.memref_slice %arg23[%dma_wait3A_314, %dma_wait3A_319] : memref<16x128xi32, #tpu.memory_space<vmem>> -> memref<1x128xi32, #tpu.memory_space<vmem>>
      %dma_wait3A_321 = tpu.memref_squeeze %dma_wait3A_320 : memref<1x128xi32, #tpu.memory_space<vmem>> -> memref<128xi32, #tpu.memory_space<vmem>>
      %dma_wait3A_322 = arith.constant 0 : i32
      %dma_wait3A_323 = tpu.memref_slice %arg9[%dma_wait3A_322] : memref<16777216xf32, #tpu.memory_space<hbm>> -> memref<16777216xf32, #tpu.memory_space<hbm>>
      tpu.wait_indirect_dma semaphore(%arg27 : memref<!tpu.dma_semaphore, #tpu.memory_space<semaphore_mem>>) src(%dma_wait3A_323 : memref<16777216xf32, #tpu.memory_space<hbm>>) dst(%dma_wait3A_318 : memref<128xf32, #tpu.memory_space<vmem>>)
      %dma_wait3A_324 = arith.constant 11 : i32
      %dma_wait3A_325 = arith.constant 11 : i32
      %dma_wait3A_326 = arith.constant 0 : i32
      %dma_wait3A_327 = tpu.memref_slice %arg25[%dma_wait3A_325, %dma_wait3A_326] : memref<16x128xf32, #tpu.memory_space<vmem>> -> memref<1x128xf32, #tpu.memory_space<vmem>>
      %dma_wait3A_328 = tpu.memref_squeeze %dma_wait3A_327 : memref<1x128xf32, #tpu.memory_space<vmem>> -> memref<128xf32, #tpu.memory_space<vmem>>
      %dma_wait3A_329 = arith.constant 0 : i32
      %dma_wait3A_330 = tpu.memref_slice %arg23[%dma_wait3A_324, %dma_wait3A_329] : memref<16x128xi32, #tpu.memory_space<vmem>> -> memref<1x128xi32, #tpu.memory_space<vmem>>
      %dma_wait3A_331 = tpu.memref_squeeze %dma_wait3A_330 : memref<1x128xi32, #tpu.memory_space<vmem>> -> memref<128xi32, #tpu.memory_space<vmem>>
      %dma_wait3A_332 = arith.constant 0 : i32
      %dma_wait3A_333 = tpu.memref_slice %arg9[%dma_wait3A_332] : memref<16777216xf32, #tpu.memory_space<hbm>> -> memref<16777216xf32, #tpu.memory_space<hbm>>
      tpu.wait_indirect_dma semaphore(%arg27 : memref<!tpu.dma_semaphore, #tpu.memory_space<semaphore_mem>>) src(%dma_wait3A_333 : memref<16777216xf32, #tpu.memory_space<hbm>>) dst(%dma_wait3A_328 : memref<128xf32, #tpu.memory_space<vmem>>)
      %dma_wait3A_334 = arith.constant 12 : i32
      %dma_wait3A_335 = arith.constant 12 : i32
      %dma_wait3A_336 = arith.constant 0 : i32
      %dma_wait3A_337 = tpu.memref_slice %arg25[%dma_wait3A_335, %dma_wait3A_336] : memref<16x128xf32, #tpu.memory_space<vmem>> -> memref<1x128xf32, #tpu.memory_space<vmem>>
      %dma_wait3A_338 = tpu.memref_squeeze %dma_wait3A_337 : memref<1x128xf32, #tpu.memory_space<vmem>> -> memref<128xf32, #tpu.memory_space<vmem>>
      %dma_wait3A_339 = arith.constant 0 : i32
      %dma_wait3A_340 = tpu.memref_slice %arg23[%dma_wait3A_334, %dma_wait3A_339] : memref<16x128xi32, #tpu.memory_space<vmem>> -> memref<1x128xi32, #tpu.memory_space<vmem>>
      %dma_wait3A_341 = tpu.memref_squeeze %dma_wait3A_340 : memref<1x128xi32, #tpu.memory_space<vmem>> -> memref<128xi32, #tpu.memory_space<vmem>>
      %dma_wait3A_342 = arith.constant 0 : i32
      %dma_wait3A_343 = tpu.memref_slice %arg9[%dma_wait3A_342] : memref<16777216xf32, #tpu.memory_space<hbm>> -> memref<16777216xf32, #tpu.memory_space<hbm>>
      tpu.wait_indirect_dma semaphore(%arg27 : memref<!tpu.dma_semaphore, #tpu.memory_space<semaphore_mem>>) src(%dma_wait3A_343 : memref<16777216xf32, #tpu.memory_space<hbm>>) dst(%dma_wait3A_338 : memref<128xf32, #tpu.memory_space<vmem>>)
      %dma_wait3A_344 = arith.constant 13 : i32
      %dma_wait3A_345 = arith.constant 13 : i32
      %dma_wait3A_346 = arith.constant 0 : i32
      %dma_wait3A_347 = tpu.memref_slice %arg25[%dma_wait3A_345, %dma_wait3A_346] : memref<16x128xf32, #tpu.memory_space<vmem>> -> memref<1x128xf32, #tpu.memory_space<vmem>>
      %dma_wait3A_348 = tpu.memref_squeeze %dma_wait3A_347 : memref<1x128xf32, #tpu.memory_space<vmem>> -> memref<128xf32, #tpu.memory_space<vmem>>
      %dma_wait3A_349 = arith.constant 0 : i32
      %dma_wait3A_350 = tpu.memref_slice %arg23[%dma_wait3A_344, %dma_wait3A_349] : memref<16x128xi32, #tpu.memory_space<vmem>> -> memref<1x128xi32, #tpu.memory_space<vmem>>
      %dma_wait3A_351 = tpu.memref_squeeze %dma_wait3A_350 : memref<1x128xi32, #tpu.memory_space<vmem>> -> memref<128xi32, #tpu.memory_space<vmem>>
      %dma_wait3A_352 = arith.constant 0 : i32
      %dma_wait3A_353 = tpu.memref_slice %arg9[%dma_wait3A_352] : memref<16777216xf32, #tpu.memory_space<hbm>> -> memref<16777216xf32, #tpu.memory_space<hbm>>
      tpu.wait_indirect_dma semaphore(%arg27 : memref<!tpu.dma_semaphore, #tpu.memory_space<semaphore_mem>>) src(%dma_wait3A_353 : memref<16777216xf32, #tpu.memory_space<hbm>>) dst(%dma_wait3A_348 : memref<128xf32, #tpu.memory_space<vmem>>)
      %dma_wait3A_354 = arith.constant 14 : i32
      %dma_wait3A_355 = arith.constant 14 : i32
      %dma_wait3A_356 = arith.constant 0 : i32
      %dma_wait3A_357 = tpu.memref_slice %arg25[%dma_wait3A_355, %dma_wait3A_356] : memref<16x128xf32, #tpu.memory_space<vmem>> -> memref<1x128xf32, #tpu.memory_space<vmem>>
      %dma_wait3A_358 = tpu.memref_squeeze %dma_wait3A_357 : memref<1x128xf32, #tpu.memory_space<vmem>> -> memref<128xf32, #tpu.memory_space<vmem>>
      %dma_wait3A_359 = arith.constant 0 : i32
      %dma_wait3A_360 = tpu.memref_slice %arg23[%dma_wait3A_354, %dma_wait3A_359] : memref<16x128xi32, #tpu.memory_space<vmem>> -> memref<1x128xi32, #tpu.memory_space<vmem>>
      %dma_wait3A_361 = tpu.memref_squeeze %dma_wait3A_360 : memref<1x128xi32, #tpu.memory_space<vmem>> -> memref<128xi32, #tpu.memory_space<vmem>>
      %dma_wait3A_362 = arith.constant 0 : i32
      %dma_wait3A_363 = tpu.memref_slice %arg9[%dma_wait3A_362] : memref<16777216xf32, #tpu.memory_space<hbm>> -> memref<16777216xf32, #tpu.memory_space<hbm>>
      tpu.wait_indirect_dma semaphore(%arg27 : memref<!tpu.dma_semaphore, #tpu.memory_space<semaphore_mem>>) src(%dma_wait3A_363 : memref<16777216xf32, #tpu.memory_space<hbm>>) dst(%dma_wait3A_358 : memref<128xf32, #tpu.memory_space<vmem>>)
      %dma_wait3A_364 = arith.constant 15 : i32
      %dma_wait3A_365 = arith.constant 15 : i32
      %dma_wait3A_366 = arith.constant 0 : i32
      %dma_wait3A_367 = tpu.memref_slice %arg25[%dma_wait3A_365, %dma_wait3A_366] : memref<16x128xf32, #tpu.memory_space<vmem>> -> memref<1x128xf32, #tpu.memory_space<vmem>>
      %dma_wait3A_368 = tpu.memref_squeeze %dma_wait3A_367 : memref<1x128xf32, #tpu.memory_space<vmem>> -> memref<128xf32, #tpu.memory_space<vmem>>
      %dma_wait3A_369 = arith.constant 0 : i32
      %dma_wait3A_370 = tpu.memref_slice %arg23[%dma_wait3A_364, %dma_wait3A_369] : memref<16x128xi32, #tpu.memory_space<vmem>> -> memref<1x128xi32, #tpu.memory_space<vmem>>
      %dma_wait3A_371 = tpu.memref_squeeze %dma_wait3A_370 : memref<1x128xi32, #tpu.memory_space<vmem>> -> memref<128xi32, #tpu.memory_space<vmem>>
      %dma_wait3A_372 = arith.constant 0 : i32
      %dma_wait3A_373 = tpu.memref_slice %arg9[%dma_wait3A_372] : memref<16777216xf32, #tpu.memory_space<hbm>> -> memref<16777216xf32, #tpu.memory_space<hbm>>
      tpu.wait_indirect_dma semaphore(%arg27 : memref<!tpu.dma_semaphore, #tpu.memory_space<semaphore_mem>>) src(%dma_wait3A_373 : memref<16777216xf32, #tpu.memory_space<hbm>>) dst(%dma_wait3A_368 : memref<128xf32, #tpu.memory_space<vmem>>)
      %scan3A_374 = arith.constant 0 : i32
      %scan3A_375 = arith.constant 8 : i32
      %scan3A_376 = arith.addi %scan3A_374, %scan3A_375 : i32
      %scan3A_377 = arith.constant 1 : i32
      %scan3A_378 = scf.for %scan3A_380 = %scan3A_374 to %scan3A_376 step %scan3A_377 iter_args(%scan3A_381 = %scan3A_49) -> (vector<16xf32>)  : i32 {
        %mul3A_382 = arith.constant 16 : i32
        %mul3A_383 = arith.muli %scan3A_380, %mul3A_382 : i32
        %get3A_384 = arith.constant 0 : i32
        %get3A_385 = arith.index_cast %get3A_384 : i32 to index
        %get3A_386 = arith.index_cast %mul3A_383 : i32 to index
        %get3A_387 = tpu.vector_load %arg24[%get3A_385, %get3A_386] {strides = array<i32>} : memref<8x128xf32, #tpu.memory_space<vmem>>, vector<1x16xf32>,
        %get3A_388 = vector.shape_cast %get3A_387 : vector<1x16xf32> to vector<16xf32>
        %get3A_389 = arith.constant 1 : i32
        %get3A_390 = arith.index_cast %get3A_389 : i32 to index
        %get3A_391 = arith.index_cast %mul3A_383 : i32 to index
        %get3A_392 = tpu.vector_load %arg24[%get3A_390, %get3A_391] {strides = array<i32>} : memref<8x128xf32, #tpu.memory_space<vmem>>, vector<1x16xf32>,
        %get3A_393 = vector.shape_cast %get3A_392 : vector<1x16xf32> to vector<16xf32>
        %get3A_394 = arith.constant 2 : i32
        %get3A_395 = arith.index_cast %get3A_394 : i32 to index
        %get3A_396 = arith.index_cast %mul3A_383 : i32 to index
        %get3A_397 = tpu.vector_load %arg24[%get3A_395, %get3A_396] {strides = array<i32>} : memref<8x128xf32, #tpu.memory_space<vmem>>, vector<1x16xf32>,
        %get3A_398 = vector.shape_cast %get3A_397 : vector<1x16xf32> to vector<16xf32>
        %sub3A = arith.constant 1.000000e+00 : f32
        %sub3A_399 = vector.broadcast %sub3A : f32 to vector<16xf32>
        %sub3A_400 = arith.subf %sub3A_399, %get3A_388 : vector<16xf32>
        %sub3A_401 = arith.constant 1.000000e+00 : f32
        %sub3A_402 = vector.broadcast %sub3A_401 : f32 to vector<16xf32>
        %sub3A_403 = arith.subf %sub3A_402, %get3A_393 : vector<16xf32>
        %sub3A_404 = arith.constant 1.000000e+00 : f32
        %sub3A_405 = vector.broadcast %sub3A_404 : f32 to vector<16xf32>
        %sub3A_406 = arith.subf %sub3A_405, %get3A_398 : vector<16xf32>
        %get3A_407 = arith.constant 0 : i32
        %get3A_408 = arith.index_cast %get3A_407 : i32 to index
        %get3A_409 = arith.index_cast %mul3A_383 : i32 to index
        %get3A_410 = tpu.vector_load %arg25[%get3A_408, %get3A_409] {strides = array<i32>} : memref<16x128xf32, #tpu.memory_space<vmem>>, vector<1x16xf32>,
        %get3A_411 = vector.shape_cast %get3A_410 : vector<1x16xf32> to vector<16xf32>
        %mul3A_412 = arith.mulf %get3A_411, %sub3A_400 : vector<16xf32>
        %mul3A_413 = arith.mulf %mul3A_412, %sub3A_403 : vector<16xf32>
        %mul3A_414 = arith.mulf %mul3A_413, %sub3A_406 : vector<16xf32>
        %get3A_415 = arith.constant 1 : i32
        %get3A_416 = arith.index_cast %get3A_415 : i32 to index
        %get3A_417 = arith.index_cast %mul3A_383 : i32 to index
        %get3A_418 = tpu.vector_load %arg25[%get3A_416, %get3A_417] {strides = array<i32>} : memref<16x128xf32, #tpu.memory_space<vmem>>, vector<1x16xf32>,
        %get3A_419 = vector.shape_cast %get3A_418 : vector<1x16xf32> to vector<16xf32>
        %mul3A_420 = arith.mulf %get3A_419, %sub3A_400 : vector<16xf32>
        %mul3A_421 = arith.mulf %mul3A_420, %sub3A_403 : vector<16xf32>
        %mul3A_422 = arith.mulf %mul3A_421, %get3A_398 : vector<16xf32>
        %add3A_423 = arith.addf %mul3A_414, %mul3A_422 : vector<16xf32>
        %get3A_424 = arith.constant 2 : i32
        %get3A_425 = arith.index_cast %get3A_424 : i32 to index
        %get3A_426 = arith.index_cast %mul3A_383 : i32 to index
        %get3A_427 = tpu.vector_load %arg25[%get3A_425, %get3A_426] {strides = array<i32>} : memref<16x128xf32, #tpu.memory_space<vmem>>, vector<1x16xf32>,
        %get3A_428 = vector.shape_cast %get3A_427 : vector<1x16xf32> to vector<16xf32>
        %mul3A_429 = arith.mulf %get3A_428, %sub3A_400 : vector<16xf32>
        %mul3A_430 = arith.mulf %mul3A_429, %get3A_393 : vector<16xf32>
        %mul3A_431 = arith.mulf %mul3A_430, %sub3A_406 : vector<16xf32>
        %add3A_432 = arith.addf %add3A_423, %mul3A_431 : vector<16xf32>
        %get3A_433 = arith.constant 3 : i32
        %get3A_434 = arith.index_cast %get3A_433 : i32 to index
        %get3A_435 = arith.index_cast %mul3A_383 : i32 to index
        %get3A_436 = tpu.vector_load %arg25[%get3A_434, %get3A_435] {strides = array<i32>} : memref<16x128xf32, #tpu.memory_space<vmem>>, vector<1x16xf32>,
        %get3A_437 = vector.shape_cast %get3A_436 : vector<1x16xf32> to vector<16xf32>
        %mul3A_438 = arith.mulf %get3A_437, %sub3A_400 : vector<16xf32>
        %mul3A_439 = arith.mulf %mul3A_438, %get3A_393 : vector<16xf32>
        %mul3A_440 = arith.mulf %mul3A_439, %get3A_398 : vector<16xf32>
        %add3A_441 = arith.addf %add3A_432, %mul3A_440 : vector<16xf32>
        %get3A_442 = arith.constant 4 : i32
        %get3A_443 = arith.index_cast %get3A_442 : i32 to index
        %get3A_444 = arith.index_cast %mul3A_383 : i32 to index
        %get3A_445 = tpu.vector_load %arg25[%get3A_443, %get3A_444] {strides = array<i32>} : memref<16x128xf32, #tpu.memory_space<vmem>>, vector<1x16xf32>,
        %get3A_446 = vector.shape_cast %get3A_445 : vector<1x16xf32> to vector<16xf32>
        %mul3A_447 = arith.mulf %get3A_446, %get3A_388 : vector<16xf32>
        %mul3A_448 = arith.mulf %mul3A_447, %sub3A_403 : vector<16xf32>
        %mul3A_449 = arith.mulf %mul3A_448, %sub3A_406 : vector<16xf32>
        %add3A_450 = arith.addf %add3A_441, %mul3A_449 : vector<16xf32>
        %get3A_451 = arith.constant 5 : i32
        %get3A_452 = arith.index_cast %get3A_451 : i32 to index
        %get3A_453 = arith.index_cast %mul3A_383 : i32 to index
        %get3A_454 = tpu.vector_load %arg25[%get3A_452, %get3A_453] {strides = array<i32>} : memref<16x128xf32, #tpu.memory_space<vmem>>, vector<1x16xf32>,
        %get3A_455 = vector.shape_cast %get3A_454 : vector<1x16xf32> to vector<16xf32>
        %mul3A_456 = arith.mulf %get3A_455, %get3A_388 : vector<16xf32>
        %mul3A_457 = arith.mulf %mul3A_456, %sub3A_403 : vector<16xf32>
        %mul3A_458 = arith.mulf %mul3A_457, %get3A_398 : vector<16xf32>
        %add3A_459 = arith.addf %add3A_450, %mul3A_458 : vector<16xf32>
        %get3A_460 = arith.constant 6 : i32
        %get3A_461 = arith.index_cast %get3A_460 : i32 to index
        %get3A_462 = arith.index_cast %mul3A_383 : i32 to index
        %get3A_463 = tpu.vector_load %arg25[%get3A_461, %get3A_462] {strides = array<i32>} : memref<16x128xf32, #tpu.memory_space<vmem>>, vector<1x16xf32>,
        %get3A_464 = vector.shape_cast %get3A_463 : vector<1x16xf32> to vector<16xf32>
        %mul3A_465 = arith.mulf %get3A_464, %get3A_388 : vector<16xf32>
        %mul3A_466 = arith.mulf %mul3A_465, %get3A_393 : vector<16xf32>
        %mul3A_467 = arith.mulf %mul3A_466, %sub3A_406 : vector<16xf32>
        %add3A_468 = arith.addf %add3A_459, %mul3A_467 : vector<16xf32>
        %get3A_469 = arith.constant 7 : i32
        %get3A_470 = arith.index_cast %get3A_469 : i32 to index
        %get3A_471 = arith.index_cast %mul3A_383 : i32 to index
        %get3A_472 = tpu.vector_load %arg25[%get3A_470, %get3A_471] {strides = array<i32>} : memref<16x128xf32, #tpu.memory_space<vmem>>, vector<1x16xf32>,
        %get3A_473 = vector.shape_cast %get3A_472 : vector<1x16xf32> to vector<16xf32>
        %mul3A_474 = arith.mulf %get3A_473, %get3A_388 : vector<16xf32>
        %mul3A_475 = arith.mulf %mul3A_474, %get3A_393 : vector<16xf32>
        %mul3A_476 = arith.mulf %mul3A_475, %get3A_398 : vector<16xf32>
        %add3A_477 = arith.addf %add3A_468, %mul3A_476 : vector<16xf32>
        %get3A_478 = arith.constant 3 : i32
        %get3A_479 = arith.index_cast %get3A_478 : i32 to index
        %get3A_480 = arith.index_cast %mul3A_383 : i32 to index
        %get3A_481 = tpu.vector_load %arg24[%get3A_479, %get3A_480] {strides = array<i32>} : memref<8x128xf32, #tpu.memory_space<vmem>>, vector<1x16xf32>,
        %get3A_482 = vector.shape_cast %get3A_481 : vector<1x16xf32> to vector<16xf32>
        %get3A_483 = arith.constant 4 : i32
        %get3A_484 = arith.index_cast %get3A_483 : i32 to index
        %get3A_485 = arith.index_cast %mul3A_383 : i32 to index
        %get3A_486 = tpu.vector_load %arg24[%get3A_484, %get3A_485] {strides = array<i32>} : memref<8x128xf32, #tpu.memory_space<vmem>>, vector<1x16xf32>,
        %get3A_487 = vector.shape_cast %get3A_486 : vector<1x16xf32> to vector<16xf32>
        %get3A_488 = arith.constant 5 : i32
        %get3A_489 = arith.index_cast %get3A_488 : i32 to index
        %get3A_490 = arith.index_cast %mul3A_383 : i32 to index
        %get3A_491 = tpu.vector_load %arg24[%get3A_489, %get3A_490] {strides = array<i32>} : memref<8x128xf32, #tpu.memory_space<vmem>>, vector<1x16xf32>,
        %get3A_492 = vector.shape_cast %get3A_491 : vector<1x16xf32> to vector<16xf32>
        %sub3A_493 = arith.constant 1.000000e+00 : f32
        %sub3A_494 = vector.broadcast %sub3A_493 : f32 to vector<16xf32>
        %sub3A_495 = arith.subf %sub3A_494, %get3A_482 : vector<16xf32>
        %sub3A_496 = arith.constant 1.000000e+00 : f32
        %sub3A_497 = vector.broadcast %sub3A_496 : f32 to vector<16xf32>
        %sub3A_498 = arith.subf %sub3A_497, %get3A_487 : vector<16xf32>
        %sub3A_499 = arith.constant 1.000000e+00 : f32
        %sub3A_500 = vector.broadcast %sub3A_499 : f32 to vector<16xf32>
        %sub3A_501 = arith.subf %sub3A_500, %get3A_492 : vector<16xf32>
        %get3A_502 = arith.constant 8 : i32
        %get3A_503 = arith.index_cast %get3A_502 : i32 to index
        %get3A_504 = arith.index_cast %mul3A_383 : i32 to index
        %get3A_505 = tpu.vector_load %arg25[%get3A_503, %get3A_504] {strides = array<i32>} : memref<16x128xf32, #tpu.memory_space<vmem>>, vector<1x16xf32>,
        %get3A_506 = vector.shape_cast %get3A_505 : vector<1x16xf32> to vector<16xf32>
        %mul3A_507 = arith.mulf %get3A_506, %sub3A_495 : vector<16xf32>
        %mul3A_508 = arith.mulf %mul3A_507, %sub3A_498 : vector<16xf32>
        %mul3A_509 = arith.mulf %mul3A_508, %sub3A_501 : vector<16xf32>
        %get3A_510 = arith.constant 9 : i32
        %get3A_511 = arith.index_cast %get3A_510 : i32 to index
        %get3A_512 = arith.index_cast %mul3A_383 : i32 to index
        %get3A_513 = tpu.vector_load %arg25[%get3A_511, %get3A_512] {strides = array<i32>} : memref<16x128xf32, #tpu.memory_space<vmem>>, vector<1x16xf32>,
        %get3A_514 = vector.shape_cast %get3A_513 : vector<1x16xf32> to vector<16xf32>
        %mul3A_515 = arith.mulf %get3A_514, %sub3A_495 : vector<16xf32>
        %mul3A_516 = arith.mulf %mul3A_515, %sub3A_498 : vector<16xf32>
        %mul3A_517 = arith.mulf %mul3A_516, %get3A_492 : vector<16xf32>
        %add3A_518 = arith.addf %mul3A_509, %mul3A_517 : vector<16xf32>
        %get3A_519 = arith.constant 10 : i32
        %get3A_520 = arith.index_cast %get3A_519 : i32 to index
        %get3A_521 = arith.index_cast %mul3A_383 : i32 to index
        %get3A_522 = tpu.vector_load %arg25[%get3A_520, %get3A_521] {strides = array<i32>} : memref<16x128xf32, #tpu.memory_space<vmem>>, vector<1x16xf32>,
        %get3A_523 = vector.shape_cast %get3A_522 : vector<1x16xf32> to vector<16xf32>
        %mul3A_524 = arith.mulf %get3A_523, %sub3A_495 : vector<16xf32>
        %mul3A_525 = arith.mulf %mul3A_524, %get3A_487 : vector<16xf32>
        %mul3A_526 = arith.mulf %mul3A_525, %sub3A_501 : vector<16xf32>
        %add3A_527 = arith.addf %add3A_518, %mul3A_526 : vector<16xf32>
        %get3A_528 = arith.constant 11 : i32
        %get3A_529 = arith.index_cast %get3A_528 : i32 to index
        %get3A_530 = arith.index_cast %mul3A_383 : i32 to index
        %get3A_531 = tpu.vector_load %arg25[%get3A_529, %get3A_530] {strides = array<i32>} : memref<16x128xf32, #tpu.memory_space<vmem>>, vector<1x16xf32>,
        %get3A_532 = vector.shape_cast %get3A_531 : vector<1x16xf32> to vector<16xf32>
        %mul3A_533 = arith.mulf %get3A_532, %sub3A_495 : vector<16xf32>
        %mul3A_534 = arith.mulf %mul3A_533, %get3A_487 : vector<16xf32>
        %mul3A_535 = arith.mulf %mul3A_534, %get3A_492 : vector<16xf32>
        %add3A_536 = arith.addf %add3A_527, %mul3A_535 : vector<16xf32>
        %get3A_537 = arith.constant 12 : i32
        %get3A_538 = arith.index_cast %get3A_537 : i32 to index
        %get3A_539 = arith.index_cast %mul3A_383 : i32 to index
        %get3A_540 = tpu.vector_load %arg25[%get3A_538, %get3A_539] {strides = array<i32>} : memref<16x128xf32, #tpu.memory_space<vmem>>, vector<1x16xf32>,
        %get3A_541 = vector.shape_cast %get3A_540 : vector<1x16xf32> to vector<16xf32>
        %mul3A_542 = arith.mulf %get3A_541, %get3A_482 : vector<16xf32>
        %mul3A_543 = arith.mulf %mul3A_542, %sub3A_498 : vector<16xf32>
        %mul3A_544 = arith.mulf %mul3A_543, %sub3A_501 : vector<16xf32>
        %add3A_545 = arith.addf %add3A_536, %mul3A_544 : vector<16xf32>
        %get3A_546 = arith.constant 13 : i32
        %get3A_547 = arith.index_cast %get3A_546 : i32 to index
        %get3A_548 = arith.index_cast %mul3A_383 : i32 to index
        %get3A_549 = tpu.vector_load %arg25[%get3A_547, %get3A_548] {strides = array<i32>} : memref<16x128xf32, #tpu.memory_space<vmem>>, vector<1x16xf32>,
        %get3A_550 = vector.shape_cast %get3A_549 : vector<1x16xf32> to vector<16xf32>
        %mul3A_551 = arith.mulf %get3A_550, %get3A_482 : vector<16xf32>
        %mul3A_552 = arith.mulf %mul3A_551, %sub3A_498 : vector<16xf32>
        %mul3A_553 = arith.mulf %mul3A_552, %get3A_492 : vector<16xf32>
        %add3A_554 = arith.addf %add3A_545, %mul3A_553 : vector<16xf32>
        %get3A_555 = arith.constant 14 : i32
        %get3A_556 = arith.index_cast %get3A_555 : i32 to index
        %get3A_557 = arith.index_cast %mul3A_383 : i32 to index
        %get3A_558 = tpu.vector_load %arg25[%get3A_556, %get3A_557] {strides = array<i32>} : memref<16x128xf32, #tpu.memory_space<vmem>>, vector<1x16xf32>,
        %get3A_559 = vector.shape_cast %get3A_558 : vector<1x16xf32> to vector<16xf32>
        %mul3A_560 = arith.mulf %get3A_559, %get3A_482 : vector<16xf32>
        %mul3A_561 = arith.mulf %mul3A_560, %get3A_487 : vector<16xf32>
        %mul3A_562 = arith.mulf %mul3A_561, %sub3A_501 : vector<16xf32>
        %add3A_563 = arith.addf %add3A_554, %mul3A_562 : vector<16xf32>
        %get3A_564 = arith.constant 15 : i32
        %get3A_565 = arith.index_cast %get3A_564 : i32 to index
        %get3A_566 = arith.index_cast %mul3A_383 : i32 to index
        %get3A_567 = tpu.vector_load %arg25[%get3A_565, %get3A_566] {strides = array<i32>} : memref<16x128xf32, #tpu.memory_space<vmem>>, vector<1x16xf32>,
        %get3A_568 = vector.shape_cast %get3A_567 : vector<1x16xf32> to vector<16xf32>
        %mul3A_569 = arith.mulf %get3A_568, %get3A_482 : vector<16xf32>
        %mul3A_570 = arith.mulf %mul3A_569, %get3A_487 : vector<16xf32>
        %mul3A_571 = arith.mulf %mul3A_570, %get3A_492 : vector<16xf32>
        %add3A_572 = arith.addf %add3A_563, %mul3A_571 : vector<16xf32>
        %sub3A_573 = arith.subf %add3A_572, %add3A_477 : vector<16xf32>
        %mul3A_574 = arith.constant 1.000000e+02 : f32
        %mul3A_575 = vector.broadcast %mul3A_574 : f32 to vector<16xf32>
        %mul3A_576 = arith.mulf %mul3A_575, %sub3A_573 : vector<16xf32>
        %add3A_577 = arith.addf %add3A_572, %add3A_477 : vector<16xf32>
        %mul3A_578 = arith.constant 5.000000e-01 : f32
        %mul3A_579 = vector.broadcast %mul3A_578 : f32 to vector<16xf32>
        %mul3A_580 = arith.mulf %mul3A_579, %add3A_577 : vector<16xf32>
        %add3A_581 = arith.constant 9.99999997E-7 : f32
        %add3A_582 = vector.broadcast %add3A_581 : f32 to vector<16xf32>
        %add3A_583 = arith.addf %mul3A_580, %add3A_582 : vector<16xf32>
        %div3A = arith.divf %mul3A_576, %add3A_583 : vector<16xf32>
        %exp3A = math.exp %div3A : vector<16xf32>
        %add3A_584 = arith.constant 1.000000e+00 : f32
        %add3A_585 = vector.broadcast %add3A_584 : f32 to vector<16xf32>
        %add3A_586 = arith.addf %exp3A, %add3A_585 : vector<16xf32>
        %div3A_587 = arith.constant 2.000000e+00 : f32
        %div3A_588 = vector.broadcast %div3A_587 : f32 to vector<16xf32>
        %div3A_589 = arith.divf %div3A_588, %add3A_586 : vector<16xf32>
        %sub3A_590 = arith.constant 2.000000e+00 : f32
        %sub3A_591 = vector.broadcast %sub3A_590 : f32 to vector<16xf32>
        %sub3A_592 = arith.subf %sub3A_591, %div3A_589 : vector<16xf32>
        %mul3A_593 = arith.constant 128 : i32
        %mul3A_594 = arith.muli %scan3A_48, %mul3A_593 : i32
        %add3A_595 = arith.addi %mul3A_2, %mul3A_594 : i32
        %mul3A_596 = arith.constant 16 : i32
        %mul3A_597 = arith.muli %scan3A_380, %mul3A_596 : i32
        %add3A_598 = arith.addi %add3A_595, %mul3A_597 : i32
        %add3A_599 = vector.broadcast %add3A_598 : i32 to vector<16xi32>
        %add3A_600 = arith.addi %add3A_599, %iota3A : vector<16xi32>
        %lt3A = arith.constant 150000 : i32
        %lt3A_601 = vector.broadcast %lt3A : i32 to vector<16xi32>
        %lt3A_602 = arith.cmpi slt, %add3A_600, %lt3A_601 : vector<16xi32>
        %jit3A = arith.constant 0.000000e+00 : f32
        %broadcast_in_dim3A_603 = vector.broadcast %jit3A : f32 to vector<16xf32>
        %select_n3A = arith.select %lt3A_602, %sub3A_592, %broadcast_in_dim3A_603 : vector<16xi1>, vector<16xf32>
        %add3A_604 = arith.addf %scan3A_381, %select_n3A : vector<16xf32>
        scf.yield %add3A_604 : vector<16xf32>
      }
      %scan3A_379 = arith.constant 8 : i32
      scf.yield %scan3A_378 : vector<16xf32>
    }
    %scan3A_44 = arith.constant 37 : i32
    %swap3A = arith.constant 0 : index
    %swap3A_45 = tpu.vector_load %arg26[%swap3A] {strides = array<i32>} : memref<16xf32, #tpu.memory_space<vmem>>, vector<16xf32>,
    %swap3A_46 = vector.shape_cast %swap3A_45 : vector<16xf32> to vector<16xf32>
    %swap3A_47 = vector.shape_cast %scan3A_43 : vector<16xf32> to vector<16xf32>
    tpu.vector_store %arg26[%swap3A], %swap3A_47 {strides = array<i32>} : memref<16xf32, #tpu.memory_space<vmem>>, vector<16xf32>,
    "tpu.region"() ({
      %run_scoped3A_48 = tpu.sem_alloc : memref<!tpu.dma_semaphore, #tpu.memory_space<semaphore_mem>>
      %dma_start3A = arith.constant 0 : i32
      %dma_start3A_49 = tpu.memref_slice %arg11[%add3A, %dma_start3A] : memref<32x16xf32, #tpu.memory_space<hbm>> -> memref<1x16xf32, #tpu.memory_space<hbm>>
      %dma_start3A_50 = tpu.memref_squeeze %dma_start3A_49 : memref<1x16xf32, #tpu.memory_space<hbm>> -> memref<16xf32, #tpu.memory_space<hbm>>
      %dma_start3A_51 = arith.constant 0 : i32
      %dma_start3A_52 = tpu.memref_slice %arg11[%add3A, %dma_start3A_51] : memref<32x16xf32, #tpu.memory_space<hbm>> -> memref<1x16xf32, #tpu.memory_space<hbm>>
      %dma_start3A_53 = tpu.memref_squeeze %dma_start3A_52 : memref<1x16xf32, #tpu.memory_space<hbm>> -> memref<16xf32, #tpu.memory_space<hbm>>
      tpu.enqueue_dma source(%arg26 : memref<16xf32, #tpu.memory_space<vmem>>) target(%dma_start3A_53 : memref<16xf32, #tpu.memory_space<hbm>>) target_semaphore(%run_scoped3A_48 : memref<!tpu.dma_semaphore, #tpu.memory_space<semaphore_mem>>)
      %dma_wait3A = arith.constant 0 : i32
      %dma_wait3A_54 = tpu.memref_slice %arg11[%add3A, %dma_wait3A] : memref<32x16xf32, #tpu.memory_space<hbm>> -> memref<1x16xf32, #tpu.memory_space<hbm>>
      %dma_wait3A_55 = tpu.memref_squeeze %dma_wait3A_54 : memref<1x16xf32, #tpu.memory_space<hbm>> -> memref<16xf32, #tpu.memory_space<hbm>>
      %dma_wait3A_56 = arith.constant 0 : i32
      %dma_wait3A_57 = tpu.memref_slice %arg11[%add3A, %dma_wait3A_56] : memref<32x16xf32, #tpu.memory_space<hbm>> -> memref<1x16xf32, #tpu.memory_space<hbm>>
      %dma_wait3A_58 = tpu.memref_squeeze %dma_wait3A_57 : memref<1x16xf32, #tpu.memory_space<hbm>> -> memref<16xf32, #tpu.memory_space<hbm>>
      tpu.wait_dma2 semaphore(%run_scoped3A_48 : memref<!tpu.dma_semaphore, #tpu.memory_space<semaphore_mem>>) src(%arg26 : memref<16xf32, #tpu.memory_space<vmem>>) dst(%dma_wait3A_58 : memref<16xf32, #tpu.memory_space<hbm>>)
      tpu.yield
    }) : () -> ()
    return
  }
}

</mosaic_0001>

<sc_bundles>
// kernel: kernel.4.cloned.1.call-start
scs
__scs_entry_jumppad:
0x0: {  	(pc) =	sbr.rel $0x88, $3  }
0x1: {  	(tag) =	ssettag $0x0;
	lr =	simm.s32 $0x1  }
0x2: {  	[smem:$0x3F9B] =	sst lr;
	_ =	strace $0xD0000000  }
0x3: {  	_ = 	snop  }
0x4: {  	_ = 	snop  }
0x5: {  	_ = 	snop  }
0x6: {  	_ = 	snop  }
0x7: {  	_ = 	snop  }
__scs_overlays_trampoline_lowered:
0x8: {  	[smem:$0x3FAA] =	sst s0  }
0x9: {  	[smem:$0x3FAB] =	sst s1  }
0xa: {  	[smem:$0x3FAC] =	sst s2  }
0xb: {  	[smem:$0x3FAD] =	sst s3  }
0xc: {  	[smem:$0x3FAE] =	sst s4  }
0xd: {  	[smem:$0x3FAF] =	sst s5  }
0xe: {  	[smem:$0x3FB0] =	sst s6  }
0xf: {  	[smem:$0x3FB1] =	sst s7  }
0x10: {  	[smem:$0x3FB2] =	sst s8  }
0x11: {  	[smem:$0x3FB3] =	sst s9;
	s0 =	simm.s32 @!p0 $0x0  }
0x12: {  	s1 =	sld [smem:$0x3F99];
	s0 =	simm.s32 @p0 $0x1  }
0x13: {  	[smem:$0x3FB4] =	sst s0;
	s0 =	simm.s32 @!p1 $0x0  }
0x14: {  	s2 =	sld [smem:$0x3F98];
	s0 =	simm.s32 @p1 $0x1  }
0x15: {  	[smem:$0x3FB5] =	sst s0;
	s0 =	simm.s32 @!p2 $0x0  }
0x16: {  	s3 =	sld [smem:$0x3FDB];
	s0 =	simm.s32 @p2 $0x1  }
0x17: {  	s4 =	simm.s32 $0x1BF5;
	[smem:$0x3FB7] =	sst s0  }
0x18: {  	s0 =	sld [smem:$0x3F9A];
	_ =	swait.ge [sflag:s4], $0x0  }
0x19: {  	s7 =	sld [smem:$0x3F9B]  }
0x1a: {  	s8 =	sadd.s32 $0xFFFFE003, lr  }
0x1b: {  	s9 =	sadd.s32 $0xFFFFFEF7, lr;
	s5 =	simm.s32 $0xFFFFFFFF;
	p2 =	slt.u32 s8, $0xFFFFF086  }
0x1c: {  	p1 =	slt.u32 s9, $0xF7A;
	s5 =	simm.s32 @!p2 $0x0  }
0x1d: {  	s5 =	simm.s32 @p1 $0x1;
	p0 =	seq.s32 s7, s2  }
0x1e: {  	s7 =	smul.u32 @!p0 $0xF7A, s2;
	p2 =	seq.s32 @!p0 s5, $0x0  }
0x1f: {  	s9 =	smul.u32 $0xF7A, s1;
	s8 =	simm.s32 @!p0 $0x1BF5;
	p2 =	por !p2, p0  }
0x20: {  	[sflag:s8] =	ssyncset.s32 @!p0 $0xFFFFF086;
	s6 =	sadd.s32 @!p0 s3, s7;
	s7 =	simm.s32 @!p0 $0x108  }
0x21: {  	s3 =	sadd.s32 s3, s9;
	s6 =	sadd.s32 @!p0 $0x88, s6;
	s7 =	simm.s32 @p2 $0x1082  }
0x22: {  	[simem:s7], [sflag:s8] =	dma.local @!p0 [hbm:s6], $0xF7A  }
0x23: {  	s9 =	sor.u32 $0xD0000000, s2;
	s6 =	simm.s32 $0x108;
	_ =	swait.ge @!p0 [sflag:s8], $0x0  }
0x24: {  	s3 =	sadd.s32 $0x88, s3;
	s6 =	simm.s32 @!p1 $0x1082;
	[sflag:s4] =	ssyncset.s32 $0xFFFFF086  }
0x25: {  	[simem:s6], [sflag:s4] =	dma.local [hbm:s3], $0xF7A  }
0x26: {  	[smem:$0x3F9B] =	sst s1;
	(tag) =	ssettag s2;
	_ =	strace s9  }
0x27: {  	s1 =	sld [smem:$0x3FAB]  }
0x28: {  	s2 =	sld [smem:$0x3FAC]  }
0x29: {  	s4 =	sld [smem:$0x3FAE]  }
0x2a: {  	p0 =	seq.s32 s5, $0x0;
	s5 =	sld [smem:$0x3FAF]  }
0x2b: {  	s6 =	sld [smem:$0x3FB0]  }
0x2c: {  	s7 =	sld [smem:$0x3FB1]  }
0x2d: {  	s3 =	simm.s32 $0x108;
	s8 =	sld [smem:$0x3FB2]  }
0x2e: {  	s3 =	simm.s32 @!p0 $0x1082;
	s9 =	sld [smem:$0x3FB3]  }
0x2f: {  	lr =	sadd.s32 s0, s3;
	s0 =	sld [smem:$0x3FAA]  }
0x30: {  	s3 =	sld [smem:$0x3FAD]  }
0x31: {  	[smem:$0x3FB6] =	sst s10  }
0x32: {  	s10 =	sld [smem:$0x3FB4];
	_ =	sdelay $0x3  }
0x33: {  	p0 =	seq.s32 s10, $0x1;
	s10 =	sld [smem:$0x3FB6];
	_ =	sdelay $0x3  }
0x34: {  	[smem:$0x3FB6] =	sst s10  }
0x35: {  	s10 =	sld [smem:$0x3FB5];
	_ =	sdelay $0x3  }
0x36: {  	p1 =	seq.s32 s10, $0x1;
	s10 =	sld [smem:$0x3FB6];
	_ =	sdelay $0x3  }
0x37: {  	[smem:$0x3FB6] =	sst s10  }
0x38: {  	s10 =	sld [smem:$0x3FB7]  }
0x39: {  	_ = 	snop;
	(pc) =	sbr.ind lr, $3  }
0x3a: {  	_ = 	snop  }
0x3b: {  	_ = 	snop  }
0x3c: {  	p2 =	seq.s32 s10, $0x1;
	s10 =	sld [smem:$0x3FB6]  }
0x3d: {  	_ =	shalt  }
0x3e: {  	_ =	shalt  }
0x3f: {  	_ =	shalt  }
0x40: {  	_ =	shalt  }
0x41: {  	_ =	shalt  }
0x42: {  	_ =	shalt  }
0x43: {  	_ =	shalt  }
0x44: {  	_ =	shalt  }
0x45: {  	_ =	shalt  }
0x46: {  	_ =	shalt  }
0x47: {  	_ =	shalt  }
0x48: {  	_ =	shalt  }
0x49: {  	_ =	shalt  }
0x4a: {  	_ =	shalt  }
0x4b: {  	_ =	shalt  }
0x4c: {  	_ =	shalt  }
0x4d: {  	_ =	shalt  }
0x4e: {  	_ =	shalt  }
0x4f: {  	_ =	shalt  }
0x50: {  	_ =	shalt  }
0x51: {  	_ =	shalt  }
0x52: {  	_ =	shalt  }
0x53: {  	_ =	shalt  }
0x54: {  	_ =	shalt  }
0x55: {  	_ =	shalt  }
0x56: {  	_ =	shalt  }
0x57: {  	_ =	shalt  }
0x58: {  	_ =	shalt  }
0x59: {  	_ =	shalt  }
0x5a: {  	_ =	shalt  }
0x5b: {  	_ =	shalt  }
0x5c: {  	_ =	shalt  }
0x5d: {  	_ =	shalt  }
0x5e: {  	_ =	shalt  }
0x5f: {  	_ =	shalt  }
0x60: {  	_ =	shalt  }
0x61: {  	_ =	shalt  }
0x62: {  	_ =	shalt  }
0x63: {  	_ =	shalt  }
0x64: {  	_ =	shalt  }
0x65: {  	_ =	shalt  }
0x66: {  	_ =	shalt  }
0x67: {  	_ =	shalt  }
0x68: {  	_ =	shalt  }
0x69: {  	_ =	shalt  }
0x6a: {  	_ =	shalt  }
0x6b: {  	_ =	shalt  }
0x6c: {  	_ =	shalt  }
0x6d: {  	_ =	shalt  }
0x6e: {  	_ =	shalt  }
0x6f: {  	_ =	shalt  }
0x70: {  	_ =	shalt  }
0x71: {  	_ =	shalt  }
0x72: {  	_ =	shalt  }
0x73: {  	_ =	shalt  }
0x74: {  	_ =	shalt  }
0x75: {  	_ =	shalt  }
0x76: {  	_ =	shalt  }
0x77: {  	_ =	shalt  }
0x78: {  	_ =	shalt  }
0x79: {  	_ =	shalt  }
0x7a: {  	_ =	shalt  }
0x7b: {  	_ =	shalt  }
0x7c: {  	_ =	shalt  }
0x7d: {  	_ =	shalt  }
0x7e: {  	_ =	shalt  }
0x7f: {  	_ =	shalt  }
0x80: {  	_ =	shalt  }
0x81: {  	_ =	shalt  }
0x82: {  	_ =	shalt  }
0x83: {  	_ =	shalt  }
0x84: {  	_ =	shalt  }
0x85: {  	_ =	shalt  }
0x86: {  	_ =	shalt  }
0x87: {  	_ =	shalt  }
.Lfunc_end0:
.L_simem_size_0:
called_computation.1_lowered:
.L_overlay_start_0:
0x88: {  	s2 =	sld [smem:$0x3FD9]  }
0x89: {  	s3 =	sld [smem:$0x3FFE];
	_ =	sdelay $0x1  }
0x8a: {  	s1 =	srdreg.scid  }
0x8b: {  	s0 =	sand.u32 $0x1, s1  }
0x8c: {  	s17 =	sshll.u32 s0, $0xA;
	s2 =	sadd.s32 s3, s2  }
0x8d: {  	s2 =	sadd.s32 s2, s17  }
0x8e: {  	[smem:$0x3FC2] =	sst s2  }
0x8f: {  	_ = 	snop  }
0x90: {  	(tm) =	ssettm $0x1  }
0x91: {  	s18 =	sld [smem:$0x3FFB];
	_ =	sdelay $0x3  }
0x92: {  	_ =	strace s18  }
0x93: {  	s2 =	sld [smem:$0x3FFC];
	_ =	sdelay $0x3  }
0x94: {  	_ =	strace s2  }
0x95: {  	s2 =	sld [smem:$0x3FFD];
	_ =	sdelay $0x3  }
0x96: {  	_ =	strace s2  }
0x97: {  	_ =	strace $0x8FFFFFFF  }
0x98: {  	s19 =	sld [smem:$0x3FDB];
	_ =	sdelay $0x1  }
0x99: {  	s20 =	simm.s32 $_scs_section_size  }
0x9a: {  	s4 =	simm.s32 $_size__tile_overlayer_lowered;
	s5 =	simm.s32 $_tile_overlayer_lowered  }
0x9b: {  	s6 =	simm.s32 $0x1BFF;
	s21 =	sshll.u32 s5, $0x1;
	s3 =	sadd.s32 s20, s19  }
0x9c: {  	s22 =	simm.s32 $0x0;
	s4 =	sshll.u32 s4, $0x1;
	s5 =	sadd.s32 s21, s3  }
0x9d: {  	[timem:s22], [sflag:s6] =	dma.local [hbm:s5], s4  }
0x9e: {  	_ =	swait.ge [sflag:s6], s4  }
0x9f: {  	s4 =	ssub.s32 $0x0, s4;
	[sflag:s6] =	ssyncset.done $0x0  }
0xa0: {  	[sflag:s6] =	ssyncadd.s32 s4;
	_ =	sdelay $0x1  }
0xa1: {  	s23 =	simm.s32 $0x1B8B  }
0xa2: {  	_ =	swait.ge [sflag:s23], $0x1  }
0xa3: {  	[sflag:s23] =	ssyncset.done $0x0  }
0xa4: {  	[sflag:s23] =	ssyncadd.s32 $0xFFFFFFFF  }
0xa5: {  	s4 =	sld [smem:$0x0]  }
0xa6: {  	s5 =	sand.u32 $0xFFFFFFFE, s1  }
0xa7: {  	p0 =	sne.s32 s1, s5  }
0xa8: {  	s5 =	sshll.u32 @p0 s5, $0xE  }
0xa9: {  	s5 =	sadd.s32 @p0 $0x11B8D, s5;
	s6 =	sshll.u32 @p0 s4, $0x11  }
0xaa: {  	s5 =	sor.u32 @p0 s6, s5  }
0xab: {  	[sflag:s5] =	ssyncadd.remote.s32 @p0 $0x1;
	_ =	sdelay $0x1  }
0xac: {  	s5 =	simm.s32 @p0 $0x1B8D  }
0xad: {  	_ =	swait.eq @p0 [sflag:s5], $0x1  }
0xae: {  	[sflag:s5] =	ssyncadd.s32 @p0 $0xFFFFFFFF  }
0xaf: {  	s6 =	sshll.u32 @!p0 s1, $0xE  }
0xb0: {  	s6 =	sor.u32 @!p0 $0x4000, s6;
	s5 =	simm.s32 @!p0 $0x1B8D  }
0xb1: {  	s4 =	sshll.u32 @!p0 s4, $0x11;
	s6 =	sadd.s32 @!p0 $0x11B8D, s6;
	_ =	swait.eq @!p0 [sflag:s5], $0x1  }
0xb2: {  	s4 =	sor.u32 @!p0 s4, s6;
	[sflag:s5] =	ssyncadd.s32 @!p0 $0xFFFFFFFF  }
0xb3: {  	s25 =	simm.s32 $0x1B8E;
	s24 =	sld [smem:$0x3FFE];
	[sflag:s4] =	ssyncadd.remote.s32 @!p0 $0x1  }
0xb4: {  	s26 =	simm.s32 $execute0_lowered;
	[smem:$0x3FD2] =	sst s25  }
0xb5: {  	s5 =	sshll.u32 s26, $0x1;
	_ =	strace $0x80000049;
	[dreg:$0x1] =	wrdreg $0xFFFFFFFF  }
0xb6: {  	s28 =	simm.s32 $_size_execute0_lowered;
	s3 =	sadd.s32 s3, s5;
	[dreg:$0x0] =	wrdreg $0x0  }
0xb7: {  	s5 =	sshll.u32 s28, $0x1;
	[dreg:$0x2] =	wrdreg s3  }
0xb8: {  	[dreg:$0x3] =	wrdreg s5  }
0xb9: {  	[dreg:$0x4] =	wrdreg $0xC0  }
0xba: {  	_ =	task [dreg:s22], $0x5FFFF  }
0xbb: {  	[dreg:$0x1] =	wrdreg $0xFFFFFFFF  }
0xbc: {  	[dreg:$0x0] =	wrdreg $0x60  }
0xbd: {  	[dreg:$0x2] =	wrdreg s24  }
0xbe: {  	[dreg:$0x3] =	wrdreg $0x0  }
0xbf: {  	[dreg:$0x4] =	wrdreg $0x25000  }
0xc0: {  	[dreg:$0x5] =	wrdreg $0x4A000  }
0xc1: {  	[dreg:$0x6] =	wrdreg $0xA  }
0xc2: {  	_ =	task.clear_ibuf [dreg:s22], $0x7FFFF;
	_ =	strace $0x90000049  }
0xc3: {  	s29 =	simm.s32 $0xA;
	_ =	strace $0x8000004B  }
0xc4: {  	_ =	swait.ge [sflag:s29], $0x1  }
0xc5: {  	[sflag:s29] =	ssyncadd.s32 $0xFFFFFFFF  }
0xc6: {  	_ =	strace $0x9000004B  }
0xc7: {  	_ =	sfence  }
0xc8: {  	s30 =	sld [smem:$0x0];
	_ =	sdelay $0x2  }
0xc9: {  	s31 =	sshll.u32 s1, $0xD;
	s1 =	sshrl.u32 s1, $0x2  }
0xca: {  	s4 =	sand.u32 $0x4000, s31;
	s1 =	sadd.s32 s1, s30  }
0xcb: {  	s0 =	sor.u32 s4, s0;
	s1 =	sshll.u32 s1, $0x11  }
0xcc: {  	s0 =	sor.u32 s1, s0  }
0xcd: {  	s0 =	sadd.s32 $0x8F2B, s0  }
0xce: {  	[sflag:s0] =	ssyncadd.remote.s32 $0x1  }
0xcf: {  	_ =	sfence.sel $0xFFFF  }
0xd0: {  	[dreg:$0x0] =	wrdreg $0xFFFFFFFF;
	(pc) =	sbr.abs _section_cstart, $3  }
0xd1: {  	[dreg:$0x1] =	wrdreg $0xFFFFFFFF  }
0xd2: {  	_ =	task.clear_ibuf [dreg:s22], $0x2FFFF;
	_ =	strace $0x9FFFFFFF  }
0xd3: {  	(tm) =	ssettm $0x7FFFFFFF  }
tec
execute0_lowered:
.L_overlay_start_1:
0x0: {  	(tag) =	ssettag $0x1  }
0x1: {  	s0 =	rddreg [dreg:$0x0]  }
0x2: {  	s1 =	rddreg [dreg:$0x1]  }
0x3: {  	s2 =	srdreg.scid;
	s3 =	rddreg [dreg:$0x2]  }
0x4: {  	s13 =	stileid.u32;
	s4 =	rddreg [dreg:$0x3]  }
0x5: {  	s6 =	simm.s32 $0x0;
	s19 =	simm.s32 $0x2;
	s28 =	simm.s32 $0xE780  }
0x6: {  	s29 =	simm.s32 $0xE800;
	s30 =	simm.s32 $0xE900;
	s31 =	simm.s32 $0xE980  }
0x7: {  	s2 =	sand.u32 $0x1, s2;
	[smem:$0x7FF] =	sst s6;
	s11 =	smul.u32 $0x2500, s13  }
0x8: {  	s5 =	sshll.u32 s13, $0x1;
	s6 =	sadd.s32 $0x20A600, s0;
	s7 =	sadd.s32 $0x205C00, s0  }
0x9: {  	s8 =	sadd.s32 $0x201200, s0;
	s13 =	sshll.u32 s13, $0x6;
	s5 =	sor.u32 s2, s5  }
0xa: {  	_ =	strace $0x8000004A;
	s9 =	smul.u32 $0x25000, s2;
	s2 =	ssub.s32 $0x2, s2  }
0xb: {  	s5 =	smul.u32 $0x500, s5;
	s10 =	sshrl.u32 s11, $0x3;
	s20 =	sshrl.u32 s2, $0x1  }
0xc: {  	s12 =	sadd.s32 s11, s1;
	s21 =	sadd.s32 s11, s3;
	s23 =	sadd.s32 s11, s4  }
0xd: {  	s9 =	sadd.s32 s11, s9;
	s10 =	sadd.s32 s10, s0;
	s2 =	ssub.s32 s2, s20  }
0xe: {  	s18 =	sshrl.u32 s12, $0x3;
	s20 =	sshrl.u32 s21, $0x3;
	s21 =	sshrl.u32 s23, $0x3  }
0xf: {  	s23 =	simm.s32 $0xEC00;
	s11 =	simm.s32 $0xED00;
	s12 =	simm.s32 $0xED80  }
0x10: {  	s5 =	sadd.s32 s5, s0;
	s9 =	sshrl.u32 s9, $0x3;
	s26 =	smax.u32 s2, $0x1  }
0x11: {  	s2 =	simm.s32 $0xEA00;
	s14 =	sadd.s32 $0x20F000, s5;
	[dreg:$0xb] =	wrdreg s26  }
0x12: {  	s0 =	sadd.s32 s9, s0;
	s22 =	sadd.s32 $0x223000, s5;
	[dreg:$0x5] =	wrdreg s14  }
0x13: {  	s9 =	sadd.s32 $0x22D000, s10;
	s5 =	sadd.s32 $0x219000, s5;
	[dreg:$0x6] =	wrdreg s22  }
0x14: {  	s10 =	sor.u32 $0x1C02, s13;
	[dreg:$0x7] =	wrdreg s5;
	s24 =	sadd.s32 $0x231A00, s0  }
0x15: {  	s26 =	simm.s32 $0xE700;
	s25 =	sadd.s32 $0x23AE00, s0;
	[dreg:$0x8] =	wrdreg s24  }
0x16: {  	s13 =	simm.s32 $0xEE00;
	s0 =	sadd.s32 $0x244200, s0;
	[dreg:$0x9] =	wrdreg s25  }
0x17: {  	s22 =	simm.s32 $0xEB80;
	s14 =	simm.s32 $0x0;
	[dreg:$0xa] =	wrdreg s0  }
0x18: {  	s25 =	simm.s32 $0x80;
	s0 =	simm.s32 $0xEB00;
	s24 =	simm.s32 $0x1  }
.LBB2_1:
0x19: {  	[spmem:s18], [sflag:s10] =	dma.local [hbm:s9], $0x4A0  }
0x1a: {  	_ =	swait.ge [sflag:s19], $0x4A0  }
0x1b: {  	[sflag:s19] =	ssyncset.done $0x0  }
0x1c: {  	[sflag:s19] =	ssyncadd.s32 $0xFFFFFB60  }
0x1d: {  	[spmem:s20], [sflag:s10] =	dma.local [hbm:s9], $0x4A0  }
0x1e: {  	_ =	swait.ge [sflag:s19], $0x4A0  }
0x1f: {  	[sflag:s19] =	ssyncset.done $0x0  }
0x20: {  	[sflag:s19] =	ssyncadd.s32 $0xFFFFFB60  }
0x21: {  	[spmem:s21], [sflag:s10] =	dma.local [hbm:s9], $0x4A0  }
0x22: {  	_ =	swait.ge [sflag:s19], $0x4A0  }
0x23: {  	s5 =	simm.s32 $0x0;
	[sflag:s19] =	ssyncset.done $0x0  }
0x24: {  	s16 =	simm.s32 $0x6F00;
	s15 =	rddreg [dreg:$0x5];
	[sflag:s19] =	ssyncadd.s32 $0xFFFFFB60  }
0x25: {  	[tilespmem:s16], [sflag:$0x2] =	stream.linear.gather [hbm4b:s15+s5], $0x2500, $0x38;
	[tilespmem:$0xEE80] =	vst v63  }
0x26: {  	_ =	swait.ge [sflag:s19], $0x2500  }
0x27: {  	[sflag:s19] =	ssyncset.done $0x0  }
0x28: {  	s17 =	simm.s32 $0x9700;
	s16 =	rddreg [dreg:$0x6];
	[sflag:s19] =	ssyncadd.s32 $0xFFFFDB00  }
0x29: {  	[tilespmem:s17], [sflag:$0x2] =	stream.linear.gather [hbm4b:s16+s5], $0x2500, $0x38;
	[tilespmem:$0xEE80] =	vst v63  }
0x2a: {  	_ =	swait.ge [sflag:s19], $0x2500  }
0x2b: {  	[sflag:s19] =	ssyncset.done $0x0  }
0x2c: {  	s17 =	simm.s32 $0xBF00;
	s16 =	rddreg [dreg:$0x7];
	[sflag:s19] =	ssyncadd.s32 $0xFFFFDB00  }
0x2d: {  	[tilespmem:s17], [sflag:$0x2] =	stream.linear.gather [hbm4b:s16+s5], $0x2500, $0x38;
	[tilespmem:$0xEE80] =	vst v63  }
0x2e: {  	_ =	swait.ge [sflag:s19], $0x2500  }
0x2f: {  	[sflag:s19] =	ssyncset.done $0x0  }
0x30: {  	[sflag:s19] =	ssyncadd.s32 $0xFFFFDB00  }
0x31: {  	s15 =	simm.s32 $0x0;
	[bflag:$0x0] =	sbarrier.arrive $0xFFFF  }
.LBB2_2:
0x32: {  	s16 =	sshra.s32 s15, $0x2  }
0x33: {  	s5 =	sadd.s32 $0x6F00, s16  }
0x34: {  	[tilespmem:s26], [sflag:$0x1] =	stream.indirect.gather [hbm4b:s6+s25], $0x1, s5, s25, $0xb8;
	[tilespmem:$0xEE80] =	vst v63  }
0x35: {  	_ = 	snop  }
0x36: {  	[tilespmem:s28], [sflag:$0x1] =	stream.indirect.gather [hbm4b:s7+s25], $0x1, s5, s25, $0xb8;
	[tilespmem:$0xEE80] =	vst v63  }
0x37: {  	_ = 	snop  }
0x38: {  	[tilespmem:s29], [sflag:$0x1] =	stream.indirect.gather [hbm4b:s8+s25], $0x1, s5, s25, $0xb8;
	[tilespmem:$0xEE80] =	vst v63  }
0x39: {  	s17 =	sadd.s32 $0x9700, s16  }
0x3a: {  	[tilespmem:s30], [sflag:$0x1] =	stream.indirect.gather [hbm4b:s6+s25], $0x1, s17, s25, $0xb8;
	[tilespmem:$0xEE80] =	vst v63  }
0x3b: {  	_ = 	snop  }
0x3c: {  	[tilespmem:s31], [sflag:$0x1] =	stream.indirect.gather [hbm4b:s7+s25], $0x1, s17, s25, $0xb8;
	[tilespmem:$0xEE80] =	vst v63  }
0x3d: {  	_ = 	snop  }
0x3e: {  	[tilespmem:s2], [sflag:$0x1] =	stream.indirect.gather [hbm4b:s8+s25], $0x1, s17, s25, $0xb8;
	[tilespmem:$0xEE80] =	vst v63  }
0x3f: {  	s16 =	sadd.s32 $0xBF00, s16  }
0x40: {  	[tilespmem:s0], [sflag:$0x1] =	stream.indirect.gather [hbm4b:s6+s25], $0x1, s16, s25, $0xb8;
	[tilespmem:$0xEE80] =	vst v63  }
0x41: {  	_ = 	snop  }
0x42: {  	[tilespmem:s22], [sflag:$0x1] =	stream.indirect.gather [hbm4b:s7+s25], $0x1, s16, s25, $0xb8;
	[tilespmem:$0xEE80] =	vst v63  }
0x43: {  	_ = 	snop  }
0x44: {  	[tilespmem:s23], [sflag:$0x1] =	stream.indirect.gather [hbm4b:s8+s25], $0x1, s16, s25, $0xb8;
	[tilespmem:$0xEE80] =	vst v63  }
0x45: {  	_ =	swait.ge [sflag:s24], $0x80  }
0x46: {  	[sflag:s24] =	ssyncset.done $0x0  }
0x47: {  	[sflag:s24] =	ssyncadd.s32 $0xFFFFFF80  }
0x48: {  	_ =	swait.ge [sflag:s24], $0x80  }
0x49: {  	[sflag:s24] =	ssyncset.done $0x0  }
0x4a: {  	[sflag:s24] =	ssyncadd.s32 $0xFFFFFF80  }
0x4b: {  	_ =	swait.ge [sflag:s24], $0x80  }
0x4c: {  	[sflag:s24] =	ssyncset.done $0x0  }
0x4d: {  	[sflag:s24] =	ssyncadd.s32 $0xFFFFFF80  }
0x4e: {  	_ =	swait.ge [sflag:s24], $0x80  }
0x4f: {  	[sflag:s24] =	ssyncset.done $0x0  }
0x50: {  	[sflag:s24] =	ssyncadd.s32 $0xFFFFFF80  }
0x51: {  	_ =	swait.ge [sflag:s24], $0x80  }
0x52: {  	[sflag:s24] =	ssyncset.done $0x0  }
0x53: {  	[sflag:s24] =	ssyncadd.s32 $0xFFFFFF80  }
0x54: {  	_ =	swait.ge [sflag:s24], $0x80  }
0x55: {  	[sflag:s24] =	ssyncset.done $0x0  }
0x56: {  	[sflag:s24] =	ssyncadd.s32 $0xFFFFFF80  }
0x57: {  	_ =	swait.ge [sflag:s24], $0x80  }
0x58: {  	[sflag:s24] =	ssyncset.done $0x0  }
0x59: {  	[sflag:s24] =	ssyncadd.s32 $0xFFFFFF80  }
0x5a: {  	_ =	swait.ge [sflag:s24], $0x80  }
0x5b: {  	[sflag:s24] =	ssyncset.done $0x0  }
0x5c: {  	[sflag:s24] =	ssyncadd.s32 $0xFFFFFF80  }
0x5d: {  	_ =	swait.ge [sflag:s24], $0x80  }
0x5e: {  	[sflag:s24] =	ssyncset.done $0x0  }
0x5f: {  	[sflag:s24] =	ssyncadd.s32 $0xFFFFFF80  }
0x60: {  	v0 =	vld [tilespmem:$0xE700]  }
0x61: {  	v1 =	vld [tilespmem:$0xE780]  }
0x62: {  	v2 =	vld [tilespmem:$0xE800]  }
0x63: {  	v3 =	vld [tilespmem:$0xE900]  }
0x64: {  	v4 =	vld [tilespmem:$0xE980]  }
0x65: {  	v5 =	vld [tilespmem:$0xEA00]  }
0x66: {  	v6 =	vld [tilespmem:$0xEB00]  }
0x67: {  	v7 =	vld [tilespmem:$0xEB80]  }
0x68: {  	v8 =	vld [tilespmem:$0xEC00]  }
0x69: {  	v9 =	vld [tilespmem:$0xE710]  }
0x6a: {  	v10 =	vld [tilespmem:$0xE790]  }
0x6b: {  	v11 =	vld [tilespmem:$0xE810]  }
0x6c: {  	v12 =	vld [tilespmem:$0xE910]  }
0x6d: {  	v13 =	vld [tilespmem:$0xE990]  }
0x6e: {  	v14 =	vld [tilespmem:$0xEA10]  }
0x6f: {  	v15 =	vld [tilespmem:$0xEB10]  }
0x70: {  	v16 =	vld [tilespmem:$0xEB90]  }
0x71: {  	v17 =	vld [tilespmem:$0xEC10]  }
0x72: {  	v18 =	vld [tilespmem:$0xE720]  }
0x73: {  	v19 =	vld [tilespmem:$0xE7A0]  }
0x74: {  	v20 =	vld [tilespmem:$0xE820]  }
0x75: {  	v21 =	vld [tilespmem:$0xE920]  }
0x76: {  	v22 =	vld [tilespmem:$0xE9A0]  }
0x77: {  	v23 =	vld [tilespmem:$0xEA20]  }
0x78: {  	v24 =	vld [tilespmem:$0xEB20]  }
0x79: {  	v25 =	vld [tilespmem:$0xEBA0]  }
0x7a: {  	v26 =	vld [tilespmem:$0xEC20]  }
0x7b: {  	v27 =	vld [tilespmem:$0xE730]  }
0x7c: {  	v28 =	vld [tilespmem:$0xE7B0]  }
0x7d: {  	v29 =	vld [tilespmem:$0xE830]  }
0x7e: {  	v30 =	vld [tilespmem:$0xE930]  }
0x7f: {  	v31 =	vld [tilespmem:$0xE9B0]  }
0x80: {  	v32 =	vld [tilespmem:$0xEA30]  }
0x81: {  	v33 =	vld [tilespmem:$0xEB30]  }
0x82: {  	v34 =	vld [tilespmem:$0xEBB0]  }
0x83: {  	v35 =	vld [tilespmem:$0xEC30]  }
0x84: {  	v36 =	vld [tilespmem:$0xE740];
	v4 =	vsub.f32 v4, v1  }
0x85: {  	v39 =	vld [tilespmem:$0xE940];
	v5 =	vsub.f32 v5, v2;
	v1 =	vsub.f32 v7, v1  }
0x86: {  	v63 =	vld [tilespmem:$0xEA40];
	v2 =	vsub.f32 v8, v2;
	v6 =	vsub.f32 v6, v0  }
0x87: {  	v40 =	vld [tilespmem:$0xEB40];
	v0 =	vsub.f32 v3, v0;
	v12 =	vsub.f32 v12, v9  }
0x88: {  	v45 =	vld [tilespmem:$0xEBC0];
	v13 =	vsub.f32 v13, v10;
	v17 =	vsub.f32 v17, v11  }
0x89: {  	v47 =	vld [tilespmem:$0xEC40];
	v44 =	vsub.f32 v14, v11;
	v10 =	vsub.f32 v16, v10  }
0x8a: {  	v56 =	vld [tilespmem:$0xEBD0];
	v9 =	vsub.f32 v15, v9;
	v49 =	vsub.f32 v22, v19  }
0x8b: {  	v59 =	vld [tilespmem:$0xEC50];
	v50 =	vsub.f32 v23, v20;
	v19 =	vsub.f32 v25, v19  }
0x8c: {  	v43 =	vld [tilespmem:$0xEA60];
	v20 =	vsub.f32 v26, v20;
	v51 =	vsub.f32 v21, v18  }
0x8d: {  	v7 =	vld [tilespmem:$0xE7C0];
	v18 =	vsub.f32 v24, v18;
	v37 =	vmul.f32 v2, v4;
	v38 =	vmul.f32 v1, v5  }
0x8e: {  	v8 =	vld [tilespmem:$0xE840];
	v57 =	vsub.f32 v31, v28;
	v5 =	vmul.f32 v6, v5;
	v2 =	vmul.f32 v2, v0  }
0x8f: {  	v3 =	vld [tilespmem:$0xE9C0];
	v58 =	vsub.f32 v35, v29;
	v0 =	vmul.f32 v1, v0;
	v4 =	vmul.f32 v6, v4  }
0x90: {  	v16 =	vld [tilespmem:$0xE750];
	v60 =	vsub.f32 v30, v27;
	v46 =	vmul.f32 v17, v13;
	v14 =	vmul.f32 v10, v44  }
0x91: {  	v22 =	vld [tilespmem:$0xE7D0];
	v28 =	vsub.f32 v34, v28;
	v48 =	vmul.f32 v17, v12;
	v10 =	vmul.f32 v10, v12  }
0x92: {  	v23 =	vld [tilespmem:$0xE850];
	v61 =	vsub.f32 v32, v29;
	v1 =	vmul.f32 v9, v44;
	v9 =	vmul.f32 v9, v13  }
0x93: {  	v21 =	vld [tilespmem:$0xE950];
	v27 =	vsub.f32 v33, v27;
	v52 =	vmul.f32 v20, v49;
	v53 =	vmul.f32 v19, v50  }
0x94: {  	v25 =	vld [tilespmem:$0xE9D0];
	v41 =	vsub.f32 v39, v36;
	v54 =	vmul.f32 v18, v50;
	v55 =	vmul.f32 v20, v51  }
0x95: {  	v30 =	vld [tilespmem:$0xE760];
	v42 =	vsub.f32 v40, v36;
	v13 =	vmul.f32 v19, v51;
	v12 =	vmul.f32 v18, v49  }
0x96: {  	v31 =	vld [tilespmem:$0xE7E0];
	v24 =	vmul.f32 v58, v60;
	v37 =	vsub.f32 v37, v38;
	v2 =	vsub.f32 v5, v2  }
0x97: {  	v32 =	vld [tilespmem:$0xE860];
	v19 =	vmul.f32 v28, v60;
	v0 =	vsub.f32 v0, v4;
	v5 =	vsub.f32 v46, v14  }
0x98: {  	v11 =	vld [tilespmem:$0xE960];
	v18 =	vmul.f32 v27, v61;
	v1 =	vsub.f32 v1, v48;
	v9 =	vsub.f32 v10, v9  }
0x99: {  	v34 =	vld [tilespmem:$0xEA70];
	v17 =	vmul.f32 v27, v57;
	v4 =	vsub.f32 v52, v53;
	v14 =	vsub.f32 v54, v55  }
0x9a: {  	v39 =	vld [tilespmem:$0xEBF0];
	v62 =	vmul.f32 v58, v57;
	v12 =	vsub.f32 v13, v12;
	v50 =	vsub.f32 v18, v24  }
0x9b: {  	v20 =	vld [tilespmem:$0xEA50];
	v28 =	vmul.f32 v28, v61;
	v17 =	vsub.f32 v19, v17;
	v3 =	vsub.f32 v3, v7  }
0x9c: {  	v49 =	vld [tilespmem:$0xEBE0];
	v7 =	vsub.f32 v45, v7;
	v63 =	vsub.f32 v63, v8;
	[tilespmem:$0xED00] =	vst v37  }
0x9d: {  	v51 =	vld [tilespmem:$0xEC60];
	v6 =	vsub.f32 v47, v8;
	v47 =	vsub.f32 v62, v28;
	[tilespmem:$0xED80] =	vst v2  }
0x9e: {  	v58 =	vld [tilespmem:$0xE870];
	v54 =	vsub.f32 v25, v22;
	v15 =	vsub.f32 v56, v22;
	[tilespmem:$0xEE00] =	vst v0  }
0x9f: {  	v60 =	vld [tilespmem:$0xE970];
	v57 =	vsub.f32 v59, v23;
	v61 =	vsub.f32 v21, v16;
	[tilespmem:$0xED10] =	vst v5  }
0xa0: {  	v10 =	vld [tilespmem:$0xEB50];
	v38 =	vsub.f32 v43, v32;
	[tilespmem:$0xED90] =	vst v1;
	v44 =	vmul.f32 v6, v3;
	v45 =	vmul.f32 v7, v63  }
0xa1: {  	v46 =	vld [tilespmem:$0xEB60];
	v11 =	vsub.f32 v11, v30;
	[tilespmem:$0xEE10] =	vst v9;
	v48 =	vmul.f32 v42, v63;
	v6 =	vmul.f32 v6, v41  }
0xa2: {  	v55 =	vld [tilespmem:$0xE7F0];
	[tilespmem:$0xED20] =	vst v4;
	v7 =	vmul.f32 v7, v41;
	v53 =	vmul.f32 v42, v3;
	v56 =	vsub.f32 v20, v23  }
0xa3: {  	v8 =	vld [tilespmem:$0xE9E0];
	[tilespmem:$0xEDA0] =	vst v14;
	v62 =	vmul.f32 v57, v54;
	v33 =	vsub.f32 v49, v31;
	v18 =	vsub.f32 v51, v32  }
0xa4: {  	v28 =	vld [tilespmem:$0xE9F0];
	[tilespmem:$0xEE20] =	vst v12;
	v36 =	vmul.f32 v57, v61;
	v51 =	vsub.f32 v34, v58;
	v52 =	vsub.f32 v44, v45  }
0xa5: {  	v13 =	vld [tilespmem:$0xE770];
	[tilespmem:$0xEDB0] =	vst v50;
	v6 =	vsub.f32 v48, v6;
	v1 =	vsub.f32 v7, v53;
	v63 =	vmul.f32 v15, v56  }
0xa6: {  	[tilespmem:$0xEE30] =	vst v17;
	v41 =	vld [tilespmem:$0xEC70];
	v59 =	vsub.f32 v10, v16;
	v10 =	vmul.f32 v15, v61;
	v43 =	vmul.f32 v33, v38  }
0xa7: {  	[tilespmem:$0xED30] =	vst v47;
	v44 =	vld [tilespmem:$0xEB70];
	v45 =	vsub.f32 v46, v30;
	v47 =	vmul.f32 v18, v11;
	v48 =	vmul.f32 v33, v11  }
0xa8: {  	v50 =	vsub.f32 v39, v55;
	v8 =	vsub.f32 v8, v31;
	v9 =	vmul.f32 v59, v56;
	[tilespmem:$0xED40] =	vst v52  }
0xa9: {  	v49 =	vsub.f32 v28, v55;
	v40 =	vsub.f32 v62, v63;
	v3 =	vmul.f32 v59, v54;
	[tilespmem:$0xEDC0] =	vst v6  }
0xaa: {  	[tilespmem:$0xEE40] =	vst v1;
	v52 =	vmul.f32 v45, v38;
	v54 =	vsub.f32 v60, v13;
	v2 =	vsub.f32 v9, v36  }
0xab: {  	v42 =	vmul.f32 v18, v8;
	v4 =	vsub.f32 v41, v58;
	v3 =	vsub.f32 v10, v3;
	[tilespmem:$0xED50] =	vst v40  }
0xac: {  	v53 =	vmul.f32 v45, v8;
	v56 =	vsub.f32 v52, v47;
	v55 =	vsub.f32 v44, v13;
	[tilespmem:$0xEDD0] =	vst v2  }
0xad: {  	v58 =	vmul.f32 v50, v51;
	v46 =	vsub.f32 v42, v43;
	v57 =	vmul.f32 v4, v49;
	[tilespmem:$0xEE50] =	vst v3  }
0xae: {  	v1 =	vsub.f32 v48, v53;
	v59 =	vmul.f32 v4, v54;
	[tilespmem:$0xEDE0] =	vst v56;
	v0 =	vmul.f32 v55, v51  }
0xaf: {  	v61 =	vmul.f32 v50, v54;
	[tilespmem:$0xED60] =	vst v46;
	v60 =	vsub.f32 v57, v58;
	v62 =	vmul.f32 v55, v49  }
0xb0: {  	[tilespmem:$0xEE60] =	vst v1;
	v0 =	vsub.f32 v0, v59  }
0xb1: {  	[tilespmem:$0xED70] =	vst v60;
	v63 =	vsub.f32 v61, v62  }
0xb2: {  	[tilespmem:$0xEDF0] =	vst v0  }
0xb3: {  	[tilespmem:$0xEE70] =	vst v63  }
0xb4: {  	[spmem:s1] =	stream.indirect.scatter.add.f32 [tilespmem:s11], [sflag:$0x2], $0x1, s5, s25, $0xb8;
	[tilespmem:$0xEE80] =	vst v63  }
0xb5: {  	_ =	swait.ge [sflag:s19], $0x80  }
0xb6: {  	[sflag:s19] =	ssyncset.done $0x0  }
0xb7: {  	[sflag:s19] =	ssyncadd.s32 $0xFFFFFF80  }
0xb8: {  	[spmem:s3] =	stream.indirect.scatter.add.f32 [tilespmem:s12], [sflag:$0x2], $0x1, s5, s25, $0xb8;
	[tilespmem:$0xEE80] =	vst v63  }
0xb9: {  	_ =	swait.ge [sflag:s19], $0x80  }
0xba: {  	[sflag:s19] =	ssyncset.done $0x0  }
0xbb: {  	[sflag:s19] =	ssyncadd.s32 $0xFFFFFF80  }
0xbc: {  	[spmem:s4] =	stream.indirect.scatter.add.f32 [tilespmem:s13], [sflag:$0x2], $0x1, s5, s25, $0xb8;
	[tilespmem:$0xEE80] =	vst v63  }
0xbd: {  	_ =	swait.ge [sflag:s19], $0x80  }
0xbe: {  	[sflag:s19] =	ssyncset.done $0x0  }
0xbf: {  	[sflag:s19] =	ssyncadd.s32 $0xFFFFFF80  }
0xc0: {  	[spmem:s1] =	stream.indirect.scatter.add.f32 [tilespmem:s11], [sflag:$0x2], $0x1, s17, s25, $0xb8;
	[tilespmem:$0xEE80] =	vst v63  }
0xc1: {  	_ =	swait.ge [sflag:s19], $0x80  }
0xc2: {  	[sflag:s19] =	ssyncset.done $0x0  }
0xc3: {  	[sflag:s19] =	ssyncadd.s32 $0xFFFFFF80  }
0xc4: {  	[spmem:s3] =	stream.indirect.scatter.add.f32 [tilespmem:s12], [sflag:$0x2], $0x1, s17, s25, $0xb8;
	[tilespmem:$0xEE80] =	vst v63  }
0xc5: {  	_ =	swait.ge [sflag:s19], $0x80  }
0xc6: {  	[sflag:s19] =	ssyncset.done $0x0  }
0xc7: {  	[sflag:s19] =	ssyncadd.s32 $0xFFFFFF80  }
0xc8: {  	[spmem:s4] =	stream.indirect.scatter.add.f32 [tilespmem:s13], [sflag:$0x2], $0x1, s17, s25, $0xb8;
	[tilespmem:$0xEE80] =	vst v63  }
0xc9: {  	_ =	swait.ge [sflag:s19], $0x80  }
0xca: {  	[sflag:s19] =	ssyncset.done $0x0  }
0xcb: {  	[sflag:s19] =	ssyncadd.s32 $0xFFFFFF80  }
0xcc: {  	[spmem:s1] =	stream.indirect.scatter.add.f32 [tilespmem:s11], [sflag:$0x2], $0x1, s16, s25, $0xb8;
	[tilespmem:$0xEE80] =	vst v63  }
0xcd: {  	_ =	swait.ge [sflag:s19], $0x80  }
0xce: {  	[sflag:s19] =	ssyncset.done $0x0  }
0xcf: {  	[sflag:s19] =	ssyncadd.s32 $0xFFFFFF80  }
0xd0: {  	[spmem:s3] =	stream.indirect.scatter.add.f32 [tilespmem:s12], [sflag:$0x2], $0x1, s16, s25, $0xb8;
	[tilespmem:$0xEE80] =	vst v63  }
0xd1: {  	_ =	swait.ge [sflag:s19], $0x80  }
0xd2: {  	p0 =	sne.s32 s15, $0x9200;
	[sflag:s19] =	ssyncset.done $0x0  }
.Ltmp0:
0xd3: {  	[sflag:s19] =	ssyncadd.s32 $0xFFFFFF80;
	(pc) =	sbr.rel @p0 .LBB2_2-.Ltmp0, $4  }
0xd4: {  	[spmem:s4] =	stream.indirect.scatter.add.f32 [tilespmem:s13], [sflag:$0x2], $0x1, s16, s25, $0xb8;
	[tilespmem:$0xEE80] =	vst v63  }
0xd5: {  	_ =	swait.ge [sflag:s19], $0x80  }
0xd6: {  	[sflag:s19] =	ssyncset.done $0x0  }
0xd7: {  	s15 =	sadd.s32 $0x200, s15;
	[sflag:s19] =	ssyncadd.s32 $0xFFFFFF80  }
0xd8: {  	[bflag:$0x0] =	sbarrier.arrive $0xFFFF  }
0xd9: {  	s5 =	rddreg [dreg:$0x8]  }
0xda: {  	[hbm:s5], [sflag:s10] =	dma.local [spmem:s18], $0x4A0  }
0xdb: {  	_ =	swait.ge [sflag:s19], $0x4A0  }
0xdc: {  	[sflag:s19] =	ssyncset.done $0x0  }
0xdd: {  	s15 =	rddreg [dreg:$0x9];
	[sflag:s19] =	ssyncadd.s32 $0xFFFFFB60  }
0xde: {  	[hbm:s15], [sflag:s10] =	dma.local [spmem:s20], $0x4A0  }
0xdf: {  	_ =	swait.ge [sflag:s19], $0x4A0  }
0xe0: {  	[sflag:s19] =	ssyncset.done $0x0  }
0xe1: {  	s16 =	rddreg [dreg:$0xa];
	[sflag:s19] =	ssyncadd.s32 $0xFFFFFB60  }
0xe2: {  	[hbm:s16], [sflag:s10] =	dma.local [spmem:s21], $0x4A0  }
0xe3: {  	_ =	swait.ge [sflag:s19], $0x4A0  }
0xe4: {  	s14 =	sadd.s32 $0x1, s14;
	s17 =	rddreg [dreg:$0xb]  }
0xe5: {  	p0 =	sne.s32 s14, s17  }
.Ltmp1:
0xe6: {  	_ = 	snop;
	(pc) =	sbr.rel @p0 .LBB2_1-.Ltmp1, $3  }
0xe7: {  	_ =	sdelay $0x1  }
0xe8: {  	[sflag:s19] =	ssyncset.done $0x0  }
0xe9: {  	[sflag:s19] =	ssyncadd.s32 $0xFFFFFB60  }
0xea: {  	_ =	sfence.sel $0x180000  }
0xeb: {  	[bflag:$0x0] =	sbarrier.arrive $0xFFFF  }
0xec: {  	_ =	strace $0x9000004A  }
0xed: {  	s0 =	stileid.u32;
	[bflag:$0x2] =	sbarrier.arrive $0xFFFF  }
0xee: {  	p0 =	sne.s32 s0, $0x0;
	s0 =	rddreg [dreg:$0x4]  }
0xef: {  	s0 =	sadd.s32 @!p0 $0x100000, s0  }
0xf0: {  	[sflag:s0] =	ssyncadd.tile.s32 @!p0 $0x1;
	_ =	shalt  }
.Lfunc_end2:
_tile_overlayer_lowered:
.L_overlay_start_2:
0xf1: {  	(tag) =	ssettag $0x2  }
0xf2: {  	s0 =	rddreg [dreg:$0x0];
	s2 =	stileid.u32  }
0xf3: {  	s1 =	rddreg [dreg:$0x1];
	p0 =	sne.s32 s2, $0x0  }
0xf4: {  	s3 =	rddreg [dreg:$0x2];
	[bflag:$0x3] =	sbarrier.arrive $0xFFFF;
	s2 =	simm.s32 @!p0 $0x1C02  }
0xf5: {  	[timem:s3], [sflag:s2] =	dma.local @!p0 [hbm:s0], s1  }
0xf6: {  	s0 =	simm.s32 @!p0 $0x2  }
0xf7: {  	_ =	swait.ge @!p0 [sflag:s0], s1  }
0xf8: {  	s1 =	ssub.s32 @!p0 $0x0, s1;
	[sflag:s0] =	ssyncset.done @!p0 $0x0  }
0xf9: {  	[sflag:s0] =	ssyncadd.s32 @!p0 s1  }
0xfa: {  	[bflag:$0x3] =	sbarrier.arrive $0xFFFF  }
0xfb: {  	_ =	shalt  }

// kernel: kernel.7.cloned.1.call-start
scs
__scs_entry_jumppad:
0x0: {  	(pc) =	sbr.rel $0x88, $3  }
0x1: {  	(tag) =	ssettag $0x0;
	lr =	simm.s32 $0x1  }
0x2: {  	[smem:$0x3F9B] =	sst lr;
	_ =	strace $0xD0000000  }
0x3: {  	_ = 	snop  }
0x4: {  	_ = 	snop  }
0x5: {  	_ = 	snop  }
0x6: {  	_ = 	snop  }
0x7: {  	_ = 	snop  }
__scs_overlays_trampoline_lowered:
0x8: {  	[smem:$0x3FAA] =	sst s0  }
0x9: {  	[smem:$0x3FAB] =	sst s1  }
0xa: {  	[smem:$0x3FAC] =	sst s2  }
0xb: {  	[smem:$0x3FAD] =	sst s3  }
0xc: {  	[smem:$0x3FAE] =	sst s4  }
0xd: {  	[smem:$0x3FAF] =	sst s5  }
0xe: {  	[smem:$0x3FB0] =	sst s6  }
0xf: {  	[smem:$0x3FB1] =	sst s7  }
0x10: {  	[smem:$0x3FB2] =	sst s8  }
0x11: {  	[smem:$0x3FB3] =	sst s9;
	s0 =	simm.s32 @!p0 $0x0  }
0x12: {  	s1 =	sld [smem:$0x3F99];
	s0 =	simm.s32 @p0 $0x1  }
0x13: {  	[smem:$0x3FB4] =	sst s0;
	s0 =	simm.s32 @!p1 $0x0  }
0x14: {  	s2 =	sld [smem:$0x3F98];
	s0 =	simm.s32 @p1 $0x1  }
0x15: {  	[smem:$0x3FB5] =	sst s0;
	s0 =	simm.s32 @!p2 $0x0  }
0x16: {  	s3 =	sld [smem:$0x3FDB];
	s0 =	simm.s32 @p2 $0x1  }
0x17: {  	s4 =	simm.s32 $0x1BF5;
	[smem:$0x3FB7] =	sst s0  }
0x18: {  	s0 =	sld [smem:$0x3F9A];
	_ =	swait.ge [sflag:s4], $0x0  }
0x19: {  	s7 =	sld [smem:$0x3F9B]  }
0x1a: {  	s8 =	sadd.s32 $0xFFFFE003, lr  }
0x1b: {  	s9 =	sadd.s32 $0xFFFFFEF7, lr;
	s5 =	simm.s32 $0xFFFFFFFF;
	p2 =	slt.u32 s8, $0xFFFFF086  }
0x1c: {  	p1 =	slt.u32 s9, $0xF7A;
	s5 =	simm.s32 @!p2 $0x0  }
0x1d: {  	s5 =	simm.s32 @p1 $0x1;
	p0 =	seq.s32 s7, s2  }
0x1e: {  	s7 =	smul.u32 @!p0 $0xF7A, s2;
	p2 =	seq.s32 @!p0 s5, $0x0  }
0x1f: {  	s9 =	smul.u32 $0xF7A, s1;
	s8 =	simm.s32 @!p0 $0x1BF5;
	p2 =	por !p2, p0  }
0x20: {  	[sflag:s8] =	ssyncset.s32 @!p0 $0xFFFFF086;
	s6 =	sadd.s32 @!p0 s3, s7;
	s7 =	simm.s32 @!p0 $0x108  }
0x21: {  	s3 =	sadd.s32 s3, s9;
	s6 =	sadd.s32 @!p0 $0x88, s6;
	s7 =	simm.s32 @p2 $0x1082  }
0x22: {  	[simem:s7], [sflag:s8] =	dma.local @!p0 [hbm:s6], $0xF7A  }
0x23: {  	s9 =	sor.u32 $0xD0000000, s2;
	s6 =	simm.s32 $0x108;
	_ =	swait.ge @!p0 [sflag:s8], $0x0  }
0x24: {  	s3 =	sadd.s32 $0x88, s3;
	s6 =	simm.s32 @!p1 $0x1082;
	[sflag:s4] =	ssyncset.s32 $0xFFFFF086  }
0x25: {  	[simem:s6], [sflag:s4] =	dma.local [hbm:s3], $0xF7A  }
0x26: {  	[smem:$0x3F9B] =	sst s1;
	(tag) =	ssettag s2;
	_ =	strace s9  }
0x27: {  	s1 =	sld [smem:$0x3FAB]  }
0x28: {  	s2 =	sld [smem:$0x3FAC]  }
0x29: {  	s4 =	sld [smem:$0x3FAE]  }
0x2a: {  	p0 =	seq.s32 s5, $0x0;
	s5 =	sld [smem:$0x3FAF]  }
0x2b: {  	s6 =	sld [smem:$0x3FB0]  }
0x2c: {  	s7 =	sld [smem:$0x3FB1]  }
0x2d: {  	s3 =	simm.s32 $0x108;
	s8 =	sld [smem:$0x3FB2]  }
0x2e: {  	s3 =	simm.s32 @!p0 $0x1082;
	s9 =	sld [smem:$0x3FB3]  }
0x2f: {  	lr =	sadd.s32 s0, s3;
	s0 =	sld [smem:$0x3FAA]  }
0x30: {  	s3 =	sld [smem:$0x3FAD]  }
0x31: {  	[smem:$0x3FB6] =	sst s10  }
0x32: {  	s10 =	sld [smem:$0x3FB4];
	_ =	sdelay $0x3  }
0x33: {  	p0 =	seq.s32 s10, $0x1;
	s10 =	sld [smem:$0x3FB6];
	_ =	sdelay $0x3  }
0x34: {  	[smem:$0x3FB6] =	sst s10  }
0x35: {  	s10 =	sld [smem:$0x3FB5];
	_ =	sdelay $0x3  }
0x36: {  	p1 =	seq.s32 s10, $0x1;
	s10 =	sld [smem:$0x3FB6];
	_ =	sdelay $0x3  }
0x37: {  	[smem:$0x3FB6] =	sst s10  }
0x38: {  	s10 =	sld [smem:$0x3FB7]  }
0x39: {  	_ = 	snop;
	(pc) =	sbr.ind lr, $3  }
0x3a: {  	_ = 	snop  }
0x3b: {  	_ = 	snop  }
0x3c: {  	p2 =	seq.s32 s10, $0x1;
	s10 =	sld [smem:$0x3FB6]  }
0x3d: {  	_ =	shalt  }
0x3e: {  	_ =	shalt  }
0x3f: {  	_ =	shalt  }
0x40: {  	_ =	shalt  }
0x41: {  	_ =	shalt  }
0x42: {  	_ =	shalt  }
0x43: {  	_ =	shalt  }
0x44: {  	_ =	shalt  }
0x45: {  	_ =	shalt  }
0x46: {  	_ =	shalt  }
0x47: {  	_ =	shalt  }
0x48: {  	_ =	shalt  }
0x49: {  	_ =	shalt  }
0x4a: {  	_ =	shalt  }
0x4b: {  	_ =	shalt  }
0x4c: {  	_ =	shalt  }
0x4d: {  	_ =	shalt  }
0x4e: {  	_ =	shalt  }
0x4f: {  	_ =	shalt  }
0x50: {  	_ =	shalt  }
0x51: {  	_ =	shalt  }
0x52: {  	_ =	shalt  }
0x53: {  	_ =	shalt  }
0x54: {  	_ =	shalt  }
0x55: {  	_ =	shalt  }
0x56: {  	_ =	shalt  }
0x57: {  	_ =	shalt  }
0x58: {  	_ =	shalt  }
0x59: {  	_ =	shalt  }
0x5a: {  	_ =	shalt  }
0x5b: {  	_ =	shalt  }
0x5c: {  	_ =	shalt  }
0x5d: {  	_ =	shalt  }
0x5e: {  	_ =	shalt  }
0x5f: {  	_ =	shalt  }
0x60: {  	_ =	shalt  }
0x61: {  	_ =	shalt  }
0x62: {  	_ =	shalt  }
0x63: {  	_ =	shalt  }
0x64: {  	_ =	shalt  }
0x65: {  	_ =	shalt  }
0x66: {  	_ =	shalt  }
0x67: {  	_ =	shalt  }
0x68: {  	_ =	shalt  }
0x69: {  	_ =	shalt  }
0x6a: {  	_ =	shalt  }
0x6b: {  	_ =	shalt  }
0x6c: {  	_ =	shalt  }
0x6d: {  	_ =	shalt  }
0x6e: {  	_ =	shalt  }
0x6f: {  	_ =	shalt  }
0x70: {  	_ =	shalt  }
0x71: {  	_ =	shalt  }
0x72: {  	_ =	shalt  }
0x73: {  	_ =	shalt  }
0x74: {  	_ =	shalt  }
0x75: {  	_ =	shalt  }
0x76: {  	_ =	shalt  }
0x77: {  	_ =	shalt  }
0x78: {  	_ =	shalt  }
0x79: {  	_ =	shalt  }
0x7a: {  	_ =	shalt  }
0x7b: {  	_ =	shalt  }
0x7c: {  	_ =	shalt  }
0x7d: {  	_ =	shalt  }
0x7e: {  	_ =	shalt  }
0x7f: {  	_ =	shalt  }
0x80: {  	_ =	shalt  }
0x81: {  	_ =	shalt  }
0x82: {  	_ =	shalt  }
0x83: {  	_ =	shalt  }
0x84: {  	_ =	shalt  }
0x85: {  	_ =	shalt  }
0x86: {  	_ =	shalt  }
0x87: {  	_ =	shalt  }
.Lfunc_end0:
.L_simem_size_0:
called_computation.2_lowered:
.L_overlay_start_0:
0x88: {  	s2 =	sld [smem:$0x3FD9]  }
0x89: {  	s3 =	sld [smem:$0x3FFE];
	_ =	sdelay $0x1  }
0x8a: {  	s1 =	srdreg.scid  }
0x8b: {  	s0 =	sand.u32 $0x1, s1  }
0x8c: {  	s17 =	sshll.u32 s0, $0xA;
	s2 =	sadd.s32 s3, s2  }
0x8d: {  	s2 =	sadd.s32 s2, s17  }
0x8e: {  	[smem:$0x3FC2] =	sst s2  }
0x8f: {  	_ = 	snop  }
0x90: {  	s2 =	sld [smem:$0x3FD0];
	(tm) =	ssettm $0x1  }
0x91: {  	s18 =	sld [smem:$0x3FFB];
	_ =	sdelay $0x3  }
0x92: {  	_ =	strace s18  }
0x93: {  	s3 =	sld [smem:$0x3FFC];
	_ =	sdelay $0x3  }
0x94: {  	_ =	strace s3  }
0x95: {  	s3 =	sld [smem:$0x3FFD];
	_ =	sdelay $0x3  }
0x96: {  	_ =	strace s3  }
0x97: {  	_ =	strace $0x8FFFFFFF  }
0x98: {  	s19 =	sld [smem:$0x3FDB];
	_ =	sdelay $0x1  }
0x99: {  	s4 =	simm.s32 $_scs_section_size  }
0x9a: {  	s5 =	simm.s32 $_size__tile_overlayer_lowered;
	s6 =	simm.s32 $_tile_overlayer_lowered  }
0x9b: {  	s22 =	simm.s32 $0x1BFF;
	s21 =	sshll.u32 s6, $0x1;
	s3 =	sadd.s32 s4, s19  }
0x9c: {  	s7 =	simm.s32 $0x0;
	s20 =	sshll.u32 s5, $0x1;
	s5 =	sadd.s32 s21, s3  }
0x9d: {  	[timem:s7], [sflag:s22] =	dma.local [hbm:s5], s20  }
0x9e: {  	_ =	swait.ge [sflag:s22], s20  }
0x9f: {  	s4 =	ssub.s32 $0x0, s20;
	[sflag:s22] =	ssyncset.done $0x0  }
0xa0: {  	[sflag:s22] =	ssyncadd.s32 s4;
	_ =	sdelay $0x1  }
0xa1: {  	s23 =	simm.s32 $0x1B8B  }
0xa2: {  	_ =	swait.ge [sflag:s23], $0x1  }
0xa3: {  	[sflag:s23] =	ssyncset.done $0x0  }
0xa4: {  	s25 =	simm.s32 $0x1B8E;
	s24 =	sld [smem:$0x3FFE];
	[sflag:s23] =	ssyncadd.s32 $0xFFFFFFFF  }
0xa5: {  	s26 =	simm.s32 $execute0_lowered;
	[smem:$0x3FD2] =	sst s25  }
0xa6: {  	s5 =	sshll.u32 s26, $0x1;
	_ =	strace $0x8000004C;
	[dreg:$0x1] =	wrdreg $0xFFFFFFFF  }
0xa7: {  	s28 =	simm.s32 $_size_execute0_lowered;
	s3 =	sadd.s32 s3, s5;
	[dreg:$0x0] =	wrdreg $0x0  }
0xa8: {  	s5 =	sshll.u32 s28, $0x1;
	[dreg:$0x2] =	wrdreg s3  }
0xa9: {  	[dreg:$0x3] =	wrdreg s5  }
0xaa: {  	[dreg:$0x4] =	wrdreg $0xC0  }
0xab: {  	_ =	task [dreg:s7], $0x5FFFF  }
0xac: {  	[dreg:$0x1] =	wrdreg $0xFFFFFFFF  }
0xad: {  	[dreg:$0x0] =	wrdreg $0x60  }
0xae: {  	[dreg:$0x2] =	wrdreg s24  }
0xaf: {  	[dreg:$0x3] =	wrdreg s2  }
0xb0: {  	[dreg:$0x4] =	wrdreg $0x9  }
0xb1: {  	_ =	task.clear_ibuf [dreg:s7], $0x5FFFF;
	_ =	strace $0x9000004C  }
0xb2: {  	s29 =	simm.s32 $0x9;
	_ =	strace $0x8000004E  }
0xb3: {  	_ =	swait.ge [sflag:s29], $0x1  }
0xb4: {  	[sflag:s29] =	ssyncadd.s32 $0xFFFFFFFF  }
0xb5: {  	_ =	strace $0x9000004E  }
0xb6: {  	_ =	sfence  }
0xb7: {  	s30 =	sld [smem:$0x0];
	_ =	sdelay $0x2  }
0xb8: {  	s31 =	sshll.u32 s1, $0xD;
	s1 =	sshrl.u32 s1, $0x2  }
0xb9: {  	s3 =	sand.u32 $0x4000, s31;
	s1 =	sadd.s32 s1, s30  }
0xba: {  	s0 =	sor.u32 s3, s0;
	s1 =	sshll.u32 s1, $0x11  }
0xbb: {  	s0 =	sor.u32 s1, s0  }
0xbc: {  	s0 =	sadd.s32 $0x8F2B, s0  }
0xbd: {  	[sflag:s0] =	ssyncadd.remote.s32 $0x1  }
0xbe: {  	_ =	sfence.sel $0xFFFF  }
0xbf: {  	[dreg:$0x0] =	wrdreg $0xFFFFFFFF;
	(pc) =	sbr.abs _section_cstart, $3  }
0xc0: {  	[dreg:$0x1] =	wrdreg $0xFFFFFFFF  }
0xc1: {  	_ =	task.clear_ibuf [dreg:s7], $0x2FFFF;
	_ =	strace $0x9FFFFFFF  }
0xc2: {  	(tm) =	ssettm $0x7FFFFFFF  }
0xc3: {  	_ =	shalt  }
tec
execute0_lowered:
.L_overlay_start_1:
0x0: {  	(tag) =	ssettag $0x1  }
0x1: {  	s0 =	srdreg.scid;
	s10 =	stileid.u32  }
0x2: {  	s1 =	rddreg [dreg:$0x0];
	s11 =	simm.s32 $0x0;
	s18 =	simm.s32 $0x2  }
0x3: {  	s0 =	sand.u32 $0x1, s0;
	s2 =	sshll.u32 s10, $0x1;
	s29 =	smul.u32 $0x2500, s10  }
0x4: {  	s2 =	sor.u32 s0, s2;
	s9 =	ssub.s32 $0x2, s0;
	s0 =	smul.u32 $0x1280, s0  }
0x5: {  	s20 =	simm.s32 $0x80;
	s15 =	simm.s32 $0xBF80;
	s3 =	smul.u32 $0x1280, s2  }
0x6: {  	s16 =	simm.s32 $0xCB80;
	[smem:$0x7FF] =	sst s11;
	s5 =	sadd.s32 $0x231A00, s1  }
0x7: {  	s7 =	sadd.s32 $0x23AE00, s1;
	s0 =	sadd.s32 s0, s29;
	s3 =	sshrl.u32 s3, $0x3  }
0x8: {  	_ =	strace $0x8000004D;
	[dreg:$0xf] =	wrdreg s0;
	s25 =	sadd.s32 s5, s3  }
0x9: {  	s8 =	sadd.s32 $0x244200, s1;
	s26 =	sadd.s32 s7, s3;
	[dreg:$0x7] =	wrdreg s25  }
0xa: {  	s6 =	sadd.s32 s3, s1;
	s28 =	sadd.s32 s8, s3;
	[dreg:$0x8] =	wrdreg s26  }
0xb: {  	s17 =	simm.s32 $0xC000;
	s12 =	sadd.s32 $0x20A600, s6;
	[dreg:$0x9] =	wrdreg s28  }
0xc: {  	s21 =	simm.s32 $0xC080;
	s23 =	sadd.s32 $0x205C00, s6;
	[dreg:$0x3] =	wrdreg s12  }
0xd: {  	s4 =	sadd.s32 $0x1200, s1;
	s24 =	sadd.s32 $0x201200, s6;
	[dreg:$0x4] =	wrdreg s23  }
0xe: {  	s3 =	sadd.s32 $0x4A00, s3;
	s6 =	sadd.s32 $0x24D600, s6;
	[dreg:$0x5] =	wrdreg s24  }
0xf: {  	s2 =	sshll.u32 s2, $0x4;
	s5 =	sadd.s32 s5, s3;
	[dreg:$0x6] =	wrdreg s6  }
0x10: {  	s22 =	sshrl.u32 s9, $0x1;
	s30 =	sadd.s32 s7, s3;
	[dreg:$0xa] =	wrdreg s5  }
0x11: {  	s1 =	sadd.s32 s2, s1;
	s3 =	sadd.s32 s8, s3;
	[dreg:$0xb] =	wrdreg s30  }
0x12: {  	s2 =	ssub.s32 s9, s22;
	s1 =	sadd.s32 $0x20F000, s1;
	[dreg:$0xc] =	wrdreg s3  }
0x13: {  	s22 =	simm.s32 $0xCC80;
	s31 =	smax.u32 s2, $0x1;
	[dreg:$0xd] =	wrdreg s1  }
0x14: {  	s25 =	simm.s32 $0x1;
	[dreg:$0xe] =	wrdreg s31;
	s3 =	simm.s32 $0xCC00  }
0x15: {  	s23 =	simm.s32 $0xC100;
	s24 =	simm.s32 $0xCD00;
	s1 =	simm.s32 $0x0  }
.LBB2_1:
0x16: {  	[dreg:$0x10] =	wrdreg s1  }
0x17: {  	s0 =	rddreg [dreg:$0x3]  }
0x18: {  	[tilespmem:s11], [sflag:$0x2] =	stream.linear.gather [hbm4b:s0+s11], $0x1280, $0x38;
	[tilespmem:$0xCE00] =	vst v63  }
0x19: {  	_ =	swait.ge [sflag:s18], $0x1280  }
0x1a: {  	[sflag:s18] =	ssyncset.done $0x0  }
0x1b: {  	s26 =	simm.s32 $0x1280;
	s6 =	rddreg [dreg:$0x4];
	[sflag:s18] =	ssyncadd.s32 $0xFFFFED80  }
0x1c: {  	[tilespmem:s26], [sflag:$0x2] =	stream.linear.gather [hbm4b:s6+s11], $0x1280, $0x38;
	[tilespmem:$0xCE00] =	vst v63  }
0x1d: {  	_ =	swait.ge [sflag:s18], $0x1280  }
0x1e: {  	[sflag:s18] =	ssyncset.done $0x0  }
0x1f: {  	s28 =	simm.s32 $0x2500;
	s7 =	rddreg [dreg:$0x5];
	[sflag:s18] =	ssyncadd.s32 $0xFFFFED80  }
0x20: {  	[tilespmem:s28], [sflag:$0x2] =	stream.linear.gather [hbm4b:s7+s11], $0x1280, $0x38;
	[tilespmem:$0xCE00] =	vst v63  }
0x21: {  	_ =	swait.ge [sflag:s18], $0x1280  }
0x22: {  	[sflag:s18] =	ssyncset.done $0x0  }
0x23: {  	s29 =	simm.s32 $0xA680;
	s8 =	rddreg [dreg:$0x6];
	[sflag:s18] =	ssyncadd.s32 $0xFFFFED80  }
0x24: {  	[tilespmem:s29], [sflag:$0x2] =	stream.linear.gather [hbm4b:s8+s11], $0x1280, $0x38;
	[tilespmem:$0xCE00] =	vst v63  }
0x25: {  	_ =	swait.ge [sflag:s18], $0x1280  }
0x26: {  	[sflag:s18] =	ssyncset.done $0x0  }
0x27: {  	s30 =	simm.s32 $0x3780;
	s9 =	rddreg [dreg:$0x7];
	[sflag:s18] =	ssyncadd.s32 $0xFFFFED80  }
0x28: {  	[tilespmem:s30], [sflag:$0x2] =	stream.linear.gather [hbm4b:s9+s11], $0x1280, $0x38;
	[tilespmem:$0xCE00] =	vst v63  }
0x29: {  	_ =	swait.ge [sflag:s18], $0x1280  }
0x2a: {  	[sflag:s18] =	ssyncset.done $0x0  }
0x2b: {  	s31 =	simm.s32 $0x4A00;
	s10 =	rddreg [dreg:$0x8];
	[sflag:s18] =	ssyncadd.s32 $0xFFFFED80  }
0x2c: {  	[tilespmem:s31], [sflag:$0x2] =	stream.linear.gather [hbm4b:s10+s11], $0x1280, $0x38;
	[tilespmem:$0xCE00] =	vst v63  }
0x2d: {  	_ =	swait.ge [sflag:s18], $0x1280  }
0x2e: {  	[sflag:s18] =	ssyncset.done $0x0  }
0x2f: {  	s1 =	simm.s32 $0x5C80;
	s12 =	rddreg [dreg:$0x9];
	[sflag:s18] =	ssyncadd.s32 $0xFFFFED80  }
0x30: {  	[tilespmem:s1], [sflag:$0x2] =	stream.linear.gather [hbm4b:s12+s11], $0x1280, $0x38;
	[tilespmem:$0xCE00] =	vst v63  }
0x31: {  	_ =	swait.ge [sflag:s18], $0x1280  }
0x32: {  	[sflag:s18] =	ssyncset.done $0x0  }
0x33: {  	s0 =	simm.s32 $0x6F00;
	s2 =	rddreg [dreg:$0xa];
	[sflag:s18] =	ssyncadd.s32 $0xFFFFED80  }
0x34: {  	[tilespmem:s0], [sflag:$0x2] =	stream.linear.gather [hbm4b:s2+s11], $0x1280, $0x38;
	[tilespmem:$0xCE00] =	vst v63  }
0x35: {  	_ =	swait.ge [sflag:s18], $0x1280  }
0x36: {  	[sflag:s18] =	ssyncset.done $0x0  }
0x37: {  	s2 =	simm.s32 $0x8180;
	s5 =	rddreg [dreg:$0xb];
	[sflag:s18] =	ssyncadd.s32 $0xFFFFED80  }
0x38: {  	[tilespmem:s2], [sflag:$0x2] =	stream.linear.gather [hbm4b:s5+s11], $0x1280, $0x38;
	[tilespmem:$0xCE00] =	vst v63  }
0x39: {  	_ =	swait.ge [sflag:s18], $0x1280  }
0x3a: {  	[sflag:s18] =	ssyncset.done $0x0  }
0x3b: {  	s19 =	simm.s32 $0x9400;
	s13 =	rddreg [dreg:$0xc];
	[sflag:s18] =	ssyncadd.s32 $0xFFFFED80  }
0x3c: {  	[tilespmem:s19], [sflag:$0x2] =	stream.linear.gather [hbm4b:s13+s11], $0x1280, $0x38;
	[tilespmem:$0xCE00] =	vst v63  }
0x3d: {  	_ =	swait.ge [sflag:s18], $0x1280  }
0x3e: {  	[sflag:s18] =	ssyncset.done $0x0  }
0x3f: {  	[sflag:s18] =	ssyncadd.s32 $0xFFFFED80  }
0x40: {  	s6 =	simm.s32 $0xB900;
	s14 =	rddreg [dreg:$0x1]  }
0x41: {  	[tilespmem:s6], [sflag:$0x2] =	stream.linear.gather [hbm4b:s14+s11], $0x80, $0x38;
	[tilespmem:$0xCE00] =	vst v63  }
0x42: {  	_ =	swait.ge [sflag:s18], $0x80  }
0x43: {  	[sflag:s18] =	ssyncset.done $0x0  }
0x44: {  	[sflag:s18] =	ssyncadd.s32 $0xFFFFFF80  }
0x45: {  	v11 =	vld [tilespmem:$0xB900];
	_ =	sdelay $0x4  }
0x46: {  	v0 =	vbroadcast v11, $0x0;
	v1 =	vbroadcast v11, $0x1  }
0x47: {  	v2 =	vbroadcast v11, $0x2;
	v3 =	vbroadcast v11, $0x3  }
0x48: {  	v4 =	vbroadcast v11, $0x4;
	v5 =	vbroadcast v11, $0x5  }
0x49: {  	v6 =	vbroadcast v11, $0x6;
	v7 =	vbroadcast v11, $0x7  }
0x4a: {  	v8 =	vbroadcast v11, $0x8;
	v9 =	vbroadcast v11, $0x9  }
0x4b: {  	v12 =	vimm.f32 $0.0e+00;
	s7 =	simm.s32 $0x0;
	s6 =	simm.s32 $0x0;
	s12 =	rddreg [dreg:$0xf];
	v10 =	vbroadcast v11, $0xA;
	v11 =	vbroadcast v11, $0xB  }
.LBB2_2:
0x4c: {  	v13 =	vmov s0  }
0x4d: {  	v14 =	vmov s30  }
0x4e: {  	v15 =	vmov s2  }
0x4f: {  	v16 =	vmov s31  }
0x50: {  	v17 =	vmov s1;
	s8 =	simm.s32 $0x0  }
0x51: {  	v18 =	vmov s19;
	v19 =	vld.idx.msk [tilespmem:v13+s8+$0x0 ss:$0x1], $0xffff  }
0x52: {  	v20 =	vld.idx.msk [tilespmem:v14+s8+$0x0 ss:$0x1], $0xffff  }
0x53: {  	v21 =	vld.idx.msk [tilespmem:v15+s8+$0x0 ss:$0x1], $0xffff  }
0x54: {  	v22 =	vld.idx.msk [tilespmem:v16+s8+$0x0 ss:$0x1], $0xffff  }
0x55: {  	v23 =	vld.idx.msk [tilespmem:v17+s8+$0x0 ss:$0x1], $0xffff  }
0x56: {  	v24 =	vld.idx.msk [tilespmem:v18+s8+$0x0 ss:$0x1], $0xffff;
	_ =	sdelay $0x2  }
0x57: {  	v25 =	vadd.f32 v19, v20;
	v26 =	vadd.f32 v21, v22;
	_ =	sdelay $0x1  }
0x58: {  	v23 =	vadd.f32 v24, v23;
	v19 =	vmul.f32 v25, v25;
	v20 =	vmul.f32 v26, v26;
	_ =	sdelay $0x1  }
0x59: {  	v19 =	vadd.f32 v20, v19;
	v20 =	vmul.f32 v23, v23;
	_ =	sdelay $0x1  }
0x5a: {  	v19 =	vadd.f32 v20, v19;
	_ =	sdelay $0x1  }
0x5b: {  	v20 =	vshrl.u32 v19, $0x1;
	v21 =	vmul.f32 $5.000000000e-01, v19  }
0x5c: {  	v20 =	vsub.s32 $0x5F3759DF, v20  }
0x5d: {  	v22 =	vmul.f32 v20, v21;
	_ =	sdelay $0x1  }
0x5e: {  	v22 =	vmul.f32 v20, v22;
	_ =	sdelay $0x1  }
0x5f: {  	v22 =	vsub.f32 $1.500000000e+00, v22;
	_ =	sdelay $0x1  }
0x60: {  	v20 =	vmul.f32 v20, v22;
	_ =	sdelay $0x1  }
0x61: {  	v22 =	vmul.f32 v20, v21;
	_ =	sdelay $0x1  }
0x62: {  	v22 =	vmul.f32 v22, v20;
	_ =	sdelay $0x1  }
0x63: {  	v22 =	vsub.f32 $1.500000000e+00, v22;
	_ =	sdelay $0x1  }
0x64: {  	v20 =	vmul.f32 v22, v20;
	_ =	sdelay $0x1  }
0x65: {  	v21 =	vmul.f32 v20, v21;
	_ =	sdelay $0x1  }
0x66: {  	v21 =	vmul.f32 v21, v20;
	_ =	sdelay $0x1  }
0x67: {  	v21 =	vsub.f32 $1.500000000e+00, v21;
	_ =	sdelay $0x1  }
0x68: {  	v20 =	vmul.f32 v21, v20;
	_ =	sdelay $0x1  }
0x69: {  	v19 =	vmul.f32 v20, v19;
	_ =	sdelay $0x1  }
0x6a: {  	v20 =	vadd.f32 $9.999999930e-09, v19;
	_ =	sdelay $0x1  }
0x6b: {  	v19 =	vmov s29;
	(erf) = vrcp.f32 v20;
	_ =	sdelay $0x3  }
0x6c: {  	v20 =	vmov s26  }
0x6d: {  	v21 =	vmov s6;
	v24 =	vld.idx.msk [tilespmem:v19+s8+$0x0 ss:$0x1], $0xffff  }
0x6e: {  	v22 =	vmov s28;
	_ =	sdelay $0x2  }
0x6f: {  	v27 =	vld.idx.msk [tilespmem:v20+s8+$0x0 ss:$0x1], $0xffff;
	v28 =	vpop (erf)  }
0x70: {  	v31 =	vld.idx.msk [tilespmem:v21+s8+$0x0 ss:$0x1], $0xffff;
	v24 =	vmul.f32 $5.000000000e-01, v24;
	v26 =	vmul.f32 v28, v26  }
0x71: {  	v32 =	vld.idx.msk [tilespmem:v22+s8+$0x0 ss:$0x1], $0xffff;
	v23 =	vmul.f32 v28, v23;
	v28 =	vmul.f32 v28, v25  }
0x72: {  	v25 =	vadd.f32 v26, v26;
	v26 =	vmul.f32 v26, v24  }
0x73: {  	v29 =	vadd.f32 v28, v28;
	v33 =	vadd.f32 v23, v23  }
0x74: {  	v25 =	vsub.f32 v27, v25;
	v30 =	vadd.f32 v26, v27  }
0x75: {  	v23 =	vmul.f32 v23, v24;
	v26 =	vmul.f32 v28, v24;
	v36 =	vsub.f32 v31, v29  }
0x76: {  	v34 =	vsub.f32 v32, v33;
	v35 =	vmul.f32 v25, v5;
	v33 =	vmul.f32 v30, v1  }
0x77: {  	v28 =	vadd.f32 v23, v32;
	v29 =	vmul.f32 v36, v8;
	v24 =	vmul.f32 v30, v9  }
0x78: {  	v26 =	vadd.f32 v26, v31;
	v32 =	vmul.f32 v36, v0;
	v27 =	vmul.f32 v34, v10  }
0x79: {  	v37 =	vmul.f32 v36, v4;
	v23 =	vmul.f32 v28, v10  }
0x7a: {  	s9 =	simm.s32 $0x40;
	v31 =	vmul.f32 v34, v2;
	v36 =	vmul.f32 v26, v0  }
.LBB2_3:
0x7b: {  	p0 =	sne.s32 s9, $0x1C0;
	v35 =	vadd.f32 v35, v37;
	v34 =	vmul.f32 v34, v6;
	v37 =	vmul.f32 v26, v4;
	s5 =	smov.u32 s9;
	s9 =	sadd.s32 $0x40, s9  }
0x7c: {  	v30 =	vmul.f32 v30, v5;
	v33 =	vadd.f32 v33, v36;
	v36 =	vmul.f32 v28, v2  }
0x7d: {  	v38 =	vmul.f32 v25, v1;
	v25 =	vmul.f32 v25, v9;
	v34 =	vadd.f32 v35, v34  }
0x7e: {  	v26 =	vmul.f32 v26, v8;
	v30 =	vadd.f32 v30, v37;
	v33 =	vadd.f32 v33, v36  }
0x7f: {  	v28 =	vmul.f32 v28, v6;
	v25 =	vadd.f32 v25, v29;
	v34 =	vadd.f32 v34, v7  }
0x80: {  	v29 =	vadd.f32 v38, v32;
	v32 =	vadd.f32 v33, v3  }
0x81: {  	v25 =	vadd.f32 v25, v27;
	v28 =	vadd.f32 v30, v28;
	v27 =	vmax.f32 v34, $0.0e+00  }
0x82: {  	v29 =	vadd.f32 v29, v31;
	v27 =	vmin.f32 v27, $2.549998930e+02;
	v30 =	vmax.f32 v32, $0.0e+00  }
0x83: {  	v25 =	vadd.f32 v25, v11;
	v28 =	vadd.f32 v28, v7;
	v30 =	vmin.f32 v30, $2.549998930e+02  }
0x84: {  	v24 =	vadd.f32 v24, v26;
	v29 =	vadd.f32 v29, v3;
	v26 =	vtrunc.f32 v30  }
0x85: {  	v25 =	vmax.f32 v25, $0.0e+00;
	v28 =	vmax.f32 v28, $0.0e+00;
	v26 =	vcvt.f32.s32 v26  }
0x86: {  	v29 =	vmax.f32 v29, $0.0e+00;
	v25 =	vmin.f32 v25, $2.549998930e+02;
	v28 =	vmin.f32 v28, $2.549998930e+02  }
0x87: {  	v29 =	vmin.f32 v29, $2.549998930e+02;
	v31 =	vshll.u32 v26, $0x10;
	v26 =	vcvt.s32.f32 v26  }
0x88: {  	v23 =	vadd.f32 v24, v23;
	v32 =	vtrunc.f32 v27;
	v33 =	vtrunc.f32 v25  }
0x89: {  	v32 =	vcvt.f32.s32 v32;
	v24 =	vtrunc.f32 v29;
	v26 =	vsub.f32 v30, v26  }
0x8a: {  	v23 =	vadd.f32 v23, v11;
	v24 =	vcvt.f32.s32 v24;
	v30 =	vcvt.f32.s32 v33  }
0x8b: {  	v34 =	vtrunc.f32 v28;
	v33 =	vshll.u32 v32, $0x8;
	v32 =	vcvt.s32.f32 v32;
	[tilespmem:s8+$0xC300] =	vst v26  }
0x8c: {  	v23 =	vmax.f32 v23, $0.0e+00;
	v26 =	vadd.s32 v30, v33;
	v30 =	vcvt.s32.f32 v30  }
0x8d: {  	v23 =	vmin.f32 v23, $2.549998930e+02;
	v33 =	vshll.u32 v24, $0x10;
	v27 =	vsub.f32 v27, v32  }
0x8e: {  	v24 =	vcvt.s32.f32 v24;
	v32 =	vtrunc.f32 v23;
	v26 =	vadd.s32 v33, v26  }
0x8f: {  	v34 =	vcvt.f32.s32 v34;
	v32 =	vcvt.f32.s32 v32;
	v33 =	vadd.s32 $0x1, v26;
	[tilespmem:s8+$0xB980] =	vst v26  }
0x90: {  	v24 =	vsub.f32 v29, v24;
	v25 =	vsub.f32 v25, v30;
	[tilespmem:s8+$0xBA00] =	vst v33;
	v33 =	vadd.s32 $0x100, v26  }
0x91: {  	v29 =	vshll.u32 v34, $0x8;
	v30 =	vcvt.s32.f32 v34;
	[tilespmem:s8+$0xBA80] =	vst v33;
	v33 =	vcvt.s32.f32 v32  }
0x92: {  	v34 =	vadd.s32 $0x101, v26;
	v35 =	vadd.s32 $0x10000, v26;
	[tilespmem:s8+$0xC180] =	vst v24;
	v24 =	vadd.s32 v32, v29  }
0x93: {  	v28 =	vsub.f32 v28, v30;
	[tilespmem:s8+$0xBB80] =	vst v35;
	v24 =	vadd.s32 v31, v24;
	v23 =	vsub.f32 v23, v33  }
0x94: {  	[tilespmem:s8+$0xBD80] =	vst v24;
	v29 =	vadd.s32 $0x1, v24;
	v30 =	vadd.s32 $0x100, v24;
	v31 =	vadd.s32 $0x101, v24  }
0x95: {  	v32 =	vadd.s32 $0x10001, v24;
	v33 =	vadd.s32 $0x10100, v24;
	[tilespmem:s8+$0xBE00] =	vst v29;
	v29 =	vadd.s32 $0x10000, v24  }
0x96: {  	v36 =	vadd.s32 $0x10100, v26;
	v35 =	vadd.s32 $0x10001, v26;
	v24 =	vadd.s32 $0x10101, v24;
	[tilespmem:s8+$0xC200] =	vst v27  }
0x97: {  	v26 =	vadd.s32 $0x10101, v26;
	[tilespmem:s8+$0xC280] =	vst v25  }
0x98: {  	[tilespmem:s8+$0xBF80] =	vst v29  }
0x99: {  	[tilespmem:s8+$0xC000] =	vst v32  }
0x9a: {  	[tilespmem:s8+$0xC080] =	vst v33  }
0x9b: {  	s5 =	sshra.s32 s5, $0x2;
	[tilespmem:s8+$0xC100] =	vst v24  }
0x9c: {  	[tilespmem:s8+$0xBE80] =	vst v30  }
0x9d: {  	[tilespmem:s8+$0xBF00] =	vst v31  }
0x9e: {  	[tilespmem:s8+$0xC380] =	vst v28  }
0x9f: {  	[tilespmem:s8+$0xC400] =	vst v23  }
0xa0: {  	[tilespmem:s8+$0xBB00] =	vst v34  }
0xa1: {  	[tilespmem:s8+$0xBC80] =	vst v36  }
0xa2: {  	[tilespmem:s8+$0xBD00] =	vst v26  }
0xa3: {  	[tilespmem:s8+$0xBC00] =	vst v35;
	s8 =	smov.u32 s5;
	_ =	sdelay $0x1  }
0xa4: {  	v23 =	vld.idx.msk [tilespmem:v13+s8+$0x0 ss:$0x1], $0xffff  }
0xa5: {  	v24 =	vld.idx.msk [tilespmem:v14+s8+$0x0 ss:$0x1], $0xffff  }
0xa6: {  	v25 =	vld.idx.msk [tilespmem:v15+s8+$0x0 ss:$0x1], $0xffff  }
0xa7: {  	v26 =	vld.idx.msk [tilespmem:v16+s8+$0x0 ss:$0x1], $0xffff  }
0xa8: {  	v27 =	vld.idx.msk [tilespmem:v17+s8+$0x0 ss:$0x1], $0xffff  }
0xa9: {  	v28 =	vld.idx.msk [tilespmem:v18+s8+$0x0 ss:$0x1], $0xffff;
	_ =	sdelay $0x2  }
0xaa: {  	v23 =	vadd.f32 v23, v24  }
0xab: {  	v24 =	vadd.f32 v25, v26;
	_ =	sdelay $0x1  }
0xac: {  	v26 =	vmul.f32 v23, v23;
	v25 =	vadd.f32 v28, v27;
	v27 =	vmul.f32 v24, v24;
	_ =	sdelay $0x1  }
0xad: {  	v26 =	vadd.f32 v27, v26;
	v27 =	vmul.f32 v25, v25;
	_ =	sdelay $0x1  }
0xae: {  	v26 =	vadd.f32 v27, v26;
	_ =	sdelay $0x1  }
0xaf: {  	v27 =	vshrl.u32 v26, $0x1;
	v28 =	vmul.f32 $5.000000000e-01, v26  }
0xb0: {  	v27 =	vsub.s32 $0x5F3759DF, v27  }
0xb1: {  	v29 =	vmul.f32 v27, v28;
	_ =	sdelay $0x1  }
0xb2: {  	v29 =	vmul.f32 v27, v29;
	_ =	sdelay $0x1  }
0xb3: {  	v29 =	vsub.f32 $1.500000000e+00, v29;
	_ =	sdelay $0x1  }
0xb4: {  	v27 =	vmul.f32 v27, v29;
	_ =	sdelay $0x1  }
0xb5: {  	v29 =	vmul.f32 v27, v28;
	_ =	sdelay $0x1  }
0xb6: {  	v29 =	vmul.f32 v29, v27;
	_ =	sdelay $0x1  }
0xb7: {  	v29 =	vsub.f32 $1.500000000e+00, v29;
	_ =	sdelay $0x1  }
0xb8: {  	v27 =	vmul.f32 v29, v27;
	_ =	sdelay $0x1  }
0xb9: {  	v28 =	vmul.f32 v27, v28;
	_ =	sdelay $0x1  }
0xba: {  	v28 =	vmul.f32 v28, v27;
	_ =	sdelay $0x1  }
0xbb: {  	v28 =	vsub.f32 $1.500000000e+00, v28;
	_ =	sdelay $0x1  }
0xbc: {  	v27 =	vmul.f32 v28, v27;
	_ =	sdelay $0x1  }
0xbd: {  	v26 =	vmul.f32 v27, v26;
	v28 =	vld.idx.msk [tilespmem:v19+s8+$0x0 ss:$0x1], $0xffff;
	_ =	sdelay $0x1  }
0xbe: {  	v26 =	vadd.f32 $9.999999930e-09, v26;
	_ =	sdelay $0x1  }
0xbf: {  	(erf) = vrcp.f32 v26;
	_ =	sdelay $0x1  }
0xc0: {  	v26 =	vmul.f32 $5.000000000e-01, v28;
	_ =	sdelay $0x5  }
0xc1: {  	v27 =	vld.idx.msk [tilespmem:v20+s8+$0x0 ss:$0x1], $0xffff  }
0xc2: {  	v28 =	vld.idx.msk [tilespmem:v21+s8+$0x0 ss:$0x1], $0xffff;
	v29 =	vpop (erf)  }
0xc3: {  	v31 =	vld.idx.msk [tilespmem:v22+s8+$0x0 ss:$0x1], $0xffff;
	v24 =	vmul.f32 v29, v24;
	v25 =	vmul.f32 v29, v25  }
0xc4: {  	v23 =	vmul.f32 v29, v23  }
0xc5: {  	v29 =	vadd.f32 v24, v24;
	v24 =	vmul.f32 v24, v26;
	v32 =	vmul.f32 v25, v26  }
0xc6: {  	v33 =	vadd.f32 v23, v23;
	v34 =	vadd.f32 v25, v25;
	v23 =	vmul.f32 v23, v26  }
0xc7: {  	v25 =	vsub.f32 v27, v29;
	v30 =	vadd.f32 v24, v27  }
0xc8: {  	v36 =	vsub.f32 v28, v33;
	v26 =	vadd.f32 v23, v28  }
.Ltmp0:
0xc9: {  	v34 =	vsub.f32 v31, v34;
	v35 =	vmul.f32 v25, v5;
	v33 =	vmul.f32 v30, v1;
	(pc) =	sbr.rel @p0 .LBB2_3-.Ltmp0, $4  }
0xca: {  	v28 =	vadd.f32 v32, v31;
	v29 =	vmul.f32 v36, v8;
	v24 =	vmul.f32 v30, v9  }
0xcb: {  	v32 =	vmul.f32 v36, v0;
	v27 =	vmul.f32 v34, v10  }
0xcc: {  	v37 =	vmul.f32 v36, v4;
	v23 =	vmul.f32 v28, v10  }
0xcd: {  	v36 =	vmul.f32 v26, v0;
	v31 =	vmul.f32 v34, v2  }
0xce: {  	v13 =	vadd.f32 v35, v37;
	v14 =	vmul.f32 v34, v6;
	v15 =	vmul.f32 v26, v4  }
0xcf: {  	v17 =	vmul.f32 v28, v2;
	v18 =	vmul.f32 v30, v5;
	v16 =	vadd.f32 v33, v36  }
0xd0: {  	v19 =	vmul.f32 v25, v9;
	v20 =	vmul.f32 v25, v1;
	v13 =	vadd.f32 v13, v14  }
0xd1: {  	v15 =	vadd.f32 v18, v15;
	v14 =	vadd.f32 v16, v17  }
0xd2: {  	v18 =	vadd.f32 v20, v32;
	v16 =	vadd.f32 v19, v29;
	v17 =	vmul.f32 v28, v6  }
0xd3: {  	v19 =	vmul.f32 v26, v8;
	v13 =	vadd.f32 v13, v7;
	v14 =	vadd.f32 v14, v3  }
0xd4: {  	v16 =	vadd.f32 v16, v27;
	v15 =	vadd.f32 v15, v17  }
0xd5: {  	v17 =	vadd.f32 v18, v31;
	v19 =	vadd.f32 v24, v19  }
0xd6: {  	v13 =	vmax.f32 v13, $0.0e+00;
	v14 =	vmax.f32 v14, $0.0e+00;
	v16 =	vadd.f32 v16, v11  }
0xd7: {  	v15 =	vadd.f32 v15, v7;
	v17 =	vadd.f32 v17, v3;
	v13 =	vmin.f32 v13, $2.549998930e+02  }
0xd8: {  	v19 =	vadd.f32 v19, v23;
	v14 =	vmin.f32 v14, $2.549998930e+02;
	v21 =	vtrunc.f32 v13  }
0xd9: {  	v18 =	vtrunc.f32 v14;
	v16 =	vmax.f32 v16, $0.0e+00;
	v15 =	vmax.f32 v15, $0.0e+00  }
0xda: {  	v17 =	vmax.f32 v17, $0.0e+00;
	v18 =	vcvt.f32.s32 v18;
	v16 =	vmin.f32 v16, $2.549998930e+02  }
0xdb: {  	v21 =	vcvt.f32.s32 v21;
	v17 =	vmin.f32 v17, $2.549998930e+02;
	v22 =	vtrunc.f32 v16  }
0xdc: {  	v19 =	vadd.f32 v19, v11;
	v23 =	vtrunc.f32 v17;
	v20 =	vcvt.s32.f32 v18  }
0xdd: {  	v15 =	vmin.f32 v15, $2.549998930e+02;
	v23 =	vcvt.f32.s32 v23;
	v22 =	vcvt.f32.s32 v22  }
0xde: {  	v19 =	vmax.f32 v19, $0.0e+00;
	v14 =	vsub.f32 v14, v20;
	v20 =	vshll.u32 v21, $0x8  }
0xdf: {  	v25 =	vshll.u32 v23, $0x10;
	v21 =	vcvt.s32.f32 v21;
	v20 =	vadd.s32 v22, v20  }
0xe0: {  	v24 =	vtrunc.f32 v15;
	[tilespmem:s8+$0xC300] =	vst v14;
	v14 =	vmin.f32 v19, $2.549998930e+02;
	v19 =	vadd.s32 v25, v20  }
0xe1: {  	v20 =	vcvt.s32.f32 v23;
	v13 =	vsub.f32 v13, v21;
	[tilespmem:s8+$0xB980] =	vst v19;
	v25 =	vadd.s32 $0x1, v19  }
0xe2: {  	v24 =	vcvt.f32.s32 v24;
	v23 =	vtrunc.f32 v14;
	[tilespmem:s8+$0xBA00] =	vst v25  }
0xe3: {  	v23 =	vcvt.f32.s32 v23;
	v25 =	vadd.s32 $0x100, v19;
	v17 =	vsub.f32 v17, v20;
	[tilespmem:s8+$0xC200] =	vst v13  }
0xe4: {  	v20 =	vshll.u32 v24, $0x8;
	[tilespmem:s8+$0xBA80] =	vst v25  }
0xe5: {  	v18 =	vshll.u32 v18, $0x10;
	v25 =	vadd.s32 $0x10000, v19;
	[tilespmem:s8+$0xC180] =	vst v17;
	v17 =	vadd.s32 v23, v20  }
0xe6: {  	[tilespmem:s8+$0xBB80] =	vst v25;
	v17 =	vadd.s32 v18, v17  }
0xe7: {  	v20 =	vcvt.s32.f32 v22;
	[tilespmem:s8+$0xBD80] =	vst v17;
	v18 =	vadd.s32 $0x1, v17  }
0xe8: {  	v13 =	vadd.s32 $0x10000, v17;
	[tilespmem:s8+$0xBE00] =	vst v18  }
0xe9: {  	v16 =	vsub.f32 v16, v20;
	v20 =	vadd.s32 $0x100, v17;
	[tilespmem:s8+$0xBF80] =	vst v13  }
0xea: {  	[tilespmem:s8+$0xBE80] =	vst v20  }
0xeb: {  	v13 =	vadd.s32 $0x10100, v17;
	[tilespmem:s8+$0xC280] =	vst v16  }
0xec: {  	v16 =	vadd.s32 $0x10001, v17;
	[tilespmem:s8+$0xC080] =	vst v13;
	v13 =	vcvt.s32.f32 v23  }
0xed: {  	v18 =	vadd.s32 $0x10101, v17;
	[tilespmem:s8+$0xC000] =	vst v16;
	v16 =	vcvt.s32.f32 v24  }
0xee: {  	[tilespmem:s8+$0xC100] =	vst v18;
	v13 =	vsub.f32 v14, v13;
	v14 =	vadd.s32 $0x101, v19  }
0xef: {  	v15 =	vsub.f32 v15, v16;
	v16 =	vadd.s32 $0x101, v17;
	[tilespmem:s8+$0xBB00] =	vst v14  }
0xf0: {  	[tilespmem:s8+$0xBF00] =	vst v16  }
0xf1: {  	v14 =	vadd.s32 $0x10101, v19;
	[tilespmem:s8+$0xC400] =	vst v13  }
0xf2: {  	[tilespmem:s8+$0xBD00] =	vst v14  }
0xf3: {  	v13 =	vadd.s32 $0x10100, v19;
	[tilespmem:s8+$0xC380] =	vst v15  }
0xf4: {  	[tilespmem:s8+$0xBC80] =	vst v13;
	v13 =	vadd.s32 $0x10001, v19  }
0xf5: {  	s5 =	simm.s32 $0xB980;
	s11 =	simm.s32 $0xC580;
	[tilespmem:s8+$0xBC00] =	vst v13  }
0xf6: {  	[tilespmem:s11], [sflag:$0x1] =	stream.indirect.gather [hbm4b:s4+s20], $0x1, s5, s20, $0xb8;
	[tilespmem:$0xCE00] =	vst v63  }
0xf7: {  	s13 =	simm.s32 $0xBA00;
	s14 =	simm.s32 $0xC600  }
0xf8: {  	[tilespmem:s14], [sflag:$0x1] =	stream.indirect.gather [hbm4b:s4+s20], $0x1, s13, s20, $0xb8;
	[tilespmem:$0xCE00] =	vst v63  }
0xf9: {  	s9 =	simm.s32 $0xC680;
	s8 =	simm.s32 $0xBA80  }
0xfa: {  	[tilespmem:s9], [sflag:$0x1] =	stream.indirect.gather [hbm4b:s4+s20], $0x1, s8, s20, $0xb8;
	[tilespmem:$0xCE00] =	vst v63  }
0xfb: {  	s10 =	simm.s32 $0xBB00;
	s11 =	simm.s32 $0xC700  }
0xfc: {  	[tilespmem:s11], [sflag:$0x1] =	stream.indirect.gather [hbm4b:s4+s20], $0x1, s10, s20, $0xb8;
	[tilespmem:$0xCE00] =	vst v63  }
0xfd: {  	s13 =	simm.s32 $0xBB80;
	s14 =	simm.s32 $0xC780  }
0xfe: {  	[tilespmem:s14], [sflag:$0x1] =	stream.indirect.gather [hbm4b:s4+s20], $0x1, s13, s20, $0xb8;
	[tilespmem:$0xCE00] =	vst v63  }
0xff: {  	s8 =	simm.s32 $0xBC00;
	s9 =	simm.s32 $0xC800  }
0x100: {  	[tilespmem:s9], [sflag:$0x1] =	stream.indirect.gather [hbm4b:s4+s20], $0x1, s8, s20, $0xb8;
	[tilespmem:$0xCE00] =	vst v63  }
0x101: {  	s10 =	simm.s32 $0xBC80;
	s11 =	simm.s32 $0xC880  }
0x102: {  	[tilespmem:s11], [sflag:$0x1] =	stream.indirect.gather [hbm4b:s4+s20], $0x1, s10, s20, $0xb8;
	[tilespmem:$0xCE00] =	vst v63  }
0x103: {  	s13 =	simm.s32 $0xBD00;
	s14 =	simm.s32 $0xC900  }
0x104: {  	[tilespmem:s14], [sflag:$0x1] =	stream.indirect.gather [hbm4b:s4+s20], $0x1, s13, s20, $0xb8;
	[tilespmem:$0xCE00] =	vst v63  }
0x105: {  	s8 =	simm.s32 $0xBD80;
	s9 =	simm.s32 $0xC980  }
0x106: {  	[tilespmem:s9], [sflag:$0x1] =	stream.indirect.gather [hbm4b:s4+s20], $0x1, s8, s20, $0xb8;
	[tilespmem:$0xCE00] =	vst v63  }
0x107: {  	s10 =	simm.s32 $0xBE00;
	s11 =	simm.s32 $0xCA00  }
0x108: {  	[tilespmem:s11], [sflag:$0x1] =	stream.indirect.gather [hbm4b:s4+s20], $0x1, s10, s20, $0xb8;
	[tilespmem:$0xCE00] =	vst v63  }
0x109: {  	s13 =	simm.s32 $0xBE80;
	s14 =	simm.s32 $0xCA80  }
0x10a: {  	[tilespmem:s14], [sflag:$0x1] =	stream.indirect.gather [hbm4b:s4+s20], $0x1, s13, s20, $0xb8;
	[tilespmem:$0xCE00] =	vst v63  }
0x10b: {  	s8 =	simm.s32 $0xBF00;
	s9 =	simm.s32 $0xCB00  }
0x10c: {  	[tilespmem:s9], [sflag:$0x1] =	stream.indirect.gather [hbm4b:s4+s20], $0x1, s8, s20, $0xb8;
	[tilespmem:$0xCE00] =	vst v63  }
0x10d: {  	_ = 	snop  }
0x10e: {  	[tilespmem:s16], [sflag:$0x1] =	stream.indirect.gather [hbm4b:s4+s20], $0x1, s15, s20, $0xb8;
	[tilespmem:$0xCE00] =	vst v63  }
0x10f: {  	_ = 	snop  }
0x110: {  	[tilespmem:s3], [sflag:$0x1] =	stream.indirect.gather [hbm4b:s4+s20], $0x1, s17, s20, $0xb8;
	[tilespmem:$0xCE00] =	vst v63  }
0x111: {  	_ = 	snop  }
0x112: {  	[tilespmem:s22], [sflag:$0x1] =	stream.indirect.gather [hbm4b:s4+s20], $0x1, s21, s20, $0xb8;
	[tilespmem:$0xCE00] =	vst v63  }
0x113: {  	_ = 	snop  }
0x114: {  	[tilespmem:s24], [sflag:$0x1] =	stream.indirect.gather [hbm4b:s4+s20], $0x1, s23, s20, $0xb8;
	[tilespmem:$0xCE00] =	vst v63  }
0x115: {  	_ =	swait.ge [sflag:s25], $0x80  }
0x116: {  	[sflag:s25] =	ssyncset.done $0x0  }
0x117: {  	[sflag:s25] =	ssyncadd.s32 $0xFFFFFF80  }
0x118: {  	_ =	swait.ge [sflag:s25], $0x80  }
0x119: {  	[sflag:s25] =	ssyncset.done $0x0  }
0x11a: {  	[sflag:s25] =	ssyncadd.s32 $0xFFFFFF80  }
0x11b: {  	_ =	swait.ge [sflag:s25], $0x80  }
0x11c: {  	[sflag:s25] =	ssyncset.done $0x0  }
0x11d: {  	[sflag:s25] =	ssyncadd.s32 $0xFFFFFF80  }
0x11e: {  	_ =	swait.ge [sflag:s25], $0x80  }
0x11f: {  	[sflag:s25] =	ssyncset.done $0x0  }
0x120: {  	[sflag:s25] =	ssyncadd.s32 $0xFFFFFF80  }
0x121: {  	_ =	swait.ge [sflag:s25], $0x80  }
0x122: {  	[sflag:s25] =	ssyncset.done $0x0  }
0x123: {  	[sflag:s25] =	ssyncadd.s32 $0xFFFFFF80  }
0x124: {  	_ =	swait.ge [sflag:s25], $0x80  }
0x125: {  	[sflag:s25] =	ssyncset.done $0x0  }
0x126: {  	[sflag:s25] =	ssyncadd.s32 $0xFFFFFF80  }
0x127: {  	_ =	swait.ge [sflag:s25], $0x80  }
0x128: {  	[sflag:s25] =	ssyncset.done $0x0  }
0x129: {  	[sflag:s25] =	ssyncadd.s32 $0xFFFFFF80  }
0x12a: {  	_ =	swait.ge [sflag:s25], $0x80  }
0x12b: {  	[sflag:s25] =	ssyncset.done $0x0  }
0x12c: {  	[sflag:s25] =	ssyncadd.s32 $0xFFFFFF80  }
0x12d: {  	_ =	swait.ge [sflag:s25], $0x80  }
0x12e: {  	[sflag:s25] =	ssyncset.done $0x0  }
0x12f: {  	[sflag:s25] =	ssyncadd.s32 $0xFFFFFF80  }
0x130: {  	_ =	swait.ge [sflag:s25], $0x80  }
0x131: {  	[sflag:s25] =	ssyncset.done $0x0  }
0x132: {  	[sflag:s25] =	ssyncadd.s32 $0xFFFFFF80  }
0x133: {  	_ =	swait.ge [sflag:s25], $0x80  }
0x134: {  	[sflag:s25] =	ssyncset.done $0x0  }
0x135: {  	[sflag:s25] =	ssyncadd.s32 $0xFFFFFF80  }
0x136: {  	_ =	swait.ge [sflag:s25], $0x80  }
0x137: {  	[sflag:s25] =	ssyncset.done $0x0  }
0x138: {  	[sflag:s25] =	ssyncadd.s32 $0xFFFFFF80  }
0x139: {  	_ =	swait.ge [sflag:s25], $0x80  }
0x13a: {  	[sflag:s25] =	ssyncset.done $0x0  }
0x13b: {  	[sflag:s25] =	ssyncadd.s32 $0xFFFFFF80  }
0x13c: {  	_ =	swait.ge [sflag:s25], $0x80  }
0x13d: {  	[sflag:s25] =	ssyncset.done $0x0  }
0x13e: {  	[sflag:s25] =	ssyncadd.s32 $0xFFFFFF80  }
0x13f: {  	_ =	swait.ge [sflag:s25], $0x80  }
0x140: {  	[sflag:s25] =	ssyncset.done $0x0  }
0x141: {  	[sflag:s25] =	ssyncadd.s32 $0xFFFFFF80  }
0x142: {  	_ =	swait.ge [sflag:s25], $0x80  }
0x143: {  	[sflag:s25] =	ssyncset.done $0x0  }
0x144: {  	s10 =	simm.s32 $0xFFFFFF80;
	[sflag:s25] =	ssyncadd.s32 $0xFFFFFF80  }
0x145: {  	v13 =	vld [tilespmem:s10+$0xC480]  }
0x146: {  	v14 =	vld [tilespmem:s10+$0xC980]  }
0x147: {  	v15 =	vld [tilespmem:s10+$0xCA80]  }
0x148: {  	v16 =	vld [tilespmem:s10+$0xC880]  }
0x149: {  	v17 =	vld [tilespmem:s10+$0xCB80]  }
0x14a: {  	v18 =	vld [tilespmem:s10+$0xCC00]  }
0x14b: {  	v19 =	vld [tilespmem:s10+$0xCC80]  }
0x14c: {  	v20 =	vld [tilespmem:s10+$0xC400]  }
0x14d: {  	v21 =	vld [tilespmem:s10+$0xC380]  }
0x14e: {  	v22 =	vld [tilespmem:s10+$0xC280]  }
0x14f: {  	v23 =	vld [tilespmem:s10+$0xC200]  }
0x150: {  	v24 =	vld [tilespmem:s10+$0xC800]  }
0x151: {  	v25 =	vld [tilespmem:s10+$0xC600]  }
0x152: {  	v30 =	vld [tilespmem:s10+$0xCD00]  }
0x153: {  	v61 =	vld [tilespmem:s10+$0xC900]  }
0x154: {  	v38 =	vld [tilespmem:s10+$0xCD80]  }
0x155: {  	v27 =	vld [tilespmem:s10+$0xCA00];
	v26 =	vsub.f32 $1.000000000e+00, v20;
	v18 =	vmul.f32 v18, v21  }
0x156: {  	v29 =	vld [tilespmem:s10+$0xC780];
	v19 =	vmul.f32 v19, v21;
	v16 =	vmul.f32 v16, v23;
	v31 =	vsub.f32 $1.000000000e+00, v22  }
0x157: {  	v56 =	vld [tilespmem:s10+$0xC700];
	v24 =	vmul.f32 v24, v23;
	v57 =	vsub.f32 $1.000000000e+00, v21;
	v58 =	vmul.f32 v14, v23  }
0x158: {  	v59 =	vld [tilespmem:s10+$0xCB00];
	v14 =	vsub.f32 $1.000000000e+00, v23;
	v30 =	vmul.f32 v30, v21;
	v23 =	vmul.f32 v61, v23  }
0x159: {  	v60 =	vld [tilespmem:s10+$0xC680];
	v21 =	vmul.f32 v38, v21;
	v18 =	vmul.f32 v18, v26  }
0x15a: {  	v16 =	vmul.f32 v16, v31;
	v15 =	vmul.f32 v15, v57  }
0x15b: {  	v17 =	vmul.f32 v17, v57;
	v29 =	vmul.f32 v29, v14  }
0x15c: {  	v27 =	vmul.f32 v27, v57;
	v25 =	vmul.f32 v25, v14  }
0x15d: {  	v32 =	vmul.f32 v56, v14;
	v33 =	vmul.f32 v59, v57  }
0x15e: {  	v62 =	vld [tilespmem:s10+$0xC300];
	v28 =	vsub.f32 $1.000000000e+00, v13;
	v36 =	vmul.f32 v60, v14;
	v23 =	vmul.f32 v23, v22  }
0x15f: {  	s11 =	simm.s32 $0xFFFFFF90;
	v19 =	vmul.f32 v19, v26;
	v24 =	vmul.f32 v24, v31  }
0x160: {  	v63 =	vld [tilespmem:s11+$0xC980];
	v30 =	vmul.f32 v30, v20;
	v18 =	vmul.f32 v18, v28  }
0x161: {  	v39 =	vld [tilespmem:s11+$0xCA80];
	v29 =	vmul.f32 v29, v22;
	v17 =	vmul.f32 v17, v20  }
0x162: {  	v40 =	vld [tilespmem:s11+$0xC880];
	v25 =	vmul.f32 v25, v31;
	v15 =	vmul.f32 v15, v26  }
0x163: {  	v41 =	vld [tilespmem:s11+$0xCB80];
	v48 =	vsub.f32 $1.000000000e+00, v62;
	v36 =	vmul.f32 v36, v31;
	v32 =	vmul.f32 v32, v22  }
0x164: {  	v49 =	vld [tilespmem:s11+$0xCC80];
	v27 =	vmul.f32 v27, v26;
	v33 =	vmul.f32 v33, v20  }
0x165: {  	v42 =	vld [tilespmem:s11+$0xC400];
	v22 =	vmul.f32 v58, v22;
	v23 =	vmul.f32 v23, v48  }
0x166: {  	v43 =	vld [tilespmem:s11+$0xC800];
	v15 =	vmul.f32 v15, v13;
	v27 =	vmul.f32 v27, v28  }
0x167: {  	v31 =	vld [tilespmem:s11+$0xCC00];
	v26 =	vmul.f32 v36, v62;
	v25 =	vmul.f32 v25, v48  }
0x168: {  	v33 =	vmul.f32 v33, v28;
	v15 =	vadd.f32 v15, v27;
	v27 =	vmul.f32 v29, v62;
	v29 =	vld [tilespmem:s11+$0xC380]  }
0x169: {  	v19 =	vmul.f32 v19, v13;
	v24 =	vmul.f32 v24, v48;
	v25 =	vadd.f32 v26, v25;
	v26 =	vld [tilespmem:s11+$0xC200]  }
0x16a: {  	v50 =	vld [tilespmem:s11+$0xC280];
	v20 =	vmul.f32 v21, v20;
	v17 =	vmul.f32 v17, v13;
	v15 =	vadd.f32 v33, v15  }
0x16b: {  	v59 =	vld [tilespmem:s11+$0xC900];
	v16 =	vmul.f32 v16, v62;
	v32 =	vmul.f32 v32, v48  }
0x16c: {  	v14 =	vld [tilespmem:s11+$0xC480];
	v22 =	vmul.f32 v22, v62;
	v13 =	vmul.f32 v20, v13;
	v15 =	vadd.f32 v17, v15  }
0x16d: {  	v20 =	vld [tilespmem:s11+$0xC780];
	v17 =	vadd.f32 v32, v25;
	v25 =	vmul.f32 v30, v28;
	v30 =	vmul.f32 v31, v29  }
0x16e: {  	v21 =	vld [tilespmem:s11+$0xC700];
	v28 =	vsub.f32 $1.000000000e+00, v42;
	v52 =	vmul.f32 v43, v26;
	v55 =	vmul.f32 v40, v26  }
0x16f: {  	v56 =	vsub.f32 $1.000000000e+00, v29;
	v37 =	vmul.f32 v63, v26;
	v45 =	vsub.f32 $1.000000000e+00, v26  }
0x170: {  	v54 =	vld [tilespmem:s11+$0xCD00];
	v26 =	vmul.f32 v59, v26;
	v17 =	vadd.f32 v27, v17;
	v27 =	vmul.f32 v49, v29  }
0x171: {  	v57 =	vsub.f32 $1.000000000e+00, v50;
	v60 =	vld [tilespmem:s11+$0xC300];
	v30 =	vmul.f32 v30, v28;
	v39 =	vmul.f32 v39, v56  }
0x172: {  	v15 =	vadd.f32 v18, v15;
	v18 =	vmul.f32 v41, v56;
	v20 =	vmul.f32 v20, v45  }
0x173: {  	v51 =	vld [tilespmem:s11+$0xC600];
	v53 =	vsub.f32 $1.000000000e+00, v14;
	v21 =	vmul.f32 v21, v45;
	v26 =	vmul.f32 v26, v50  }
0x174: {  	v31 =	vld [tilespmem:s11+$0xCA00];
	v32 =	vmul.f32 v52, v57;
	v33 =	vmul.f32 v37, v50;
	v17 =	vadd.f32 v24, v17  }
0x175: {  	v44 =	vld [tilespmem:s11+$0xC680];
	v24 =	vmul.f32 v55, v57;
	v15 =	vadd.f32 v19, v15;
	v19 =	vmul.f32 v54, v29  }
0x176: {  	v47 =	vsub.f32 $1.000000000e+00, v60;
	v27 =	vmul.f32 v27, v28;
	v30 =	vmul.f32 v30, v53  }
0x177: {  	v20 =	vmul.f32 v20, v50;
	v18 =	vmul.f32 v18, v42  }
0x178: {  	v58 =	vld [tilespmem:s11+$0xCB00];
	v21 =	vmul.f32 v21, v50;
	v26 =	vmul.f32 v26, v47  }
0x179: {  	v32 =	vmul.f32 v32, v47;
	v16 =	vadd.f32 v16, v17;
	v17 =	vmul.f32 v31, v56  }
0x17a: {  	v31 =	vmul.f32 v51, v45;
	v15 =	vadd.f32 v25, v15;
	v25 =	vmul.f32 v44, v45  }
0x17b: {  	s13 =	simm.s32 $0xFFFFFFA0;
	v61 =	vld [tilespmem:s11+$0xCD80];
	v19 =	vmul.f32 v19, v42;
	v24 =	vmul.f32 v24, v60  }
0x17c: {  	v48 =	vld [tilespmem:s13+$0xC880];
	v18 =	vmul.f32 v18, v14;
	v21 =	vmul.f32 v21, v47  }
0x17d: {  	v63 =	vld [tilespmem:s13+$0xC980];
	v20 =	vmul.f32 v20, v60;
	v16 =	vadd.f32 v23, v16;
	v23 =	vmul.f32 v58, v56  }
0x17e: {  	v49 =	vld [tilespmem:s13+$0xCC00];
	v15 =	vadd.f32 v13, v15;
	v25 =	vmul.f32 v25, v57;
	v17 =	vmul.f32 v17, v28  }
0x17f: {  	v52 =	vld [tilespmem:s13+$0xC800];
	v16 =	vadd.f32 v22, v16;
	v22 =	vmul.f32 v31, v57;
	v31 =	vmul.f32 v39, v28  }
0x180: {  	v54 =	vld [tilespmem:s13+$0xCA00];
	v25 =	vmul.f32 v25, v60;
	v23 =	vmul.f32 v23, v42  }
0x181: {  	v51 =	vld [tilespmem:s13+$0xCC80];
	v17 =	vmul.f32 v17, v53;
	v62 =	vadd.f32 v15, v16;
	v31 =	vmul.f32 v31, v14  }
0x182: {  	v22 =	vmul.f32 v22, v47;
	v15 =	vsub.f32 v15, v16;
	v16 =	vmul.f32 v27, v14;
	v27 =	vld [tilespmem:s13+$0xC380]  }
0x183: {  	v13 =	vld [tilespmem:s13+$0xC480];
	v19 =	vmul.f32 v19, v53;
	v38 =	vmul.f32 $5.000000000e-01, v62  }
0x184: {  	v23 =	vmul.f32 v23, v53;
	v17 =	vadd.f32 v31, v17;
	v31 =	vld [tilespmem:s13+$0xC400];
	v22 =	vadd.f32 v25, v22  }
0x185: {  	v28 =	vld [tilespmem:s13+$0xCA80];
	v25 =	vmul.f32 v61, v29;
	v29 =	vmul.f32 v33, v60;
	v50 =	vadd.f32 $9.999999970e-07, v38  }
0x186: {  	v15 =	vmul.f32 $1.000000000e+02, v15;
	v17 =	vadd.f32 v23, v17;
	v23 =	vld [tilespmem:s13+$0xC200];
	v21 =	vadd.f32 v21, v22  }
0x187: {  	v33 =	vld [tilespmem:s13+$0xC280];
	v22 =	vmul.f32 v25, v42;
	v53 =	vmul.f32 v49, v27;
	v57 =	vsub.f32 $1.000000000e+00, v27  }
0x188: {  	v46 =	vld [tilespmem:s13+$0xC680];
	(erf) = vrcp.f32 v50;
	v17 =	vadd.f32 v18, v17;
	v20 =	vadd.f32 v20, v21  }
0x189: {  	v55 =	vld [tilespmem:s13+$0xC780];
	v21 =	vmul.f32 v51, v27;
	v14 =	vmul.f32 v22, v14;
	v34 =	vsub.f32 $1.000000000e+00, v31  }
0x18a: {  	v18 =	vld [tilespmem:s13+$0xCB80];
	v28 =	vmul.f32 v28, v57;
	v17 =	vadd.f32 v30, v17;
	v30 =	vmul.f32 v54, v57  }
0x18b: {  	v37 =	vsub.f32 $1.000000000e+00, v13;
	v25 =	vld [tilespmem:s13+$0xC600];
	v22 =	vmul.f32 v52, v23;
	v35 =	vmul.f32 v53, v34  }
0x18c: {  	v56 =	vld [tilespmem:s13+$0xCD00];
	v58 =	vsub.f32 $1.000000000e+00, v33;
	v41 =	vmul.f32 v48, v23;
	v60 =	vmul.f32 v63, v23  }
0x18d: {  	v20 =	vadd.f32 v32, v20;
	v28 =	vmul.f32 v28, v34;
	v21 =	vmul.f32 v21, v34  }
0x18e: {  	v59 =	vld [tilespmem:s13+$0xC700];
	v62 =	vsub.f32 $1.000000000e+00, v23;
	v30 =	vmul.f32 v30, v34;
	v35 =	vmul.f32 v35, v37  }
0x18f: {  	v50 =	vld [tilespmem:s13+$0xCD80];
	v20 =	vadd.f32 v24, v20;
	v41 =	vmul.f32 v41, v58;
	v18 =	vmul.f32 v18, v57  }
0x190: {  	v16 =	vadd.f32 v16, v17;
	v24 =	vmul.f32 v55, v62;
	v17 =	vmul.f32 v25, v62  }
0x191: {  	v25 =	vmul.f32 v56, v27;
	v49 =	vmul.f32 v46, v62  }
0x192: {  	v28 =	vmul.f32 v28, v13;
	v22 =	vmul.f32 v22, v58  }
0x193: {  	v63 =	vld [tilespmem:s13+$0xCB00];
	v32 =	vmul.f32 v60, v33;
	v21 =	vmul.f32 v21, v13  }
0x194: {  	v48 =	vld [tilespmem:s13+$0xC900];
	v27 =	vmul.f32 v50, v27;
	v16 =	vadd.f32 v19, v16;
	v19 =	vmul.f32 v59, v62  }
0x195: {  	v30 =	vmul.f32 v30, v37;
	v24 =	vmul.f32 v24, v33  }
0x196: {  	s14 =	simm.s32 $0xFFFFFFB0;
	v20 =	vadd.f32 v26, v20;
	v18 =	vmul.f32 v18, v31;
	v17 =	vmul.f32 v17, v58  }
0x197: {  	v36 =	vld [tilespmem:s14+$0xC280];
	v38 =	vmul.f32 v49, v58;
	v25 =	vmul.f32 v25, v31  }
0x198: {  	v54 =	vld [tilespmem:s14+$0xCA80];
	v26 =	vmul.f32 v63, v57;
	v20 =	vadd.f32 v29, v20;
	v14 =	vadd.f32 v14, v16  }
0x199: {  	v29 =	vld [tilespmem:s13+$0xC300];
	v23 =	vmul.f32 v48, v23;
	v19 =	vmul.f32 v19, v33  }
0x19a: {  	v58 =	vld [tilespmem:s14+$0xCC80];
	v61 =	vpop (erf);
	v18 =	vmul.f32 v18, v13;
	v25 =	vmul.f32 v25, v37;
	v51 =	vadd.f32 v14, v20  }
0x19b: {  	v28 =	vadd.f32 v28, v30;
	v30 =	vld [tilespmem:s14+$0xC380];
	v15 =	vmul.f32 v61, v15;
	v26 =	vmul.f32 v26, v31  }
0x19c: {  	v52 =	vld [tilespmem:s14+$0xC980];
	v23 =	vmul.f32 v23, v33;
	v14 =	vsub.f32 v14, v20;
	v53 =	vmul.f32 $5.000000000e-01, v51  }
0x19d: {  	v56 =	vld [tilespmem:s14+$0xC880];
	v26 =	vmul.f32 v26, v37;
	v15 =	vmul.f32 $1.442695020e+00, v15  }
0x19e: {  	v60 =	vld [tilespmem:s14+$0xCB80];
	v14 =	vmul.f32 $1.000000000e+02, v14;
	v38 =	vmul.f32 v38, v29  }
0x19f: {  	v16 =	vld [tilespmem:s14+$0xC480];
	v55 =	vsub.f32 $1.000000000e+00, v29;
	v24 =	vmul.f32 v24, v29;
	v32 =	vmul.f32 v32, v29  }
0x1a0: {  	v57 =	vld [tilespmem:s14+$0xCC00];
	v29 =	vmul.f32 v41, v29;
	v61 =	vmul.f32 v58, v30  }
0x1a1: {  	v20 =	vld [tilespmem:s14+$0xC400];
	v49 =	vsub.f32 $1.000000000e+00, v30;
	v34 =	vadd.f32 $9.999999970e-07, v53;
	v17 =	vmul.f32 v17, v55  }
0x1a2: {  	v26 =	vadd.f32 v26, v28;
	v28 =	vld [tilespmem:s14+$0xC200];
	v23 =	vmul.f32 v23, v55;
	v19 =	vmul.f32 v19, v55  }
0x1a3: {  	v50 =	vsub.f32 $1.000000000e+00, v36;
	v48 =	vld [tilespmem:s14+$0xCD00];
	v22 =	vmul.f32 v22, v55;
	v39 =	vmul.f32 v54, v49  }
0x1a4: {  	v59 =	vld [tilespmem:s14+$0xC800];
	(erf) = vrcp.f32 v34;
	v18 =	vadd.f32 v18, v26;
	v17 =	vadd.f32 v38, v17  }
0x1a5: {  	v55 =	vld [tilespmem:s14+$0xC300];
	v26 =	vmul.f32 v57, v30;
	v34 =	vmul.f32 v60, v49;
	v38 =	vsub.f32 $1.000000000e+00, v16  }
0x1a6: {  	v53 =	vld [tilespmem:s14+$0xCB00];
	(erf) = vpow2.f32 v15;
	v18 =	vadd.f32 v35, v18;
	v17 =	vadd.f32 v19, v17  }
0x1a7: {  	v19 =	vmul.f32 v27, v31;
	v31 =	vsub.f32 $1.000000000e+00, v20;
	v63 =	vmul.f32 v56, v28  }
0x1a8: {  	v54 =	vld [tilespmem:s14+$0xC900];
	v40 =	vmul.f32 v52, v28;
	v18 =	vadd.f32 v21, v18;
	v21 =	vmul.f32 v48, v30  }
0x1a9: {  	v62 =	vld [tilespmem:s14+$0xCA00];
	v17 =	vadd.f32 v24, v17;
	v13 =	vmul.f32 v19, v13;
	v19 =	vmul.f32 v59, v28  }
0x1aa: {  	v26 =	vmul.f32 v26, v31;
	v56 =	vmul.f32 v39, v31;
	v59 =	vsub.f32 $1.000000000e+00, v55  }
0x1ab: {  	v18 =	vadd.f32 v25, v18;
	v25 =	vmul.f32 v53, v49;
	v21 =	vmul.f32 v21, v20  }
0x1ac: {  	v15 =	vld [tilespmem:s14+$0xC600];
	v26 =	vmul.f32 v26, v38;
	v17 =	vadd.f32 v22, v17;
	v22 =	vmul.f32 v63, v50  }
0x1ad: {  	v24 =	vld [tilespmem:s14+$0xC780];
	v19 =	vmul.f32 v19, v50;
	v57 =	vadd.f32 v13, v18;
	v13 =	vmul.f32 v54, v28  }
0x1ae: {  	v27 =	vld [tilespmem:s14+$0xC700];
	v53 =	vmul.f32 v21, v38;
	v51 =	vpop (erf);
	v17 =	vadd.f32 v29, v17;
	v29 =	vmul.f32 v62, v49  }
0x1af: {  	v52 =	vld [tilespmem:s14+$0xC680];
	v19 =	vmul.f32 v19, v59;
	v45 =	vmul.f32 v51, v14;
	v14 =	vsub.f32 $1.000000000e+00, v28  }
0x1b0: {  	v35 =	vmul.f32 v13, v36;
	v17 =	vadd.f32 v23, v17;
	v23 =	vmul.f32 v34, v20  }
0x1b1: {  	v28 =	vmul.f32 v29, v31;
	v31 =	vmul.f32 v61, v31  }
0x1b2: {  	v34 =	vmul.f32 v22, v55;
	v24 =	vmul.f32 v24, v14  }
0x1b3: {  	s8 =	simm.s32 $0xFFFFFFC0;
	v15 =	vmul.f32 v15, v14;
	v27 =	vmul.f32 v27, v14  }
0x1b4: {  	v47 =	vld [tilespmem:s8+$0xCC80];
	v14 =	vmul.f32 v52, v14;
	v35 =	vmul.f32 v35, v59  }
0x1b5: {  	v42 =	vld [tilespmem:s8+$0xCA80];
	v51 =	vmul.f32 $1.442695020e+00, v45;
	v23 =	vmul.f32 v23, v16  }
0x1b6: {  	v33 =	vld [tilespmem:s8+$0xC980];
	v17 =	vadd.f32 v32, v17;
	v32 =	vmul.f32 v56, v16;
	v28 =	vmul.f32 v28, v38  }
0x1b7: {  	v60 =	vld [tilespmem:s8+$0xC880];
	v63 =	vmul.f32 v31, v16;
	v24 =	vmul.f32 v24, v36  }
0x1b8: {  	v54 =	vld [tilespmem:s8+$0xC600];
	v15 =	vmul.f32 v15, v50;
	v14 =	vmul.f32 v14, v50;
	v29 =	vadd.f32 v57, v17  }
0x1b9: {  	v18 =	vmul.f32 v27, v36;
	v27 =	vld [tilespmem:s14+$0xCD80];
	v36 =	vmul.f32 v40, v36  }
0x1ba: {  	v61 =	vld [tilespmem:s8+$0xCC00];
	v58 =	vmul.f32 v14, v55;
	v29 =	vmul.f32 $5.000000000e-01, v29  }
0x1bb: {  	v14 =	vmul.f32 v25, v20;
	v62 =	vmul.f32 v15, v59;
	v15 =	vld [tilespmem:s8+$0xC380]  }
0x1bc: {  	v28 =	vadd.f32 v32, v28;
	v25 =	vpop (erf);
	v48 =	vmul.f32 v18, v59;
	v59 =	vld [tilespmem:s8+$0xCD00];
	v29 =	vadd.f32 $9.999999970e-07, v29  }
0x1bd: {  	v24 =	vmul.f32 v24, v55;
	v40 =	vadd.f32 $1.000000000e+00, v25;
	v25 =	vmul.f32 v14, v38;
	v14 =	vld [tilespmem:s8+$0xC400]  }
0x1be: {  	v31 =	vld [tilespmem:s8+$0xC800];
	v27 =	vmul.f32 v27, v30;
	(erf) = vrcp.f32 v29  }
0x1bf: {  	v18 =	vmul.f32 v36, v55;
	v28 =	vadd.f32 v25, v28;
	v25 =	vld [tilespmem:s8+$0xC200];
	v29 =	vadd.f32 v58, v62  }
0x1c0: {  	v13 =	vld [tilespmem:s8+$0xC480];
	v41 =	vsub.f32 v57, v17;
	v20 =	vmul.f32 v27, v20;
	v21 =	vmul.f32 v61, v15  }
0x1c1: {  	v52 =	vld [tilespmem:s8+$0xCB80];
	v32 =	vmul.f32 v59, v15;
	v22 =	vadd.f32 v23, v28;
	v28 =	vadd.f32 v48, v29  }
0x1c2: {  	v56 =	vld [tilespmem:s8+$0xCA00];
	(erf) = vpow2.f32 v51;
	v23 =	vsub.f32 $1.000000000e+00, v14;
	v29 =	vmul.f32 v20, v16  }
0x1c3: {  	v17 =	vld [tilespmem:s8+$0xC280];
	v26 =	vadd.f32 v26, v22;
	v22 =	vadd.f32 v24, v28;
	v24 =	vmul.f32 $1.000000000e+02, v41  }
0x1c4: {  	v57 =	vld [tilespmem:s8+$0xC780];
	v28 =	vmul.f32 v47, v15;
	v27 =	vmul.f32 v31, v25  }
0x1c5: {  	v55 =	vld [tilespmem:s8+$0xC700];
	v16 =	vsub.f32 $1.000000000e+00, v13;
	v20 =	vmul.f32 v21, v23;
	v58 =	vmul.f32 v60, v25  }
0x1c6: {  	v62 =	vld [tilespmem:s8+$0xCB00];
	v60 =	vsub.f32 $1.000000000e+00, v15;
	v30 =	vmul.f32 v33, v25;
	v41 =	vsub.f32 $1.000000000e+00, v25  }
0x1c7: {  	v21 =	vadd.f32 v19, v22;
	v22 =	vmul.f32 v20, v16;
	v61 =	vpop (erf);
	(erf) = vrcp.f32 v40  }
0x1c8: {  	v31 =	vsub.f32 $1.000000000e+00, v17;
	v19 =	vld [tilespmem:s8+$0xC300];
	v39 =	vmul.f32 v42, v60;
	v45 =	vmul.f32 v52, v60  }
0x1c9: {  	v38 =	vmul.f32 v56, v60;
	v42 =	vmul.f32 v54, v41;
	v20 =	vadd.f32 v34, v21  }
0x1ca: {  	v37 =	vld [tilespmem:s8+$0xC680];
	v26 =	vadd.f32 v63, v26;
	v43 =	vmul.f32 v55, v41;
	v44 =	vmul.f32 v45, v14  }
0x1cb: {  	s10 =	sadd.s32 $0x10, s12;
	v40 =	vmul.f32 v62, v60;
	v36 =	vadd.f32 v35, v20;
	v20 =	vmul.f32 v57, v41  }
0x1cc: {  	s9 =	sadd.s32 $0x10, s10;
	v21 =	vmul.f32 v61, v24;
	v24 =	vmul.f32 v58, v31;
	v35 =	vadd.f32 v53, v26;
	v26 =	vld [tilespmem:s8+$0xC900];
	v63 =	vpop (erf)  }
0x1cd: {  	s5 =	smov.u32 s12;
	s11 =	smov.u32 s9;
	s13 =	simm.s32 $0xFFFFFF40;
	v33 =	vsub.f32 $1.000000000e+00, v19;
	v34 =	vmul.f32 v20, v17;
	v20 =	vadd.f32 $1.000000000e+00, v63  }
.LBB2_5:
0x1ce: {  	s14 =	smov.u32 s13  }
0x1cf: {  	v37 =	vmul.f32 v37, v41;
	v41 =	vmul.f32 v44, v13;
	v44 =	vld [tilespmem:s8+$0xCD80];
	s8 =	sshra.s32 s13, $0x2;
	v18 =	vadd.f32 v18, v36;
	s9 =	sadd.s32 $0x10, s9;
	s14 =	sadd.s32 $0x40, s13  }
0x1d0: {  	p0 =	sne.s32 s13, $0xFFFFFFC0;
	v42 =	vmul.f32 v42, v31;
	v39 =	vmul.f32 v39, v23;
	v29 =	vadd.f32 v29, v35;
	v36 =	vld [tilespmem:s8+$0xC480];
	v35 =	vpop (erf)  }
0x1d1: {  	v25 =	vmul.f32 v26, v25;
	v37 =	vmul.f32 v37, v31;
	v45 =	vld [tilespmem:s8+$0xC980];
	v35 =	vadd.f32 v35, v35  }
0x1d2: {  	v38 =	vmul.f32 v38, v23;
	v43 =	vmul.f32 v43, v17;
	v47 =	vadd.f32 v29, v18;
	v46 =	vld [tilespmem:s8+$0xCA80]  }
0x1d3: {  	v25 =	vmul.f32 v25, v17;
	v39 =	vmul.f32 v39, v13;
	v29 =	vsub.f32 v29, v18;
	v48 =	vld [tilespmem:s8+$0xC880]  }
0x1d4: {  	v18 =	vmul.f32 v28, v23;
	v23 =	vmul.f32 $5.000000000e-01, v47;
	v28 =	vsub.f32 $2.000000000e+00, v35;
	v26 =	vld [tilespmem:s8+$0xC900]  }
0x1d5: {  	v40 =	vmul.f32 v40, v14;
	v37 =	vmul.f32 v37, v19;
	v35 =	vld [tilespmem:s8+$0xCB80]  }
0x1d6: {  	v27 =	vmul.f32 v27, v31;
	p1 =	slt.u32 s5, $0x249F0;
	s5 =	smov.u32 s10;
	s10 =	smov.u32 s11;
	v17 =	vmul.f32 v30, v17;
	v23 =	vadd.f32 $9.999999970e-07, v23;
	v47 =	vld [tilespmem:s8+$0xCC00]  }
0x1d7: {  	s11 =	smov.u32 s9;
	v30 =	vmul.f32 v38, v16;
	v31 =	vmul.f32 v40, v16;
	v28 =	vpsel !p1, $0x0, v28;
	v49 =	vld [tilespmem:s8+$0xC600]  }
0x1d8: {  	v40 =	vmul.f32 v42, v33;
	v42 =	vmul.f32 v25, v33;
	v12 =	vadd.f32 v28, v12;
	v38 =	vld [tilespmem:s8+$0xCC80]  }
0x1d9: {  	v25 =	vadd.f32 v39, v30;
	v39 =	vmul.f32 v18, v13;
	v28 =	vmul.f32 v43, v33;
	v50 =	vld [tilespmem:s8+$0xC800]  }
0x1da: {  	v34 =	vmul.f32 v34, v19;
	v33 =	vmul.f32 v27, v33;
	v30 =	vld [tilespmem:s8+$0xC400]  }
0x1db: {  	v18 =	vmul.f32 v17, v19;
	v31 =	vadd.f32 v31, v25;
	v27 =	vld [tilespmem:s8+$0xC380];
	(erf) = vrcp.f32 v23  }
0x1dc: {  	v32 =	vmul.f32 v32, v14;
	v21 =	vmul.f32 $1.442695020e+00, v21;
	v23 =	vadd.f32 v37, v40;
	v17 =	vld [tilespmem:s8+$0xC280]  }
0x1dd: {  	v24 =	vmul.f32 v24, v19;
	v19 =	vadd.f32 v41, v31;
	v31 =	vmul.f32 v44, v15;
	v25 =	vld [tilespmem:s8+$0xC200]  }
0x1de: {  	v32 =	vmul.f32 v32, v16;
	v28 =	vadd.f32 v28, v23;
	v40 =	vld [tilespmem:s8+$0xC700];
	(erf) = vpow2.f32 v21  }
0x1df: {  	v43 =	vadd.f32 v22, v19;
	v16 =	vmul.f32 v31, v14;
	v37 =	vld [tilespmem:s8+$0xC680];
	v23 =	vsub.f32 $1.000000000e+00, v30;
	v14 =	vmovc v30  }
0x1e0: {  	v21 =	vadd.f32 v34, v28;
	v34 =	vmul.f32 $1.000000000e+02, v29;
	v44 =	vld [tilespmem:s8+$0xCA00];
	v19 =	vmul.f32 v47, v27;
	v15 =	vmovc v27  }
0x1e1: {  	v29 =	vmul.f32 v16, v13;
	v13 =	vmov v36;
	v28 =	vmul.f32 v38, v15  }
0x1e2: {  	v16 =	vsub.f32 $1.000000000e+00, v13;
	v27 =	vmul.f32 v50, v25;
	v22 =	vmul.f32 v19, v23;
	v47 =	vld [tilespmem:s8+$0xCD00]  }
0x1e3: {  	v21 =	vadd.f32 v33, v21;
	v36 =	vmul.f32 v48, v25;
	v48 =	vsub.f32 $1.000000000e+00, v15;
	v38 =	vld [tilespmem:s8+$0xC780]  }
0x1e4: {  	v31 =	vsub.f32 $1.000000000e+00, v17;
	v30 =	vmul.f32 v45, v25;
	v19 =	vld [tilespmem:s8+$0xC300];
	v33 =	vpop (erf);
	(erf) = vrcp.f32 v20  }
0x1e5: {  	v50 =	vadd.f32 v24, v21;
	v22 =	vmul.f32 v22, v16;
	v21 =	vmul.f32 v33, v34  }
0x1e6: {  	v41 =	vsub.f32 $1.000000000e+00, v25;
	v24 =	vmul.f32 v36, v31;
	v33 =	vadd.f32 v39, v43;
	v45 =	vld [tilespmem:s8+$0xCB00]  }
.Ltmp1:
0x1e7: {  	v39 =	vmul.f32 v46, v48;
	v43 =	vmul.f32 v35, v48;
	v36 =	vadd.f32 v42, v50;
	v20 =	vpop (erf);
	(pc) =	sbr.rel @p0 .LBB2_5-.Ltmp1, $4  }
0x1e8: {  	v35 =	vadd.f32 v32, v33;
	v34 =	vmul.f32 v38, v41;
	v38 =	vmul.f32 v44, v48  }
0x1e9: {  	v42 =	vmul.f32 v49, v41;
	v32 =	vmul.f32 v47, v15;
	v33 =	vsub.f32 $1.000000000e+00, v19  }
0x1ea: {  	v44 =	vmul.f32 v43, v14;
	v20 =	vadd.f32 $1.000000000e+00, v20;
	v34 =	vmul.f32 v34, v17  }
0x1eb: {  	s13 =	smov.u32 s14;
	v43 =	vmul.f32 v40, v41;
	v40 =	vmul.f32 v45, v48  }
0x1ec: {  	v37 =	vmul.f32 v37, v41  }
0x1ed: {  	v46 =	vmul.f32 v44, v13;
	v42 =	vmul.f32 v42, v31  }
0x1ee: {  	v39 =	vmul.f32 v39, v23;
	v25 =	vmul.f32 v26, v25  }
0x1ef: {  	v38 =	vmul.f32 v38, v23;
	v47 =	vmul.f32 v43, v17  }
0x1f0: {  	v40 =	vmul.f32 v40, v14;
	v37 =	vmul.f32 v37, v31  }
0x1f1: {  	v39 =	vmul.f32 v39, v13;
	v38 =	vmul.f32 v38, v16  }
0x1f2: {  	v42 =	vmul.f32 v42, v33;
	v37 =	vmul.f32 v37, v19  }
0x1f3: {  	v49 =	vmul.f32 v28, v23;
	v40 =	vmul.f32 v40, v16  }
0x1f4: {  	v26 =	vmul.f32 v47, v33;
	v38 =	vadd.f32 v39, v38;
	v37 =	vadd.f32 v37, v42  }
0x1f5: {  	v48 =	vld [tilespmem:s8+$0xCD80];
	v27 =	vmul.f32 v27, v31;
	v50 =	vmul.f32 v34, v19  }
0x1f6: {  	v52 =	vmul.f32 v30, v17;
	v51 =	vadd.f32 v40, v38;
	v26 =	vadd.f32 v26, v37  }
0x1f7: {  	v54 =	vmul.f32 v32, v14;
	v24 =	vmul.f32 v24, v19  }
0x1f8: {  	v27 =	vmul.f32 v27, v33;
	v53 =	vadd.f32 v46, v51;
	v26 =	vadd.f32 v50, v26  }
0x1f9: {  	v25 =	vmul.f32 v25, v17;
	v23 =	vmul.f32 v49, v13  }
0x1fa: {  	v15 =	vmul.f32 v48, v15;
	v22 =	vadd.f32 v22, v53;
	v26 =	vadd.f32 v27, v26  }
0x1fb: {  	v55 =	vmul.f32 v54, v16;
	v25 =	vmul.f32 v25, v33  }
0x1fc: {  	v14 =	vmul.f32 v15, v14;
	v22 =	vadd.f32 v23, v22;
	v15 =	vadd.f32 v24, v26  }
0x1fd: {  	v18 =	vadd.f32 v18, v36;
	v56 =	vadd.f32 v29, v35;
	v17 =	vmul.f32 v52, v19  }
0x1fe: {  	v13 =	vmul.f32 v14, v13;
	v14 =	vadd.f32 v25, v15;
	v15 =	vadd.f32 v55, v22  }
0x1ff: {  	v57 =	vadd.f32 v56, v18  }
0x200: {  	v14 =	vadd.f32 v17, v14;
	v13 =	vadd.f32 v13, v15  }
0x201: {  	v15 =	vmul.f32 $5.000000000e-01, v57  }
0x202: {  	v58 =	vadd.f32 v13, v14  }
0x203: {  	v15 =	vadd.f32 $9.999999970e-07, v15  }
0x204: {  	v59 =	vmul.f32 $1.442695020e+00, v21;
	v16 =	vmul.f32 $5.000000000e-01, v58  }
0x205: {  	(erf) = vrcp.f32 v15  }
0x206: {  	(erf) = vpow2.f32 v59;
	v15 =	vadd.f32 $9.999999970e-07, v16  }
0x207: {  	(erf) = vrcp.f32 v20  }
0x208: {  	(erf) = vrcp.f32 v15;
	_ =	sdelay $0x3  }
0x209: {  	v15 =	vsub.f32 v56, v18  }
0x20a: {  	v60 =	vpop (erf)  }
0x20b: {  	v13 =	vsub.f32 v13, v14;
	v15 =	vmul.f32 $1.000000000e+02, v15;
	v61 =	vpop (erf)  }
0x20c: {  	v14 =	vpop (erf)  }
0x20d: {  	v13 =	vmul.f32 $1.000000000e+02, v13;
	v15 =	vmul.f32 v61, v15;
	v62 =	vpop (erf)  }
0x20e: {  	v63 =	vpop (erf)  }
0x20f: {  	v15 =	vmul.f32 $1.442695020e+00, v15;
	v13 =	vmul.f32 v63, v13  }
0x210: {  	v14 =	vadd.f32 $1.000000000e+00, v14  }
0x211: {  	(erf) = vpow2.f32 v15;
	v13 =	vmul.f32 $1.442695020e+00, v13  }
0x212: {  	(erf) = vrcp.f32 v14  }
0x213: {  	(erf) = vpow2.f32 v13;
	_ =	sdelay $0x6  }
0x214: {  	v13 =	vpop (erf)  }
0x215: {  	v13 =	vadd.f32 $1.000000000e+00, v13;
	v14 =	vpop (erf)  }
0x216: {  	v15 =	vpop (erf)  }
0x217: {  	(erf) = vrcp.f32 v13;
	v13 =	vadd.f32 $1.000000000e+00, v15;
	_ =	sdelay $0x1  }
0x218: {  	(erf) = vrcp.f32 v13;
	v13 =	vadd.f32 v60, v60;
	_ =	sdelay $0x1  }
0x219: {  	v15 =	vadd.f32 v62, v62;
	v13 =	vsub.f32 $2.000000000e+00, v13  }
0x21a: {  	p0 =	slt.u32 s5, $0x249F0  }
0x21b: {  	v15 =	vsub.f32 $2.000000000e+00, v15;
	v13 =	vpsel !p0, $0x0, v13  }
0x21c: {  	p4 =	slt.u32 s10, $0x249F0  }
0x21d: {  	v14 =	vadd.f32 v14, v14;
	v15 =	vpsel !p4, $0x0, v15  }
0x21e: {  	v12 =	vadd.f32 v13, v12;
	v13 =	vpop (erf)  }
0x21f: {  	v14 =	vsub.f32 $2.000000000e+00, v14;
	v13 =	vadd.f32 v13, v13  }
0x220: {  	p5 =	slt.u32 s11, $0x249F0;
	s7 =	sadd.s32 $0x1, s7;
	v12 =	vadd.f32 v15, v12;
	v15 =	vpop (erf)  }
0x221: {  	s13 =	sadd.s32 $0x10, s9;
	v14 =	vpsel !p5, $0x0, v14;
	p0 =	sne.s32 s7, $0x25;
	v13 =	vsub.f32 $2.000000000e+00, v13;
	v15 =	vadd.f32 v15, v15  }
.Ltmp2:
0x222: {  	s29 =	sadd.s32 $0x80, s29;
	p6 =	slt.u32 s13, $0x249F0;
	v12 =	vadd.f32 v14, v12;
	(pc) =	sbr.rel @p0 .LBB2_2-.Ltmp2, $4  }
0x223: {  	s19 =	sadd.s32 $0x80, s19;
	s1 =	sadd.s32 $0x80, s1;
	s14 =	sadd.s32 $0x10, s13;
	v13 =	vpsel !p6, $0x0, v13;
	v14 =	vsub.f32 $2.000000000e+00, v15  }
0x224: {  	s2 =	sadd.s32 $0x80, s2;
	s31 =	sadd.s32 $0x80, s31;
	p1 =	slt.u32 s14, $0x249F0;
	v12 =	vadd.f32 v13, v12  }
0x225: {  	s0 =	sadd.s32 $0x80, s0;
	s30 =	sadd.s32 $0x80, s30;
	s28 =	sadd.s32 $0x80, s28;
	v13 =	vpsel !p1, $0x0, v14  }
0x226: {  	s26 =	sadd.s32 $0x80, s26;
	s6 =	sadd.s32 $0x80, s6;
	s12 =	sadd.s32 $0x80, s12;
	v12 =	vadd.f32 v13, v12  }
0x227: {  	_ = 	snop  }
0x228: {  	s11 =	simm.s32 $0x0;
	s0 =	rddreg [dreg:$0xd];
	s1 =	simm.s32 $0xCD80;
	[tilespmem:$0xCD80] =	vst v12  }
0x229: {  	[hbm4b:s0+s11] =	stream.linear.scatter [tilespmem:s1], [sflag:$0x2], $0x80, $0x38;
	[tilespmem:$0xCE00] =	vst v63  }
0x22a: {  	_ =	swait.ge [sflag:s18], $0x80  }
0x22b: {  	s30 =	rddreg [dreg:$0x10]  }
0x22c: {  	s31 =	rddreg [dreg:$0xe];
	s1 =	sadd.s32 $0x1, s30  }
0x22d: {  	p0 =	sne.s32 s1, s31  }
.Ltmp3:
0x22e: {  	_ = 	snop;
	(pc) =	sbr.rel @p0 .LBB2_1-.Ltmp3, $3  }
0x22f: {  	_ =	sdelay $0x1  }
0x230: {  	[sflag:s18] =	ssyncset.done $0x0  }
0x231: {  	[sflag:s18] =	ssyncadd.s32 $0xFFFFFF80  }
0x232: {  	_ =	sfence.sel $0x180000  }
0x233: {  	[bflag:$0x0] =	sbarrier.arrive $0xFFFF  }
0x234: {  	_ =	strace $0x9000004D  }
0x235: {  	s0 =	stileid.u32;
	[bflag:$0x2] =	sbarrier.arrive $0xFFFF  }
0x236: {  	p0 =	sne.s32 s0, $0x0;
	s0 =	rddreg [dreg:$0x2]  }
0x237: {  	s0 =	sadd.s32 @!p0 $0x100000, s0  }
0x238: {  	[sflag:s0] =	ssyncadd.tile.s32 @!p0 $0x1;
	_ =	shalt  }
.Lfunc_end2:
_tile_overlayer_lowered:
.L_overlay_start_2:
0x239: {  	(tag) =	ssettag $0x2  }
0x23a: {  	s0 =	rddreg [dreg:$0x0];
	s2 =	stileid.u32  }
0x23b: {  	s1 =	rddreg [dreg:$0x1];
	p0 =	sne.s32 s2, $0x0  }
0x23c: {  	s3 =	rddreg [dreg:$0x2];
	[bflag:$0x3] =	sbarrier.arrive $0xFFFF;
	s2 =	simm.s32 @!p0 $0x1C02  }
0x23d: {  	[timem:s3], [sflag:s2] =	dma.local @!p0 [hbm:s0], s1  }
0x23e: {  	s0 =	simm.s32 @!p0 $0x2  }
0x23f: {  	_ =	swait.ge @!p0 [sflag:s0], s1  }
0x240: {  	s1 =	ssub.s32 @!p0 $0x0, s1;
	[sflag:s0] =	ssyncset.done @!p0 $0x0  }
0x241: {  	[sflag:s0] =	ssyncadd.s32 @!p0 s1  }
0x242: {  	[bflag:$0x3] =	sbarrier.arrive $0xFFFF  }
0x243: {  	_ =	shalt  }

// kernel: sparse-core-data-format-call.cloned.1.call-start
scs
called_computation_lowered:
.L_overlay_start_0:
0x0: {  	s2 =	sld [smem:$0x3FD9]  }
0x1: {  	s3 =	sld [smem:$0x3FFE];
	_ =	sdelay $0x1  }
0x2: {  	s1 =	srdreg.scid  }
0x3: {  	s0 =	sand.u32 $0x1, s1  }
0x4: {  	s18 =	sshll.u32 s0, $0xA;
	s2 =	sadd.s32 s3, s2  }
0x5: {  	s2 =	sadd.s32 s2, s18  }
0x6: {  	[smem:$0x3FC2] =	sst s2  }
0x7: {  	_ = 	snop  }
0x8: {  	s2 =	sld [smem:$0x3FC9];
	(tm) =	ssettm $0x1  }
0x9: {  	s19 =	sld [smem:$0x3FFB];
	_ =	sdelay $0x3  }
0xa: {  	_ =	strace s19  }
0xb: {  	s3 =	sld [smem:$0x3FFC];
	_ =	sdelay $0x3  }
0xc: {  	_ =	strace s3  }
0xd: {  	s3 =	sld [smem:$0x3FFD];
	_ =	sdelay $0x3  }
0xe: {  	_ =	strace s3  }
0xf: {  	_ =	strace $0x8FFFFFFF  }
0x10: {  	s20 =	sld [smem:$0x3FDB];
	_ =	sdelay $0x1  }
0x11: {  	s4 =	simm.s32 $_scs_section_size  }
0x12: {  	s5 =	simm.s32 $_size__tile_overlayer_lowered;
	s6 =	simm.s32 $_tile_overlayer_lowered  }
0x13: {  	s23 =	simm.s32 $0x1BFF;
	s22 =	sshll.u32 s6, $0x1;
	s3 =	sadd.s32 s4, s20  }
0x14: {  	s7 =	simm.s32 $0x0;
	s21 =	sshll.u32 s5, $0x1;
	s5 =	sadd.s32 s22, s3  }
0x15: {  	[timem:s7], [sflag:s23] =	dma.local [hbm:s5], s21  }
0x16: {  	_ =	swait.ge [sflag:s23], s21  }
0x17: {  	s4 =	ssub.s32 $0x0, s21;
	[sflag:s23] =	ssyncset.done $0x0  }
0x18: {  	[sflag:s23] =	ssyncadd.s32 s4;
	_ =	sdelay $0x1  }
0x19: {  	s24 =	simm.s32 $0x1B8B  }
0x1a: {  	_ =	swait.ge [sflag:s24], $0x1  }
0x1b: {  	[sflag:s24] =	ssyncset.done $0x0  }
0x1c: {  	s26 =	simm.s32 $0x1B8E;
	s25 =	sld [smem:$0x3FFE];
	[sflag:s24] =	ssyncadd.s32 $0xFFFFFFFF  }
0x1d: {  	s27 =	simm.s32 $execute0_lowered;
	[smem:$0x3FD2] =	sst s26  }
0x1e: {  	s5 =	sshll.u32 s27, $0x1;
	_ =	strace $0x80000046;
	[dreg:$0x1] =	wrdreg $0xFFFFFFFF  }
0x1f: {  	s28 =	simm.s32 $_size_execute0_lowered;
	s3 =	sadd.s32 s3, s5;
	[dreg:$0x0] =	wrdreg $0x0  }
0x20: {  	s5 =	sshll.u32 s28, $0x1;
	[dreg:$0x2] =	wrdreg s3  }
0x21: {  	[dreg:$0x3] =	wrdreg s5  }
0x22: {  	[dreg:$0x4] =	wrdreg $0xC0  }
0x23: {  	_ =	task [dreg:s7], $0x5FFFF  }
0x24: {  	[dreg:$0x1] =	wrdreg $0xFFFFFFFF  }
0x25: {  	[dreg:$0x0] =	wrdreg $0x60  }
0x26: {  	[dreg:$0x2] =	wrdreg s2  }
0x27: {  	[dreg:$0x3] =	wrdreg s25  }
0x28: {  	[dreg:$0x4] =	wrdreg $0x9  }
0x29: {  	_ =	task.clear_ibuf [dreg:s7], $0x5FFFF;
	_ =	strace $0x90000046  }
0x2a: {  	s29 =	simm.s32 $0x9;
	_ =	strace $0x80000048  }
0x2b: {  	_ =	swait.ge [sflag:s29], $0x1  }
0x2c: {  	[sflag:s29] =	ssyncadd.s32 $0xFFFFFFFF  }
0x2d: {  	_ =	strace $0x90000048  }
0x2e: {  	_ =	sfence  }
0x2f: {  	s30 =	sld [smem:$0x0];
	_ =	sdelay $0x2  }
0x30: {  	s31 =	sshll.u32 s1, $0xD;
	s1 =	sshrl.u32 s1, $0x2  }
0x31: {  	s3 =	sand.u32 $0x4000, s31;
	s1 =	sadd.s32 s1, s30  }
0x32: {  	s0 =	sor.u32 s3, s0;
	s1 =	sshll.u32 s1, $0x11  }
0x33: {  	s0 =	sor.u32 s1, s0  }
0x34: {  	s0 =	sadd.s32 $0x8F2B, s0  }
0x35: {  	[sflag:s0] =	ssyncadd.remote.s32 $0x1  }
0x36: {  	_ =	sfence.sel $0xFFFF  }
0x37: {  	[dreg:$0x0] =	wrdreg $0xFFFFFFFF;
	(pc) =	sbr.abs _section_cstart, $3  }
0x38: {  	[dreg:$0x1] =	wrdreg $0xFFFFFFFF  }
0x39: {  	_ =	task.clear_ibuf [dreg:s7], $0x2FFFF;
	_ =	strace $0x9FFFFFFF  }
0x3a: {  	(tm) =	ssettm $0x7FFFFFFF  }
0x3b: {  	_ =	shalt  }
tec
execute0_lowered:
.L_overlay_start_1:
0x0: {  	(tag) =	ssettag $0x1  }
0x1: {  	s0 =	srdreg.scid  }
0x2: {  	s1 =	sshll.u32 s0, $0x4  }
0x3: {  	s2 =	rddreg [dreg:$0x0];
	s0 =	stileid.u32;
	s1 =	sand.u32 $0x10, s1  }
0x4: {  	s4 =	rddreg [dreg:$0x1];
	s7 =	simm.s32 $0x1;
	s1 =	sor.u32 s0, s1  }
0x5: {  	s8 =	simm.s32 $0x2;
	s9 =	simm.s32 $0x0;
	s3 =	sshll.u32 s1, $0x3  }
0x6: {  	s12 =	simm.s32 $0x0;
	s11 =	simm.s32 $0x0;
	s6 =	ssub.s32 $0x2000, s3  }
.Ltmp0:
0x7: {  	s4 =	sadd.s32 $0x1200, s4;
	s5 =	sand.u32 $0xF8, s6;
	(pc) =	sbr.rel .LBB1_1-.Ltmp0, $4  }
0x8: {  	s1 =	rddreg [dreg:$0x2];
	_ =	strace $0x80000047;
	p0 =	sne.s32 s5, $0x0  }
0x9: {  	s6 =	sshrl.u32 s6, $0x8;
	s5 =	simm.s32 $0x1;
	s7 =	simm.s32 @!p0 $0x0  }
0xa: {  	s10 =	smov.u32 s3;
	[sflag:s5] =	ssyncpa.u1 $0x0;
	s6 =	sadd.s32 s7, s6  }
0xb: {  	[sflag:s8] =	ssyncpa.u1 $0x0;
	s8 =	simm.s32 $0x0;
	s7 =	sadd.s32 $0x1, s6  }
.LBB1_9:
0xc: {  	s14 =	sadd.s32 $0x100, s10  }
0xd: {  	p1 =	sgt.s32 s14, $0x1FFF  }
0xe: {  	s14 =	smov.u32 @p1 s3;
	p1 =	sne.s32 s11, s7  }
.Ltmp1:
0xf: {  	p0 =	slt.u32 s11, $0x2;
	(pc) =	sbr.rel @!p1 .LBB1_10-.Ltmp1, $4  }
0x10: {  	s13 =	simm.s32 @!p0 $0x2  }
0x11: {  	s15 =	sadd.s32 $0x1, s11;
	_ =	swait.ge @!p0 [sflag:s13], $0x4000  }
0x12: {  	s12 =	smov.u32 s10;
	s9 =	sadd.s32 $0x4000, s9;
	[sflag:s13] =	ssyncset.done @!p0 $0x0  }
0x13: {  	s11 =	smov.u32 s15;
	s10 =	smov.u32 s14;
	[sflag:s13] =	ssyncadd.s32 @!p0 $0xFFFFC000  }
.LBB1_1:
0x14: {  	p0 =	sge.u32 s11, s6  }
0x15: {  	s13 =	sxor.u32 @!p0 $0xFFFFFFFF, s11  }
0x16: {  	s31 =	sadd.s32 $0xFFFFFFFF, s11;
	s14 =	sshll.u32 @!p0 s10, $0x8;
	s13 =	sshll.u32 @!p0 s13, $0xE  }
0x17: {  	s15 =	simm.s32 @!p0 $0x0;
	s14 =	sadd.s32 @!p0 s2, s14;
	s13 =	sand.u32 @!p0 $0x4000, s13  }
0x18: {  	[tilespmem:s13], [sflag:$0x1] =	stream.linear.gather @!p0 [hbm4b:s14+s15], $0x4000, $0x38;
	[tilespmem:$0x10000] =	vst v63  }
0x19: {  	p0 =	sge.u32 s31, s6  }
.Ltmp2:
0x1a: {  	_ = 	snop;
	(pc) =	sbr.rel @p0 .LBB1_9-.Ltmp2, $1  }
0x1b: {  	_ =	sdelay $0x3  }
0x1c: {  	s13 =	sshll.u32 s9, $0x2;
	_ =	swait.ge [sflag:s5], $0x4000;
	s14 =	sshll.u32 s11, $0xE  }
0x1d: {  	s16 =	simm.s32 $0x0;
	s17 =	simm.s32 $0x0;
	s15 =	sand.u32 $0x10000, s13  }
0x1e: {  	[sflag:s5] =	ssyncset.done $0x0;
	s31 =	sand.u32 $0x4000, s14;
	s14 =	sshrl.u32 s15, $0x2  }
0x1f: {  	[sflag:s5] =	ssyncadd.s32 $0xFFFFC000;
	s13 =	sor.u32 $0x8000, s31;
	s15 =	sor.u32 $0x8000, s14  }
.LBB1_3:
0x20: {  	s18 =	sshra.s32 s16, $0x2  }
0x21: {  	v0 =	vmov s18;
	_ =	sdelay $0x3  }
0x22: {  	p1 =	por $0x1, $0x1;
	s18 =	simm.s32 $0x0  }
.LBB1_4:
0x23: {  	_ = 	snop  }
0x24: {  	s19 =	sshll.u32 s18, $0xA  }
0x25: {  	s19 =	sand.u32 $0x3FFFFC00, s19  }
0x26: {  	s19 =	sadd.s32 s19, s14  }
0x27: {  	v5 =	vld.idx.msk [tilespmem:v0+s19+$0x70 ss:$0x1], $0xffff  }
0x28: {  	v6 =	vld.idx.msk [tilespmem:v0+s19+$0x10 ss:$0x1], $0xffff  }
0x29: {  	v7 =	vld.idx.msk [tilespmem:v0+s19+$0x20 ss:$0x1], $0xffff  }
0x2a: {  	s31 =	sshll.u32 s18, $0x7;
	v1 =	vld.idx.msk [tilespmem:v0+s19+$0x30 ss:$0x1], $0xffff  }
0x2b: {  	s18 =	sand.u32 $0x3FFFFF80, s31;
	v2 =	vld.idx.msk [tilespmem:v0+s19+$0x40 ss:$0x1], $0xffff  }
0x2c: {  	s18 =	sadd.s32 s18, s15;
	v3 =	vld.idx.msk [tilespmem:v0+s19+$0x50 ss:$0x1], $0xffff  }
0x2d: {  	v4 =	vld.idx.msk [tilespmem:v0+s19+$0x60 ss:$0x1], $0xffff;
	[tilespmem:v0+s18+$0x70 ss:$0x1] =	vst.idx.msk $0xffff, v5  }
0x2e: {  	v5 =	vld.idx.msk [tilespmem:v0+s19+$0x0 ss:$0x1], $0xffff;
	[tilespmem:v0+s18+$0x10 ss:$0x1] =	vst.idx.msk $0xffff, v6;
	s19 =	sadd.s32 $0x80, s19  }
0x2f: {  	p0 =	por p1, p1;
	s20 =	simm.s32 $0x6;
	[tilespmem:v0+s18+$0x20 ss:$0x1] =	vst.idx.msk $0xffff, v7;
	v6 =	vld.idx.msk [tilespmem:v0+s19+$0x70 ss:$0x1], $0xffff  }
.LBB1_5:
0x30: {  	p1 =	sne.s32 s20, $0x1;
	v7 =	vld.idx.msk [tilespmem:v0+s19+$0x10 ss:$0x1], $0xffff;
	[tilespmem:v0+s18+$0x30 ss:$0x1] =	vst.idx.msk $0xffff, v1  }
0x31: {  	v8 =	vld.idx.msk [tilespmem:v0+s19+$0x20 ss:$0x1], $0xffff;
	[tilespmem:v0+s18+$0x40 ss:$0x1] =	vst.idx.msk $0xffff, v2  }
0x32: {  	v1 =	vld.idx.msk [tilespmem:v0+s19+$0x30 ss:$0x1], $0xffff;
	[tilespmem:v0+s18+$0x50 ss:$0x1] =	vst.idx.msk $0xffff, v3  }
.Ltmp3:
0x33: {  	v2 =	vld.idx.msk [tilespmem:v0+s19+$0x40 ss:$0x1], $0xffff;
	[tilespmem:v0+s18+$0x60 ss:$0x1] =	vst.idx.msk $0xffff, v4;
	(pc) =	sbr.rel @p1 .LBB1_5-.Ltmp3, $4  }
0x34: {  	v3 =	vld.idx.msk [tilespmem:v0+s19+$0x50 ss:$0x1], $0xffff;
	[tilespmem:v0+s18+$0x0 ss:$0x1] =	vst.idx.msk $0xffff, v5;
	s18 =	sadd.s32 $0x100, s18  }
0x35: {  	v4 =	vld.idx.msk [tilespmem:v0+s19+$0x60 ss:$0x1], $0xffff;
	[tilespmem:v0+s18+$0x70 ss:$0x1] =	vst.idx.msk $0xffff, v6  }
0x36: {  	v5 =	vld.idx.msk [tilespmem:v0+s19+$0x0 ss:$0x1], $0xffff;
	[tilespmem:v0+s18+$0x10 ss:$0x1] =	vst.idx.msk $0xffff, v7;
	s19 =	sadd.s32 $0x80, s19  }
0x37: {  	s20 =	sadd.s32 $0xFFFFFFFF, s20;
	v6 =	vld.idx.msk [tilespmem:v0+s19+$0x70 ss:$0x1], $0xffff;
	[tilespmem:v0+s18+$0x20 ss:$0x1] =	vst.idx.msk $0xffff, v8  }
0x38: {  	_ =	sdelay $0x3  }
0x39: {  	[tilespmem:v0+s18+$0x30 ss:$0x1] =	vst.idx.msk $0xffff, v1  }
0x3a: {  	v1 =	vld.idx.msk [tilespmem:v0+s19+$0x10 ss:$0x1], $0xffff;
	[tilespmem:v0+s18+$0x40 ss:$0x1] =	vst.idx.msk $0xffff, v2  }
0x3b: {  	v2 =	vld.idx.msk [tilespmem:v0+s19+$0x20 ss:$0x1], $0xffff;
	[tilespmem:v0+s18+$0x50 ss:$0x1] =	vst.idx.msk $0xffff, v3  }
0x3c: {  	v61 =	vld.idx.msk [tilespmem:v0+s19+$0x40 ss:$0x1], $0xffff;
	[tilespmem:v0+s18+$0x60 ss:$0x1] =	vst.idx.msk $0xffff, v4  }
0x3d: {  	s31 =	sadd.s32 $0x100, s18;
	v62 =	vld.idx.msk [tilespmem:v0+s19+$0x50 ss:$0x1], $0xffff;
	[tilespmem:v0+s18+$0x0 ss:$0x1] =	vst.idx.msk $0xffff, v5  }
0x3e: {  	v63 =	vld.idx.msk [tilespmem:v0+s19+$0x60 ss:$0x1], $0xffff;
	[tilespmem:v0+s31+$0x70 ss:$0x1] =	vst.idx.msk $0xffff, v6  }
0x3f: {  	v3 =	vld.idx.msk [tilespmem:v0+s19+$0x30 ss:$0x1], $0xffff;
	[tilespmem:v0+s31+$0x10 ss:$0x1] =	vst.idx.msk $0xffff, v1  }
0x40: {  	v1 =	vld.idx.msk [tilespmem:v0+s19+$0x0 ss:$0x1], $0xffff;
	[tilespmem:v0+s31+$0x20 ss:$0x1] =	vst.idx.msk $0xffff, v2  }
.Ltmp4:
0x41: {  	[tilespmem:v0+s31+$0x40 ss:$0x1] =	vst.idx.msk $0xffff, v61;
	(pc) =	sbr.rel @p0 .LBB1_4-.Ltmp4, $4  }
0x42: {  	[tilespmem:v0+s31+$0x50 ss:$0x1] =	vst.idx.msk $0xffff, v62  }
0x43: {  	[tilespmem:v0+s31+$0x60 ss:$0x1] =	vst.idx.msk $0xffff, v63  }
0x44: {  	[tilespmem:v0+s31+$0x30 ss:$0x1] =	vst.idx.msk $0xffff, v3  }
0x45: {  	p1 =	por $0x0, $0x0;
	s18 =	simm.s32 $0x1;
	[tilespmem:v0+s31+$0x0 ss:$0x1] =	vst.idx.msk $0xffff, v1  }
0x46: {  	s17 =	sadd.s32 $0x1, s17  }
0x47: {  	p0 =	sne.s32 s17, $0x8  }
.Ltmp5:
0x48: {  	_ = 	snop;
	(pc) =	sbr.rel @p0 .LBB1_3-.Ltmp5, $2  }
0x49: {  	_ =	sdelay $0x2  }
0x4a: {  	s16 =	sadd.s32 $0x2000, s16  }
.Ltmp6:
0x4b: {  	(pc) =	sbr.rel .LBB1_9-.Ltmp6, $4  }
0x4c: {  	_ = 	snop  }
0x4d: {  	s12 =	sshll.u32 s12, $0x8  }
0x4e: {  	s12 =	sadd.s32 s4, s12  }
0x4f: {  	[hbm4b:s12+s8] =	stream.linear.scatter [tilespmem:s13], [sflag:$0x2], $0x4000, $0x38;
	[tilespmem:$0x10000] =	vst v63  }
.LBB1_10:
0x50: {  	_ =	sfence.sel $0x180000  }
0x51: {  	s2 =	simm.s32 $0x1;
	[bflag:$0x0] =	sbarrier.arrive $0xFFFF  }
0x52: {  	s31 =	simm.s32 $0x2;
	[sflag:s2] =	ssyncpa.u1 $0x1  }
0x53: {  	[sflag:s31] =	ssyncpa.u1 $0x1  }
0x54: {  	p0 =	sne.s32 s0, $0x0;
	_ =	strace $0x90000047  }
0x55: {  	s0 =	sadd.s32 @!p0 $0x100000, s1;
	[bflag:$0x2] =	sbarrier.arrive $0xFFFF  }
0x56: {  	[sflag:s0] =	ssyncadd.tile.s32 @!p0 $0x1;
	_ =	shalt  }
.Lfunc_end1:
_tile_overlayer_lowered:
.L_overlay_start_2:
0x57: {  	(tag) =	ssettag $0x2  }
0x58: {  	s0 =	rddreg [dreg:$0x0];
	s2 =	stileid.u32  }
0x59: {  	s1 =	rddreg [dreg:$0x1];
	p0 =	sne.s32 s2, $0x0  }
0x5a: {  	s3 =	rddreg [dreg:$0x2];
	[bflag:$0x3] =	sbarrier.arrive $0xFFFF;
	s2 =	simm.s32 @!p0 $0x1C01  }
0x5b: {  	[timem:s3], [sflag:s2] =	dma.local @!p0 [hbm:s0], s1  }
0x5c: {  	s0 =	simm.s32 @!p0 $0x1  }
0x5d: {  	_ =	swait.ge @!p0 [sflag:s0], s1  }
0x5e: {  	s1 =	ssub.s32 @!p0 $0x0, s1;
	[sflag:s0] =	ssyncset.done @!p0 $0x0  }
0x5f: {  	[sflag:s0] =	ssyncadd.s32 @!p0 s1  }
0x60: {  	[bflag:$0x3] =	sbarrier.arrive $0xFFFF  }
0x61: {  	_ =	shalt  }

</sc_bundles>
